<compile_context>
chip_gen: v7x
topology: tpu7x:2x2x1
jax: 0.10.2.dev20260603
libtpu: 0.0.44.dev20260713+nightly
codegen_flags: <defaults>
</compile_context>

<pallas_src>
import functools

import jax
import jax.numpy as jnp
from jax import lax
from jax.experimental import pallas as pl
from jax.experimental.pallas import tpu as pltpu
from jax.experimental.pallas import tpu_sc as plsc

N_USERS = 10000
N_ITEMS = 10000
DIM = 128
LAM = 0.5
GB = 3.5

NC = 2
NS = 16
NW = NC * NS
LANES = 16

R_PAD = 10112
STRIPE = R_PAD // NS
CHUNK = 128
PEND = 272

_cp = pltpu.CompilerParams(needs_layout_passes=False)
_mesh = plsc.VectorSubcoreMesh(core_axis_name="c", subcore_axis_name="s")


NSUB = 8


def _make_deg_kernel(ea_tot):
    ta = ea_tot // NW
    n_chunks = ta // CHUNK

    @functools.partial(
        pl.kernel,
        out_type=jax.ShapeDtypeStruct((NW, R_PAD), jnp.float32),
        mesh=_mesh,
        compiler_params=_cp,
        scratch_types=[
            pltpu.VMEM((ta,), jnp.int32),
            pltpu.VMEM((NSUB * R_PAD,), jnp.float32),
        ],
    )
    def deg_kernel(dst_hbm, out_hbm, idx_v, hist_v):
        c = lax.axis_index("c")
        s = lax.axis_index("s")
        w = s * NC + c

        zeros16 = jnp.zeros((LANES,), jnp.float32)
        ones16 = jnp.ones((LANES,), jnp.float32)
        lane = lax.iota(jnp.int32, LANES)
        lo_mask = lane < NSUB
        sub_base = jnp.where(lo_mask, lane, lane - NSUB) * R_PAD

        def fill_zeros(i, carry):
            hist_v[pl.ds(i * LANES, LANES)] = zeros16
            return carry

        lax.fori_loop(0, NSUB * R_PAD // LANES, fill_zeros, 0)

        pltpu.sync_copy(dst_hbm.at[pl.ds(w * ta, ta)], idx_v)

        def step(k, carry):
            idx = idx_v[pl.ds(k * LANES, LANES)] + sub_base
            plsc.addupdate_scatter(hist_v, [idx], ones16, mask=lo_mask)
            plsc.addupdate_scatter(hist_v, [idx], ones16, mask=~lo_mask)
            return carry

        lax.fori_loop(0, ta // LANES, step, 0)

        def red(i, carry):
            acc = hist_v[pl.ds(i * LANES, LANES)]
            for j in range(1, NSUB):
                acc = acc + hist_v[pl.ds(j * R_PAD + i * LANES, LANES)]
            hist_v[pl.ds(i * LANES, LANES)] = acc
            return carry

        lax.fori_loop(0, R_PAD // LANES, red, 0)
        pltpu.sync_copy(hist_v.at[pl.ds(0, R_PAD)], out_hbm.at[w])

    return deg_kernel


MACRO = 1024
LIST_CAP = 13312
BATCH = 64


def _make_agg_kernel(ea_tot):
    half = ea_tot // NC
    n_macro = half // MACRO
    assert half % MACRO == 0

    @functools.partial(
        pl.kernel,
        out_type=jax.ShapeDtypeStruct((NC * R_PAD * DIM,), jnp.float32),
        mesh=_mesh,
        compiler_params=_cp,
        scratch_types=[
            pltpu.VMEM((MACRO,), jnp.int32),
            pltpu.VMEM((MACRO,), jnp.int32),
            pltpu.VMEM((LIST_CAP,), jnp.int32),
            pltpu.VMEM((LIST_CAP,), jnp.int32),
            pltpu.VMEM((BATCH,), jnp.int32),
            pltpu.VMEM((BATCH,), jnp.int32),
            pltpu.VMEM((2 * BATCH, DIM), jnp.float32),
            pltpu.VMEM((STRIPE * DIM,), jnp.float32),
            pltpu.SemaphoreType.DMA,
            pltpu.SemaphoreType.DMA,
        ],
    )
    def agg_kernel(src_hbm, dst_hbm, tab_hbm, out_hbm,
                   sidx_v, didx_v, list_d, list_l, gidx0, gidx1,
                   rows_v, acc_v, sem0, sem1):
        c = lax.axis_index("c")
        s = lax.axis_index("s")
        lo = s * STRIPE

        zeros16 = jnp.zeros((LANES,), jnp.float32)
        lane = lax.iota(jnp.int32, LANES)

        def fill_zeros(i, carry):
            acc_v[pl.ds(i * LANES, LANES)] = zeros16
            return carry

        lax.fori_loop(0, STRIPE * DIM // LANES, fill_zeros, 0)

        def scan(k, cnt):
            base = c * half + k * MACRO
            pltpu.sync_copy(src_hbm.at[pl.ds(base, MACRO)], sidx_v)
            pltpu.sync_copy(dst_hbm.at[pl.ds(base, MACRO)], didx_v)
            for g in range(MACRO // LANES):
                sv = sidx_v[pl.ds(g * LANES, LANES)]
                dv = didx_v[pl.ds(g * LANES, LANES)]
                m = (sv >= lo) & (sv < lo + STRIPE)
                plsc.store_compressed(
                    list_d.at[pl.ds(cnt, LANES)], dv, mask=m)
                plsc.store_compressed(
                    list_l.at[pl.ds(cnt, LANES)], sv - lo, mask=m)
                npop = plsc.all_reduce_population_count(m)
                cnt = cnt + npop[0]
            return cnt

        cnt = lax.fori_loop(0, n_macro, scan, jnp.int32(0))

        for g in range(BATCH // LANES):
            pos = pl.ds(cnt + g * LANES, LANES)
            list_d[pos] = N_ITEMS + lane
            list_l[pos] = jnp.zeros((LANES,), jnp.int32)
        nb = (cnt + BATCH - 1) // BATCH

        def load_gidx(gidx, b):
            for g in range(BATCH // LANES):
                gidx[pl.ds(g * LANES, LANES)] = (
                    list_d[pl.ds(b * BATCH + g * LANES, LANES)])

        def start(gidx, b, hoff, sem):
            load_gidx(gidx, b)
            pltpu.async_copy(
                tab_hbm.at[gidx], rows_v.at[pl.ds(hoff, BATCH)], sem)

        def wait(gidx, hoff, sem):
            pltpu.make_async_copy(
                tab_hbm.at[gidx], rows_v.at[pl.ds(hoff, BATCH)], sem).wait()

        def rmw(b, hoff):
            def edge(e2, carry2):
                for u in range(2):
                    e = e2 * 2 + u
                    l_splat = plsc.load_gather(
                        list_l, [jnp.full((LANES,), 0, jnp.int32)
                                 + (b * BATCH + e)])
                    base = l_splat * DIM + lane
                    for j in range(DIM // LANES):
                        plsc.addupdate_scatter(
                            acc_v, [base + j * LANES],
                            rows_v[hoff + e, pl.ds(j * LANES, LANES)])
                return carry2

            lax.fori_loop(0, BATCH // 2, edge, 0)

        start(gidx0, 0, 0, sem0)

        def pair(j, carry):
            b0 = 2 * j
            b1 = b0 + 1

            @pl.when(b1 < nb)
            def _():
                start(gidx1, b1, BATCH, sem1)
            wait(gidx0, 0, sem0)
            rmw(b0, 0)

            @pl.when(b1 + 1 < nb)
            def _():
                start(gidx0, b1 + 1, 0, sem0)

            @pl.when(b1 < nb)
            def _():
                wait(gidx1, BATCH, sem1)
                rmw(b1, BATCH)
            return carry

        lax.fori_loop(0, (nb + 1) // 2, pair, 0)

        pltpu.sync_copy(
            acc_v,
            out_hbm.at[pl.ds((c * R_PAD + s * STRIPE) * DIM, STRIPE * DIM)])

    return agg_kernel


def _make_score_kernel(es_tot):
    te = es_tot // NW
    n_chunks = te // CHUNK
    groups = CHUNK // LANES

    @functools.partial(
        pl.kernel,
        out_type=jax.ShapeDtypeStruct((es_tot,), jnp.float32),
        mesh=_mesh,
        compiler_params=_cp,
        scratch_types=[
            pltpu.VMEM((te,), jnp.int32),
            pltpu.VMEM((te,), jnp.int32),
            pltpu.VMEM((CHUNK,), jnp.int32),
            pltpu.VMEM((CHUNK,), jnp.int32),
            pltpu.VMEM((CHUNK, DIM), jnp.float32),
            pltpu.VMEM((CHUNK, DIM), jnp.float32),
            pltpu.VMEM((CHUNK * LANES,), jnp.float32),
            pltpu.VMEM((CHUNK,), jnp.float32),
            pltpu.VMEM((N_USERS,), jnp.float32),
            pltpu.VMEM((N_ITEMS,), jnp.float32),
            pltpu.SemaphoreType.DMA,
            pltpu.SemaphoreType.DMA,
        ],
    )
    def score_kernel(s_hbm, d_hbm, hu_hbm, hi_hbm, bu_hbm, bi_hbm, out_hbm,
                     sall_v, dall_v, sidx_v, didx_v, rows_u, rows_i,
                     pr_v, dots_v, bu_v, bi_v, sem_u, sem_i):
        c = lax.axis_index("c")
        s = lax.axis_index("s")
        w = s * NC + c

        pltpu.sync_copy(bu_hbm, bu_v)
        pltpu.sync_copy(bi_hbm, bi_v)
        pltpu.sync_copy(s_hbm.at[pl.ds(w * te, te)], sall_v)
        pltpu.sync_copy(d_hbm.at[pl.ds(w * te, te)], dall_v)

        lane_iota = lax.iota(jnp.int32, LANES)

        def step(k, carry):
            base = w * te + k * CHUNK
            for g in range(CHUNK // LANES):
                sidx_v[pl.ds(g * LANES, LANES)] = (
                    sall_v[pl.ds(k * CHUNK + g * LANES, LANES)])
                didx_v[pl.ds(g * LANES, LANES)] = (
                    dall_v[pl.ds(k * CHUNK + g * LANES, LANES)])
            cu = pltpu.async_copy(hu_hbm.at[sidx_v], rows_u, sem_u)
            ci = pltpu.async_copy(hi_hbm.at[didx_v], rows_i, sem_i)
            cu.wait()
            ci.wait()

            def edge(e, carry2):
                acc = (rows_u[e, pl.ds(0, LANES)]
                       * rows_i[e, pl.ds(0, LANES)])
                for j in range(1, DIM // LANES):
                    acc = acc + (rows_u[e, pl.ds(j * LANES, LANES)]
                                 * rows_i[e, pl.ds(j * LANES, LANES)])
                pr_v[pl.ds(e * LANES, LANES)] = acc
                return carry2

            lax.fori_loop(0, CHUNK, edge, 0)

            def group(g, carry2):
                flat = (g * LANES + lane_iota) * LANES
                tot = jnp.zeros((LANES,), jnp.float32)
                for kk in range(LANES):
                    tot = tot + plsc.load_gather(pr_v, [flat + kk])
                su = sidx_v[pl.ds(g * LANES, LANES)]
                du = didx_v[pl.ds(g * LANES, LANES)]
                bu = plsc.load_gather(bu_v, [su])
                bi = plsc.load_gather(bi_v, [du])
                dots_v[pl.ds(g * LANES, LANES)] = tot + bu + bi + GB
                return carry2

            lax.fori_loop(0, groups, group, 0)
            pltpu.sync_copy(dots_v, out_hbm.at[pl.ds(base, CHUNK)])
            return carry

        lax.fori_loop(0, n_chunks, step, 0)

    return score_kernel


def _normalize_tc(degs, ywp):
    def body(degs_ref, ywp_ref, out_ref):
        deg = jnp.sum(degs_ref[...], axis=0)[:, None]
        inv = 1.0 / jnp.clip(deg, 1.0, None)
        out_ref[...] = ywp_ref[...] * inv

    return pl.pallas_call(
        body,
        out_shape=jax.ShapeDtypeStruct((R_PAD, DIM), jnp.float32),
    )(degs, ywp)


def _combine_tc(agg, pq_user):
    def body(agg_ref, pq_ref, out_ref):
        out_ref[...] = (agg_ref[0:N_USERS, :]
                        + agg_ref[R_PAD:R_PAD + N_USERS, :]
                        + pq_ref[...])

    return pl.pallas_call(
        body,
        out_shape=jax.ShapeDtypeStruct((N_USERS, DIM), jnp.float32),
    )(agg, pq_user)


def _reg_tc(pq_user, pq_item, yw_item, b_user, b_item, mean_deg):
    scale = LAM * mean_deg

    def body(pqu_ref, pqi_ref, ywi_ref, bu_ref, bi_ref, out_ref):
        npq_u = jnp.sqrt(jnp.sum(pqu_ref[...] ** 2))
        npq_i = jnp.sqrt(jnp.sum(pqi_ref[...] ** 2))
        nyw_i = jnp.sqrt(jnp.sum(ywi_ref[...] ** 2))
        nb_u = jnp.sqrt(jnp.sum(bu_ref[...] ** 2))
        nb_i = jnp.sqrt(jnp.sum(bi_ref[...] ** 2))
        out_ref[0, 0] = scale * (nb_u + npq_u) + scale * (nb_i + npq_i + nyw_i)

    return pl.pallas_call(
        body,
        out_shape=jax.ShapeDtypeStruct((1, 1), jnp.float32),
        out_specs=pl.BlockSpec(memory_space=pltpu.SMEM),
    )(pq_user, pq_item, yw_item, b_user, b_item)


def _pad_to(n, m):
    return ((n + m - 1) // m) * m


def kernel(rate_edges, trust_edges, pos_edges, neg_edges,
           pq_user, pq_item, yw_user, yw_item, b_user, b_item):
    del trust_edges, yw_user
    e_rate = rate_edges.shape[1]
    e_pred = pos_edges.shape[1]

    ea_tot = _pad_to((e_rate + NW - 1) // NW, CHUNK) * NW
    es_tot = _pad_to((2 * e_pred + NW - 1) // NW, CHUNK) * NW

    pad_a = ea_tot - e_rate
    junk = (jnp.arange(pad_a, dtype=jnp.int32) % (R_PAD - N_USERS)) + N_USERS
    src_pad = jnp.concatenate([rate_edges[0], junk])
    dst_pad = jnp.concatenate([rate_edges[1], junk])

    pad_s = es_tot - 2 * e_pred
    pad_idx = jnp.arange(pad_s, dtype=jnp.int32) % N_USERS
    s_all = jnp.concatenate([pos_edges[0], neg_edges[0], pad_idx])
    d_all = jnp.concatenate([pos_edges[1], neg_edges[1], pad_idx])

    ywp = jnp.concatenate(
        [yw_item, jnp.zeros((R_PAD - N_ITEMS, DIM), jnp.float32)])

    degs = _make_deg_kernel(ea_tot)(dst_pad)
    ywn = _normalize_tc(degs, ywp)
    agg = _make_agg_kernel(ea_tot)(src_pad, dst_pad, ywn)
    h_u = _combine_tc(agg.reshape(NC * R_PAD, DIM), pq_user)

    scores = _make_score_kernel(es_tot)(
        s_all, d_all, h_u, pq_item,
        b_user.reshape(N_USERS), b_item.reshape(N_ITEMS))

    mean_deg = e_rate / N_USERS
    reg = _reg_tc(pq_user, pq_item, yw_item, b_user, b_item, mean_deg)

    pos_score = scores[:e_pred, None]
    neg_score = scores[e_pred:2 * e_pred, None]
    return pos_score, neg_score, reg[0, 0]

# --- scband reference (transcript-rebuilt; emitter-appended) ---
"""Pipeline reference for scband-svdppmodel-13503377179007 (READ-ONLY COPY).

The authoritative reference and input builder live on the scoring server;
editing this copy changes nothing except your own understanding.
"""

import jax, jax.numpy as jnp
import numpy as np

NU = 10000
NI = 10000
D = 128
LAM = 0.5
GB = 3.5
E_RATE = 320000
E_TRUST = 160000
E_PRED = 100000


def setup_inputs(seed: int = 0) -> dict:
    key = jax.random.key(seed)
    k = jax.random.split(key, 10)
    rate_edges = jax.random.randint(k[0], (2, E_RATE), 0, NU, dtype=jnp.int32)
    trust_edges = jax.random.randint(k[1], (2, E_TRUST), 0, NU, dtype=jnp.int32)
    pos_edges = jax.random.randint(k[2], (2, E_PRED), 0, NU, dtype=jnp.int32)
    neg_edges = jax.random.randint(k[3], (2, E_PRED), 0, NU, dtype=jnp.int32)
    pq_user = jax.random.normal(k[4], (NU, D), dtype=jnp.float32) * 0.1
    pq_item = jax.random.normal(k[5], (NI, D), dtype=jnp.float32) * 0.1
    yw_user = jax.random.normal(k[6], (NU, D), dtype=jnp.float32) * 0.1
    yw_item = jax.random.normal(k[7], (NI, D), dtype=jnp.float32) * 0.1
    b_user = jax.random.normal(k[8], (NU, 1), dtype=jnp.float32) * 0.1
    b_item = jax.random.normal(k[9], (NI, 1), dtype=jnp.float32) * 0.1
    return {
        'rate_edges': rate_edges,
        'trust_edges': trust_edges,
        'pos_edges': pos_edges,
        'neg_edges': neg_edges,
        'pq_user': pq_user,
        'pq_item': pq_item,
        'yw_user': yw_user,
        'yw_item': yw_item,
        'b_user': b_user,
        'b_item': b_item,
    }


def reference(rate_edges, trust_edges, pos_edges, neg_edges,
              pq_user, pq_item, yw_user, yw_item, b_user, b_item):
    r_src = rate_edges[0]  # user
    r_dst = rate_edges[1]  # item
    t_src = trust_edges[0]  # user
    t_dst = trust_edges[1]  # user
    ones_r = jnp.ones((r_src.shape[0],), dtype=jnp.float32)
    ones_t = jnp.ones((t_src.shape[0],), dtype=jnp.float32)
    # out_degrees(etype='rate') per user; out_degrees(etype='rated-by') per item
    deg_rate_u = jax.ops.segment_sum(ones_r, r_src, NU)
    deg_rb_i = jax.ops.segment_sum(ones_r, r_dst, NI)
    deg_t_u = jax.ops.segment_sum(ones_t, t_src, NU)
    # y_gcn: GraphConv norm='left' on 'rated-by' (item -> user) with src feat yw_item
    norm_i = 1.0 / jnp.clip(deg_rb_i, 1.0, None)
    msg_y = yw_item[r_dst] * norm_i[r_dst][:, None]
    normed_y_user = jax.ops.segment_sum(msg_y, r_src, NU)
    # w_gcn: 'trusted-by' (user -> user) with src feat yw_user (result unused downstream, kept faithful)
    norm_tu = 1.0 / jnp.clip(deg_t_u, 1.0, None)
    msg_w = yw_user[t_src] * norm_tu[t_src][:, None]
    normed_w_user = jax.ops.segment_sum(msg_w, t_dst, NU)
    # res_embedding
    h_u = normed_y_user + pq_user
    h_i = pq_item
    # HeteroDotProductPredictor on 'rate' edges: u dot v + b_u + b_i, then + global_bias
    def score(edges):
        s = edges[0]
        d = edges[1]
        sc = jnp.sum(h_u[s] * h_i[d], axis=1, keepdims=True)
        sc = sc + b_user[s]
        sc = b_item[d] + sc
        return sc + GB
    pos_score = score(pos_edges)
    neg_score = score(neg_edges)
    # link_pred on 'trusted-by' (computed by original forward; unused inside RegLoss)
    link_pred = jnp.sum(yw_user[t_src] * pq_user[t_dst], axis=1, keepdims=True)
    _ = (normed_w_user, link_pred)
    # RegLoss
    nrm = jnp.linalg.norm
    reg_b_u = jnp.mean(LAM * deg_rate_u * nrm(b_user))
    reg_b_j = jnp.mean(LAM * deg_rb_i * nrm(b_item))
    reg_p_u = jnp.mean(LAM * deg_rate_u * nrm(pq_user))
    reg_q_j = jnp.mean(LAM * deg_rb_i * nrm(pq_item))
    reg_y_i = jnp.mean(LAM * deg_rb_i * nrm(yw_item))
    reg_loss = reg_b_u + reg_b_j + reg_p_u + reg_q_j + reg_y_i
    return (pos_score, neg_score, reg_loss)

if __name__ == "__main__":
    import jax
    _d = setup_inputs()
    print(jax.jit(kernel)(*tuple(_d.values())))

</pallas_src>

<mosaic_0001>
#map = affine_map<(d0, d1) -> (0)>
#map1 = affine_map<(d0, d1) -> (0, 0)>
module attributes {stable_mosaic.version = 14 : i64} {
  func.func @agg_kernel(%arg0: i32, %arg1: i32, %arg2: memref<323584xi32, #tpu.memory_space<hbm>>, %arg3: memref<323584xi32, #tpu.memory_space<hbm>>, %arg4: memref<10112x128xf32, #tpu.memory_space<hbm>>, %arg5: memref<2588672xf32, #tpu.memory_space<hbm>>, %arg6: memref<1024xi32, #tpu.memory_space<vmem>>, %arg7: memref<1024xi32, #tpu.memory_space<vmem>>, %arg8: memref<13312xi32, #tpu.memory_space<vmem>>, %arg9: memref<13312xi32, #tpu.memory_space<vmem>>, %arg10: memref<64xi32, #tpu.memory_space<vmem>>, %arg11: memref<64xi32, #tpu.memory_space<vmem>>, %arg12: memref<128x128xf32, #tpu.memory_space<vmem>>, %arg13: memref<80896xf32, #tpu.memory_space<vmem>>, %arg14: memref<!tpu.dma_semaphore, #tpu.memory_space<semaphore_mem>>, %arg15: memref<!tpu.dma_semaphore, #tpu.memory_space<semaphore_mem>>) attributes {dimension_semantics = [#tpu.dimension_semantics<core_parallel>, #tpu.dimension_semantics<subcore_parallel>], iteration_bounds = array<i64: 2, 16>, scalar_prefetch = 0 : i64, scratch_operands = 10 : i64, tpu.core_type = #tpu.core_type<sc_vector_subcore>, window_params = [{transform_indices = #map}, {transform_indices = #map}, {transform_indices = #map1}, {transform_indices = #map}]} {
    %mul3A = arith.constant 632 : i32
    %mul3A_0 = arith.muli %arg1, %mul3A : i32
    %broadcast_in_dim3A = arith.constant 0.000000e+00 : f32
    %broadcast_in_dim3A_1 = vector.broadcast %broadcast_in_dim3A : f32 to vector<16xf32>
    %iota3A = tpu.iota {dimensions = array<i32: 0>} : vector<16xi32>
    %scan3A = arith.constant 0 : i32
    %scan3A_2 = arith.constant 0 : i32
    %scan3A_3 = arith.constant 5056 : i32
    %scan3A_4 = arith.addi %scan3A_2, %scan3A_3 : i32
    %scan3A_5 = arith.constant 1 : i32
    scf.for %scan3A_138 = %scan3A_2 to %scan3A_4 step %scan3A_5  : i32 {
      %mul3A_139 = arith.constant 16 : i32
      %mul3A_140 = arith.muli %scan3A_138, %mul3A_139 : i32
      %swap3A_141 = arith.index_cast %mul3A_140 : i32 to index
      %swap3A_142 = tpu.vector_load %arg13[%swap3A_141] {strides = array<i32>} : memref<80896xf32, #tpu.memory_space<vmem>>, vector<16xf32>,
      tpu.vector_store %arg13[%swap3A_141], %broadcast_in_dim3A_1 {strides = array<i32>} : memref<80896xf32, #tpu.memory_space<vmem>>, vector<16xf32>,
    }
    %scan3A_6 = arith.constant 5056 : i32
    %scan3A_7 = arith.constant 0 : i32
    %scan3A_8 = arith.constant 0 : i32
    %scan3A_9 = arith.constant 158 : i32
    %scan3A_10 = arith.addi %scan3A_8, %scan3A_9 : i32
    %scan3A_11 = arith.constant 1 : i32
    %scan3A_12 = scf.for %scan3A_138 = %scan3A_8 to %scan3A_10 step %scan3A_11 iter_args(%scan3A_139 = %scan3A_7) -> (i32)  : i32 {
      %mul3A_140 = arith.constant 161792 : i32
      %mul3A_141 = arith.muli %arg0, %mul3A_140 : i32
      %mul3A_142 = arith.constant 1024 : i32
      %mul3A_143 = arith.muli %scan3A_138, %mul3A_142 : i32
      %add3A_144 = arith.addi %mul3A_141, %mul3A_143 : i32
      "tpu.region"() ({
        %run_scoped3A = tpu.sem_alloc : memref<!tpu.dma_semaphore, #tpu.memory_space<semaphore_mem>>
        %dma_start3A_1484 = tpu.memref_slice %arg2[%add3A_144] : memref<323584xi32, #tpu.memory_space<hbm>> -> memref<1024xi32, #tpu.memory_space<hbm>>
        %dma_start3A_1485 = tpu.memref_slice %arg2[%add3A_144] : memref<323584xi32, #tpu.memory_space<hbm>> -> memref<1024xi32, #tpu.memory_space<hbm>>
        tpu.enqueue_dma source(%dma_start3A_1485 : memref<1024xi32, #tpu.memory_space<hbm>>) target(%arg6 : memref<1024xi32, #tpu.memory_space<vmem>>) target_semaphore(%run_scoped3A : memref<!tpu.dma_semaphore, #tpu.memory_space<semaphore_mem>>)
        %dma_wait3A = tpu.memref_slice %arg2[%add3A_144] : memref<323584xi32, #tpu.memory_space<hbm>> -> memref<1024xi32, #tpu.memory_space<hbm>>
        %dma_wait3A_1486 = tpu.memref_slice %arg2[%add3A_144] : memref<323584xi32, #tpu.memory_space<hbm>> -> memref<1024xi32, #tpu.memory_space<hbm>>
        tpu.wait_dma2 semaphore(%run_scoped3A : memref<!tpu.dma_semaphore, #tpu.memory_space<semaphore_mem>>) src(%dma_wait3A_1486 : memref<1024xi32, #tpu.memory_space<hbm>>) dst(%arg6 : memref<1024xi32, #tpu.memory_space<vmem>>)
        tpu.yield
      }) : () -> ()
      "tpu.region"() ({
        %run_scoped3A = tpu.sem_alloc : memref<!tpu.dma_semaphore, #tpu.memory_space<semaphore_mem>>
        %dma_start3A_1484 = tpu.memref_slice %arg3[%add3A_144] : memref<323584xi32, #tpu.memory_space<hbm>> -> memref<1024xi32, #tpu.memory_space<hbm>>
        %dma_start3A_1485 = tpu.memref_slice %arg3[%add3A_144] : memref<323584xi32, #tpu.memory_space<hbm>> -> memref<1024xi32, #tpu.memory_space<hbm>>
        tpu.enqueue_dma source(%dma_start3A_1485 : memref<1024xi32, #tpu.memory_space<hbm>>) target(%arg7 : memref<1024xi32, #tpu.memory_space<vmem>>) target_semaphore(%run_scoped3A : memref<!tpu.dma_semaphore, #tpu.memory_space<semaphore_mem>>)
        %dma_wait3A = tpu.memref_slice %arg3[%add3A_144] : memref<323584xi32, #tpu.memory_space<hbm>> -> memref<1024xi32, #tpu.memory_space<hbm>>
        %dma_wait3A_1486 = tpu.memref_slice %arg3[%add3A_144] : memref<323584xi32, #tpu.memory_space<hbm>> -> memref<1024xi32, #tpu.memory_space<hbm>>
        tpu.wait_dma2 semaphore(%run_scoped3A : memref<!tpu.dma_semaphore, #tpu.memory_space<semaphore_mem>>) src(%dma_wait3A_1486 : memref<1024xi32, #tpu.memory_space<hbm>>) dst(%arg7 : memref<1024xi32, #tpu.memory_space<vmem>>)
        tpu.yield
      }) : () -> ()
      %get3A_145 = arith.constant 0 : index
      %get3A_146 = tpu.vector_load %arg6[%get3A_145] {strides = array<i32>} : memref<1024xi32, #tpu.memory_space<vmem>>, vector<16xi32>,
      %get3A_147 = arith.constant 0 : index
      %get3A_148 = tpu.vector_load %arg7[%get3A_147] {strides = array<i32>} : memref<1024xi32, #tpu.memory_space<vmem>>, vector<16xi32>,
      %ge3A = vector.broadcast %mul3A_0 : i32 to vector<16xi32>
      %ge3A_149 = arith.cmpi sge, %get3A_146, %ge3A : vector<16xi32>
      %add3A_150 = arith.constant 632 : i32
      %add3A_151 = arith.addi %mul3A_0, %add3A_150 : i32
      %lt3A = vector.broadcast %add3A_151 : i32 to vector<16xi32>
      %lt3A_152 = arith.cmpi slt, %get3A_146, %lt3A : vector<16xi32>
      %and3A_153 = arith.andi %ge3A_149, %lt3A_152 : vector<16xi1>
      %swap3A_154 = arith.index_cast %scan3A_139 : i32 to index
      %swap3A_155 = tpu.vector_load %arg8[%swap3A_154] masked %and3A_153 {strides = array<i32>} : memref<13312xi32, #tpu.memory_space<vmem>>, vector<16xi32>, vector<16xi1>
      tpu.vector_store %arg8[%swap3A_154], %get3A_148 masked %and3A_153 {strides = array<i32>} : memref<13312xi32, #tpu.memory_space<vmem>>, vector<16xi32>, vector<16xi1>
      %sub3A_156 = vector.broadcast %mul3A_0 : i32 to vector<16xi32>
      %sub3A_157 = arith.subi %get3A_146, %sub3A_156 : vector<16xi32>
      %swap3A_158 = arith.index_cast %scan3A_139 : i32 to index
      %swap3A_159 = tpu.vector_load %arg9[%swap3A_158] masked %and3A_153 {strides = array<i32>} : memref<13312xi32, #tpu.memory_space<vmem>>, vector<16xi32>, vector<16xi1>
      tpu.vector_store %arg9[%swap3A_158], %sub3A_157 masked %and3A_153 {strides = array<i32>} : memref<13312xi32, #tpu.memory_space<vmem>>, vector<16xi32>, vector<16xi1>
      %all_reduce_population_count3A = tpu.all_reduce %and3A_153 {dim = 0 : i64, kind = #tpu.reduction_kind<sum>} : vector<16xi1> -> vector<16xi32>
      %slice3A = vector.extract_strided_slice %all_reduce_population_count3A {offsets = [0], sizes = [1], strides = [1]} : vector<16xi32> to vector<1xi32>
      %squeeze3A = vector.extract %slice3A[0] : i32 from vector<1xi32>
      %add3A_160 = arith.addi %scan3A_139, %squeeze3A : i32
      %get3A_161 = arith.constant 16 : index
      %get3A_162 = tpu.vector_load %arg6[%get3A_161] {strides = array<i32>} : memref<1024xi32, #tpu.memory_space<vmem>>, vector<16xi32>,
      %get3A_163 = arith.constant 16 : index
      %get3A_164 = tpu.vector_load %arg7[%get3A_163] {strides = array<i32>} : memref<1024xi32, #tpu.memory_space<vmem>>, vector<16xi32>,
      %ge3A_165 = vector.broadcast %mul3A_0 : i32 to vector<16xi32>
      %ge3A_166 = arith.cmpi sge, %get3A_162, %ge3A_165 : vector<16xi32>
      %add3A_167 = arith.constant 632 : i32
      %add3A_168 = arith.addi %mul3A_0, %add3A_167 : i32
      %lt3A_169 = vector.broadcast %add3A_168 : i32 to vector<16xi32>
      %lt3A_170 = arith.cmpi slt, %get3A_162, %lt3A_169 : vector<16xi32>
      %and3A_171 = arith.andi %ge3A_166, %lt3A_170 : vector<16xi1>
      %swap3A_172 = arith.index_cast %add3A_160 : i32 to index
      %swap3A_173 = tpu.vector_load %arg8[%swap3A_172] masked %and3A_171 {strides = array<i32>} : memref<13312xi32, #tpu.memory_space<vmem>>, vector<16xi32>, vector<16xi1>
      tpu.vector_store %arg8[%swap3A_172], %get3A_164 masked %and3A_171 {strides = array<i32>} : memref<13312xi32, #tpu.memory_space<vmem>>, vector<16xi32>, vector<16xi1>
      %sub3A_174 = vector.broadcast %mul3A_0 : i32 to vector<16xi32>
      %sub3A_175 = arith.subi %get3A_162, %sub3A_174 : vector<16xi32>
      %swap3A_176 = arith.index_cast %add3A_160 : i32 to index
      %swap3A_177 = tpu.vector_load %arg9[%swap3A_176] masked %and3A_171 {strides = array<i32>} : memref<13312xi32, #tpu.memory_space<vmem>>, vector<16xi32>, vector<16xi1>
      tpu.vector_store %arg9[%swap3A_176], %sub3A_175 masked %and3A_171 {strides = array<i32>} : memref<13312xi32, #tpu.memory_space<vmem>>, vector<16xi32>, vector<16xi1>
      %all_reduce_population_count3A_178 = tpu.all_reduce %and3A_171 {dim = 0 : i64, kind = #tpu.reduction_kind<sum>} : vector<16xi1> -> vector<16xi32>
      %slice3A_179 = vector.extract_strided_slice %all_reduce_population_count3A_178 {offsets = [0], sizes = [1], strides = [1]} : vector<16xi32> to vector<1xi32>
      %squeeze3A_180 = vector.extract %slice3A_179[0] : i32 from vector<1xi32>
      %add3A_181 = arith.addi %add3A_160, %squeeze3A_180 : i32
      %get3A_182 = arith.constant 32 : index
      %get3A_183 = tpu.vector_load %arg6[%get3A_182] {strides = array<i32>} : memref<1024xi32, #tpu.memory_space<vmem>>, vector<16xi32>,
      %get3A_184 = arith.constant 32 : index
      %get3A_185 = tpu.vector_load %arg7[%get3A_184] {strides = array<i32>} : memref<1024xi32, #tpu.memory_space<vmem>>, vector<16xi32>,
      %ge3A_186 = vector.broadcast %mul3A_0 : i32 to vector<16xi32>
      %ge3A_187 = arith.cmpi sge, %get3A_183, %ge3A_186 : vector<16xi32>
      %add3A_188 = arith.constant 632 : i32
      %add3A_189 = arith.addi %mul3A_0, %add3A_188 : i32
      %lt3A_190 = vector.broadcast %add3A_189 : i32 to vector<16xi32>
      %lt3A_191 = arith.cmpi slt, %get3A_183, %lt3A_190 : vector<16xi32>
      %and3A_192 = arith.andi %ge3A_187, %lt3A_191 : vector<16xi1>
      %swap3A_193 = arith.index_cast %add3A_181 : i32 to index
      %swap3A_194 = tpu.vector_load %arg8[%swap3A_193] masked %and3A_192 {strides = array<i32>} : memref<13312xi32, #tpu.memory_space<vmem>>, vector<16xi32>, vector<16xi1>
      tpu.vector_store %arg8[%swap3A_193], %get3A_185 masked %and3A_192 {strides = array<i32>} : memref<13312xi32, #tpu.memory_space<vmem>>, vector<16xi32>, vector<16xi1>
      %sub3A_195 = vector.broadcast %mul3A_0 : i32 to vector<16xi32>
      %sub3A_196 = arith.subi %get3A_183, %sub3A_195 : vector<16xi32>
      %swap3A_197 = arith.index_cast %add3A_181 : i32 to index
      %swap3A_198 = tpu.vector_load %arg9[%swap3A_197] masked %and3A_192 {strides = array<i32>} : memref<13312xi32, #tpu.memory_space<vmem>>, vector<16xi32>, vector<16xi1>
      tpu.vector_store %arg9[%swap3A_197], %sub3A_196 masked %and3A_192 {strides = array<i32>} : memref<13312xi32, #tpu.memory_space<vmem>>, vector<16xi32>, vector<16xi1>
      %all_reduce_population_count3A_199 = tpu.all_reduce %and3A_192 {dim = 0 : i64, kind = #tpu.reduction_kind<sum>} : vector<16xi1> -> vector<16xi32>
      %slice3A_200 = vector.extract_strided_slice %all_reduce_population_count3A_199 {offsets = [0], sizes = [1], strides = [1]} : vector<16xi32> to vector<1xi32>
      %squeeze3A_201 = vector.extract %slice3A_200[0] : i32 from vector<1xi32>
      %add3A_202 = arith.addi %add3A_181, %squeeze3A_201 : i32
      %get3A_203 = arith.constant 48 : index
      %get3A_204 = tpu.vector_load %arg6[%get3A_203] {strides = array<i32>} : memref<1024xi32, #tpu.memory_space<vmem>>, vector<16xi32>,
      %get3A_205 = arith.constant 48 : index
      %get3A_206 = tpu.vector_load %arg7[%get3A_205] {strides = array<i32>} : memref<1024xi32, #tpu.memory_space<vmem>>, vector<16xi32>,
      %ge3A_207 = vector.broadcast %mul3A_0 : i32 to vector<16xi32>
      %ge3A_208 = arith.cmpi sge, %get3A_204, %ge3A_207 : vector<16xi32>
      %add3A_209 = arith.constant 632 : i32
      %add3A_210 = arith.addi %mul3A_0, %add3A_209 : i32
      %lt3A_211 = vector.broadcast %add3A_210 : i32 to vector<16xi32>
      %lt3A_212 = arith.cmpi slt, %get3A_204, %lt3A_211 : vector<16xi32>
      %and3A_213 = arith.andi %ge3A_208, %lt3A_212 : vector<16xi1>
      %swap3A_214 = arith.index_cast %add3A_202 : i32 to index
      %swap3A_215 = tpu.vector_load %arg8[%swap3A_214] masked %and3A_213 {strides = array<i32>} : memref<13312xi32, #tpu.memory_space<vmem>>, vector<16xi32>, vector<16xi1>
      tpu.vector_store %arg8[%swap3A_214], %get3A_206 masked %and3A_213 {strides = array<i32>} : memref<13312xi32, #tpu.memory_space<vmem>>, vector<16xi32>, vector<16xi1>
      %sub3A_216 = vector.broadcast %mul3A_0 : i32 to vector<16xi32>
      %sub3A_217 = arith.subi %get3A_204, %sub3A_216 : vector<16xi32>
      %swap3A_218 = arith.index_cast %add3A_202 : i32 to index
      %swap3A_219 = tpu.vector_load %arg9[%swap3A_218] masked %and3A_213 {strides = array<i32>} : memref<13312xi32, #tpu.memory_space<vmem>>, vector<16xi32>, vector<16xi1>
      tpu.vector_store %arg9[%swap3A_218], %sub3A_217 masked %and3A_213 {strides = array<i32>} : memref<13312xi32, #tpu.memory_space<vmem>>, vector<16xi32>, vector<16xi1>
      %all_reduce_population_count3A_220 = tpu.all_reduce %and3A_213 {dim = 0 : i64, kind = #tpu.reduction_kind<sum>} : vector<16xi1> -> vector<16xi32>
      %slice3A_221 = vector.extract_strided_slice %all_reduce_population_count3A_220 {offsets = [0], sizes = [1], strides = [1]} : vector<16xi32> to vector<1xi32>
      %squeeze3A_222 = vector.extract %slice3A_221[0] : i32 from vector<1xi32>
      %add3A_223 = arith.addi %add3A_202, %squeeze3A_222 : i32
      %get3A_224 = arith.constant 64 : index
      %get3A_225 = tpu.vector_load %arg6[%get3A_224] {strides = array<i32>} : memref<1024xi32, #tpu.memory_space<vmem>>, vector<16xi32>,
      %get3A_226 = arith.constant 64 : index
      %get3A_227 = tpu.vector_load %arg7[%get3A_226] {strides = array<i32>} : memref<1024xi32, #tpu.memory_space<vmem>>, vector<16xi32>,
      %ge3A_228 = vector.broadcast %mul3A_0 : i32 to vector<16xi32>
      %ge3A_229 = arith.cmpi sge, %get3A_225, %ge3A_228 : vector<16xi32>
      %add3A_230 = arith.constant 632 : i32
      %add3A_231 = arith.addi %mul3A_0, %add3A_230 : i32
      %lt3A_232 = vector.broadcast %add3A_231 : i32 to vector<16xi32>
      %lt3A_233 = arith.cmpi slt, %get3A_225, %lt3A_232 : vector<16xi32>
      %and3A_234 = arith.andi %ge3A_229, %lt3A_233 : vector<16xi1>
      %swap3A_235 = arith.index_cast %add3A_223 : i32 to index
      %swap3A_236 = tpu.vector_load %arg8[%swap3A_235] masked %and3A_234 {strides = array<i32>} : memref<13312xi32, #tpu.memory_space<vmem>>, vector<16xi32>, vector<16xi1>
      tpu.vector_store %arg8[%swap3A_235], %get3A_227 masked %and3A_234 {strides = array<i32>} : memref<13312xi32, #tpu.memory_space<vmem>>, vector<16xi32>, vector<16xi1>
      %sub3A_237 = vector.broadcast %mul3A_0 : i32 to vector<16xi32>
      %sub3A_238 = arith.subi %get3A_225, %sub3A_237 : vector<16xi32>
      %swap3A_239 = arith.index_cast %add3A_223 : i32 to index
      %swap3A_240 = tpu.vector_load %arg9[%swap3A_239] masked %and3A_234 {strides = array<i32>} : memref<13312xi32, #tpu.memory_space<vmem>>, vector<16xi32>, vector<16xi1>
      tpu.vector_store %arg9[%swap3A_239], %sub3A_238 masked %and3A_234 {strides = array<i32>} : memref<13312xi32, #tpu.memory_space<vmem>>, vector<16xi32>, vector<16xi1>
      %all_reduce_population_count3A_241 = tpu.all_reduce %and3A_234 {dim = 0 : i64, kind = #tpu.reduction_kind<sum>} : vector<16xi1> -> vector<16xi32>
      %slice3A_242 = vector.extract_strided_slice %all_reduce_population_count3A_241 {offsets = [0], sizes = [1], strides = [1]} : vector<16xi32> to vector<1xi32>
      %squeeze3A_243 = vector.extract %slice3A_242[0] : i32 from vector<1xi32>
      %add3A_244 = arith.addi %add3A_223, %squeeze3A_243 : i32
      %get3A_245 = arith.constant 80 : index
      %get3A_246 = tpu.vector_load %arg6[%get3A_245] {strides = array<i32>} : memref<1024xi32, #tpu.memory_space<vmem>>, vector<16xi32>,
      %get3A_247 = arith.constant 80 : index
      %get3A_248 = tpu.vector_load %arg7[%get3A_247] {strides = array<i32>} : memref<1024xi32, #tpu.memory_space<vmem>>, vector<16xi32>,
      %ge3A_249 = vector.broadcast %mul3A_0 : i32 to vector<16xi32>
      %ge3A_250 = arith.cmpi sge, %get3A_246, %ge3A_249 : vector<16xi32>
      %add3A_251 = arith.constant 632 : i32
      %add3A_252 = arith.addi %mul3A_0, %add3A_251 : i32
      %lt3A_253 = vector.broadcast %add3A_252 : i32 to vector<16xi32>
      %lt3A_254 = arith.cmpi slt, %get3A_246, %lt3A_253 : vector<16xi32>
      %and3A_255 = arith.andi %ge3A_250, %lt3A_254 : vector<16xi1>
      %swap3A_256 = arith.index_cast %add3A_244 : i32 to index
      %swap3A_257 = tpu.vector_load %arg8[%swap3A_256] masked %and3A_255 {strides = array<i32>} : memref<13312xi32, #tpu.memory_space<vmem>>, vector<16xi32>, vector<16xi1>
      tpu.vector_store %arg8[%swap3A_256], %get3A_248 masked %and3A_255 {strides = array<i32>} : memref<13312xi32, #tpu.memory_space<vmem>>, vector<16xi32>, vector<16xi1>
      %sub3A_258 = vector.broadcast %mul3A_0 : i32 to vector<16xi32>
      %sub3A_259 = arith.subi %get3A_246, %sub3A_258 : vector<16xi32>
      %swap3A_260 = arith.index_cast %add3A_244 : i32 to index
      %swap3A_261 = tpu.vector_load %arg9[%swap3A_260] masked %and3A_255 {strides = array<i32>} : memref<13312xi32, #tpu.memory_space<vmem>>, vector<16xi32>, vector<16xi1>
      tpu.vector_store %arg9[%swap3A_260], %sub3A_259 masked %and3A_255 {strides = array<i32>} : memref<13312xi32, #tpu.memory_space<vmem>>, vector<16xi32>, vector<16xi1>
      %all_reduce_population_count3A_262 = tpu.all_reduce %and3A_255 {dim = 0 : i64, kind = #tpu.reduction_kind<sum>} : vector<16xi1> -> vector<16xi32>
      %slice3A_263 = vector.extract_strided_slice %all_reduce_population_count3A_262 {offsets = [0], sizes = [1], strides = [1]} : vector<16xi32> to vector<1xi32>
      %squeeze3A_264 = vector.extract %slice3A_263[0] : i32 from vector<1xi32>
      %add3A_265 = arith.addi %add3A_244, %squeeze3A_264 : i32
      %get3A_266 = arith.constant 96 : index
      %get3A_267 = tpu.vector_load %arg6[%get3A_266] {strides = array<i32>} : memref<1024xi32, #tpu.memory_space<vmem>>, vector<16xi32>,
      %get3A_268 = arith.constant 96 : index
      %get3A_269 = tpu.vector_load %arg7[%get3A_268] {strides = array<i32>} : memref<1024xi32, #tpu.memory_space<vmem>>, vector<16xi32>,
      %ge3A_270 = vector.broadcast %mul3A_0 : i32 to vector<16xi32>
      %ge3A_271 = arith.cmpi sge, %get3A_267, %ge3A_270 : vector<16xi32>
      %add3A_272 = arith.constant 632 : i32
      %add3A_273 = arith.addi %mul3A_0, %add3A_272 : i32
      %lt3A_274 = vector.broadcast %add3A_273 : i32 to vector<16xi32>
      %lt3A_275 = arith.cmpi slt, %get3A_267, %lt3A_274 : vector<16xi32>
      %and3A_276 = arith.andi %ge3A_271, %lt3A_275 : vector<16xi1>
      %swap3A_277 = arith.index_cast %add3A_265 : i32 to index
      %swap3A_278 = tpu.vector_load %arg8[%swap3A_277] masked %and3A_276 {strides = array<i32>} : memref<13312xi32, #tpu.memory_space<vmem>>, vector<16xi32>, vector<16xi1>
      tpu.vector_store %arg8[%swap3A_277], %get3A_269 masked %and3A_276 {strides = array<i32>} : memref<13312xi32, #tpu.memory_space<vmem>>, vector<16xi32>, vector<16xi1>
      %sub3A_279 = vector.broadcast %mul3A_0 : i32 to vector<16xi32>
      %sub3A_280 = arith.subi %get3A_267, %sub3A_279 : vector<16xi32>
      %swap3A_281 = arith.index_cast %add3A_265 : i32 to index
      %swap3A_282 = tpu.vector_load %arg9[%swap3A_281] masked %and3A_276 {strides = array<i32>} : memref<13312xi32, #tpu.memory_space<vmem>>, vector<16xi32>, vector<16xi1>
      tpu.vector_store %arg9[%swap3A_281], %sub3A_280 masked %and3A_276 {strides = array<i32>} : memref<13312xi32, #tpu.memory_space<vmem>>, vector<16xi32>, vector<16xi1>
      %all_reduce_population_count3A_283 = tpu.all_reduce %and3A_276 {dim = 0 : i64, kind = #tpu.reduction_kind<sum>} : vector<16xi1> -> vector<16xi32>
      %slice3A_284 = vector.extract_strided_slice %all_reduce_population_count3A_283 {offsets = [0], sizes = [1], strides = [1]} : vector<16xi32> to vector<1xi32>
      %squeeze3A_285 = vector.extract %slice3A_284[0] : i32 from vector<1xi32>
      %add3A_286 = arith.addi %add3A_265, %squeeze3A_285 : i32
      %get3A_287 = arith.constant 112 : index
      %get3A_288 = tpu.vector_load %arg6[%get3A_287] {strides = array<i32>} : memref<1024xi32, #tpu.memory_space<vmem>>, vector<16xi32>,
      %get3A_289 = arith.constant 112 : index
      %get3A_290 = tpu.vector_load %arg7[%get3A_289] {strides = array<i32>} : memref<1024xi32, #tpu.memory_space<vmem>>, vector<16xi32>,
      %ge3A_291 = vector.broadcast %mul3A_0 : i32 to vector<16xi32>
      %ge3A_292 = arith.cmpi sge, %get3A_288, %ge3A_291 : vector<16xi32>
      %add3A_293 = arith.constant 632 : i32
      %add3A_294 = arith.addi %mul3A_0, %add3A_293 : i32
      %lt3A_295 = vector.broadcast %add3A_294 : i32 to vector<16xi32>
      %lt3A_296 = arith.cmpi slt, %get3A_288, %lt3A_295 : vector<16xi32>
      %and3A_297 = arith.andi %ge3A_292, %lt3A_296 : vector<16xi1>
      %swap3A_298 = arith.index_cast %add3A_286 : i32 to index
      %swap3A_299 = tpu.vector_load %arg8[%swap3A_298] masked %and3A_297 {strides = array<i32>} : memref<13312xi32, #tpu.memory_space<vmem>>, vector<16xi32>, vector<16xi1>
      tpu.vector_store %arg8[%swap3A_298], %get3A_290 masked %and3A_297 {strides = array<i32>} : memref<13312xi32, #tpu.memory_space<vmem>>, vector<16xi32>, vector<16xi1>
      %sub3A_300 = vector.broadcast %mul3A_0 : i32 to vector<16xi32>
      %sub3A_301 = arith.subi %get3A_288, %sub3A_300 : vector<16xi32>
      %swap3A_302 = arith.index_cast %add3A_286 : i32 to index
      %swap3A_303 = tpu.vector_load %arg9[%swap3A_302] masked %and3A_297 {strides = array<i32>} : memref<13312xi32, #tpu.memory_space<vmem>>, vector<16xi32>, vector<16xi1>
      tpu.vector_store %arg9[%swap3A_302], %sub3A_301 masked %and3A_297 {strides = array<i32>} : memref<13312xi32, #tpu.memory_space<vmem>>, vector<16xi32>, vector<16xi1>
      %all_reduce_population_count3A_304 = tpu.all_reduce %and3A_297 {dim = 0 : i64, kind = #tpu.reduction_kind<sum>} : vector<16xi1> -> vector<16xi32>
      %slice3A_305 = vector.extract_strided_slice %all_reduce_population_count3A_304 {offsets = [0], sizes = [1], strides = [1]} : vector<16xi32> to vector<1xi32>
      %squeeze3A_306 = vector.extract %slice3A_305[0] : i32 from vector<1xi32>
      %add3A_307 = arith.addi %add3A_286, %squeeze3A_306 : i32
      %get3A_308 = arith.constant 128 : index
      %get3A_309 = tpu.vector_load %arg6[%get3A_308] {strides = array<i32>} : memref<1024xi32, #tpu.memory_space<vmem>>, vector<16xi32>,
      %get3A_310 = arith.constant 128 : index
      %get3A_311 = tpu.vector_load %arg7[%get3A_310] {strides = array<i32>} : memref<1024xi32, #tpu.memory_space<vmem>>, vector<16xi32>,
      %ge3A_312 = vector.broadcast %mul3A_0 : i32 to vector<16xi32>
      %ge3A_313 = arith.cmpi sge, %get3A_309, %ge3A_312 : vector<16xi32>
      %add3A_314 = arith.constant 632 : i32
      %add3A_315 = arith.addi %mul3A_0, %add3A_314 : i32
      %lt3A_316 = vector.broadcast %add3A_315 : i32 to vector<16xi32>
      %lt3A_317 = arith.cmpi slt, %get3A_309, %lt3A_316 : vector<16xi32>
      %and3A_318 = arith.andi %ge3A_313, %lt3A_317 : vector<16xi1>
      %swap3A_319 = arith.index_cast %add3A_307 : i32 to index
      %swap3A_320 = tpu.vector_load %arg8[%swap3A_319] masked %and3A_318 {strides = array<i32>} : memref<13312xi32, #tpu.memory_space<vmem>>, vector<16xi32>, vector<16xi1>
      tpu.vector_store %arg8[%swap3A_319], %get3A_311 masked %and3A_318 {strides = array<i32>} : memref<13312xi32, #tpu.memory_space<vmem>>, vector<16xi32>, vector<16xi1>
      %sub3A_321 = vector.broadcast %mul3A_0 : i32 to vector<16xi32>
      %sub3A_322 = arith.subi %get3A_309, %sub3A_321 : vector<16xi32>
      %swap3A_323 = arith.index_cast %add3A_307 : i32 to index
      %swap3A_324 = tpu.vector_load %arg9[%swap3A_323] masked %and3A_318 {strides = array<i32>} : memref<13312xi32, #tpu.memory_space<vmem>>, vector<16xi32>, vector<16xi1>
      tpu.vector_store %arg9[%swap3A_323], %sub3A_322 masked %and3A_318 {strides = array<i32>} : memref<13312xi32, #tpu.memory_space<vmem>>, vector<16xi32>, vector<16xi1>
      %all_reduce_population_count3A_325 = tpu.all_reduce %and3A_318 {dim = 0 : i64, kind = #tpu.reduction_kind<sum>} : vector<16xi1> -> vector<16xi32>
      %slice3A_326 = vector.extract_strided_slice %all_reduce_population_count3A_325 {offsets = [0], sizes = [1], strides = [1]} : vector<16xi32> to vector<1xi32>
      %squeeze3A_327 = vector.extract %slice3A_326[0] : i32 from vector<1xi32>
      %add3A_328 = arith.addi %add3A_307, %squeeze3A_327 : i32
      %get3A_329 = arith.constant 144 : index
      %get3A_330 = tpu.vector_load %arg6[%get3A_329] {strides = array<i32>} : memref<1024xi32, #tpu.memory_space<vmem>>, vector<16xi32>,
      %get3A_331 = arith.constant 144 : index
      %get3A_332 = tpu.vector_load %arg7[%get3A_331] {strides = array<i32>} : memref<1024xi32, #tpu.memory_space<vmem>>, vector<16xi32>,
      %ge3A_333 = vector.broadcast %mul3A_0 : i32 to vector<16xi32>
      %ge3A_334 = arith.cmpi sge, %get3A_330, %ge3A_333 : vector<16xi32>
      %add3A_335 = arith.constant 632 : i32
      %add3A_336 = arith.addi %mul3A_0, %add3A_335 : i32
      %lt3A_337 = vector.broadcast %add3A_336 : i32 to vector<16xi32>
      %lt3A_338 = arith.cmpi slt, %get3A_330, %lt3A_337 : vector<16xi32>
      %and3A_339 = arith.andi %ge3A_334, %lt3A_338 : vector<16xi1>
      %swap3A_340 = arith.index_cast %add3A_328 : i32 to index
      %swap3A_341 = tpu.vector_load %arg8[%swap3A_340] masked %and3A_339 {strides = array<i32>} : memref<13312xi32, #tpu.memory_space<vmem>>, vector<16xi32>, vector<16xi1>
      tpu.vector_store %arg8[%swap3A_340], %get3A_332 masked %and3A_339 {strides = array<i32>} : memref<13312xi32, #tpu.memory_space<vmem>>, vector<16xi32>, vector<16xi1>
      %sub3A_342 = vector.broadcast %mul3A_0 : i32 to vector<16xi32>
      %sub3A_343 = arith.subi %get3A_330, %sub3A_342 : vector<16xi32>
      %swap3A_344 = arith.index_cast %add3A_328 : i32 to index
      %swap3A_345 = tpu.vector_load %arg9[%swap3A_344] masked %and3A_339 {strides = array<i32>} : memref<13312xi32, #tpu.memory_space<vmem>>, vector<16xi32>, vector<16xi1>
      tpu.vector_store %arg9[%swap3A_344], %sub3A_343 masked %and3A_339 {strides = array<i32>} : memref<13312xi32, #tpu.memory_space<vmem>>, vector<16xi32>, vector<16xi1>
      %all_reduce_population_count3A_346 = tpu.all_reduce %and3A_339 {dim = 0 : i64, kind = #tpu.reduction_kind<sum>} : vector<16xi1> -> vector<16xi32>
      %slice3A_347 = vector.extract_strided_slice %all_reduce_population_count3A_346 {offsets = [0], sizes = [1], strides = [1]} : vector<16xi32> to vector<1xi32>
      %squeeze3A_348 = vector.extract %slice3A_347[0] : i32 from vector<1xi32>
      %add3A_349 = arith.addi %add3A_328, %squeeze3A_348 : i32
      %get3A_350 = arith.constant 160 : index
      %get3A_351 = tpu.vector_load %arg6[%get3A_350] {strides = array<i32>} : memref<1024xi32, #tpu.memory_space<vmem>>, vector<16xi32>,
      %get3A_352 = arith.constant 160 : index
      %get3A_353 = tpu.vector_load %arg7[%get3A_352] {strides = array<i32>} : memref<1024xi32, #tpu.memory_space<vmem>>, vector<16xi32>,
      %ge3A_354 = vector.broadcast %mul3A_0 : i32 to vector<16xi32>
      %ge3A_355 = arith.cmpi sge, %get3A_351, %ge3A_354 : vector<16xi32>
      %add3A_356 = arith.constant 632 : i32
      %add3A_357 = arith.addi %mul3A_0, %add3A_356 : i32
      %lt3A_358 = vector.broadcast %add3A_357 : i32 to vector<16xi32>
      %lt3A_359 = arith.cmpi slt, %get3A_351, %lt3A_358 : vector<16xi32>
      %and3A_360 = arith.andi %ge3A_355, %lt3A_359 : vector<16xi1>
      %swap3A_361 = arith.index_cast %add3A_349 : i32 to index
      %swap3A_362 = tpu.vector_load %arg8[%swap3A_361] masked %and3A_360 {strides = array<i32>} : memref<13312xi32, #tpu.memory_space<vmem>>, vector<16xi32>, vector<16xi1>
      tpu.vector_store %arg8[%swap3A_361], %get3A_353 masked %and3A_360 {strides = array<i32>} : memref<13312xi32, #tpu.memory_space<vmem>>, vector<16xi32>, vector<16xi1>
      %sub3A_363 = vector.broadcast %mul3A_0 : i32 to vector<16xi32>
      %sub3A_364 = arith.subi %get3A_351, %sub3A_363 : vector<16xi32>
      %swap3A_365 = arith.index_cast %add3A_349 : i32 to index
      %swap3A_366 = tpu.vector_load %arg9[%swap3A_365] masked %and3A_360 {strides = array<i32>} : memref<13312xi32, #tpu.memory_space<vmem>>, vector<16xi32>, vector<16xi1>
      tpu.vector_store %arg9[%swap3A_365], %sub3A_364 masked %and3A_360 {strides = array<i32>} : memref<13312xi32, #tpu.memory_space<vmem>>, vector<16xi32>, vector<16xi1>
      %all_reduce_population_count3A_367 = tpu.all_reduce %and3A_360 {dim = 0 : i64, kind = #tpu.reduction_kind<sum>} : vector<16xi1> -> vector<16xi32>
      %slice3A_368 = vector.extract_strided_slice %all_reduce_population_count3A_367 {offsets = [0], sizes = [1], strides = [1]} : vector<16xi32> to vector<1xi32>
      %squeeze3A_369 = vector.extract %slice3A_368[0] : i32 from vector<1xi32>
      %add3A_370 = arith.addi %add3A_349, %squeeze3A_369 : i32
      %get3A_371 = arith.constant 176 : index
      %get3A_372 = tpu.vector_load %arg6[%get3A_371] {strides = array<i32>} : memref<1024xi32, #tpu.memory_space<vmem>>, vector<16xi32>,
      %get3A_373 = arith.constant 176 : index
      %get3A_374 = tpu.vector_load %arg7[%get3A_373] {strides = array<i32>} : memref<1024xi32, #tpu.memory_space<vmem>>, vector<16xi32>,
      %ge3A_375 = vector.broadcast %mul3A_0 : i32 to vector<16xi32>
      %ge3A_376 = arith.cmpi sge, %get3A_372, %ge3A_375 : vector<16xi32>
      %add3A_377 = arith.constant 632 : i32
      %add3A_378 = arith.addi %mul3A_0, %add3A_377 : i32
      %lt3A_379 = vector.broadcast %add3A_378 : i32 to vector<16xi32>
      %lt3A_380 = arith.cmpi slt, %get3A_372, %lt3A_379 : vector<16xi32>
      %and3A_381 = arith.andi %ge3A_376, %lt3A_380 : vector<16xi1>
      %swap3A_382 = arith.index_cast %add3A_370 : i32 to index
      %swap3A_383 = tpu.vector_load %arg8[%swap3A_382] masked %and3A_381 {strides = array<i32>} : memref<13312xi32, #tpu.memory_space<vmem>>, vector<16xi32>, vector<16xi1>
      tpu.vector_store %arg8[%swap3A_382], %get3A_374 masked %and3A_381 {strides = array<i32>} : memref<13312xi32, #tpu.memory_space<vmem>>, vector<16xi32>, vector<16xi1>
      %sub3A_384 = vector.broadcast %mul3A_0 : i32 to vector<16xi32>
      %sub3A_385 = arith.subi %get3A_372, %sub3A_384 : vector<16xi32>
      %swap3A_386 = arith.index_cast %add3A_370 : i32 to index
      %swap3A_387 = tpu.vector_load %arg9[%swap3A_386] masked %and3A_381 {strides = array<i32>} : memref<13312xi32, #tpu.memory_space<vmem>>, vector<16xi32>, vector<16xi1>
      tpu.vector_store %arg9[%swap3A_386], %sub3A_385 masked %and3A_381 {strides = array<i32>} : memref<13312xi32, #tpu.memory_space<vmem>>, vector<16xi32>, vector<16xi1>
      %all_reduce_population_count3A_388 = tpu.all_reduce %and3A_381 {dim = 0 : i64, kind = #tpu.reduction_kind<sum>} : vector<16xi1> -> vector<16xi32>
      %slice3A_389 = vector.extract_strided_slice %all_reduce_population_count3A_388 {offsets = [0], sizes = [1], strides = [1]} : vector<16xi32> to vector<1xi32>
      %squeeze3A_390 = vector.extract %slice3A_389[0] : i32 from vector<1xi32>
      %add3A_391 = arith.addi %add3A_370, %squeeze3A_390 : i32
      %get3A_392 = arith.constant 192 : index
      %get3A_393 = tpu.vector_load %arg6[%get3A_392] {strides = array<i32>} : memref<1024xi32, #tpu.memory_space<vmem>>, vector<16xi32>,
      %get3A_394 = arith.constant 192 : index
      %get3A_395 = tpu.vector_load %arg7[%get3A_394] {strides = array<i32>} : memref<1024xi32, #tpu.memory_space<vmem>>, vector<16xi32>,
      %ge3A_396 = vector.broadcast %mul3A_0 : i32 to vector<16xi32>
      %ge3A_397 = arith.cmpi sge, %get3A_393, %ge3A_396 : vector<16xi32>
      %add3A_398 = arith.constant 632 : i32
      %add3A_399 = arith.addi %mul3A_0, %add3A_398 : i32
      %lt3A_400 = vector.broadcast %add3A_399 : i32 to vector<16xi32>
      %lt3A_401 = arith.cmpi slt, %get3A_393, %lt3A_400 : vector<16xi32>
      %and3A_402 = arith.andi %ge3A_397, %lt3A_401 : vector<16xi1>
      %swap3A_403 = arith.index_cast %add3A_391 : i32 to index
      %swap3A_404 = tpu.vector_load %arg8[%swap3A_403] masked %and3A_402 {strides = array<i32>} : memref<13312xi32, #tpu.memory_space<vmem>>, vector<16xi32>, vector<16xi1>
      tpu.vector_store %arg8[%swap3A_403], %get3A_395 masked %and3A_402 {strides = array<i32>} : memref<13312xi32, #tpu.memory_space<vmem>>, vector<16xi32>, vector<16xi1>
      %sub3A_405 = vector.broadcast %mul3A_0 : i32 to vector<16xi32>
      %sub3A_406 = arith.subi %get3A_393, %sub3A_405 : vector<16xi32>
      %swap3A_407 = arith.index_cast %add3A_391 : i32 to index
      %swap3A_408 = tpu.vector_load %arg9[%swap3A_407] masked %and3A_402 {strides = array<i32>} : memref<13312xi32, #tpu.memory_space<vmem>>, vector<16xi32>, vector<16xi1>
      tpu.vector_store %arg9[%swap3A_407], %sub3A_406 masked %and3A_402 {strides = array<i32>} : memref<13312xi32, #tpu.memory_space<vmem>>, vector<16xi32>, vector<16xi1>
      %all_reduce_population_count3A_409 = tpu.all_reduce %and3A_402 {dim = 0 : i64, kind = #tpu.reduction_kind<sum>} : vector<16xi1> -> vector<16xi32>
      %slice3A_410 = vector.extract_strided_slice %all_reduce_population_count3A_409 {offsets = [0], sizes = [1], strides = [1]} : vector<16xi32> to vector<1xi32>
      %squeeze3A_411 = vector.extract %slice3A_410[0] : i32 from vector<1xi32>
      %add3A_412 = arith.addi %add3A_391, %squeeze3A_411 : i32
      %get3A_413 = arith.constant 208 : index
      %get3A_414 = tpu.vector_load %arg6[%get3A_413] {strides = array<i32>} : memref<1024xi32, #tpu.memory_space<vmem>>, vector<16xi32>,
      %get3A_415 = arith.constant 208 : index
      %get3A_416 = tpu.vector_load %arg7[%get3A_415] {strides = array<i32>} : memref<1024xi32, #tpu.memory_space<vmem>>, vector<16xi32>,
      %ge3A_417 = vector.broadcast %mul3A_0 : i32 to vector<16xi32>
      %ge3A_418 = arith.cmpi sge, %get3A_414, %ge3A_417 : vector<16xi32>
      %add3A_419 = arith.constant 632 : i32
      %add3A_420 = arith.addi %mul3A_0, %add3A_419 : i32
      %lt3A_421 = vector.broadcast %add3A_420 : i32 to vector<16xi32>
      %lt3A_422 = arith.cmpi slt, %get3A_414, %lt3A_421 : vector<16xi32>
      %and3A_423 = arith.andi %ge3A_418, %lt3A_422 : vector<16xi1>
      %swap3A_424 = arith.index_cast %add3A_412 : i32 to index
      %swap3A_425 = tpu.vector_load %arg8[%swap3A_424] masked %and3A_423 {strides = array<i32>} : memref<13312xi32, #tpu.memory_space<vmem>>, vector<16xi32>, vector<16xi1>
      tpu.vector_store %arg8[%swap3A_424], %get3A_416 masked %and3A_423 {strides = array<i32>} : memref<13312xi32, #tpu.memory_space<vmem>>, vector<16xi32>, vector<16xi1>
      %sub3A_426 = vector.broadcast %mul3A_0 : i32 to vector<16xi32>
      %sub3A_427 = arith.subi %get3A_414, %sub3A_426 : vector<16xi32>
      %swap3A_428 = arith.index_cast %add3A_412 : i32 to index
      %swap3A_429 = tpu.vector_load %arg9[%swap3A_428] masked %and3A_423 {strides = array<i32>} : memref<13312xi32, #tpu.memory_space<vmem>>, vector<16xi32>, vector<16xi1>
      tpu.vector_store %arg9[%swap3A_428], %sub3A_427 masked %and3A_423 {strides = array<i32>} : memref<13312xi32, #tpu.memory_space<vmem>>, vector<16xi32>, vector<16xi1>
      %all_reduce_population_count3A_430 = tpu.all_reduce %and3A_423 {dim = 0 : i64, kind = #tpu.reduction_kind<sum>} : vector<16xi1> -> vector<16xi32>
      %slice3A_431 = vector.extract_strided_slice %all_reduce_population_count3A_430 {offsets = [0], sizes = [1], strides = [1]} : vector<16xi32> to vector<1xi32>
      %squeeze3A_432 = vector.extract %slice3A_431[0] : i32 from vector<1xi32>
      %add3A_433 = arith.addi %add3A_412, %squeeze3A_432 : i32
      %get3A_434 = arith.constant 224 : index
      %get3A_435 = tpu.vector_load %arg6[%get3A_434] {strides = array<i32>} : memref<1024xi32, #tpu.memory_space<vmem>>, vector<16xi32>,
      %get3A_436 = arith.constant 224 : index
      %get3A_437 = tpu.vector_load %arg7[%get3A_436] {strides = array<i32>} : memref<1024xi32, #tpu.memory_space<vmem>>, vector<16xi32>,
      %ge3A_438 = vector.broadcast %mul3A_0 : i32 to vector<16xi32>
      %ge3A_439 = arith.cmpi sge, %get3A_435, %ge3A_438 : vector<16xi32>
      %add3A_440 = arith.constant 632 : i32
      %add3A_441 = arith.addi %mul3A_0, %add3A_440 : i32
      %lt3A_442 = vector.broadcast %add3A_441 : i32 to vector<16xi32>
      %lt3A_443 = arith.cmpi slt, %get3A_435, %lt3A_442 : vector<16xi32>
      %and3A_444 = arith.andi %ge3A_439, %lt3A_443 : vector<16xi1>
      %swap3A_445 = arith.index_cast %add3A_433 : i32 to index
      %swap3A_446 = tpu.vector_load %arg8[%swap3A_445] masked %and3A_444 {strides = array<i32>} : memref<13312xi32, #tpu.memory_space<vmem>>, vector<16xi32>, vector<16xi1>
      tpu.vector_store %arg8[%swap3A_445], %get3A_437 masked %and3A_444 {strides = array<i32>} : memref<13312xi32, #tpu.memory_space<vmem>>, vector<16xi32>, vector<16xi1>
      %sub3A_447 = vector.broadcast %mul3A_0 : i32 to vector<16xi32>
      %sub3A_448 = arith.subi %get3A_435, %sub3A_447 : vector<16xi32>
      %swap3A_449 = arith.index_cast %add3A_433 : i32 to index
      %swap3A_450 = tpu.vector_load %arg9[%swap3A_449] masked %and3A_444 {strides = array<i32>} : memref<13312xi32, #tpu.memory_space<vmem>>, vector<16xi32>, vector<16xi1>
      tpu.vector_store %arg9[%swap3A_449], %sub3A_448 masked %and3A_444 {strides = array<i32>} : memref<13312xi32, #tpu.memory_space<vmem>>, vector<16xi32>, vector<16xi1>
      %all_reduce_population_count3A_451 = tpu.all_reduce %and3A_444 {dim = 0 : i64, kind = #tpu.reduction_kind<sum>} : vector<16xi1> -> vector<16xi32>
      %slice3A_452 = vector.extract_strided_slice %all_reduce_population_count3A_451 {offsets = [0], sizes = [1], strides = [1]} : vector<16xi32> to vector<1xi32>
      %squeeze3A_453 = vector.extract %slice3A_452[0] : i32 from vector<1xi32>
      %add3A_454 = arith.addi %add3A_433, %squeeze3A_453 : i32
      %get3A_455 = arith.constant 240 : index
      %get3A_456 = tpu.vector_load %arg6[%get3A_455] {strides = array<i32>} : memref<1024xi32, #tpu.memory_space<vmem>>, vector<16xi32>,
      %get3A_457 = arith.constant 240 : index
      %get3A_458 = tpu.vector_load %arg7[%get3A_457] {strides = array<i32>} : memref<1024xi32, #tpu.memory_space<vmem>>, vector<16xi32>,
      %ge3A_459 = vector.broadcast %mul3A_0 : i32 to vector<16xi32>
      %ge3A_460 = arith.cmpi sge, %get3A_456, %ge3A_459 : vector<16xi32>
      %add3A_461 = arith.constant 632 : i32
      %add3A_462 = arith.addi %mul3A_0, %add3A_461 : i32
      %lt3A_463 = vector.broadcast %add3A_462 : i32 to vector<16xi32>
      %lt3A_464 = arith.cmpi slt, %get3A_456, %lt3A_463 : vector<16xi32>
      %and3A_465 = arith.andi %ge3A_460, %lt3A_464 : vector<16xi1>
      %swap3A_466 = arith.index_cast %add3A_454 : i32 to index
      %swap3A_467 = tpu.vector_load %arg8[%swap3A_466] masked %and3A_465 {strides = array<i32>} : memref<13312xi32, #tpu.memory_space<vmem>>, vector<16xi32>, vector<16xi1>
      tpu.vector_store %arg8[%swap3A_466], %get3A_458 masked %and3A_465 {strides = array<i32>} : memref<13312xi32, #tpu.memory_space<vmem>>, vector<16xi32>, vector<16xi1>
      %sub3A_468 = vector.broadcast %mul3A_0 : i32 to vector<16xi32>
      %sub3A_469 = arith.subi %get3A_456, %sub3A_468 : vector<16xi32>
      %swap3A_470 = arith.index_cast %add3A_454 : i32 to index
      %swap3A_471 = tpu.vector_load %arg9[%swap3A_470] masked %and3A_465 {strides = array<i32>} : memref<13312xi32, #tpu.memory_space<vmem>>, vector<16xi32>, vector<16xi1>
      tpu.vector_store %arg9[%swap3A_470], %sub3A_469 masked %and3A_465 {strides = array<i32>} : memref<13312xi32, #tpu.memory_space<vmem>>, vector<16xi32>, vector<16xi1>
      %all_reduce_population_count3A_472 = tpu.all_reduce %and3A_465 {dim = 0 : i64, kind = #tpu.reduction_kind<sum>} : vector<16xi1> -> vector<16xi32>
      %slice3A_473 = vector.extract_strided_slice %all_reduce_population_count3A_472 {offsets = [0], sizes = [1], strides = [1]} : vector<16xi32> to vector<1xi32>
      %squeeze3A_474 = vector.extract %slice3A_473[0] : i32 from vector<1xi32>
      %add3A_475 = arith.addi %add3A_454, %squeeze3A_474 : i32
      %get3A_476 = arith.constant 256 : index
      %get3A_477 = tpu.vector_load %arg6[%get3A_476] {strides = array<i32>} : memref<1024xi32, #tpu.memory_space<vmem>>, vector<16xi32>,
      %get3A_478 = arith.constant 256 : index
      %get3A_479 = tpu.vector_load %arg7[%get3A_478] {strides = array<i32>} : memref<1024xi32, #tpu.memory_space<vmem>>, vector<16xi32>,
      %ge3A_480 = vector.broadcast %mul3A_0 : i32 to vector<16xi32>
      %ge3A_481 = arith.cmpi sge, %get3A_477, %ge3A_480 : vector<16xi32>
      %add3A_482 = arith.constant 632 : i32
      %add3A_483 = arith.addi %mul3A_0, %add3A_482 : i32
      %lt3A_484 = vector.broadcast %add3A_483 : i32 to vector<16xi32>
      %lt3A_485 = arith.cmpi slt, %get3A_477, %lt3A_484 : vector<16xi32>
      %and3A_486 = arith.andi %ge3A_481, %lt3A_485 : vector<16xi1>
      %swap3A_487 = arith.index_cast %add3A_475 : i32 to index
      %swap3A_488 = tpu.vector_load %arg8[%swap3A_487] masked %and3A_486 {strides = array<i32>} : memref<13312xi32, #tpu.memory_space<vmem>>, vector<16xi32>, vector<16xi1>
      tpu.vector_store %arg8[%swap3A_487], %get3A_479 masked %and3A_486 {strides = array<i32>} : memref<13312xi32, #tpu.memory_space<vmem>>, vector<16xi32>, vector<16xi1>
      %sub3A_489 = vector.broadcast %mul3A_0 : i32 to vector<16xi32>
      %sub3A_490 = arith.subi %get3A_477, %sub3A_489 : vector<16xi32>
      %swap3A_491 = arith.index_cast %add3A_475 : i32 to index
      %swap3A_492 = tpu.vector_load %arg9[%swap3A_491] masked %and3A_486 {strides = array<i32>} : memref<13312xi32, #tpu.memory_space<vmem>>, vector<16xi32>, vector<16xi1>
      tpu.vector_store %arg9[%swap3A_491], %sub3A_490 masked %and3A_486 {strides = array<i32>} : memref<13312xi32, #tpu.memory_space<vmem>>, vector<16xi32>, vector<16xi1>
      %all_reduce_population_count3A_493 = tpu.all_reduce %and3A_486 {dim = 0 : i64, kind = #tpu.reduction_kind<sum>} : vector<16xi1> -> vector<16xi32>
      %slice3A_494 = vector.extract_strided_slice %all_reduce_population_count3A_493 {offsets = [0], sizes = [1], strides = [1]} : vector<16xi32> to vector<1xi32>
      %squeeze3A_495 = vector.extract %slice3A_494[0] : i32 from vector<1xi32>
      %add3A_496 = arith.addi %add3A_475, %squeeze3A_495 : i32
      %get3A_497 = arith.constant 272 : index
      %get3A_498 = tpu.vector_load %arg6[%get3A_497] {strides = array<i32>} : memref<1024xi32, #tpu.memory_space<vmem>>, vector<16xi32>,
      %get3A_499 = arith.constant 272 : index
      %get3A_500 = tpu.vector_load %arg7[%get3A_499] {strides = array<i32>} : memref<1024xi32, #tpu.memory_space<vmem>>, vector<16xi32>,
      %ge3A_501 = vector.broadcast %mul3A_0 : i32 to vector<16xi32>
      %ge3A_502 = arith.cmpi sge, %get3A_498, %ge3A_501 : vector<16xi32>
      %add3A_503 = arith.constant 632 : i32
      %add3A_504 = arith.addi %mul3A_0, %add3A_503 : i32
      %lt3A_505 = vector.broadcast %add3A_504 : i32 to vector<16xi32>
      %lt3A_506 = arith.cmpi slt, %get3A_498, %lt3A_505 : vector<16xi32>
      %and3A_507 = arith.andi %ge3A_502, %lt3A_506 : vector<16xi1>
      %swap3A_508 = arith.index_cast %add3A_496 : i32 to index
      %swap3A_509 = tpu.vector_load %arg8[%swap3A_508] masked %and3A_507 {strides = array<i32>} : memref<13312xi32, #tpu.memory_space<vmem>>, vector<16xi32>, vector<16xi1>
      tpu.vector_store %arg8[%swap3A_508], %get3A_500 masked %and3A_507 {strides = array<i32>} : memref<13312xi32, #tpu.memory_space<vmem>>, vector<16xi32>, vector<16xi1>
      %sub3A_510 = vector.broadcast %mul3A_0 : i32 to vector<16xi32>
      %sub3A_511 = arith.subi %get3A_498, %sub3A_510 : vector<16xi32>
      %swap3A_512 = arith.index_cast %add3A_496 : i32 to index
      %swap3A_513 = tpu.vector_load %arg9[%swap3A_512] masked %and3A_507 {strides = array<i32>} : memref<13312xi32, #tpu.memory_space<vmem>>, vector<16xi32>, vector<16xi1>
      tpu.vector_store %arg9[%swap3A_512], %sub3A_511 masked %and3A_507 {strides = array<i32>} : memref<13312xi32, #tpu.memory_space<vmem>>, vector<16xi32>, vector<16xi1>
      %all_reduce_population_count3A_514 = tpu.all_reduce %and3A_507 {dim = 0 : i64, kind = #tpu.reduction_kind<sum>} : vector<16xi1> -> vector<16xi32>
      %slice3A_515 = vector.extract_strided_slice %all_reduce_population_count3A_514 {offsets = [0], sizes = [1], strides = [1]} : vector<16xi32> to vector<1xi32>
      %squeeze3A_516 = vector.extract %slice3A_515[0] : i32 from vector<1xi32>
      %add3A_517 = arith.addi %add3A_496, %squeeze3A_516 : i32
      %get3A_518 = arith.constant 288 : index
      %get3A_519 = tpu.vector_load %arg6[%get3A_518] {strides = array<i32>} : memref<1024xi32, #tpu.memory_space<vmem>>, vector<16xi32>,
      %get3A_520 = arith.constant 288 : index
      %get3A_521 = tpu.vector_load %arg7[%get3A_520] {strides = array<i32>} : memref<1024xi32, #tpu.memory_space<vmem>>, vector<16xi32>,
      %ge3A_522 = vector.broadcast %mul3A_0 : i32 to vector<16xi32>
      %ge3A_523 = arith.cmpi sge, %get3A_519, %ge3A_522 : vector<16xi32>
      %add3A_524 = arith.constant 632 : i32
      %add3A_525 = arith.addi %mul3A_0, %add3A_524 : i32
      %lt3A_526 = vector.broadcast %add3A_525 : i32 to vector<16xi32>
      %lt3A_527 = arith.cmpi slt, %get3A_519, %lt3A_526 : vector<16xi32>
      %and3A_528 = arith.andi %ge3A_523, %lt3A_527 : vector<16xi1>
      %swap3A_529 = arith.index_cast %add3A_517 : i32 to index
      %swap3A_530 = tpu.vector_load %arg8[%swap3A_529] masked %and3A_528 {strides = array<i32>} : memref<13312xi32, #tpu.memory_space<vmem>>, vector<16xi32>, vector<16xi1>
      tpu.vector_store %arg8[%swap3A_529], %get3A_521 masked %and3A_528 {strides = array<i32>} : memref<13312xi32, #tpu.memory_space<vmem>>, vector<16xi32>, vector<16xi1>
      %sub3A_531 = vector.broadcast %mul3A_0 : i32 to vector<16xi32>
      %sub3A_532 = arith.subi %get3A_519, %sub3A_531 : vector<16xi32>
      %swap3A_533 = arith.index_cast %add3A_517 : i32 to index
      %swap3A_534 = tpu.vector_load %arg9[%swap3A_533] masked %and3A_528 {strides = array<i32>} : memref<13312xi32, #tpu.memory_space<vmem>>, vector<16xi32>, vector<16xi1>
      tpu.vector_store %arg9[%swap3A_533], %sub3A_532 masked %and3A_528 {strides = array<i32>} : memref<13312xi32, #tpu.memory_space<vmem>>, vector<16xi32>, vector<16xi1>
      %all_reduce_population_count3A_535 = tpu.all_reduce %and3A_528 {dim = 0 : i64, kind = #tpu.reduction_kind<sum>} : vector<16xi1> -> vector<16xi32>
      %slice3A_536 = vector.extract_strided_slice %all_reduce_population_count3A_535 {offsets = [0], sizes = [1], strides = [1]} : vector<16xi32> to vector<1xi32>
      %squeeze3A_537 = vector.extract %slice3A_536[0] : i32 from vector<1xi32>
      %add3A_538 = arith.addi %add3A_517, %squeeze3A_537 : i32
      %get3A_539 = arith.constant 304 : index
      %get3A_540 = tpu.vector_load %arg6[%get3A_539] {strides = array<i32>} : memref<1024xi32, #tpu.memory_space<vmem>>, vector<16xi32>,
      %get3A_541 = arith.constant 304 : index
      %get3A_542 = tpu.vector_load %arg7[%get3A_541] {strides = array<i32>} : memref<1024xi32, #tpu.memory_space<vmem>>, vector<16xi32>,
      %ge3A_543 = vector.broadcast %mul3A_0 : i32 to vector<16xi32>
      %ge3A_544 = arith.cmpi sge, %get3A_540, %ge3A_543 : vector<16xi32>
      %add3A_545 = arith.constant 632 : i32
      %add3A_546 = arith.addi %mul3A_0, %add3A_545 : i32
      %lt3A_547 = vector.broadcast %add3A_546 : i32 to vector<16xi32>
      %lt3A_548 = arith.cmpi slt, %get3A_540, %lt3A_547 : vector<16xi32>
      %and3A_549 = arith.andi %ge3A_544, %lt3A_548 : vector<16xi1>
      %swap3A_550 = arith.index_cast %add3A_538 : i32 to index
      %swap3A_551 = tpu.vector_load %arg8[%swap3A_550] masked %and3A_549 {strides = array<i32>} : memref<13312xi32, #tpu.memory_space<vmem>>, vector<16xi32>, vector<16xi1>
      tpu.vector_store %arg8[%swap3A_550], %get3A_542 masked %and3A_549 {strides = array<i32>} : memref<13312xi32, #tpu.memory_space<vmem>>, vector<16xi32>, vector<16xi1>
      %sub3A_552 = vector.broadcast %mul3A_0 : i32 to vector<16xi32>
      %sub3A_553 = arith.subi %get3A_540, %sub3A_552 : vector<16xi32>
      %swap3A_554 = arith.index_cast %add3A_538 : i32 to index
      %swap3A_555 = tpu.vector_load %arg9[%swap3A_554] masked %and3A_549 {strides = array<i32>} : memref<13312xi32, #tpu.memory_space<vmem>>, vector<16xi32>, vector<16xi1>
      tpu.vector_store %arg9[%swap3A_554], %sub3A_553 masked %and3A_549 {strides = array<i32>} : memref<13312xi32, #tpu.memory_space<vmem>>, vector<16xi32>, vector<16xi1>
      %all_reduce_population_count3A_556 = tpu.all_reduce %and3A_549 {dim = 0 : i64, kind = #tpu.reduction_kind<sum>} : vector<16xi1> -> vector<16xi32>
      %slice3A_557 = vector.extract_strided_slice %all_reduce_population_count3A_556 {offsets = [0], sizes = [1], strides = [1]} : vector<16xi32> to vector<1xi32>
      %squeeze3A_558 = vector.extract %slice3A_557[0] : i32 from vector<1xi32>
      %add3A_559 = arith.addi %add3A_538, %squeeze3A_558 : i32
      %get3A_560 = arith.constant 320 : index
      %get3A_561 = tpu.vector_load %arg6[%get3A_560] {strides = array<i32>} : memref<1024xi32, #tpu.memory_space<vmem>>, vector<16xi32>,
      %get3A_562 = arith.constant 320 : index
      %get3A_563 = tpu.vector_load %arg7[%get3A_562] {strides = array<i32>} : memref<1024xi32, #tpu.memory_space<vmem>>, vector<16xi32>,
      %ge3A_564 = vector.broadcast %mul3A_0 : i32 to vector<16xi32>
      %ge3A_565 = arith.cmpi sge, %get3A_561, %ge3A_564 : vector<16xi32>
      %add3A_566 = arith.constant 632 : i32
      %add3A_567 = arith.addi %mul3A_0, %add3A_566 : i32
      %lt3A_568 = vector.broadcast %add3A_567 : i32 to vector<16xi32>
      %lt3A_569 = arith.cmpi slt, %get3A_561, %lt3A_568 : vector<16xi32>
      %and3A_570 = arith.andi %ge3A_565, %lt3A_569 : vector<16xi1>
      %swap3A_571 = arith.index_cast %add3A_559 : i32 to index
      %swap3A_572 = tpu.vector_load %arg8[%swap3A_571] masked %and3A_570 {strides = array<i32>} : memref<13312xi32, #tpu.memory_space<vmem>>, vector<16xi32>, vector<16xi1>
      tpu.vector_store %arg8[%swap3A_571], %get3A_563 masked %and3A_570 {strides = array<i32>} : memref<13312xi32, #tpu.memory_space<vmem>>, vector<16xi32>, vector<16xi1>
      %sub3A_573 = vector.broadcast %mul3A_0 : i32 to vector<16xi32>
      %sub3A_574 = arith.subi %get3A_561, %sub3A_573 : vector<16xi32>
      %swap3A_575 = arith.index_cast %add3A_559 : i32 to index
      %swap3A_576 = tpu.vector_load %arg9[%swap3A_575] masked %and3A_570 {strides = array<i32>} : memref<13312xi32, #tpu.memory_space<vmem>>, vector<16xi32>, vector<16xi1>
      tpu.vector_store %arg9[%swap3A_575], %sub3A_574 masked %and3A_570 {strides = array<i32>} : memref<13312xi32, #tpu.memory_space<vmem>>, vector<16xi32>, vector<16xi1>
      %all_reduce_population_count3A_577 = tpu.all_reduce %and3A_570 {dim = 0 : i64, kind = #tpu.reduction_kind<sum>} : vector<16xi1> -> vector<16xi32>
      %slice3A_578 = vector.extract_strided_slice %all_reduce_population_count3A_577 {offsets = [0], sizes = [1], strides = [1]} : vector<16xi32> to vector<1xi32>
      %squeeze3A_579 = vector.extract %slice3A_578[0] : i32 from vector<1xi32>
      %add3A_580 = arith.addi %add3A_559, %squeeze3A_579 : i32
      %get3A_581 = arith.constant 336 : index
      %get3A_582 = tpu.vector_load %arg6[%get3A_581] {strides = array<i32>} : memref<1024xi32, #tpu.memory_space<vmem>>, vector<16xi32>,
      %get3A_583 = arith.constant 336 : index
      %get3A_584 = tpu.vector_load %arg7[%get3A_583] {strides = array<i32>} : memref<1024xi32, #tpu.memory_space<vmem>>, vector<16xi32>,
      %ge3A_585 = vector.broadcast %mul3A_0 : i32 to vector<16xi32>
      %ge3A_586 = arith.cmpi sge, %get3A_582, %ge3A_585 : vector<16xi32>
      %add3A_587 = arith.constant 632 : i32
      %add3A_588 = arith.addi %mul3A_0, %add3A_587 : i32
      %lt3A_589 = vector.broadcast %add3A_588 : i32 to vector<16xi32>
      %lt3A_590 = arith.cmpi slt, %get3A_582, %lt3A_589 : vector<16xi32>
      %and3A_591 = arith.andi %ge3A_586, %lt3A_590 : vector<16xi1>
      %swap3A_592 = arith.index_cast %add3A_580 : i32 to index
      %swap3A_593 = tpu.vector_load %arg8[%swap3A_592] masked %and3A_591 {strides = array<i32>} : memref<13312xi32, #tpu.memory_space<vmem>>, vector<16xi32>, vector<16xi1>
      tpu.vector_store %arg8[%swap3A_592], %get3A_584 masked %and3A_591 {strides = array<i32>} : memref<13312xi32, #tpu.memory_space<vmem>>, vector<16xi32>, vector<16xi1>
      %sub3A_594 = vector.broadcast %mul3A_0 : i32 to vector<16xi32>
      %sub3A_595 = arith.subi %get3A_582, %sub3A_594 : vector<16xi32>
      %swap3A_596 = arith.index_cast %add3A_580 : i32 to index
      %swap3A_597 = tpu.vector_load %arg9[%swap3A_596] masked %and3A_591 {strides = array<i32>} : memref<13312xi32, #tpu.memory_space<vmem>>, vector<16xi32>, vector<16xi1>
      tpu.vector_store %arg9[%swap3A_596], %sub3A_595 masked %and3A_591 {strides = array<i32>} : memref<13312xi32, #tpu.memory_space<vmem>>, vector<16xi32>, vector<16xi1>
      %all_reduce_population_count3A_598 = tpu.all_reduce %and3A_591 {dim = 0 : i64, kind = #tpu.reduction_kind<sum>} : vector<16xi1> -> vector<16xi32>
      %slice3A_599 = vector.extract_strided_slice %all_reduce_population_count3A_598 {offsets = [0], sizes = [1], strides = [1]} : vector<16xi32> to vector<1xi32>
      %squeeze3A_600 = vector.extract %slice3A_599[0] : i32 from vector<1xi32>
      %add3A_601 = arith.addi %add3A_580, %squeeze3A_600 : i32
      %get3A_602 = arith.constant 352 : index
      %get3A_603 = tpu.vector_load %arg6[%get3A_602] {strides = array<i32>} : memref<1024xi32, #tpu.memory_space<vmem>>, vector<16xi32>,
      %get3A_604 = arith.constant 352 : index
      %get3A_605 = tpu.vector_load %arg7[%get3A_604] {strides = array<i32>} : memref<1024xi32, #tpu.memory_space<vmem>>, vector<16xi32>,
      %ge3A_606 = vector.broadcast %mul3A_0 : i32 to vector<16xi32>
      %ge3A_607 = arith.cmpi sge, %get3A_603, %ge3A_606 : vector<16xi32>
      %add3A_608 = arith.constant 632 : i32
      %add3A_609 = arith.addi %mul3A_0, %add3A_608 : i32
      %lt3A_610 = vector.broadcast %add3A_609 : i32 to vector<16xi32>
      %lt3A_611 = arith.cmpi slt, %get3A_603, %lt3A_610 : vector<16xi32>
      %and3A_612 = arith.andi %ge3A_607, %lt3A_611 : vector<16xi1>
      %swap3A_613 = arith.index_cast %add3A_601 : i32 to index
      %swap3A_614 = tpu.vector_load %arg8[%swap3A_613] masked %and3A_612 {strides = array<i32>} : memref<13312xi32, #tpu.memory_space<vmem>>, vector<16xi32>, vector<16xi1>
      tpu.vector_store %arg8[%swap3A_613], %get3A_605 masked %and3A_612 {strides = array<i32>} : memref<13312xi32, #tpu.memory_space<vmem>>, vector<16xi32>, vector<16xi1>
      %sub3A_615 = vector.broadcast %mul3A_0 : i32 to vector<16xi32>
      %sub3A_616 = arith.subi %get3A_603, %sub3A_615 : vector<16xi32>
      %swap3A_617 = arith.index_cast %add3A_601 : i32 to index
      %swap3A_618 = tpu.vector_load %arg9[%swap3A_617] masked %and3A_612 {strides = array<i32>} : memref<13312xi32, #tpu.memory_space<vmem>>, vector<16xi32>, vector<16xi1>
      tpu.vector_store %arg9[%swap3A_617], %sub3A_616 masked %and3A_612 {strides = array<i32>} : memref<13312xi32, #tpu.memory_space<vmem>>, vector<16xi32>, vector<16xi1>
      %all_reduce_population_count3A_619 = tpu.all_reduce %and3A_612 {dim = 0 : i64, kind = #tpu.reduction_kind<sum>} : vector<16xi1> -> vector<16xi32>
      %slice3A_620 = vector.extract_strided_slice %all_reduce_population_count3A_619 {offsets = [0], sizes = [1], strides = [1]} : vector<16xi32> to vector<1xi32>
      %squeeze3A_621 = vector.extract %slice3A_620[0] : i32 from vector<1xi32>
      %add3A_622 = arith.addi %add3A_601, %squeeze3A_621 : i32
      %get3A_623 = arith.constant 368 : index
      %get3A_624 = tpu.vector_load %arg6[%get3A_623] {strides = array<i32>} : memref<1024xi32, #tpu.memory_space<vmem>>, vector<16xi32>,
      %get3A_625 = arith.constant 368 : index
      %get3A_626 = tpu.vector_load %arg7[%get3A_625] {strides = array<i32>} : memref<1024xi32, #tpu.memory_space<vmem>>, vector<16xi32>,
      %ge3A_627 = vector.broadcast %mul3A_0 : i32 to vector<16xi32>
      %ge3A_628 = arith.cmpi sge, %get3A_624, %ge3A_627 : vector<16xi32>
      %add3A_629 = arith.constant 632 : i32
      %add3A_630 = arith.addi %mul3A_0, %add3A_629 : i32
      %lt3A_631 = vector.broadcast %add3A_630 : i32 to vector<16xi32>
      %lt3A_632 = arith.cmpi slt, %get3A_624, %lt3A_631 : vector<16xi32>
      %and3A_633 = arith.andi %ge3A_628, %lt3A_632 : vector<16xi1>
      %swap3A_634 = arith.index_cast %add3A_622 : i32 to index
      %swap3A_635 = tpu.vector_load %arg8[%swap3A_634] masked %and3A_633 {strides = array<i32>} : memref<13312xi32, #tpu.memory_space<vmem>>, vector<16xi32>, vector<16xi1>
      tpu.vector_store %arg8[%swap3A_634], %get3A_626 masked %and3A_633 {strides = array<i32>} : memref<13312xi32, #tpu.memory_space<vmem>>, vector<16xi32>, vector<16xi1>
      %sub3A_636 = vector.broadcast %mul3A_0 : i32 to vector<16xi32>
      %sub3A_637 = arith.subi %get3A_624, %sub3A_636 : vector<16xi32>
      %swap3A_638 = arith.index_cast %add3A_622 : i32 to index
      %swap3A_639 = tpu.vector_load %arg9[%swap3A_638] masked %and3A_633 {strides = array<i32>} : memref<13312xi32, #tpu.memory_space<vmem>>, vector<16xi32>, vector<16xi1>
      tpu.vector_store %arg9[%swap3A_638], %sub3A_637 masked %and3A_633 {strides = array<i32>} : memref<13312xi32, #tpu.memory_space<vmem>>, vector<16xi32>, vector<16xi1>
      %all_reduce_population_count3A_640 = tpu.all_reduce %and3A_633 {dim = 0 : i64, kind = #tpu.reduction_kind<sum>} : vector<16xi1> -> vector<16xi32>
      %slice3A_641 = vector.extract_strided_slice %all_reduce_population_count3A_640 {offsets = [0], sizes = [1], strides = [1]} : vector<16xi32> to vector<1xi32>
      %squeeze3A_642 = vector.extract %slice3A_641[0] : i32 from vector<1xi32>
      %add3A_643 = arith.addi %add3A_622, %squeeze3A_642 : i32
      %get3A_644 = arith.constant 384 : index
      %get3A_645 = tpu.vector_load %arg6[%get3A_644] {strides = array<i32>} : memref<1024xi32, #tpu.memory_space<vmem>>, vector<16xi32>,
      %get3A_646 = arith.constant 384 : index
      %get3A_647 = tpu.vector_load %arg7[%get3A_646] {strides = array<i32>} : memref<1024xi32, #tpu.memory_space<vmem>>, vector<16xi32>,
      %ge3A_648 = vector.broadcast %mul3A_0 : i32 to vector<16xi32>
      %ge3A_649 = arith.cmpi sge, %get3A_645, %ge3A_648 : vector<16xi32>
      %add3A_650 = arith.constant 632 : i32
      %add3A_651 = arith.addi %mul3A_0, %add3A_650 : i32
      %lt3A_652 = vector.broadcast %add3A_651 : i32 to vector<16xi32>
      %lt3A_653 = arith.cmpi slt, %get3A_645, %lt3A_652 : vector<16xi32>
      %and3A_654 = arith.andi %ge3A_649, %lt3A_653 : vector<16xi1>
      %swap3A_655 = arith.index_cast %add3A_643 : i32 to index
      %swap3A_656 = tpu.vector_load %arg8[%swap3A_655] masked %and3A_654 {strides = array<i32>} : memref<13312xi32, #tpu.memory_space<vmem>>, vector<16xi32>, vector<16xi1>
      tpu.vector_store %arg8[%swap3A_655], %get3A_647 masked %and3A_654 {strides = array<i32>} : memref<13312xi32, #tpu.memory_space<vmem>>, vector<16xi32>, vector<16xi1>
      %sub3A_657 = vector.broadcast %mul3A_0 : i32 to vector<16xi32>
      %sub3A_658 = arith.subi %get3A_645, %sub3A_657 : vector<16xi32>
      %swap3A_659 = arith.index_cast %add3A_643 : i32 to index
      %swap3A_660 = tpu.vector_load %arg9[%swap3A_659] masked %and3A_654 {strides = array<i32>} : memref<13312xi32, #tpu.memory_space<vmem>>, vector<16xi32>, vector<16xi1>
      tpu.vector_store %arg9[%swap3A_659], %sub3A_658 masked %and3A_654 {strides = array<i32>} : memref<13312xi32, #tpu.memory_space<vmem>>, vector<16xi32>, vector<16xi1>
      %all_reduce_population_count3A_661 = tpu.all_reduce %and3A_654 {dim = 0 : i64, kind = #tpu.reduction_kind<sum>} : vector<16xi1> -> vector<16xi32>
      %slice3A_662 = vector.extract_strided_slice %all_reduce_population_count3A_661 {offsets = [0], sizes = [1], strides = [1]} : vector<16xi32> to vector<1xi32>
      %squeeze3A_663 = vector.extract %slice3A_662[0] : i32 from vector<1xi32>
      %add3A_664 = arith.addi %add3A_643, %squeeze3A_663 : i32
      %get3A_665 = arith.constant 400 : index
      %get3A_666 = tpu.vector_load %arg6[%get3A_665] {strides = array<i32>} : memref<1024xi32, #tpu.memory_space<vmem>>, vector<16xi32>,
      %get3A_667 = arith.constant 400 : index
      %get3A_668 = tpu.vector_load %arg7[%get3A_667] {strides = array<i32>} : memref<1024xi32, #tpu.memory_space<vmem>>, vector<16xi32>,
      %ge3A_669 = vector.broadcast %mul3A_0 : i32 to vector<16xi32>
      %ge3A_670 = arith.cmpi sge, %get3A_666, %ge3A_669 : vector<16xi32>
      %add3A_671 = arith.constant 632 : i32
      %add3A_672 = arith.addi %mul3A_0, %add3A_671 : i32
      %lt3A_673 = vector.broadcast %add3A_672 : i32 to vector<16xi32>
      %lt3A_674 = arith.cmpi slt, %get3A_666, %lt3A_673 : vector<16xi32>
      %and3A_675 = arith.andi %ge3A_670, %lt3A_674 : vector<16xi1>
      %swap3A_676 = arith.index_cast %add3A_664 : i32 to index
      %swap3A_677 = tpu.vector_load %arg8[%swap3A_676] masked %and3A_675 {strides = array<i32>} : memref<13312xi32, #tpu.memory_space<vmem>>, vector<16xi32>, vector<16xi1>
      tpu.vector_store %arg8[%swap3A_676], %get3A_668 masked %and3A_675 {strides = array<i32>} : memref<13312xi32, #tpu.memory_space<vmem>>, vector<16xi32>, vector<16xi1>
      %sub3A_678 = vector.broadcast %mul3A_0 : i32 to vector<16xi32>
      %sub3A_679 = arith.subi %get3A_666, %sub3A_678 : vector<16xi32>
      %swap3A_680 = arith.index_cast %add3A_664 : i32 to index
      %swap3A_681 = tpu.vector_load %arg9[%swap3A_680] masked %and3A_675 {strides = array<i32>} : memref<13312xi32, #tpu.memory_space<vmem>>, vector<16xi32>, vector<16xi1>
      tpu.vector_store %arg9[%swap3A_680], %sub3A_679 masked %and3A_675 {strides = array<i32>} : memref<13312xi32, #tpu.memory_space<vmem>>, vector<16xi32>, vector<16xi1>
      %all_reduce_population_count3A_682 = tpu.all_reduce %and3A_675 {dim = 0 : i64, kind = #tpu.reduction_kind<sum>} : vector<16xi1> -> vector<16xi32>
      %slice3A_683 = vector.extract_strided_slice %all_reduce_population_count3A_682 {offsets = [0], sizes = [1], strides = [1]} : vector<16xi32> to vector<1xi32>
      %squeeze3A_684 = vector.extract %slice3A_683[0] : i32 from vector<1xi32>
      %add3A_685 = arith.addi %add3A_664, %squeeze3A_684 : i32
      %get3A_686 = arith.constant 416 : index
      %get3A_687 = tpu.vector_load %arg6[%get3A_686] {strides = array<i32>} : memref<1024xi32, #tpu.memory_space<vmem>>, vector<16xi32>,
      %get3A_688 = arith.constant 416 : index
      %get3A_689 = tpu.vector_load %arg7[%get3A_688] {strides = array<i32>} : memref<1024xi32, #tpu.memory_space<vmem>>, vector<16xi32>,
      %ge3A_690 = vector.broadcast %mul3A_0 : i32 to vector<16xi32>
      %ge3A_691 = arith.cmpi sge, %get3A_687, %ge3A_690 : vector<16xi32>
      %add3A_692 = arith.constant 632 : i32
      %add3A_693 = arith.addi %mul3A_0, %add3A_692 : i32
      %lt3A_694 = vector.broadcast %add3A_693 : i32 to vector<16xi32>
      %lt3A_695 = arith.cmpi slt, %get3A_687, %lt3A_694 : vector<16xi32>
      %and3A_696 = arith.andi %ge3A_691, %lt3A_695 : vector<16xi1>
      %swap3A_697 = arith.index_cast %add3A_685 : i32 to index
      %swap3A_698 = tpu.vector_load %arg8[%swap3A_697] masked %and3A_696 {strides = array<i32>} : memref<13312xi32, #tpu.memory_space<vmem>>, vector<16xi32>, vector<16xi1>
      tpu.vector_store %arg8[%swap3A_697], %get3A_689 masked %and3A_696 {strides = array<i32>} : memref<13312xi32, #tpu.memory_space<vmem>>, vector<16xi32>, vector<16xi1>
      %sub3A_699 = vector.broadcast %mul3A_0 : i32 to vector<16xi32>
      %sub3A_700 = arith.subi %get3A_687, %sub3A_699 : vector<16xi32>
      %swap3A_701 = arith.index_cast %add3A_685 : i32 to index
      %swap3A_702 = tpu.vector_load %arg9[%swap3A_701] masked %and3A_696 {strides = array<i32>} : memref<13312xi32, #tpu.memory_space<vmem>>, vector<16xi32>, vector<16xi1>
      tpu.vector_store %arg9[%swap3A_701], %sub3A_700 masked %and3A_696 {strides = array<i32>} : memref<13312xi32, #tpu.memory_space<vmem>>, vector<16xi32>, vector<16xi1>
      %all_reduce_population_count3A_703 = tpu.all_reduce %and3A_696 {dim = 0 : i64, kind = #tpu.reduction_kind<sum>} : vector<16xi1> -> vector<16xi32>
      %slice3A_704 = vector.extract_strided_slice %all_reduce_population_count3A_703 {offsets = [0], sizes = [1], strides = [1]} : vector<16xi32> to vector<1xi32>
      %squeeze3A_705 = vector.extract %slice3A_704[0] : i32 from vector<1xi32>
      %add3A_706 = arith.addi %add3A_685, %squeeze3A_705 : i32
      %get3A_707 = arith.constant 432 : index
      %get3A_708 = tpu.vector_load %arg6[%get3A_707] {strides = array<i32>} : memref<1024xi32, #tpu.memory_space<vmem>>, vector<16xi32>,
      %get3A_709 = arith.constant 432 : index
      %get3A_710 = tpu.vector_load %arg7[%get3A_709] {strides = array<i32>} : memref<1024xi32, #tpu.memory_space<vmem>>, vector<16xi32>,
      %ge3A_711 = vector.broadcast %mul3A_0 : i32 to vector<16xi32>
      %ge3A_712 = arith.cmpi sge, %get3A_708, %ge3A_711 : vector<16xi32>
      %add3A_713 = arith.constant 632 : i32
      %add3A_714 = arith.addi %mul3A_0, %add3A_713 : i32
      %lt3A_715 = vector.broadcast %add3A_714 : i32 to vector<16xi32>
      %lt3A_716 = arith.cmpi slt, %get3A_708, %lt3A_715 : vector<16xi32>
      %and3A_717 = arith.andi %ge3A_712, %lt3A_716 : vector<16xi1>
      %swap3A_718 = arith.index_cast %add3A_706 : i32 to index
      %swap3A_719 = tpu.vector_load %arg8[%swap3A_718] masked %and3A_717 {strides = array<i32>} : memref<13312xi32, #tpu.memory_space<vmem>>, vector<16xi32>, vector<16xi1>
      tpu.vector_store %arg8[%swap3A_718], %get3A_710 masked %and3A_717 {strides = array<i32>} : memref<13312xi32, #tpu.memory_space<vmem>>, vector<16xi32>, vector<16xi1>
      %sub3A_720 = vector.broadcast %mul3A_0 : i32 to vector<16xi32>
      %sub3A_721 = arith.subi %get3A_708, %sub3A_720 : vector<16xi32>
      %swap3A_722 = arith.index_cast %add3A_706 : i32 to index
      %swap3A_723 = tpu.vector_load %arg9[%swap3A_722] masked %and3A_717 {strides = array<i32>} : memref<13312xi32, #tpu.memory_space<vmem>>, vector<16xi32>, vector<16xi1>
      tpu.vector_store %arg9[%swap3A_722], %sub3A_721 masked %and3A_717 {strides = array<i32>} : memref<13312xi32, #tpu.memory_space<vmem>>, vector<16xi32>, vector<16xi1>
      %all_reduce_population_count3A_724 = tpu.all_reduce %and3A_717 {dim = 0 : i64, kind = #tpu.reduction_kind<sum>} : vector<16xi1> -> vector<16xi32>
      %slice3A_725 = vector.extract_strided_slice %all_reduce_population_count3A_724 {offsets = [0], sizes = [1], strides = [1]} : vector<16xi32> to vector<1xi32>
      %squeeze3A_726 = vector.extract %slice3A_725[0] : i32 from vector<1xi32>
      %add3A_727 = arith.addi %add3A_706, %squeeze3A_726 : i32
      %get3A_728 = arith.constant 448 : index
      %get3A_729 = tpu.vector_load %arg6[%get3A_728] {strides = array<i32>} : memref<1024xi32, #tpu.memory_space<vmem>>, vector<16xi32>,
      %get3A_730 = arith.constant 448 : index
      %get3A_731 = tpu.vector_load %arg7[%get3A_730] {strides = array<i32>} : memref<1024xi32, #tpu.memory_space<vmem>>, vector<16xi32>,
      %ge3A_732 = vector.broadcast %mul3A_0 : i32 to vector<16xi32>
      %ge3A_733 = arith.cmpi sge, %get3A_729, %ge3A_732 : vector<16xi32>
      %add3A_734 = arith.constant 632 : i32
      %add3A_735 = arith.addi %mul3A_0, %add3A_734 : i32
      %lt3A_736 = vector.broadcast %add3A_735 : i32 to vector<16xi32>
      %lt3A_737 = arith.cmpi slt, %get3A_729, %lt3A_736 : vector<16xi32>
      %and3A_738 = arith.andi %ge3A_733, %lt3A_737 : vector<16xi1>
      %swap3A_739 = arith.index_cast %add3A_727 : i32 to index
      %swap3A_740 = tpu.vector_load %arg8[%swap3A_739] masked %and3A_738 {strides = array<i32>} : memref<13312xi32, #tpu.memory_space<vmem>>, vector<16xi32>, vector<16xi1>
      tpu.vector_store %arg8[%swap3A_739], %get3A_731 masked %and3A_738 {strides = array<i32>} : memref<13312xi32, #tpu.memory_space<vmem>>, vector<16xi32>, vector<16xi1>
      %sub3A_741 = vector.broadcast %mul3A_0 : i32 to vector<16xi32>
      %sub3A_742 = arith.subi %get3A_729, %sub3A_741 : vector<16xi32>
      %swap3A_743 = arith.index_cast %add3A_727 : i32 to index
      %swap3A_744 = tpu.vector_load %arg9[%swap3A_743] masked %and3A_738 {strides = array<i32>} : memref<13312xi32, #tpu.memory_space<vmem>>, vector<16xi32>, vector<16xi1>
      tpu.vector_store %arg9[%swap3A_743], %sub3A_742 masked %and3A_738 {strides = array<i32>} : memref<13312xi32, #tpu.memory_space<vmem>>, vector<16xi32>, vector<16xi1>
      %all_reduce_population_count3A_745 = tpu.all_reduce %and3A_738 {dim = 0 : i64, kind = #tpu.reduction_kind<sum>} : vector<16xi1> -> vector<16xi32>
      %slice3A_746 = vector.extract_strided_slice %all_reduce_population_count3A_745 {offsets = [0], sizes = [1], strides = [1]} : vector<16xi32> to vector<1xi32>
      %squeeze3A_747 = vector.extract %slice3A_746[0] : i32 from vector<1xi32>
      %add3A_748 = arith.addi %add3A_727, %squeeze3A_747 : i32
      %get3A_749 = arith.constant 464 : index
      %get3A_750 = tpu.vector_load %arg6[%get3A_749] {strides = array<i32>} : memref<1024xi32, #tpu.memory_space<vmem>>, vector<16xi32>,
      %get3A_751 = arith.constant 464 : index
      %get3A_752 = tpu.vector_load %arg7[%get3A_751] {strides = array<i32>} : memref<1024xi32, #tpu.memory_space<vmem>>, vector<16xi32>,
      %ge3A_753 = vector.broadcast %mul3A_0 : i32 to vector<16xi32>
      %ge3A_754 = arith.cmpi sge, %get3A_750, %ge3A_753 : vector<16xi32>
      %add3A_755 = arith.constant 632 : i32
      %add3A_756 = arith.addi %mul3A_0, %add3A_755 : i32
      %lt3A_757 = vector.broadcast %add3A_756 : i32 to vector<16xi32>
      %lt3A_758 = arith.cmpi slt, %get3A_750, %lt3A_757 : vector<16xi32>
      %and3A_759 = arith.andi %ge3A_754, %lt3A_758 : vector<16xi1>
      %swap3A_760 = arith.index_cast %add3A_748 : i32 to index
      %swap3A_761 = tpu.vector_load %arg8[%swap3A_760] masked %and3A_759 {strides = array<i32>} : memref<13312xi32, #tpu.memory_space<vmem>>, vector<16xi32>, vector<16xi1>
      tpu.vector_store %arg8[%swap3A_760], %get3A_752 masked %and3A_759 {strides = array<i32>} : memref<13312xi32, #tpu.memory_space<vmem>>, vector<16xi32>, vector<16xi1>
      %sub3A_762 = vector.broadcast %mul3A_0 : i32 to vector<16xi32>
      %sub3A_763 = arith.subi %get3A_750, %sub3A_762 : vector<16xi32>
      %swap3A_764 = arith.index_cast %add3A_748 : i32 to index
      %swap3A_765 = tpu.vector_load %arg9[%swap3A_764] masked %and3A_759 {strides = array<i32>} : memref<13312xi32, #tpu.memory_space<vmem>>, vector<16xi32>, vector<16xi1>
      tpu.vector_store %arg9[%swap3A_764], %sub3A_763 masked %and3A_759 {strides = array<i32>} : memref<13312xi32, #tpu.memory_space<vmem>>, vector<16xi32>, vector<16xi1>
      %all_reduce_population_count3A_766 = tpu.all_reduce %and3A_759 {dim = 0 : i64, kind = #tpu.reduction_kind<sum>} : vector<16xi1> -> vector<16xi32>
      %slice3A_767 = vector.extract_strided_slice %all_reduce_population_count3A_766 {offsets = [0], sizes = [1], strides = [1]} : vector<16xi32> to vector<1xi32>
      %squeeze3A_768 = vector.extract %slice3A_767[0] : i32 from vector<1xi32>
      %add3A_769 = arith.addi %add3A_748, %squeeze3A_768 : i32
      %get3A_770 = arith.constant 480 : index
      %get3A_771 = tpu.vector_load %arg6[%get3A_770] {strides = array<i32>} : memref<1024xi32, #tpu.memory_space<vmem>>, vector<16xi32>,
      %get3A_772 = arith.constant 480 : index
      %get3A_773 = tpu.vector_load %arg7[%get3A_772] {strides = array<i32>} : memref<1024xi32, #tpu.memory_space<vmem>>, vector<16xi32>,
      %ge3A_774 = vector.broadcast %mul3A_0 : i32 to vector<16xi32>
      %ge3A_775 = arith.cmpi sge, %get3A_771, %ge3A_774 : vector<16xi32>
      %add3A_776 = arith.constant 632 : i32
      %add3A_777 = arith.addi %mul3A_0, %add3A_776 : i32
      %lt3A_778 = vector.broadcast %add3A_777 : i32 to vector<16xi32>
      %lt3A_779 = arith.cmpi slt, %get3A_771, %lt3A_778 : vector<16xi32>
      %and3A_780 = arith.andi %ge3A_775, %lt3A_779 : vector<16xi1>
      %swap3A_781 = arith.index_cast %add3A_769 : i32 to index
      %swap3A_782 = tpu.vector_load %arg8[%swap3A_781] masked %and3A_780 {strides = array<i32>} : memref<13312xi32, #tpu.memory_space<vmem>>, vector<16xi32>, vector<16xi1>
      tpu.vector_store %arg8[%swap3A_781], %get3A_773 masked %and3A_780 {strides = array<i32>} : memref<13312xi32, #tpu.memory_space<vmem>>, vector<16xi32>, vector<16xi1>
      %sub3A_783 = vector.broadcast %mul3A_0 : i32 to vector<16xi32>
      %sub3A_784 = arith.subi %get3A_771, %sub3A_783 : vector<16xi32>
      %swap3A_785 = arith.index_cast %add3A_769 : i32 to index
      %swap3A_786 = tpu.vector_load %arg9[%swap3A_785] masked %and3A_780 {strides = array<i32>} : memref<13312xi32, #tpu.memory_space<vmem>>, vector<16xi32>, vector<16xi1>
      tpu.vector_store %arg9[%swap3A_785], %sub3A_784 masked %and3A_780 {strides = array<i32>} : memref<13312xi32, #tpu.memory_space<vmem>>, vector<16xi32>, vector<16xi1>
      %all_reduce_population_count3A_787 = tpu.all_reduce %and3A_780 {dim = 0 : i64, kind = #tpu.reduction_kind<sum>} : vector<16xi1> -> vector<16xi32>
      %slice3A_788 = vector.extract_strided_slice %all_reduce_population_count3A_787 {offsets = [0], sizes = [1], strides = [1]} : vector<16xi32> to vector<1xi32>
      %squeeze3A_789 = vector.extract %slice3A_788[0] : i32 from vector<1xi32>
      %add3A_790 = arith.addi %add3A_769, %squeeze3A_789 : i32
      %get3A_791 = arith.constant 496 : index
      %get3A_792 = tpu.vector_load %arg6[%get3A_791] {strides = array<i32>} : memref<1024xi32, #tpu.memory_space<vmem>>, vector<16xi32>,
      %get3A_793 = arith.constant 496 : index
      %get3A_794 = tpu.vector_load %arg7[%get3A_793] {strides = array<i32>} : memref<1024xi32, #tpu.memory_space<vmem>>, vector<16xi32>,
      %ge3A_795 = vector.broadcast %mul3A_0 : i32 to vector<16xi32>
      %ge3A_796 = arith.cmpi sge, %get3A_792, %ge3A_795 : vector<16xi32>
      %add3A_797 = arith.constant 632 : i32
      %add3A_798 = arith.addi %mul3A_0, %add3A_797 : i32
      %lt3A_799 = vector.broadcast %add3A_798 : i32 to vector<16xi32>
      %lt3A_800 = arith.cmpi slt, %get3A_792, %lt3A_799 : vector<16xi32>
      %and3A_801 = arith.andi %ge3A_796, %lt3A_800 : vector<16xi1>
      %swap3A_802 = arith.index_cast %add3A_790 : i32 to index
      %swap3A_803 = tpu.vector_load %arg8[%swap3A_802] masked %and3A_801 {strides = array<i32>} : memref<13312xi32, #tpu.memory_space<vmem>>, vector<16xi32>, vector<16xi1>
      tpu.vector_store %arg8[%swap3A_802], %get3A_794 masked %and3A_801 {strides = array<i32>} : memref<13312xi32, #tpu.memory_space<vmem>>, vector<16xi32>, vector<16xi1>
      %sub3A_804 = vector.broadcast %mul3A_0 : i32 to vector<16xi32>
      %sub3A_805 = arith.subi %get3A_792, %sub3A_804 : vector<16xi32>
      %swap3A_806 = arith.index_cast %add3A_790 : i32 to index
      %swap3A_807 = tpu.vector_load %arg9[%swap3A_806] masked %and3A_801 {strides = array<i32>} : memref<13312xi32, #tpu.memory_space<vmem>>, vector<16xi32>, vector<16xi1>
      tpu.vector_store %arg9[%swap3A_806], %sub3A_805 masked %and3A_801 {strides = array<i32>} : memref<13312xi32, #tpu.memory_space<vmem>>, vector<16xi32>, vector<16xi1>
      %all_reduce_population_count3A_808 = tpu.all_reduce %and3A_801 {dim = 0 : i64, kind = #tpu.reduction_kind<sum>} : vector<16xi1> -> vector<16xi32>
      %slice3A_809 = vector.extract_strided_slice %all_reduce_population_count3A_808 {offsets = [0], sizes = [1], strides = [1]} : vector<16xi32> to vector<1xi32>
      %squeeze3A_810 = vector.extract %slice3A_809[0] : i32 from vector<1xi32>
      %add3A_811 = arith.addi %add3A_790, %squeeze3A_810 : i32
      %get3A_812 = arith.constant 512 : index
      %get3A_813 = tpu.vector_load %arg6[%get3A_812] {strides = array<i32>} : memref<1024xi32, #tpu.memory_space<vmem>>, vector<16xi32>,
      %get3A_814 = arith.constant 512 : index
      %get3A_815 = tpu.vector_load %arg7[%get3A_814] {strides = array<i32>} : memref<1024xi32, #tpu.memory_space<vmem>>, vector<16xi32>,
      %ge3A_816 = vector.broadcast %mul3A_0 : i32 to vector<16xi32>
      %ge3A_817 = arith.cmpi sge, %get3A_813, %ge3A_816 : vector<16xi32>
      %add3A_818 = arith.constant 632 : i32
      %add3A_819 = arith.addi %mul3A_0, %add3A_818 : i32
      %lt3A_820 = vector.broadcast %add3A_819 : i32 to vector<16xi32>
      %lt3A_821 = arith.cmpi slt, %get3A_813, %lt3A_820 : vector<16xi32>
      %and3A_822 = arith.andi %ge3A_817, %lt3A_821 : vector<16xi1>
      %swap3A_823 = arith.index_cast %add3A_811 : i32 to index
      %swap3A_824 = tpu.vector_load %arg8[%swap3A_823] masked %and3A_822 {strides = array<i32>} : memref<13312xi32, #tpu.memory_space<vmem>>, vector<16xi32>, vector<16xi1>
      tpu.vector_store %arg8[%swap3A_823], %get3A_815 masked %and3A_822 {strides = array<i32>} : memref<13312xi32, #tpu.memory_space<vmem>>, vector<16xi32>, vector<16xi1>
      %sub3A_825 = vector.broadcast %mul3A_0 : i32 to vector<16xi32>
      %sub3A_826 = arith.subi %get3A_813, %sub3A_825 : vector<16xi32>
      %swap3A_827 = arith.index_cast %add3A_811 : i32 to index
      %swap3A_828 = tpu.vector_load %arg9[%swap3A_827] masked %and3A_822 {strides = array<i32>} : memref<13312xi32, #tpu.memory_space<vmem>>, vector<16xi32>, vector<16xi1>
      tpu.vector_store %arg9[%swap3A_827], %sub3A_826 masked %and3A_822 {strides = array<i32>} : memref<13312xi32, #tpu.memory_space<vmem>>, vector<16xi32>, vector<16xi1>
      %all_reduce_population_count3A_829 = tpu.all_reduce %and3A_822 {dim = 0 : i64, kind = #tpu.reduction_kind<sum>} : vector<16xi1> -> vector<16xi32>
      %slice3A_830 = vector.extract_strided_slice %all_reduce_population_count3A_829 {offsets = [0], sizes = [1], strides = [1]} : vector<16xi32> to vector<1xi32>
      %squeeze3A_831 = vector.extract %slice3A_830[0] : i32 from vector<1xi32>
      %add3A_832 = arith.addi %add3A_811, %squeeze3A_831 : i32
      %get3A_833 = arith.constant 528 : index
      %get3A_834 = tpu.vector_load %arg6[%get3A_833] {strides = array<i32>} : memref<1024xi32, #tpu.memory_space<vmem>>, vector<16xi32>,
      %get3A_835 = arith.constant 528 : index
      %get3A_836 = tpu.vector_load %arg7[%get3A_835] {strides = array<i32>} : memref<1024xi32, #tpu.memory_space<vmem>>, vector<16xi32>,
      %ge3A_837 = vector.broadcast %mul3A_0 : i32 to vector<16xi32>
      %ge3A_838 = arith.cmpi sge, %get3A_834, %ge3A_837 : vector<16xi32>
      %add3A_839 = arith.constant 632 : i32
      %add3A_840 = arith.addi %mul3A_0, %add3A_839 : i32
      %lt3A_841 = vector.broadcast %add3A_840 : i32 to vector<16xi32>
      %lt3A_842 = arith.cmpi slt, %get3A_834, %lt3A_841 : vector<16xi32>
      %and3A_843 = arith.andi %ge3A_838, %lt3A_842 : vector<16xi1>
      %swap3A_844 = arith.index_cast %add3A_832 : i32 to index
      %swap3A_845 = tpu.vector_load %arg8[%swap3A_844] masked %and3A_843 {strides = array<i32>} : memref<13312xi32, #tpu.memory_space<vmem>>, vector<16xi32>, vector<16xi1>
      tpu.vector_store %arg8[%swap3A_844], %get3A_836 masked %and3A_843 {strides = array<i32>} : memref<13312xi32, #tpu.memory_space<vmem>>, vector<16xi32>, vector<16xi1>
      %sub3A_846 = vector.broadcast %mul3A_0 : i32 to vector<16xi32>
      %sub3A_847 = arith.subi %get3A_834, %sub3A_846 : vector<16xi32>
      %swap3A_848 = arith.index_cast %add3A_832 : i32 to index
      %swap3A_849 = tpu.vector_load %arg9[%swap3A_848] masked %and3A_843 {strides = array<i32>} : memref<13312xi32, #tpu.memory_space<vmem>>, vector<16xi32>, vector<16xi1>
      tpu.vector_store %arg9[%swap3A_848], %sub3A_847 masked %and3A_843 {strides = array<i32>} : memref<13312xi32, #tpu.memory_space<vmem>>, vector<16xi32>, vector<16xi1>
      %all_reduce_population_count3A_850 = tpu.all_reduce %and3A_843 {dim = 0 : i64, kind = #tpu.reduction_kind<sum>} : vector<16xi1> -> vector<16xi32>
      %slice3A_851 = vector.extract_strided_slice %all_reduce_population_count3A_850 {offsets = [0], sizes = [1], strides = [1]} : vector<16xi32> to vector<1xi32>
      %squeeze3A_852 = vector.extract %slice3A_851[0] : i32 from vector<1xi32>
      %add3A_853 = arith.addi %add3A_832, %squeeze3A_852 : i32
      %get3A_854 = arith.constant 544 : index
      %get3A_855 = tpu.vector_load %arg6[%get3A_854] {strides = array<i32>} : memref<1024xi32, #tpu.memory_space<vmem>>, vector<16xi32>,
      %get3A_856 = arith.constant 544 : index
      %get3A_857 = tpu.vector_load %arg7[%get3A_856] {strides = array<i32>} : memref<1024xi32, #tpu.memory_space<vmem>>, vector<16xi32>,
      %ge3A_858 = vector.broadcast %mul3A_0 : i32 to vector<16xi32>
      %ge3A_859 = arith.cmpi sge, %get3A_855, %ge3A_858 : vector<16xi32>
      %add3A_860 = arith.constant 632 : i32
      %add3A_861 = arith.addi %mul3A_0, %add3A_860 : i32
      %lt3A_862 = vector.broadcast %add3A_861 : i32 to vector<16xi32>
      %lt3A_863 = arith.cmpi slt, %get3A_855, %lt3A_862 : vector<16xi32>
      %and3A_864 = arith.andi %ge3A_859, %lt3A_863 : vector<16xi1>
      %swap3A_865 = arith.index_cast %add3A_853 : i32 to index
      %swap3A_866 = tpu.vector_load %arg8[%swap3A_865] masked %and3A_864 {strides = array<i32>} : memref<13312xi32, #tpu.memory_space<vmem>>, vector<16xi32>, vector<16xi1>
      tpu.vector_store %arg8[%swap3A_865], %get3A_857 masked %and3A_864 {strides = array<i32>} : memref<13312xi32, #tpu.memory_space<vmem>>, vector<16xi32>, vector<16xi1>
      %sub3A_867 = vector.broadcast %mul3A_0 : i32 to vector<16xi32>
      %sub3A_868 = arith.subi %get3A_855, %sub3A_867 : vector<16xi32>
      %swap3A_869 = arith.index_cast %add3A_853 : i32 to index
      %swap3A_870 = tpu.vector_load %arg9[%swap3A_869] masked %and3A_864 {strides = array<i32>} : memref<13312xi32, #tpu.memory_space<vmem>>, vector<16xi32>, vector<16xi1>
      tpu.vector_store %arg9[%swap3A_869], %sub3A_868 masked %and3A_864 {strides = array<i32>} : memref<13312xi32, #tpu.memory_space<vmem>>, vector<16xi32>, vector<16xi1>
      %all_reduce_population_count3A_871 = tpu.all_reduce %and3A_864 {dim = 0 : i64, kind = #tpu.reduction_kind<sum>} : vector<16xi1> -> vector<16xi32>
      %slice3A_872 = vector.extract_strided_slice %all_reduce_population_count3A_871 {offsets = [0], sizes = [1], strides = [1]} : vector<16xi32> to vector<1xi32>
      %squeeze3A_873 = vector.extract %slice3A_872[0] : i32 from vector<1xi32>
      %add3A_874 = arith.addi %add3A_853, %squeeze3A_873 : i32
      %get3A_875 = arith.constant 560 : index
      %get3A_876 = tpu.vector_load %arg6[%get3A_875] {strides = array<i32>} : memref<1024xi32, #tpu.memory_space<vmem>>, vector<16xi32>,
      %get3A_877 = arith.constant 560 : index
      %get3A_878 = tpu.vector_load %arg7[%get3A_877] {strides = array<i32>} : memref<1024xi32, #tpu.memory_space<vmem>>, vector<16xi32>,
      %ge3A_879 = vector.broadcast %mul3A_0 : i32 to vector<16xi32>
      %ge3A_880 = arith.cmpi sge, %get3A_876, %ge3A_879 : vector<16xi32>
      %add3A_881 = arith.constant 632 : i32
      %add3A_882 = arith.addi %mul3A_0, %add3A_881 : i32
      %lt3A_883 = vector.broadcast %add3A_882 : i32 to vector<16xi32>
      %lt3A_884 = arith.cmpi slt, %get3A_876, %lt3A_883 : vector<16xi32>
      %and3A_885 = arith.andi %ge3A_880, %lt3A_884 : vector<16xi1>
      %swap3A_886 = arith.index_cast %add3A_874 : i32 to index
      %swap3A_887 = tpu.vector_load %arg8[%swap3A_886] masked %and3A_885 {strides = array<i32>} : memref<13312xi32, #tpu.memory_space<vmem>>, vector<16xi32>, vector<16xi1>
      tpu.vector_store %arg8[%swap3A_886], %get3A_878 masked %and3A_885 {strides = array<i32>} : memref<13312xi32, #tpu.memory_space<vmem>>, vector<16xi32>, vector<16xi1>
      %sub3A_888 = vector.broadcast %mul3A_0 : i32 to vector<16xi32>
      %sub3A_889 = arith.subi %get3A_876, %sub3A_888 : vector<16xi32>
      %swap3A_890 = arith.index_cast %add3A_874 : i32 to index
      %swap3A_891 = tpu.vector_load %arg9[%swap3A_890] masked %and3A_885 {strides = array<i32>} : memref<13312xi32, #tpu.memory_space<vmem>>, vector<16xi32>, vector<16xi1>
      tpu.vector_store %arg9[%swap3A_890], %sub3A_889 masked %and3A_885 {strides = array<i32>} : memref<13312xi32, #tpu.memory_space<vmem>>, vector<16xi32>, vector<16xi1>
      %all_reduce_population_count3A_892 = tpu.all_reduce %and3A_885 {dim = 0 : i64, kind = #tpu.reduction_kind<sum>} : vector<16xi1> -> vector<16xi32>
      %slice3A_893 = vector.extract_strided_slice %all_reduce_population_count3A_892 {offsets = [0], sizes = [1], strides = [1]} : vector<16xi32> to vector<1xi32>
      %squeeze3A_894 = vector.extract %slice3A_893[0] : i32 from vector<1xi32>
      %add3A_895 = arith.addi %add3A_874, %squeeze3A_894 : i32
      %get3A_896 = arith.constant 576 : index
      %get3A_897 = tpu.vector_load %arg6[%get3A_896] {strides = array<i32>} : memref<1024xi32, #tpu.memory_space<vmem>>, vector<16xi32>,
      %get3A_898 = arith.constant 576 : index
      %get3A_899 = tpu.vector_load %arg7[%get3A_898] {strides = array<i32>} : memref<1024xi32, #tpu.memory_space<vmem>>, vector<16xi32>,
      %ge3A_900 = vector.broadcast %mul3A_0 : i32 to vector<16xi32>
      %ge3A_901 = arith.cmpi sge, %get3A_897, %ge3A_900 : vector<16xi32>
      %add3A_902 = arith.constant 632 : i32
      %add3A_903 = arith.addi %mul3A_0, %add3A_902 : i32
      %lt3A_904 = vector.broadcast %add3A_903 : i32 to vector<16xi32>
      %lt3A_905 = arith.cmpi slt, %get3A_897, %lt3A_904 : vector<16xi32>
      %and3A_906 = arith.andi %ge3A_901, %lt3A_905 : vector<16xi1>
      %swap3A_907 = arith.index_cast %add3A_895 : i32 to index
      %swap3A_908 = tpu.vector_load %arg8[%swap3A_907] masked %and3A_906 {strides = array<i32>} : memref<13312xi32, #tpu.memory_space<vmem>>, vector<16xi32>, vector<16xi1>
      tpu.vector_store %arg8[%swap3A_907], %get3A_899 masked %and3A_906 {strides = array<i32>} : memref<13312xi32, #tpu.memory_space<vmem>>, vector<16xi32>, vector<16xi1>
      %sub3A_909 = vector.broadcast %mul3A_0 : i32 to vector<16xi32>
      %sub3A_910 = arith.subi %get3A_897, %sub3A_909 : vector<16xi32>
      %swap3A_911 = arith.index_cast %add3A_895 : i32 to index
      %swap3A_912 = tpu.vector_load %arg9[%swap3A_911] masked %and3A_906 {strides = array<i32>} : memref<13312xi32, #tpu.memory_space<vmem>>, vector<16xi32>, vector<16xi1>
      tpu.vector_store %arg9[%swap3A_911], %sub3A_910 masked %and3A_906 {strides = array<i32>} : memref<13312xi32, #tpu.memory_space<vmem>>, vector<16xi32>, vector<16xi1>
      %all_reduce_population_count3A_913 = tpu.all_reduce %and3A_906 {dim = 0 : i64, kind = #tpu.reduction_kind<sum>} : vector<16xi1> -> vector<16xi32>
      %slice3A_914 = vector.extract_strided_slice %all_reduce_population_count3A_913 {offsets = [0], sizes = [1], strides = [1]} : vector<16xi32> to vector<1xi32>
      %squeeze3A_915 = vector.extract %slice3A_914[0] : i32 from vector<1xi32>
      %add3A_916 = arith.addi %add3A_895, %squeeze3A_915 : i32
      %get3A_917 = arith.constant 592 : index
      %get3A_918 = tpu.vector_load %arg6[%get3A_917] {strides = array<i32>} : memref<1024xi32, #tpu.memory_space<vmem>>, vector<16xi32>,
      %get3A_919 = arith.constant 592 : index
      %get3A_920 = tpu.vector_load %arg7[%get3A_919] {strides = array<i32>} : memref<1024xi32, #tpu.memory_space<vmem>>, vector<16xi32>,
      %ge3A_921 = vector.broadcast %mul3A_0 : i32 to vector<16xi32>
      %ge3A_922 = arith.cmpi sge, %get3A_918, %ge3A_921 : vector<16xi32>
      %add3A_923 = arith.constant 632 : i32
      %add3A_924 = arith.addi %mul3A_0, %add3A_923 : i32
      %lt3A_925 = vector.broadcast %add3A_924 : i32 to vector<16xi32>
      %lt3A_926 = arith.cmpi slt, %get3A_918, %lt3A_925 : vector<16xi32>
      %and3A_927 = arith.andi %ge3A_922, %lt3A_926 : vector<16xi1>
      %swap3A_928 = arith.index_cast %add3A_916 : i32 to index
      %swap3A_929 = tpu.vector_load %arg8[%swap3A_928] masked %and3A_927 {strides = array<i32>} : memref<13312xi32, #tpu.memory_space<vmem>>, vector<16xi32>, vector<16xi1>
      tpu.vector_store %arg8[%swap3A_928], %get3A_920 masked %and3A_927 {strides = array<i32>} : memref<13312xi32, #tpu.memory_space<vmem>>, vector<16xi32>, vector<16xi1>
      %sub3A_930 = vector.broadcast %mul3A_0 : i32 to vector<16xi32>
      %sub3A_931 = arith.subi %get3A_918, %sub3A_930 : vector<16xi32>
      %swap3A_932 = arith.index_cast %add3A_916 : i32 to index
      %swap3A_933 = tpu.vector_load %arg9[%swap3A_932] masked %and3A_927 {strides = array<i32>} : memref<13312xi32, #tpu.memory_space<vmem>>, vector<16xi32>, vector<16xi1>
      tpu.vector_store %arg9[%swap3A_932], %sub3A_931 masked %and3A_927 {strides = array<i32>} : memref<13312xi32, #tpu.memory_space<vmem>>, vector<16xi32>, vector<16xi1>
      %all_reduce_population_count3A_934 = tpu.all_reduce %and3A_927 {dim = 0 : i64, kind = #tpu.reduction_kind<sum>} : vector<16xi1> -> vector<16xi32>
      %slice3A_935 = vector.extract_strided_slice %all_reduce_population_count3A_934 {offsets = [0], sizes = [1], strides = [1]} : vector<16xi32> to vector<1xi32>
      %squeeze3A_936 = vector.extract %slice3A_935[0] : i32 from vector<1xi32>
      %add3A_937 = arith.addi %add3A_916, %squeeze3A_936 : i32
      %get3A_938 = arith.constant 608 : index
      %get3A_939 = tpu.vector_load %arg6[%get3A_938] {strides = array<i32>} : memref<1024xi32, #tpu.memory_space<vmem>>, vector<16xi32>,
      %get3A_940 = arith.constant 608 : index
      %get3A_941 = tpu.vector_load %arg7[%get3A_940] {strides = array<i32>} : memref<1024xi32, #tpu.memory_space<vmem>>, vector<16xi32>,
      %ge3A_942 = vector.broadcast %mul3A_0 : i32 to vector<16xi32>
      %ge3A_943 = arith.cmpi sge, %get3A_939, %ge3A_942 : vector<16xi32>
      %add3A_944 = arith.constant 632 : i32
      %add3A_945 = arith.addi %mul3A_0, %add3A_944 : i32
      %lt3A_946 = vector.broadcast %add3A_945 : i32 to vector<16xi32>
      %lt3A_947 = arith.cmpi slt, %get3A_939, %lt3A_946 : vector<16xi32>
      %and3A_948 = arith.andi %ge3A_943, %lt3A_947 : vector<16xi1>
      %swap3A_949 = arith.index_cast %add3A_937 : i32 to index
      %swap3A_950 = tpu.vector_load %arg8[%swap3A_949] masked %and3A_948 {strides = array<i32>} : memref<13312xi32, #tpu.memory_space<vmem>>, vector<16xi32>, vector<16xi1>
      tpu.vector_store %arg8[%swap3A_949], %get3A_941 masked %and3A_948 {strides = array<i32>} : memref<13312xi32, #tpu.memory_space<vmem>>, vector<16xi32>, vector<16xi1>
      %sub3A_951 = vector.broadcast %mul3A_0 : i32 to vector<16xi32>
      %sub3A_952 = arith.subi %get3A_939, %sub3A_951 : vector<16xi32>
      %swap3A_953 = arith.index_cast %add3A_937 : i32 to index
      %swap3A_954 = tpu.vector_load %arg9[%swap3A_953] masked %and3A_948 {strides = array<i32>} : memref<13312xi32, #tpu.memory_space<vmem>>, vector<16xi32>, vector<16xi1>
      tpu.vector_store %arg9[%swap3A_953], %sub3A_952 masked %and3A_948 {strides = array<i32>} : memref<13312xi32, #tpu.memory_space<vmem>>, vector<16xi32>, vector<16xi1>
      %all_reduce_population_count3A_955 = tpu.all_reduce %and3A_948 {dim = 0 : i64, kind = #tpu.reduction_kind<sum>} : vector<16xi1> -> vector<16xi32>
      %slice3A_956 = vector.extract_strided_slice %all_reduce_population_count3A_955 {offsets = [0], sizes = [1], strides = [1]} : vector<16xi32> to vector<1xi32>
      %squeeze3A_957 = vector.extract %slice3A_956[0] : i32 from vector<1xi32>
      %add3A_958 = arith.addi %add3A_937, %squeeze3A_957 : i32
      %get3A_959 = arith.constant 624 : index
      %get3A_960 = tpu.vector_load %arg6[%get3A_959] {strides = array<i32>} : memref<1024xi32, #tpu.memory_space<vmem>>, vector<16xi32>,
      %get3A_961 = arith.constant 624 : index
      %get3A_962 = tpu.vector_load %arg7[%get3A_961] {strides = array<i32>} : memref<1024xi32, #tpu.memory_space<vmem>>, vector<16xi32>,
      %ge3A_963 = vector.broadcast %mul3A_0 : i32 to vector<16xi32>
      %ge3A_964 = arith.cmpi sge, %get3A_960, %ge3A_963 : vector<16xi32>
      %add3A_965 = arith.constant 632 : i32
      %add3A_966 = arith.addi %mul3A_0, %add3A_965 : i32
      %lt3A_967 = vector.broadcast %add3A_966 : i32 to vector<16xi32>
      %lt3A_968 = arith.cmpi slt, %get3A_960, %lt3A_967 : vector<16xi32>
      %and3A_969 = arith.andi %ge3A_964, %lt3A_968 : vector<16xi1>
      %swap3A_970 = arith.index_cast %add3A_958 : i32 to index
      %swap3A_971 = tpu.vector_load %arg8[%swap3A_970] masked %and3A_969 {strides = array<i32>} : memref<13312xi32, #tpu.memory_space<vmem>>, vector<16xi32>, vector<16xi1>
      tpu.vector_store %arg8[%swap3A_970], %get3A_962 masked %and3A_969 {strides = array<i32>} : memref<13312xi32, #tpu.memory_space<vmem>>, vector<16xi32>, vector<16xi1>
      %sub3A_972 = vector.broadcast %mul3A_0 : i32 to vector<16xi32>
      %sub3A_973 = arith.subi %get3A_960, %sub3A_972 : vector<16xi32>
      %swap3A_974 = arith.index_cast %add3A_958 : i32 to index
      %swap3A_975 = tpu.vector_load %arg9[%swap3A_974] masked %and3A_969 {strides = array<i32>} : memref<13312xi32, #tpu.memory_space<vmem>>, vector<16xi32>, vector<16xi1>
      tpu.vector_store %arg9[%swap3A_974], %sub3A_973 masked %and3A_969 {strides = array<i32>} : memref<13312xi32, #tpu.memory_space<vmem>>, vector<16xi32>, vector<16xi1>
      %all_reduce_population_count3A_976 = tpu.all_reduce %and3A_969 {dim = 0 : i64, kind = #tpu.reduction_kind<sum>} : vector<16xi1> -> vector<16xi32>
      %slice3A_977 = vector.extract_strided_slice %all_reduce_population_count3A_976 {offsets = [0], sizes = [1], strides = [1]} : vector<16xi32> to vector<1xi32>
      %squeeze3A_978 = vector.extract %slice3A_977[0] : i32 from vector<1xi32>
      %add3A_979 = arith.addi %add3A_958, %squeeze3A_978 : i32
      %get3A_980 = arith.constant 640 : index
      %get3A_981 = tpu.vector_load %arg6[%get3A_980] {strides = array<i32>} : memref<1024xi32, #tpu.memory_space<vmem>>, vector<16xi32>,
      %get3A_982 = arith.constant 640 : index
      %get3A_983 = tpu.vector_load %arg7[%get3A_982] {strides = array<i32>} : memref<1024xi32, #tpu.memory_space<vmem>>, vector<16xi32>,
      %ge3A_984 = vector.broadcast %mul3A_0 : i32 to vector<16xi32>
      %ge3A_985 = arith.cmpi sge, %get3A_981, %ge3A_984 : vector<16xi32>
      %add3A_986 = arith.constant 632 : i32
      %add3A_987 = arith.addi %mul3A_0, %add3A_986 : i32
      %lt3A_988 = vector.broadcast %add3A_987 : i32 to vector<16xi32>
      %lt3A_989 = arith.cmpi slt, %get3A_981, %lt3A_988 : vector<16xi32>
      %and3A_990 = arith.andi %ge3A_985, %lt3A_989 : vector<16xi1>
      %swap3A_991 = arith.index_cast %add3A_979 : i32 to index
      %swap3A_992 = tpu.vector_load %arg8[%swap3A_991] masked %and3A_990 {strides = array<i32>} : memref<13312xi32, #tpu.memory_space<vmem>>, vector<16xi32>, vector<16xi1>
      tpu.vector_store %arg8[%swap3A_991], %get3A_983 masked %and3A_990 {strides = array<i32>} : memref<13312xi32, #tpu.memory_space<vmem>>, vector<16xi32>, vector<16xi1>
      %sub3A_993 = vector.broadcast %mul3A_0 : i32 to vector<16xi32>
      %sub3A_994 = arith.subi %get3A_981, %sub3A_993 : vector<16xi32>
      %swap3A_995 = arith.index_cast %add3A_979 : i32 to index
      %swap3A_996 = tpu.vector_load %arg9[%swap3A_995] masked %and3A_990 {strides = array<i32>} : memref<13312xi32, #tpu.memory_space<vmem>>, vector<16xi32>, vector<16xi1>
      tpu.vector_store %arg9[%swap3A_995], %sub3A_994 masked %and3A_990 {strides = array<i32>} : memref<13312xi32, #tpu.memory_space<vmem>>, vector<16xi32>, vector<16xi1>
      %all_reduce_population_count3A_997 = tpu.all_reduce %and3A_990 {dim = 0 : i64, kind = #tpu.reduction_kind<sum>} : vector<16xi1> -> vector<16xi32>
      %slice3A_998 = vector.extract_strided_slice %all_reduce_population_count3A_997 {offsets = [0], sizes = [1], strides = [1]} : vector<16xi32> to vector<1xi32>
      %squeeze3A_999 = vector.extract %slice3A_998[0] : i32 from vector<1xi32>
      %add3A_1000 = arith.addi %add3A_979, %squeeze3A_999 : i32
      %get3A_1001 = arith.constant 656 : index
      %get3A_1002 = tpu.vector_load %arg6[%get3A_1001] {strides = array<i32>} : memref<1024xi32, #tpu.memory_space<vmem>>, vector<16xi32>,
      %get3A_1003 = arith.constant 656 : index
      %get3A_1004 = tpu.vector_load %arg7[%get3A_1003] {strides = array<i32>} : memref<1024xi32, #tpu.memory_space<vmem>>, vector<16xi32>,
      %ge3A_1005 = vector.broadcast %mul3A_0 : i32 to vector<16xi32>
      %ge3A_1006 = arith.cmpi sge, %get3A_1002, %ge3A_1005 : vector<16xi32>
      %add3A_1007 = arith.constant 632 : i32
      %add3A_1008 = arith.addi %mul3A_0, %add3A_1007 : i32
      %lt3A_1009 = vector.broadcast %add3A_1008 : i32 to vector<16xi32>
      %lt3A_1010 = arith.cmpi slt, %get3A_1002, %lt3A_1009 : vector<16xi32>
      %and3A_1011 = arith.andi %ge3A_1006, %lt3A_1010 : vector<16xi1>
      %swap3A_1012 = arith.index_cast %add3A_1000 : i32 to index
      %swap3A_1013 = tpu.vector_load %arg8[%swap3A_1012] masked %and3A_1011 {strides = array<i32>} : memref<13312xi32, #tpu.memory_space<vmem>>, vector<16xi32>, vector<16xi1>
      tpu.vector_store %arg8[%swap3A_1012], %get3A_1004 masked %and3A_1011 {strides = array<i32>} : memref<13312xi32, #tpu.memory_space<vmem>>, vector<16xi32>, vector<16xi1>
      %sub3A_1014 = vector.broadcast %mul3A_0 : i32 to vector<16xi32>
      %sub3A_1015 = arith.subi %get3A_1002, %sub3A_1014 : vector<16xi32>
      %swap3A_1016 = arith.index_cast %add3A_1000 : i32 to index
      %swap3A_1017 = tpu.vector_load %arg9[%swap3A_1016] masked %and3A_1011 {strides = array<i32>} : memref<13312xi32, #tpu.memory_space<vmem>>, vector<16xi32>, vector<16xi1>
      tpu.vector_store %arg9[%swap3A_1016], %sub3A_1015 masked %and3A_1011 {strides = array<i32>} : memref<13312xi32, #tpu.memory_space<vmem>>, vector<16xi32>, vector<16xi1>
      %all_reduce_population_count3A_1018 = tpu.all_reduce %and3A_1011 {dim = 0 : i64, kind = #tpu.reduction_kind<sum>} : vector<16xi1> -> vector<16xi32>
      %slice3A_1019 = vector.extract_strided_slice %all_reduce_population_count3A_1018 {offsets = [0], sizes = [1], strides = [1]} : vector<16xi32> to vector<1xi32>
      %squeeze3A_1020 = vector.extract %slice3A_1019[0] : i32 from vector<1xi32>
      %add3A_1021 = arith.addi %add3A_1000, %squeeze3A_1020 : i32
      %get3A_1022 = arith.constant 672 : index
      %get3A_1023 = tpu.vector_load %arg6[%get3A_1022] {strides = array<i32>} : memref<1024xi32, #tpu.memory_space<vmem>>, vector<16xi32>,
      %get3A_1024 = arith.constant 672 : index
      %get3A_1025 = tpu.vector_load %arg7[%get3A_1024] {strides = array<i32>} : memref<1024xi32, #tpu.memory_space<vmem>>, vector<16xi32>,
      %ge3A_1026 = vector.broadcast %mul3A_0 : i32 to vector<16xi32>
      %ge3A_1027 = arith.cmpi sge, %get3A_1023, %ge3A_1026 : vector<16xi32>
      %add3A_1028 = arith.constant 632 : i32
      %add3A_1029 = arith.addi %mul3A_0, %add3A_1028 : i32
      %lt3A_1030 = vector.broadcast %add3A_1029 : i32 to vector<16xi32>
      %lt3A_1031 = arith.cmpi slt, %get3A_1023, %lt3A_1030 : vector<16xi32>
      %and3A_1032 = arith.andi %ge3A_1027, %lt3A_1031 : vector<16xi1>
      %swap3A_1033 = arith.index_cast %add3A_1021 : i32 to index
      %swap3A_1034 = tpu.vector_load %arg8[%swap3A_1033] masked %and3A_1032 {strides = array<i32>} : memref<13312xi32, #tpu.memory_space<vmem>>, vector<16xi32>, vector<16xi1>
      tpu.vector_store %arg8[%swap3A_1033], %get3A_1025 masked %and3A_1032 {strides = array<i32>} : memref<13312xi32, #tpu.memory_space<vmem>>, vector<16xi32>, vector<16xi1>
      %sub3A_1035 = vector.broadcast %mul3A_0 : i32 to vector<16xi32>
      %sub3A_1036 = arith.subi %get3A_1023, %sub3A_1035 : vector<16xi32>
      %swap3A_1037 = arith.index_cast %add3A_1021 : i32 to index
      %swap3A_1038 = tpu.vector_load %arg9[%swap3A_1037] masked %and3A_1032 {strides = array<i32>} : memref<13312xi32, #tpu.memory_space<vmem>>, vector<16xi32>, vector<16xi1>
      tpu.vector_store %arg9[%swap3A_1037], %sub3A_1036 masked %and3A_1032 {strides = array<i32>} : memref<13312xi32, #tpu.memory_space<vmem>>, vector<16xi32>, vector<16xi1>
      %all_reduce_population_count3A_1039 = tpu.all_reduce %and3A_1032 {dim = 0 : i64, kind = #tpu.reduction_kind<sum>} : vector<16xi1> -> vector<16xi32>
      %slice3A_1040 = vector.extract_strided_slice %all_reduce_population_count3A_1039 {offsets = [0], sizes = [1], strides = [1]} : vector<16xi32> to vector<1xi32>
      %squeeze3A_1041 = vector.extract %slice3A_1040[0] : i32 from vector<1xi32>
      %add3A_1042 = arith.addi %add3A_1021, %squeeze3A_1041 : i32
      %get3A_1043 = arith.constant 688 : index
      %get3A_1044 = tpu.vector_load %arg6[%get3A_1043] {strides = array<i32>} : memref<1024xi32, #tpu.memory_space<vmem>>, vector<16xi32>,
      %get3A_1045 = arith.constant 688 : index
      %get3A_1046 = tpu.vector_load %arg7[%get3A_1045] {strides = array<i32>} : memref<1024xi32, #tpu.memory_space<vmem>>, vector<16xi32>,
      %ge3A_1047 = vector.broadcast %mul3A_0 : i32 to vector<16xi32>
      %ge3A_1048 = arith.cmpi sge, %get3A_1044, %ge3A_1047 : vector<16xi32>
      %add3A_1049 = arith.constant 632 : i32
      %add3A_1050 = arith.addi %mul3A_0, %add3A_1049 : i32
      %lt3A_1051 = vector.broadcast %add3A_1050 : i32 to vector<16xi32>
      %lt3A_1052 = arith.cmpi slt, %get3A_1044, %lt3A_1051 : vector<16xi32>
      %and3A_1053 = arith.andi %ge3A_1048, %lt3A_1052 : vector<16xi1>
      %swap3A_1054 = arith.index_cast %add3A_1042 : i32 to index
      %swap3A_1055 = tpu.vector_load %arg8[%swap3A_1054] masked %and3A_1053 {strides = array<i32>} : memref<13312xi32, #tpu.memory_space<vmem>>, vector<16xi32>, vector<16xi1>
      tpu.vector_store %arg8[%swap3A_1054], %get3A_1046 masked %and3A_1053 {strides = array<i32>} : memref<13312xi32, #tpu.memory_space<vmem>>, vector<16xi32>, vector<16xi1>
      %sub3A_1056 = vector.broadcast %mul3A_0 : i32 to vector<16xi32>
      %sub3A_1057 = arith.subi %get3A_1044, %sub3A_1056 : vector<16xi32>
      %swap3A_1058 = arith.index_cast %add3A_1042 : i32 to index
      %swap3A_1059 = tpu.vector_load %arg9[%swap3A_1058] masked %and3A_1053 {strides = array<i32>} : memref<13312xi32, #tpu.memory_space<vmem>>, vector<16xi32>, vector<16xi1>
      tpu.vector_store %arg9[%swap3A_1058], %sub3A_1057 masked %and3A_1053 {strides = array<i32>} : memref<13312xi32, #tpu.memory_space<vmem>>, vector<16xi32>, vector<16xi1>
      %all_reduce_population_count3A_1060 = tpu.all_reduce %and3A_1053 {dim = 0 : i64, kind = #tpu.reduction_kind<sum>} : vector<16xi1> -> vector<16xi32>
      %slice3A_1061 = vector.extract_strided_slice %all_reduce_population_count3A_1060 {offsets = [0], sizes = [1], strides = [1]} : vector<16xi32> to vector<1xi32>
      %squeeze3A_1062 = vector.extract %slice3A_1061[0] : i32 from vector<1xi32>
      %add3A_1063 = arith.addi %add3A_1042, %squeeze3A_1062 : i32
      %get3A_1064 = arith.constant 704 : index
      %get3A_1065 = tpu.vector_load %arg6[%get3A_1064] {strides = array<i32>} : memref<1024xi32, #tpu.memory_space<vmem>>, vector<16xi32>,
      %get3A_1066 = arith.constant 704 : index
      %get3A_1067 = tpu.vector_load %arg7[%get3A_1066] {strides = array<i32>} : memref<1024xi32, #tpu.memory_space<vmem>>, vector<16xi32>,
      %ge3A_1068 = vector.broadcast %mul3A_0 : i32 to vector<16xi32>
      %ge3A_1069 = arith.cmpi sge, %get3A_1065, %ge3A_1068 : vector<16xi32>
      %add3A_1070 = arith.constant 632 : i32
      %add3A_1071 = arith.addi %mul3A_0, %add3A_1070 : i32
      %lt3A_1072 = vector.broadcast %add3A_1071 : i32 to vector<16xi32>
      %lt3A_1073 = arith.cmpi slt, %get3A_1065, %lt3A_1072 : vector<16xi32>
      %and3A_1074 = arith.andi %ge3A_1069, %lt3A_1073 : vector<16xi1>
      %swap3A_1075 = arith.index_cast %add3A_1063 : i32 to index
      %swap3A_1076 = tpu.vector_load %arg8[%swap3A_1075] masked %and3A_1074 {strides = array<i32>} : memref<13312xi32, #tpu.memory_space<vmem>>, vector<16xi32>, vector<16xi1>
      tpu.vector_store %arg8[%swap3A_1075], %get3A_1067 masked %and3A_1074 {strides = array<i32>} : memref<13312xi32, #tpu.memory_space<vmem>>, vector<16xi32>, vector<16xi1>
      %sub3A_1077 = vector.broadcast %mul3A_0 : i32 to vector<16xi32>
      %sub3A_1078 = arith.subi %get3A_1065, %sub3A_1077 : vector<16xi32>
      %swap3A_1079 = arith.index_cast %add3A_1063 : i32 to index
      %swap3A_1080 = tpu.vector_load %arg9[%swap3A_1079] masked %and3A_1074 {strides = array<i32>} : memref<13312xi32, #tpu.memory_space<vmem>>, vector<16xi32>, vector<16xi1>
      tpu.vector_store %arg9[%swap3A_1079], %sub3A_1078 masked %and3A_1074 {strides = array<i32>} : memref<13312xi32, #tpu.memory_space<vmem>>, vector<16xi32>, vector<16xi1>
      %all_reduce_population_count3A_1081 = tpu.all_reduce %and3A_1074 {dim = 0 : i64, kind = #tpu.reduction_kind<sum>} : vector<16xi1> -> vector<16xi32>
      %slice3A_1082 = vector.extract_strided_slice %all_reduce_population_count3A_1081 {offsets = [0], sizes = [1], strides = [1]} : vector<16xi32> to vector<1xi32>
      %squeeze3A_1083 = vector.extract %slice3A_1082[0] : i32 from vector<1xi32>
      %add3A_1084 = arith.addi %add3A_1063, %squeeze3A_1083 : i32
      %get3A_1085 = arith.constant 720 : index
      %get3A_1086 = tpu.vector_load %arg6[%get3A_1085] {strides = array<i32>} : memref<1024xi32, #tpu.memory_space<vmem>>, vector<16xi32>,
      %get3A_1087 = arith.constant 720 : index
      %get3A_1088 = tpu.vector_load %arg7[%get3A_1087] {strides = array<i32>} : memref<1024xi32, #tpu.memory_space<vmem>>, vector<16xi32>,
      %ge3A_1089 = vector.broadcast %mul3A_0 : i32 to vector<16xi32>
      %ge3A_1090 = arith.cmpi sge, %get3A_1086, %ge3A_1089 : vector<16xi32>
      %add3A_1091 = arith.constant 632 : i32
      %add3A_1092 = arith.addi %mul3A_0, %add3A_1091 : i32
      %lt3A_1093 = vector.broadcast %add3A_1092 : i32 to vector<16xi32>
      %lt3A_1094 = arith.cmpi slt, %get3A_1086, %lt3A_1093 : vector<16xi32>
      %and3A_1095 = arith.andi %ge3A_1090, %lt3A_1094 : vector<16xi1>
      %swap3A_1096 = arith.index_cast %add3A_1084 : i32 to index
      %swap3A_1097 = tpu.vector_load %arg8[%swap3A_1096] masked %and3A_1095 {strides = array<i32>} : memref<13312xi32, #tpu.memory_space<vmem>>, vector<16xi32>, vector<16xi1>
      tpu.vector_store %arg8[%swap3A_1096], %get3A_1088 masked %and3A_1095 {strides = array<i32>} : memref<13312xi32, #tpu.memory_space<vmem>>, vector<16xi32>, vector<16xi1>
      %sub3A_1098 = vector.broadcast %mul3A_0 : i32 to vector<16xi32>
      %sub3A_1099 = arith.subi %get3A_1086, %sub3A_1098 : vector<16xi32>
      %swap3A_1100 = arith.index_cast %add3A_1084 : i32 to index
      %swap3A_1101 = tpu.vector_load %arg9[%swap3A_1100] masked %and3A_1095 {strides = array<i32>} : memref<13312xi32, #tpu.memory_space<vmem>>, vector<16xi32>, vector<16xi1>
      tpu.vector_store %arg9[%swap3A_1100], %sub3A_1099 masked %and3A_1095 {strides = array<i32>} : memref<13312xi32, #tpu.memory_space<vmem>>, vector<16xi32>, vector<16xi1>
      %all_reduce_population_count3A_1102 = tpu.all_reduce %and3A_1095 {dim = 0 : i64, kind = #tpu.reduction_kind<sum>} : vector<16xi1> -> vector<16xi32>
      %slice3A_1103 = vector.extract_strided_slice %all_reduce_population_count3A_1102 {offsets = [0], sizes = [1], strides = [1]} : vector<16xi32> to vector<1xi32>
      %squeeze3A_1104 = vector.extract %slice3A_1103[0] : i32 from vector<1xi32>
      %add3A_1105 = arith.addi %add3A_1084, %squeeze3A_1104 : i32
      %get3A_1106 = arith.constant 736 : index
      %get3A_1107 = tpu.vector_load %arg6[%get3A_1106] {strides = array<i32>} : memref<1024xi32, #tpu.memory_space<vmem>>, vector<16xi32>,
      %get3A_1108 = arith.constant 736 : index
      %get3A_1109 = tpu.vector_load %arg7[%get3A_1108] {strides = array<i32>} : memref<1024xi32, #tpu.memory_space<vmem>>, vector<16xi32>,
      %ge3A_1110 = vector.broadcast %mul3A_0 : i32 to vector<16xi32>
      %ge3A_1111 = arith.cmpi sge, %get3A_1107, %ge3A_1110 : vector<16xi32>
      %add3A_1112 = arith.constant 632 : i32
      %add3A_1113 = arith.addi %mul3A_0, %add3A_1112 : i32
      %lt3A_1114 = vector.broadcast %add3A_1113 : i32 to vector<16xi32>
      %lt3A_1115 = arith.cmpi slt, %get3A_1107, %lt3A_1114 : vector<16xi32>
      %and3A_1116 = arith.andi %ge3A_1111, %lt3A_1115 : vector<16xi1>
      %swap3A_1117 = arith.index_cast %add3A_1105 : i32 to index
      %swap3A_1118 = tpu.vector_load %arg8[%swap3A_1117] masked %and3A_1116 {strides = array<i32>} : memref<13312xi32, #tpu.memory_space<vmem>>, vector<16xi32>, vector<16xi1>
      tpu.vector_store %arg8[%swap3A_1117], %get3A_1109 masked %and3A_1116 {strides = array<i32>} : memref<13312xi32, #tpu.memory_space<vmem>>, vector<16xi32>, vector<16xi1>
      %sub3A_1119 = vector.broadcast %mul3A_0 : i32 to vector<16xi32>
      %sub3A_1120 = arith.subi %get3A_1107, %sub3A_1119 : vector<16xi32>
      %swap3A_1121 = arith.index_cast %add3A_1105 : i32 to index
      %swap3A_1122 = tpu.vector_load %arg9[%swap3A_1121] masked %and3A_1116 {strides = array<i32>} : memref<13312xi32, #tpu.memory_space<vmem>>, vector<16xi32>, vector<16xi1>
      tpu.vector_store %arg9[%swap3A_1121], %sub3A_1120 masked %and3A_1116 {strides = array<i32>} : memref<13312xi32, #tpu.memory_space<vmem>>, vector<16xi32>, vector<16xi1>
      %all_reduce_population_count3A_1123 = tpu.all_reduce %and3A_1116 {dim = 0 : i64, kind = #tpu.reduction_kind<sum>} : vector<16xi1> -> vector<16xi32>
      %slice3A_1124 = vector.extract_strided_slice %all_reduce_population_count3A_1123 {offsets = [0], sizes = [1], strides = [1]} : vector<16xi32> to vector<1xi32>
      %squeeze3A_1125 = vector.extract %slice3A_1124[0] : i32 from vector<1xi32>
      %add3A_1126 = arith.addi %add3A_1105, %squeeze3A_1125 : i32
      %get3A_1127 = arith.constant 752 : index
      %get3A_1128 = tpu.vector_load %arg6[%get3A_1127] {strides = array<i32>} : memref<1024xi32, #tpu.memory_space<vmem>>, vector<16xi32>,
      %get3A_1129 = arith.constant 752 : index
      %get3A_1130 = tpu.vector_load %arg7[%get3A_1129] {strides = array<i32>} : memref<1024xi32, #tpu.memory_space<vmem>>, vector<16xi32>,
      %ge3A_1131 = vector.broadcast %mul3A_0 : i32 to vector<16xi32>
      %ge3A_1132 = arith.cmpi sge, %get3A_1128, %ge3A_1131 : vector<16xi32>
      %add3A_1133 = arith.constant 632 : i32
      %add3A_1134 = arith.addi %mul3A_0, %add3A_1133 : i32
      %lt3A_1135 = vector.broadcast %add3A_1134 : i32 to vector<16xi32>
      %lt3A_1136 = arith.cmpi slt, %get3A_1128, %lt3A_1135 : vector<16xi32>
      %and3A_1137 = arith.andi %ge3A_1132, %lt3A_1136 : vector<16xi1>
      %swap3A_1138 = arith.index_cast %add3A_1126 : i32 to index
      %swap3A_1139 = tpu.vector_load %arg8[%swap3A_1138] masked %and3A_1137 {strides = array<i32>} : memref<13312xi32, #tpu.memory_space<vmem>>, vector<16xi32>, vector<16xi1>
      tpu.vector_store %arg8[%swap3A_1138], %get3A_1130 masked %and3A_1137 {strides = array<i32>} : memref<13312xi32, #tpu.memory_space<vmem>>, vector<16xi32>, vector<16xi1>
      %sub3A_1140 = vector.broadcast %mul3A_0 : i32 to vector<16xi32>
      %sub3A_1141 = arith.subi %get3A_1128, %sub3A_1140 : vector<16xi32>
      %swap3A_1142 = arith.index_cast %add3A_1126 : i32 to index
      %swap3A_1143 = tpu.vector_load %arg9[%swap3A_1142] masked %and3A_1137 {strides = array<i32>} : memref<13312xi32, #tpu.memory_space<vmem>>, vector<16xi32>, vector<16xi1>
      tpu.vector_store %arg9[%swap3A_1142], %sub3A_1141 masked %and3A_1137 {strides = array<i32>} : memref<13312xi32, #tpu.memory_space<vmem>>, vector<16xi32>, vector<16xi1>
      %all_reduce_population_count3A_1144 = tpu.all_reduce %and3A_1137 {dim = 0 : i64, kind = #tpu.reduction_kind<sum>} : vector<16xi1> -> vector<16xi32>
      %slice3A_1145 = vector.extract_strided_slice %all_reduce_population_count3A_1144 {offsets = [0], sizes = [1], strides = [1]} : vector<16xi32> to vector<1xi32>
      %squeeze3A_1146 = vector.extract %slice3A_1145[0] : i32 from vector<1xi32>
      %add3A_1147 = arith.addi %add3A_1126, %squeeze3A_1146 : i32
      %get3A_1148 = arith.constant 768 : index
      %get3A_1149 = tpu.vector_load %arg6[%get3A_1148] {strides = array<i32>} : memref<1024xi32, #tpu.memory_space<vmem>>, vector<16xi32>,
      %get3A_1150 = arith.constant 768 : index
      %get3A_1151 = tpu.vector_load %arg7[%get3A_1150] {strides = array<i32>} : memref<1024xi32, #tpu.memory_space<vmem>>, vector<16xi32>,
      %ge3A_1152 = vector.broadcast %mul3A_0 : i32 to vector<16xi32>
      %ge3A_1153 = arith.cmpi sge, %get3A_1149, %ge3A_1152 : vector<16xi32>
      %add3A_1154 = arith.constant 632 : i32
      %add3A_1155 = arith.addi %mul3A_0, %add3A_1154 : i32
      %lt3A_1156 = vector.broadcast %add3A_1155 : i32 to vector<16xi32>
      %lt3A_1157 = arith.cmpi slt, %get3A_1149, %lt3A_1156 : vector<16xi32>
      %and3A_1158 = arith.andi %ge3A_1153, %lt3A_1157 : vector<16xi1>
      %swap3A_1159 = arith.index_cast %add3A_1147 : i32 to index
      %swap3A_1160 = tpu.vector_load %arg8[%swap3A_1159] masked %and3A_1158 {strides = array<i32>} : memref<13312xi32, #tpu.memory_space<vmem>>, vector<16xi32>, vector<16xi1>
      tpu.vector_store %arg8[%swap3A_1159], %get3A_1151 masked %and3A_1158 {strides = array<i32>} : memref<13312xi32, #tpu.memory_space<vmem>>, vector<16xi32>, vector<16xi1>
      %sub3A_1161 = vector.broadcast %mul3A_0 : i32 to vector<16xi32>
      %sub3A_1162 = arith.subi %get3A_1149, %sub3A_1161 : vector<16xi32>
      %swap3A_1163 = arith.index_cast %add3A_1147 : i32 to index
      %swap3A_1164 = tpu.vector_load %arg9[%swap3A_1163] masked %and3A_1158 {strides = array<i32>} : memref<13312xi32, #tpu.memory_space<vmem>>, vector<16xi32>, vector<16xi1>
      tpu.vector_store %arg9[%swap3A_1163], %sub3A_1162 masked %and3A_1158 {strides = array<i32>} : memref<13312xi32, #tpu.memory_space<vmem>>, vector<16xi32>, vector<16xi1>
      %all_reduce_population_count3A_1165 = tpu.all_reduce %and3A_1158 {dim = 0 : i64, kind = #tpu.reduction_kind<sum>} : vector<16xi1> -> vector<16xi32>
      %slice3A_1166 = vector.extract_strided_slice %all_reduce_population_count3A_1165 {offsets = [0], sizes = [1], strides = [1]} : vector<16xi32> to vector<1xi32>
      %squeeze3A_1167 = vector.extract %slice3A_1166[0] : i32 from vector<1xi32>
      %add3A_1168 = arith.addi %add3A_1147, %squeeze3A_1167 : i32
      %get3A_1169 = arith.constant 784 : index
      %get3A_1170 = tpu.vector_load %arg6[%get3A_1169] {strides = array<i32>} : memref<1024xi32, #tpu.memory_space<vmem>>, vector<16xi32>,
      %get3A_1171 = arith.constant 784 : index
      %get3A_1172 = tpu.vector_load %arg7[%get3A_1171] {strides = array<i32>} : memref<1024xi32, #tpu.memory_space<vmem>>, vector<16xi32>,
      %ge3A_1173 = vector.broadcast %mul3A_0 : i32 to vector<16xi32>
      %ge3A_1174 = arith.cmpi sge, %get3A_1170, %ge3A_1173 : vector<16xi32>
      %add3A_1175 = arith.constant 632 : i32
      %add3A_1176 = arith.addi %mul3A_0, %add3A_1175 : i32
      %lt3A_1177 = vector.broadcast %add3A_1176 : i32 to vector<16xi32>
      %lt3A_1178 = arith.cmpi slt, %get3A_1170, %lt3A_1177 : vector<16xi32>
      %and3A_1179 = arith.andi %ge3A_1174, %lt3A_1178 : vector<16xi1>
      %swap3A_1180 = arith.index_cast %add3A_1168 : i32 to index
      %swap3A_1181 = tpu.vector_load %arg8[%swap3A_1180] masked %and3A_1179 {strides = array<i32>} : memref<13312xi32, #tpu.memory_space<vmem>>, vector<16xi32>, vector<16xi1>
      tpu.vector_store %arg8[%swap3A_1180], %get3A_1172 masked %and3A_1179 {strides = array<i32>} : memref<13312xi32, #tpu.memory_space<vmem>>, vector<16xi32>, vector<16xi1>
      %sub3A_1182 = vector.broadcast %mul3A_0 : i32 to vector<16xi32>
      %sub3A_1183 = arith.subi %get3A_1170, %sub3A_1182 : vector<16xi32>
      %swap3A_1184 = arith.index_cast %add3A_1168 : i32 to index
      %swap3A_1185 = tpu.vector_load %arg9[%swap3A_1184] masked %and3A_1179 {strides = array<i32>} : memref<13312xi32, #tpu.memory_space<vmem>>, vector<16xi32>, vector<16xi1>
      tpu.vector_store %arg9[%swap3A_1184], %sub3A_1183 masked %and3A_1179 {strides = array<i32>} : memref<13312xi32, #tpu.memory_space<vmem>>, vector<16xi32>, vector<16xi1>
      %all_reduce_population_count3A_1186 = tpu.all_reduce %and3A_1179 {dim = 0 : i64, kind = #tpu.reduction_kind<sum>} : vector<16xi1> -> vector<16xi32>
      %slice3A_1187 = vector.extract_strided_slice %all_reduce_population_count3A_1186 {offsets = [0], sizes = [1], strides = [1]} : vector<16xi32> to vector<1xi32>
      %squeeze3A_1188 = vector.extract %slice3A_1187[0] : i32 from vector<1xi32>
      %add3A_1189 = arith.addi %add3A_1168, %squeeze3A_1188 : i32
      %get3A_1190 = arith.constant 800 : index
      %get3A_1191 = tpu.vector_load %arg6[%get3A_1190] {strides = array<i32>} : memref<1024xi32, #tpu.memory_space<vmem>>, vector<16xi32>,
      %get3A_1192 = arith.constant 800 : index
      %get3A_1193 = tpu.vector_load %arg7[%get3A_1192] {strides = array<i32>} : memref<1024xi32, #tpu.memory_space<vmem>>, vector<16xi32>,
      %ge3A_1194 = vector.broadcast %mul3A_0 : i32 to vector<16xi32>
      %ge3A_1195 = arith.cmpi sge, %get3A_1191, %ge3A_1194 : vector<16xi32>
      %add3A_1196 = arith.constant 632 : i32
      %add3A_1197 = arith.addi %mul3A_0, %add3A_1196 : i32
      %lt3A_1198 = vector.broadcast %add3A_1197 : i32 to vector<16xi32>
      %lt3A_1199 = arith.cmpi slt, %get3A_1191, %lt3A_1198 : vector<16xi32>
      %and3A_1200 = arith.andi %ge3A_1195, %lt3A_1199 : vector<16xi1>
      %swap3A_1201 = arith.index_cast %add3A_1189 : i32 to index
      %swap3A_1202 = tpu.vector_load %arg8[%swap3A_1201] masked %and3A_1200 {strides = array<i32>} : memref<13312xi32, #tpu.memory_space<vmem>>, vector<16xi32>, vector<16xi1>
      tpu.vector_store %arg8[%swap3A_1201], %get3A_1193 masked %and3A_1200 {strides = array<i32>} : memref<13312xi32, #tpu.memory_space<vmem>>, vector<16xi32>, vector<16xi1>
      %sub3A_1203 = vector.broadcast %mul3A_0 : i32 to vector<16xi32>
      %sub3A_1204 = arith.subi %get3A_1191, %sub3A_1203 : vector<16xi32>
      %swap3A_1205 = arith.index_cast %add3A_1189 : i32 to index
      %swap3A_1206 = tpu.vector_load %arg9[%swap3A_1205] masked %and3A_1200 {strides = array<i32>} : memref<13312xi32, #tpu.memory_space<vmem>>, vector<16xi32>, vector<16xi1>
      tpu.vector_store %arg9[%swap3A_1205], %sub3A_1204 masked %and3A_1200 {strides = array<i32>} : memref<13312xi32, #tpu.memory_space<vmem>>, vector<16xi32>, vector<16xi1>
      %all_reduce_population_count3A_1207 = tpu.all_reduce %and3A_1200 {dim = 0 : i64, kind = #tpu.reduction_kind<sum>} : vector<16xi1> -> vector<16xi32>
      %slice3A_1208 = vector.extract_strided_slice %all_reduce_population_count3A_1207 {offsets = [0], sizes = [1], strides = [1]} : vector<16xi32> to vector<1xi32>
      %squeeze3A_1209 = vector.extract %slice3A_1208[0] : i32 from vector<1xi32>
      %add3A_1210 = arith.addi %add3A_1189, %squeeze3A_1209 : i32
      %get3A_1211 = arith.constant 816 : index
      %get3A_1212 = tpu.vector_load %arg6[%get3A_1211] {strides = array<i32>} : memref<1024xi32, #tpu.memory_space<vmem>>, vector<16xi32>,
      %get3A_1213 = arith.constant 816 : index
      %get3A_1214 = tpu.vector_load %arg7[%get3A_1213] {strides = array<i32>} : memref<1024xi32, #tpu.memory_space<vmem>>, vector<16xi32>,
      %ge3A_1215 = vector.broadcast %mul3A_0 : i32 to vector<16xi32>
      %ge3A_1216 = arith.cmpi sge, %get3A_1212, %ge3A_1215 : vector<16xi32>
      %add3A_1217 = arith.constant 632 : i32
      %add3A_1218 = arith.addi %mul3A_0, %add3A_1217 : i32
      %lt3A_1219 = vector.broadcast %add3A_1218 : i32 to vector<16xi32>
      %lt3A_1220 = arith.cmpi slt, %get3A_1212, %lt3A_1219 : vector<16xi32>
      %and3A_1221 = arith.andi %ge3A_1216, %lt3A_1220 : vector<16xi1>
      %swap3A_1222 = arith.index_cast %add3A_1210 : i32 to index
      %swap3A_1223 = tpu.vector_load %arg8[%swap3A_1222] masked %and3A_1221 {strides = array<i32>} : memref<13312xi32, #tpu.memory_space<vmem>>, vector<16xi32>, vector<16xi1>
      tpu.vector_store %arg8[%swap3A_1222], %get3A_1214 masked %and3A_1221 {strides = array<i32>} : memref<13312xi32, #tpu.memory_space<vmem>>, vector<16xi32>, vector<16xi1>
      %sub3A_1224 = vector.broadcast %mul3A_0 : i32 to vector<16xi32>
      %sub3A_1225 = arith.subi %get3A_1212, %sub3A_1224 : vector<16xi32>
      %swap3A_1226 = arith.index_cast %add3A_1210 : i32 to index
      %swap3A_1227 = tpu.vector_load %arg9[%swap3A_1226] masked %and3A_1221 {strides = array<i32>} : memref<13312xi32, #tpu.memory_space<vmem>>, vector<16xi32>, vector<16xi1>
      tpu.vector_store %arg9[%swap3A_1226], %sub3A_1225 masked %and3A_1221 {strides = array<i32>} : memref<13312xi32, #tpu.memory_space<vmem>>, vector<16xi32>, vector<16xi1>
      %all_reduce_population_count3A_1228 = tpu.all_reduce %and3A_1221 {dim = 0 : i64, kind = #tpu.reduction_kind<sum>} : vector<16xi1> -> vector<16xi32>
      %slice3A_1229 = vector.extract_strided_slice %all_reduce_population_count3A_1228 {offsets = [0], sizes = [1], strides = [1]} : vector<16xi32> to vector<1xi32>
      %squeeze3A_1230 = vector.extract %slice3A_1229[0] : i32 from vector<1xi32>
      %add3A_1231 = arith.addi %add3A_1210, %squeeze3A_1230 : i32
      %get3A_1232 = arith.constant 832 : index
      %get3A_1233 = tpu.vector_load %arg6[%get3A_1232] {strides = array<i32>} : memref<1024xi32, #tpu.memory_space<vmem>>, vector<16xi32>,
      %get3A_1234 = arith.constant 832 : index
      %get3A_1235 = tpu.vector_load %arg7[%get3A_1234] {strides = array<i32>} : memref<1024xi32, #tpu.memory_space<vmem>>, vector<16xi32>,
      %ge3A_1236 = vector.broadcast %mul3A_0 : i32 to vector<16xi32>
      %ge3A_1237 = arith.cmpi sge, %get3A_1233, %ge3A_1236 : vector<16xi32>
      %add3A_1238 = arith.constant 632 : i32
      %add3A_1239 = arith.addi %mul3A_0, %add3A_1238 : i32
      %lt3A_1240 = vector.broadcast %add3A_1239 : i32 to vector<16xi32>
      %lt3A_1241 = arith.cmpi slt, %get3A_1233, %lt3A_1240 : vector<16xi32>
      %and3A_1242 = arith.andi %ge3A_1237, %lt3A_1241 : vector<16xi1>
      %swap3A_1243 = arith.index_cast %add3A_1231 : i32 to index
      %swap3A_1244 = tpu.vector_load %arg8[%swap3A_1243] masked %and3A_1242 {strides = array<i32>} : memref<13312xi32, #tpu.memory_space<vmem>>, vector<16xi32>, vector<16xi1>
      tpu.vector_store %arg8[%swap3A_1243], %get3A_1235 masked %and3A_1242 {strides = array<i32>} : memref<13312xi32, #tpu.memory_space<vmem>>, vector<16xi32>, vector<16xi1>
      %sub3A_1245 = vector.broadcast %mul3A_0 : i32 to vector<16xi32>
      %sub3A_1246 = arith.subi %get3A_1233, %sub3A_1245 : vector<16xi32>
      %swap3A_1247 = arith.index_cast %add3A_1231 : i32 to index
      %swap3A_1248 = tpu.vector_load %arg9[%swap3A_1247] masked %and3A_1242 {strides = array<i32>} : memref<13312xi32, #tpu.memory_space<vmem>>, vector<16xi32>, vector<16xi1>
      tpu.vector_store %arg9[%swap3A_1247], %sub3A_1246 masked %and3A_1242 {strides = array<i32>} : memref<13312xi32, #tpu.memory_space<vmem>>, vector<16xi32>, vector<16xi1>
      %all_reduce_population_count3A_1249 = tpu.all_reduce %and3A_1242 {dim = 0 : i64, kind = #tpu.reduction_kind<sum>} : vector<16xi1> -> vector<16xi32>
      %slice3A_1250 = vector.extract_strided_slice %all_reduce_population_count3A_1249 {offsets = [0], sizes = [1], strides = [1]} : vector<16xi32> to vector<1xi32>
      %squeeze3A_1251 = vector.extract %slice3A_1250[0] : i32 from vector<1xi32>
      %add3A_1252 = arith.addi %add3A_1231, %squeeze3A_1251 : i32
      %get3A_1253 = arith.constant 848 : index
      %get3A_1254 = tpu.vector_load %arg6[%get3A_1253] {strides = array<i32>} : memref<1024xi32, #tpu.memory_space<vmem>>, vector<16xi32>,
      %get3A_1255 = arith.constant 848 : index
      %get3A_1256 = tpu.vector_load %arg7[%get3A_1255] {strides = array<i32>} : memref<1024xi32, #tpu.memory_space<vmem>>, vector<16xi32>,
      %ge3A_1257 = vector.broadcast %mul3A_0 : i32 to vector<16xi32>
      %ge3A_1258 = arith.cmpi sge, %get3A_1254, %ge3A_1257 : vector<16xi32>
      %add3A_1259 = arith.constant 632 : i32
      %add3A_1260 = arith.addi %mul3A_0, %add3A_1259 : i32
      %lt3A_1261 = vector.broadcast %add3A_1260 : i32 to vector<16xi32>
      %lt3A_1262 = arith.cmpi slt, %get3A_1254, %lt3A_1261 : vector<16xi32>
      %and3A_1263 = arith.andi %ge3A_1258, %lt3A_1262 : vector<16xi1>
      %swap3A_1264 = arith.index_cast %add3A_1252 : i32 to index
      %swap3A_1265 = tpu.vector_load %arg8[%swap3A_1264] masked %and3A_1263 {strides = array<i32>} : memref<13312xi32, #tpu.memory_space<vmem>>, vector<16xi32>, vector<16xi1>
      tpu.vector_store %arg8[%swap3A_1264], %get3A_1256 masked %and3A_1263 {strides = array<i32>} : memref<13312xi32, #tpu.memory_space<vmem>>, vector<16xi32>, vector<16xi1>
      %sub3A_1266 = vector.broadcast %mul3A_0 : i32 to vector<16xi32>
      %sub3A_1267 = arith.subi %get3A_1254, %sub3A_1266 : vector<16xi32>
      %swap3A_1268 = arith.index_cast %add3A_1252 : i32 to index
      %swap3A_1269 = tpu.vector_load %arg9[%swap3A_1268] masked %and3A_1263 {strides = array<i32>} : memref<13312xi32, #tpu.memory_space<vmem>>, vector<16xi32>, vector<16xi1>
      tpu.vector_store %arg9[%swap3A_1268], %sub3A_1267 masked %and3A_1263 {strides = array<i32>} : memref<13312xi32, #tpu.memory_space<vmem>>, vector<16xi32>, vector<16xi1>
      %all_reduce_population_count3A_1270 = tpu.all_reduce %and3A_1263 {dim = 0 : i64, kind = #tpu.reduction_kind<sum>} : vector<16xi1> -> vector<16xi32>
      %slice3A_1271 = vector.extract_strided_slice %all_reduce_population_count3A_1270 {offsets = [0], sizes = [1], strides = [1]} : vector<16xi32> to vector<1xi32>
      %squeeze3A_1272 = vector.extract %slice3A_1271[0] : i32 from vector<1xi32>
      %add3A_1273 = arith.addi %add3A_1252, %squeeze3A_1272 : i32
      %get3A_1274 = arith.constant 864 : index
      %get3A_1275 = tpu.vector_load %arg6[%get3A_1274] {strides = array<i32>} : memref<1024xi32, #tpu.memory_space<vmem>>, vector<16xi32>,
      %get3A_1276 = arith.constant 864 : index
      %get3A_1277 = tpu.vector_load %arg7[%get3A_1276] {strides = array<i32>} : memref<1024xi32, #tpu.memory_space<vmem>>, vector<16xi32>,
      %ge3A_1278 = vector.broadcast %mul3A_0 : i32 to vector<16xi32>
      %ge3A_1279 = arith.cmpi sge, %get3A_1275, %ge3A_1278 : vector<16xi32>
      %add3A_1280 = arith.constant 632 : i32
      %add3A_1281 = arith.addi %mul3A_0, %add3A_1280 : i32
      %lt3A_1282 = vector.broadcast %add3A_1281 : i32 to vector<16xi32>
      %lt3A_1283 = arith.cmpi slt, %get3A_1275, %lt3A_1282 : vector<16xi32>
      %and3A_1284 = arith.andi %ge3A_1279, %lt3A_1283 : vector<16xi1>
      %swap3A_1285 = arith.index_cast %add3A_1273 : i32 to index
      %swap3A_1286 = tpu.vector_load %arg8[%swap3A_1285] masked %and3A_1284 {strides = array<i32>} : memref<13312xi32, #tpu.memory_space<vmem>>, vector<16xi32>, vector<16xi1>
      tpu.vector_store %arg8[%swap3A_1285], %get3A_1277 masked %and3A_1284 {strides = array<i32>} : memref<13312xi32, #tpu.memory_space<vmem>>, vector<16xi32>, vector<16xi1>
      %sub3A_1287 = vector.broadcast %mul3A_0 : i32 to vector<16xi32>
      %sub3A_1288 = arith.subi %get3A_1275, %sub3A_1287 : vector<16xi32>
      %swap3A_1289 = arith.index_cast %add3A_1273 : i32 to index
      %swap3A_1290 = tpu.vector_load %arg9[%swap3A_1289] masked %and3A_1284 {strides = array<i32>} : memref<13312xi32, #tpu.memory_space<vmem>>, vector<16xi32>, vector<16xi1>
      tpu.vector_store %arg9[%swap3A_1289], %sub3A_1288 masked %and3A_1284 {strides = array<i32>} : memref<13312xi32, #tpu.memory_space<vmem>>, vector<16xi32>, vector<16xi1>
      %all_reduce_population_count3A_1291 = tpu.all_reduce %and3A_1284 {dim = 0 : i64, kind = #tpu.reduction_kind<sum>} : vector<16xi1> -> vector<16xi32>
      %slice3A_1292 = vector.extract_strided_slice %all_reduce_population_count3A_1291 {offsets = [0], sizes = [1], strides = [1]} : vector<16xi32> to vector<1xi32>
      %squeeze3A_1293 = vector.extract %slice3A_1292[0] : i32 from vector<1xi32>
      %add3A_1294 = arith.addi %add3A_1273, %squeeze3A_1293 : i32
      %get3A_1295 = arith.constant 880 : index
      %get3A_1296 = tpu.vector_load %arg6[%get3A_1295] {strides = array<i32>} : memref<1024xi32, #tpu.memory_space<vmem>>, vector<16xi32>,
      %get3A_1297 = arith.constant 880 : index
      %get3A_1298 = tpu.vector_load %arg7[%get3A_1297] {strides = array<i32>} : memref<1024xi32, #tpu.memory_space<vmem>>, vector<16xi32>,
      %ge3A_1299 = vector.broadcast %mul3A_0 : i32 to vector<16xi32>
      %ge3A_1300 = arith.cmpi sge, %get3A_1296, %ge3A_1299 : vector<16xi32>
      %add3A_1301 = arith.constant 632 : i32
      %add3A_1302 = arith.addi %mul3A_0, %add3A_1301 : i32
      %lt3A_1303 = vector.broadcast %add3A_1302 : i32 to vector<16xi32>
      %lt3A_1304 = arith.cmpi slt, %get3A_1296, %lt3A_1303 : vector<16xi32>
      %and3A_1305 = arith.andi %ge3A_1300, %lt3A_1304 : vector<16xi1>
      %swap3A_1306 = arith.index_cast %add3A_1294 : i32 to index
      %swap3A_1307 = tpu.vector_load %arg8[%swap3A_1306] masked %and3A_1305 {strides = array<i32>} : memref<13312xi32, #tpu.memory_space<vmem>>, vector<16xi32>, vector<16xi1>
      tpu.vector_store %arg8[%swap3A_1306], %get3A_1298 masked %and3A_1305 {strides = array<i32>} : memref<13312xi32, #tpu.memory_space<vmem>>, vector<16xi32>, vector<16xi1>
      %sub3A_1308 = vector.broadcast %mul3A_0 : i32 to vector<16xi32>
      %sub3A_1309 = arith.subi %get3A_1296, %sub3A_1308 : vector<16xi32>
      %swap3A_1310 = arith.index_cast %add3A_1294 : i32 to index
      %swap3A_1311 = tpu.vector_load %arg9[%swap3A_1310] masked %and3A_1305 {strides = array<i32>} : memref<13312xi32, #tpu.memory_space<vmem>>, vector<16xi32>, vector<16xi1>
      tpu.vector_store %arg9[%swap3A_1310], %sub3A_1309 masked %and3A_1305 {strides = array<i32>} : memref<13312xi32, #tpu.memory_space<vmem>>, vector<16xi32>, vector<16xi1>
      %all_reduce_population_count3A_1312 = tpu.all_reduce %and3A_1305 {dim = 0 : i64, kind = #tpu.reduction_kind<sum>} : vector<16xi1> -> vector<16xi32>
      %slice3A_1313 = vector.extract_strided_slice %all_reduce_population_count3A_1312 {offsets = [0], sizes = [1], strides = [1]} : vector<16xi32> to vector<1xi32>
      %squeeze3A_1314 = vector.extract %slice3A_1313[0] : i32 from vector<1xi32>
      %add3A_1315 = arith.addi %add3A_1294, %squeeze3A_1314 : i32
      %get3A_1316 = arith.constant 896 : index
      %get3A_1317 = tpu.vector_load %arg6[%get3A_1316] {strides = array<i32>} : memref<1024xi32, #tpu.memory_space<vmem>>, vector<16xi32>,
      %get3A_1318 = arith.constant 896 : index
      %get3A_1319 = tpu.vector_load %arg7[%get3A_1318] {strides = array<i32>} : memref<1024xi32, #tpu.memory_space<vmem>>, vector<16xi32>,
      %ge3A_1320 = vector.broadcast %mul3A_0 : i32 to vector<16xi32>
      %ge3A_1321 = arith.cmpi sge, %get3A_1317, %ge3A_1320 : vector<16xi32>
      %add3A_1322 = arith.constant 632 : i32
      %add3A_1323 = arith.addi %mul3A_0, %add3A_1322 : i32
      %lt3A_1324 = vector.broadcast %add3A_1323 : i32 to vector<16xi32>
      %lt3A_1325 = arith.cmpi slt, %get3A_1317, %lt3A_1324 : vector<16xi32>
      %and3A_1326 = arith.andi %ge3A_1321, %lt3A_1325 : vector<16xi1>
      %swap3A_1327 = arith.index_cast %add3A_1315 : i32 to index
      %swap3A_1328 = tpu.vector_load %arg8[%swap3A_1327] masked %and3A_1326 {strides = array<i32>} : memref<13312xi32, #tpu.memory_space<vmem>>, vector<16xi32>, vector<16xi1>
      tpu.vector_store %arg8[%swap3A_1327], %get3A_1319 masked %and3A_1326 {strides = array<i32>} : memref<13312xi32, #tpu.memory_space<vmem>>, vector<16xi32>, vector<16xi1>
      %sub3A_1329 = vector.broadcast %mul3A_0 : i32 to vector<16xi32>
      %sub3A_1330 = arith.subi %get3A_1317, %sub3A_1329 : vector<16xi32>
      %swap3A_1331 = arith.index_cast %add3A_1315 : i32 to index
      %swap3A_1332 = tpu.vector_load %arg9[%swap3A_1331] masked %and3A_1326 {strides = array<i32>} : memref<13312xi32, #tpu.memory_space<vmem>>, vector<16xi32>, vector<16xi1>
      tpu.vector_store %arg9[%swap3A_1331], %sub3A_1330 masked %and3A_1326 {strides = array<i32>} : memref<13312xi32, #tpu.memory_space<vmem>>, vector<16xi32>, vector<16xi1>
      %all_reduce_population_count3A_1333 = tpu.all_reduce %and3A_1326 {dim = 0 : i64, kind = #tpu.reduction_kind<sum>} : vector<16xi1> -> vector<16xi32>
      %slice3A_1334 = vector.extract_strided_slice %all_reduce_population_count3A_1333 {offsets = [0], sizes = [1], strides = [1]} : vector<16xi32> to vector<1xi32>
      %squeeze3A_1335 = vector.extract %slice3A_1334[0] : i32 from vector<1xi32>
      %add3A_1336 = arith.addi %add3A_1315, %squeeze3A_1335 : i32
      %get3A_1337 = arith.constant 912 : index
      %get3A_1338 = tpu.vector_load %arg6[%get3A_1337] {strides = array<i32>} : memref<1024xi32, #tpu.memory_space<vmem>>, vector<16xi32>,
      %get3A_1339 = arith.constant 912 : index
      %get3A_1340 = tpu.vector_load %arg7[%get3A_1339] {strides = array<i32>} : memref<1024xi32, #tpu.memory_space<vmem>>, vector<16xi32>,
      %ge3A_1341 = vector.broadcast %mul3A_0 : i32 to vector<16xi32>
      %ge3A_1342 = arith.cmpi sge, %get3A_1338, %ge3A_1341 : vector<16xi32>
      %add3A_1343 = arith.constant 632 : i32
      %add3A_1344 = arith.addi %mul3A_0, %add3A_1343 : i32
      %lt3A_1345 = vector.broadcast %add3A_1344 : i32 to vector<16xi32>
      %lt3A_1346 = arith.cmpi slt, %get3A_1338, %lt3A_1345 : vector<16xi32>
      %and3A_1347 = arith.andi %ge3A_1342, %lt3A_1346 : vector<16xi1>
      %swap3A_1348 = arith.index_cast %add3A_1336 : i32 to index
      %swap3A_1349 = tpu.vector_load %arg8[%swap3A_1348] masked %and3A_1347 {strides = array<i32>} : memref<13312xi32, #tpu.memory_space<vmem>>, vector<16xi32>, vector<16xi1>
      tpu.vector_store %arg8[%swap3A_1348], %get3A_1340 masked %and3A_1347 {strides = array<i32>} : memref<13312xi32, #tpu.memory_space<vmem>>, vector<16xi32>, vector<16xi1>
      %sub3A_1350 = vector.broadcast %mul3A_0 : i32 to vector<16xi32>
      %sub3A_1351 = arith.subi %get3A_1338, %sub3A_1350 : vector<16xi32>
      %swap3A_1352 = arith.index_cast %add3A_1336 : i32 to index
      %swap3A_1353 = tpu.vector_load %arg9[%swap3A_1352] masked %and3A_1347 {strides = array<i32>} : memref<13312xi32, #tpu.memory_space<vmem>>, vector<16xi32>, vector<16xi1>
      tpu.vector_store %arg9[%swap3A_1352], %sub3A_1351 masked %and3A_1347 {strides = array<i32>} : memref<13312xi32, #tpu.memory_space<vmem>>, vector<16xi32>, vector<16xi1>
      %all_reduce_population_count3A_1354 = tpu.all_reduce %and3A_1347 {dim = 0 : i64, kind = #tpu.reduction_kind<sum>} : vector<16xi1> -> vector<16xi32>
      %slice3A_1355 = vector.extract_strided_slice %all_reduce_population_count3A_1354 {offsets = [0], sizes = [1], strides = [1]} : vector<16xi32> to vector<1xi32>
      %squeeze3A_1356 = vector.extract %slice3A_1355[0] : i32 from vector<1xi32>
      %add3A_1357 = arith.addi %add3A_1336, %squeeze3A_1356 : i32
      %get3A_1358 = arith.constant 928 : index
      %get3A_1359 = tpu.vector_load %arg6[%get3A_1358] {strides = array<i32>} : memref<1024xi32, #tpu.memory_space<vmem>>, vector<16xi32>,
      %get3A_1360 = arith.constant 928 : index
      %get3A_1361 = tpu.vector_load %arg7[%get3A_1360] {strides = array<i32>} : memref<1024xi32, #tpu.memory_space<vmem>>, vector<16xi32>,
      %ge3A_1362 = vector.broadcast %mul3A_0 : i32 to vector<16xi32>
      %ge3A_1363 = arith.cmpi sge, %get3A_1359, %ge3A_1362 : vector<16xi32>
      %add3A_1364 = arith.constant 632 : i32
      %add3A_1365 = arith.addi %mul3A_0, %add3A_1364 : i32
      %lt3A_1366 = vector.broadcast %add3A_1365 : i32 to vector<16xi32>
      %lt3A_1367 = arith.cmpi slt, %get3A_1359, %lt3A_1366 : vector<16xi32>
      %and3A_1368 = arith.andi %ge3A_1363, %lt3A_1367 : vector<16xi1>
      %swap3A_1369 = arith.index_cast %add3A_1357 : i32 to index
      %swap3A_1370 = tpu.vector_load %arg8[%swap3A_1369] masked %and3A_1368 {strides = array<i32>} : memref<13312xi32, #tpu.memory_space<vmem>>, vector<16xi32>, vector<16xi1>
      tpu.vector_store %arg8[%swap3A_1369], %get3A_1361 masked %and3A_1368 {strides = array<i32>} : memref<13312xi32, #tpu.memory_space<vmem>>, vector<16xi32>, vector<16xi1>
      %sub3A_1371 = vector.broadcast %mul3A_0 : i32 to vector<16xi32>
      %sub3A_1372 = arith.subi %get3A_1359, %sub3A_1371 : vector<16xi32>
      %swap3A_1373 = arith.index_cast %add3A_1357 : i32 to index
      %swap3A_1374 = tpu.vector_load %arg9[%swap3A_1373] masked %and3A_1368 {strides = array<i32>} : memref<13312xi32, #tpu.memory_space<vmem>>, vector<16xi32>, vector<16xi1>
      tpu.vector_store %arg9[%swap3A_1373], %sub3A_1372 masked %and3A_1368 {strides = array<i32>} : memref<13312xi32, #tpu.memory_space<vmem>>, vector<16xi32>, vector<16xi1>
      %all_reduce_population_count3A_1375 = tpu.all_reduce %and3A_1368 {dim = 0 : i64, kind = #tpu.reduction_kind<sum>} : vector<16xi1> -> vector<16xi32>
      %slice3A_1376 = vector.extract_strided_slice %all_reduce_population_count3A_1375 {offsets = [0], sizes = [1], strides = [1]} : vector<16xi32> to vector<1xi32>
      %squeeze3A_1377 = vector.extract %slice3A_1376[0] : i32 from vector<1xi32>
      %add3A_1378 = arith.addi %add3A_1357, %squeeze3A_1377 : i32
      %get3A_1379 = arith.constant 944 : index
      %get3A_1380 = tpu.vector_load %arg6[%get3A_1379] {strides = array<i32>} : memref<1024xi32, #tpu.memory_space<vmem>>, vector<16xi32>,
      %get3A_1381 = arith.constant 944 : index
      %get3A_1382 = tpu.vector_load %arg7[%get3A_1381] {strides = array<i32>} : memref<1024xi32, #tpu.memory_space<vmem>>, vector<16xi32>,
      %ge3A_1383 = vector.broadcast %mul3A_0 : i32 to vector<16xi32>
      %ge3A_1384 = arith.cmpi sge, %get3A_1380, %ge3A_1383 : vector<16xi32>
      %add3A_1385 = arith.constant 632 : i32
      %add3A_1386 = arith.addi %mul3A_0, %add3A_1385 : i32
      %lt3A_1387 = vector.broadcast %add3A_1386 : i32 to vector<16xi32>
      %lt3A_1388 = arith.cmpi slt, %get3A_1380, %lt3A_1387 : vector<16xi32>
      %and3A_1389 = arith.andi %ge3A_1384, %lt3A_1388 : vector<16xi1>
      %swap3A_1390 = arith.index_cast %add3A_1378 : i32 to index
      %swap3A_1391 = tpu.vector_load %arg8[%swap3A_1390] masked %and3A_1389 {strides = array<i32>} : memref<13312xi32, #tpu.memory_space<vmem>>, vector<16xi32>, vector<16xi1>
      tpu.vector_store %arg8[%swap3A_1390], %get3A_1382 masked %and3A_1389 {strides = array<i32>} : memref<13312xi32, #tpu.memory_space<vmem>>, vector<16xi32>, vector<16xi1>
      %sub3A_1392 = vector.broadcast %mul3A_0 : i32 to vector<16xi32>
      %sub3A_1393 = arith.subi %get3A_1380, %sub3A_1392 : vector<16xi32>
      %swap3A_1394 = arith.index_cast %add3A_1378 : i32 to index
      %swap3A_1395 = tpu.vector_load %arg9[%swap3A_1394] masked %and3A_1389 {strides = array<i32>} : memref<13312xi32, #tpu.memory_space<vmem>>, vector<16xi32>, vector<16xi1>
      tpu.vector_store %arg9[%swap3A_1394], %sub3A_1393 masked %and3A_1389 {strides = array<i32>} : memref<13312xi32, #tpu.memory_space<vmem>>, vector<16xi32>, vector<16xi1>
      %all_reduce_population_count3A_1396 = tpu.all_reduce %and3A_1389 {dim = 0 : i64, kind = #tpu.reduction_kind<sum>} : vector<16xi1> -> vector<16xi32>
      %slice3A_1397 = vector.extract_strided_slice %all_reduce_population_count3A_1396 {offsets = [0], sizes = [1], strides = [1]} : vector<16xi32> to vector<1xi32>
      %squeeze3A_1398 = vector.extract %slice3A_1397[0] : i32 from vector<1xi32>
      %add3A_1399 = arith.addi %add3A_1378, %squeeze3A_1398 : i32
      %get3A_1400 = arith.constant 960 : index
      %get3A_1401 = tpu.vector_load %arg6[%get3A_1400] {strides = array<i32>} : memref<1024xi32, #tpu.memory_space<vmem>>, vector<16xi32>,
      %get3A_1402 = arith.constant 960 : index
      %get3A_1403 = tpu.vector_load %arg7[%get3A_1402] {strides = array<i32>} : memref<1024xi32, #tpu.memory_space<vmem>>, vector<16xi32>,
      %ge3A_1404 = vector.broadcast %mul3A_0 : i32 to vector<16xi32>
      %ge3A_1405 = arith.cmpi sge, %get3A_1401, %ge3A_1404 : vector<16xi32>
      %add3A_1406 = arith.constant 632 : i32
      %add3A_1407 = arith.addi %mul3A_0, %add3A_1406 : i32
      %lt3A_1408 = vector.broadcast %add3A_1407 : i32 to vector<16xi32>
      %lt3A_1409 = arith.cmpi slt, %get3A_1401, %lt3A_1408 : vector<16xi32>
      %and3A_1410 = arith.andi %ge3A_1405, %lt3A_1409 : vector<16xi1>
      %swap3A_1411 = arith.index_cast %add3A_1399 : i32 to index
      %swap3A_1412 = tpu.vector_load %arg8[%swap3A_1411] masked %and3A_1410 {strides = array<i32>} : memref<13312xi32, #tpu.memory_space<vmem>>, vector<16xi32>, vector<16xi1>
      tpu.vector_store %arg8[%swap3A_1411], %get3A_1403 masked %and3A_1410 {strides = array<i32>} : memref<13312xi32, #tpu.memory_space<vmem>>, vector<16xi32>, vector<16xi1>
      %sub3A_1413 = vector.broadcast %mul3A_0 : i32 to vector<16xi32>
      %sub3A_1414 = arith.subi %get3A_1401, %sub3A_1413 : vector<16xi32>
      %swap3A_1415 = arith.index_cast %add3A_1399 : i32 to index
      %swap3A_1416 = tpu.vector_load %arg9[%swap3A_1415] masked %and3A_1410 {strides = array<i32>} : memref<13312xi32, #tpu.memory_space<vmem>>, vector<16xi32>, vector<16xi1>
      tpu.vector_store %arg9[%swap3A_1415], %sub3A_1414 masked %and3A_1410 {strides = array<i32>} : memref<13312xi32, #tpu.memory_space<vmem>>, vector<16xi32>, vector<16xi1>
      %all_reduce_population_count3A_1417 = tpu.all_reduce %and3A_1410 {dim = 0 : i64, kind = #tpu.reduction_kind<sum>} : vector<16xi1> -> vector<16xi32>
      %slice3A_1418 = vector.extract_strided_slice %all_reduce_population_count3A_1417 {offsets = [0], sizes = [1], strides = [1]} : vector<16xi32> to vector<1xi32>
      %squeeze3A_1419 = vector.extract %slice3A_1418[0] : i32 from vector<1xi32>
      %add3A_1420 = arith.addi %add3A_1399, %squeeze3A_1419 : i32
      %get3A_1421 = arith.constant 976 : index
      %get3A_1422 = tpu.vector_load %arg6[%get3A_1421] {strides = array<i32>} : memref<1024xi32, #tpu.memory_space<vmem>>, vector<16xi32>,
      %get3A_1423 = arith.constant 976 : index
      %get3A_1424 = tpu.vector_load %arg7[%get3A_1423] {strides = array<i32>} : memref<1024xi32, #tpu.memory_space<vmem>>, vector<16xi32>,
      %ge3A_1425 = vector.broadcast %mul3A_0 : i32 to vector<16xi32>
      %ge3A_1426 = arith.cmpi sge, %get3A_1422, %ge3A_1425 : vector<16xi32>
      %add3A_1427 = arith.constant 632 : i32
      %add3A_1428 = arith.addi %mul3A_0, %add3A_1427 : i32
      %lt3A_1429 = vector.broadcast %add3A_1428 : i32 to vector<16xi32>
      %lt3A_1430 = arith.cmpi slt, %get3A_1422, %lt3A_1429 : vector<16xi32>
      %and3A_1431 = arith.andi %ge3A_1426, %lt3A_1430 : vector<16xi1>
      %swap3A_1432 = arith.index_cast %add3A_1420 : i32 to index
      %swap3A_1433 = tpu.vector_load %arg8[%swap3A_1432] masked %and3A_1431 {strides = array<i32>} : memref<13312xi32, #tpu.memory_space<vmem>>, vector<16xi32>, vector<16xi1>
      tpu.vector_store %arg8[%swap3A_1432], %get3A_1424 masked %and3A_1431 {strides = array<i32>} : memref<13312xi32, #tpu.memory_space<vmem>>, vector<16xi32>, vector<16xi1>
      %sub3A_1434 = vector.broadcast %mul3A_0 : i32 to vector<16xi32>
      %sub3A_1435 = arith.subi %get3A_1422, %sub3A_1434 : vector<16xi32>
      %swap3A_1436 = arith.index_cast %add3A_1420 : i32 to index
      %swap3A_1437 = tpu.vector_load %arg9[%swap3A_1436] masked %and3A_1431 {strides = array<i32>} : memref<13312xi32, #tpu.memory_space<vmem>>, vector<16xi32>, vector<16xi1>
      tpu.vector_store %arg9[%swap3A_1436], %sub3A_1435 masked %and3A_1431 {strides = array<i32>} : memref<13312xi32, #tpu.memory_space<vmem>>, vector<16xi32>, vector<16xi1>
      %all_reduce_population_count3A_1438 = tpu.all_reduce %and3A_1431 {dim = 0 : i64, kind = #tpu.reduction_kind<sum>} : vector<16xi1> -> vector<16xi32>
      %slice3A_1439 = vector.extract_strided_slice %all_reduce_population_count3A_1438 {offsets = [0], sizes = [1], strides = [1]} : vector<16xi32> to vector<1xi32>
      %squeeze3A_1440 = vector.extract %slice3A_1439[0] : i32 from vector<1xi32>
      %add3A_1441 = arith.addi %add3A_1420, %squeeze3A_1440 : i32
      %get3A_1442 = arith.constant 992 : index
      %get3A_1443 = tpu.vector_load %arg6[%get3A_1442] {strides = array<i32>} : memref<1024xi32, #tpu.memory_space<vmem>>, vector<16xi32>,
      %get3A_1444 = arith.constant 992 : index
      %get3A_1445 = tpu.vector_load %arg7[%get3A_1444] {strides = array<i32>} : memref<1024xi32, #tpu.memory_space<vmem>>, vector<16xi32>,
      %ge3A_1446 = vector.broadcast %mul3A_0 : i32 to vector<16xi32>
      %ge3A_1447 = arith.cmpi sge, %get3A_1443, %ge3A_1446 : vector<16xi32>
      %add3A_1448 = arith.constant 632 : i32
      %add3A_1449 = arith.addi %mul3A_0, %add3A_1448 : i32
      %lt3A_1450 = vector.broadcast %add3A_1449 : i32 to vector<16xi32>
      %lt3A_1451 = arith.cmpi slt, %get3A_1443, %lt3A_1450 : vector<16xi32>
      %and3A_1452 = arith.andi %ge3A_1447, %lt3A_1451 : vector<16xi1>
      %swap3A_1453 = arith.index_cast %add3A_1441 : i32 to index
      %swap3A_1454 = tpu.vector_load %arg8[%swap3A_1453] masked %and3A_1452 {strides = array<i32>} : memref<13312xi32, #tpu.memory_space<vmem>>, vector<16xi32>, vector<16xi1>
      tpu.vector_store %arg8[%swap3A_1453], %get3A_1445 masked %and3A_1452 {strides = array<i32>} : memref<13312xi32, #tpu.memory_space<vmem>>, vector<16xi32>, vector<16xi1>
      %sub3A_1455 = vector.broadcast %mul3A_0 : i32 to vector<16xi32>
      %sub3A_1456 = arith.subi %get3A_1443, %sub3A_1455 : vector<16xi32>
      %swap3A_1457 = arith.index_cast %add3A_1441 : i32 to index
      %swap3A_1458 = tpu.vector_load %arg9[%swap3A_1457] masked %and3A_1452 {strides = array<i32>} : memref<13312xi32, #tpu.memory_space<vmem>>, vector<16xi32>, vector<16xi1>
      tpu.vector_store %arg9[%swap3A_1457], %sub3A_1456 masked %and3A_1452 {strides = array<i32>} : memref<13312xi32, #tpu.memory_space<vmem>>, vector<16xi32>, vector<16xi1>
      %all_reduce_population_count3A_1459 = tpu.all_reduce %and3A_1452 {dim = 0 : i64, kind = #tpu.reduction_kind<sum>} : vector<16xi1> -> vector<16xi32>
      %slice3A_1460 = vector.extract_strided_slice %all_reduce_population_count3A_1459 {offsets = [0], sizes = [1], strides = [1]} : vector<16xi32> to vector<1xi32>
      %squeeze3A_1461 = vector.extract %slice3A_1460[0] : i32 from vector<1xi32>
      %add3A_1462 = arith.addi %add3A_1441, %squeeze3A_1461 : i32
      %get3A_1463 = arith.constant 1008 : index
      %get3A_1464 = tpu.vector_load %arg6[%get3A_1463] {strides = array<i32>} : memref<1024xi32, #tpu.memory_space<vmem>>, vector<16xi32>,
      %get3A_1465 = arith.constant 1008 : index
      %get3A_1466 = tpu.vector_load %arg7[%get3A_1465] {strides = array<i32>} : memref<1024xi32, #tpu.memory_space<vmem>>, vector<16xi32>,
      %ge3A_1467 = vector.broadcast %mul3A_0 : i32 to vector<16xi32>
      %ge3A_1468 = arith.cmpi sge, %get3A_1464, %ge3A_1467 : vector<16xi32>
      %add3A_1469 = arith.constant 632 : i32
      %add3A_1470 = arith.addi %mul3A_0, %add3A_1469 : i32
      %lt3A_1471 = vector.broadcast %add3A_1470 : i32 to vector<16xi32>
      %lt3A_1472 = arith.cmpi slt, %get3A_1464, %lt3A_1471 : vector<16xi32>
      %and3A_1473 = arith.andi %ge3A_1468, %lt3A_1472 : vector<16xi1>
      %swap3A_1474 = arith.index_cast %add3A_1462 : i32 to index
      %swap3A_1475 = tpu.vector_load %arg8[%swap3A_1474] masked %and3A_1473 {strides = array<i32>} : memref<13312xi32, #tpu.memory_space<vmem>>, vector<16xi32>, vector<16xi1>
      tpu.vector_store %arg8[%swap3A_1474], %get3A_1466 masked %and3A_1473 {strides = array<i32>} : memref<13312xi32, #tpu.memory_space<vmem>>, vector<16xi32>, vector<16xi1>
      %sub3A_1476 = vector.broadcast %mul3A_0 : i32 to vector<16xi32>
      %sub3A_1477 = arith.subi %get3A_1464, %sub3A_1476 : vector<16xi32>
      %swap3A_1478 = arith.index_cast %add3A_1462 : i32 to index
      %swap3A_1479 = tpu.vector_load %arg9[%swap3A_1478] masked %and3A_1473 {strides = array<i32>} : memref<13312xi32, #tpu.memory_space<vmem>>, vector<16xi32>, vector<16xi1>
      tpu.vector_store %arg9[%swap3A_1478], %sub3A_1477 masked %and3A_1473 {strides = array<i32>} : memref<13312xi32, #tpu.memory_space<vmem>>, vector<16xi32>, vector<16xi1>
      %all_reduce_population_count3A_1480 = tpu.all_reduce %and3A_1473 {dim = 0 : i64, kind = #tpu.reduction_kind<sum>} : vector<16xi1> -> vector<16xi32>
      %slice3A_1481 = vector.extract_strided_slice %all_reduce_population_count3A_1480 {offsets = [0], sizes = [1], strides = [1]} : vector<16xi32> to vector<1xi32>
      %squeeze3A_1482 = vector.extract %slice3A_1481[0] : i32 from vector<1xi32>
      %add3A_1483 = arith.addi %add3A_1462, %squeeze3A_1482 : i32
      scf.yield %add3A_1483 : i32
    }
    %scan3A_13 = arith.constant 158 : i32
    %add3A = arith.constant 0 : i32
    %add3A_14 = arith.addi %scan3A_12, %add3A : i32
    %add3A_15 = arith.constant 10000 : i32
    %add3A_16 = vector.broadcast %add3A_15 : i32 to vector<16xi32>
    %add3A_17 = arith.addi %add3A_16, %iota3A : vector<16xi32>
    %swap3A = arith.index_cast %add3A_14 : i32 to index
    %swap3A_18 = tpu.vector_load %arg8[%swap3A] {strides = array<i32>} : memref<13312xi32, #tpu.memory_space<vmem>>, vector<16xi32>,
    tpu.vector_store %arg8[%swap3A], %add3A_17 {strides = array<i32>} : memref<13312xi32, #tpu.memory_space<vmem>>, vector<16xi32>,
    %broadcast_in_dim3A_19 = arith.constant 0 : i32
    %broadcast_in_dim3A_20 = vector.broadcast %broadcast_in_dim3A_19 : i32 to vector<16xi32>
    %swap3A_21 = arith.index_cast %add3A_14 : i32 to index
    %swap3A_22 = tpu.vector_load %arg9[%swap3A_21] {strides = array<i32>} : memref<13312xi32, #tpu.memory_space<vmem>>, vector<16xi32>,
    tpu.vector_store %arg9[%swap3A_21], %broadcast_in_dim3A_20 {strides = array<i32>} : memref<13312xi32, #tpu.memory_space<vmem>>, vector<16xi32>,
    %add3A_23 = arith.constant 16 : i32
    %add3A_24 = arith.addi %scan3A_12, %add3A_23 : i32
    %add3A_25 = arith.constant 10000 : i32
    %add3A_26 = vector.broadcast %add3A_25 : i32 to vector<16xi32>
    %add3A_27 = arith.addi %add3A_26, %iota3A : vector<16xi32>
    %swap3A_28 = arith.index_cast %add3A_24 : i32 to index
    %swap3A_29 = tpu.vector_load %arg8[%swap3A_28] {strides = array<i32>} : memref<13312xi32, #tpu.memory_space<vmem>>, vector<16xi32>,
    tpu.vector_store %arg8[%swap3A_28], %add3A_27 {strides = array<i32>} : memref<13312xi32, #tpu.memory_space<vmem>>, vector<16xi32>,
    %broadcast_in_dim3A_30 = arith.constant 0 : i32
    %broadcast_in_dim3A_31 = vector.broadcast %broadcast_in_dim3A_30 : i32 to vector<16xi32>
    %swap3A_32 = arith.index_cast %add3A_24 : i32 to index
    %swap3A_33 = tpu.vector_load %arg9[%swap3A_32] {strides = array<i32>} : memref<13312xi32, #tpu.memory_space<vmem>>, vector<16xi32>,
    tpu.vector_store %arg9[%swap3A_32], %broadcast_in_dim3A_31 {strides = array<i32>} : memref<13312xi32, #tpu.memory_space<vmem>>, vector<16xi32>,
    %add3A_34 = arith.constant 32 : i32
    %add3A_35 = arith.addi %scan3A_12, %add3A_34 : i32
    %add3A_36 = arith.constant 10000 : i32
    %add3A_37 = vector.broadcast %add3A_36 : i32 to vector<16xi32>
    %add3A_38 = arith.addi %add3A_37, %iota3A : vector<16xi32>
    %swap3A_39 = arith.index_cast %add3A_35 : i32 to index
    %swap3A_40 = tpu.vector_load %arg8[%swap3A_39] {strides = array<i32>} : memref<13312xi32, #tpu.memory_space<vmem>>, vector<16xi32>,
    tpu.vector_store %arg8[%swap3A_39], %add3A_38 {strides = array<i32>} : memref<13312xi32, #tpu.memory_space<vmem>>, vector<16xi32>,
    %broadcast_in_dim3A_41 = arith.constant 0 : i32
    %broadcast_in_dim3A_42 = vector.broadcast %broadcast_in_dim3A_41 : i32 to vector<16xi32>
    %swap3A_43 = arith.index_cast %add3A_35 : i32 to index
    %swap3A_44 = tpu.vector_load %arg9[%swap3A_43] {strides = array<i32>} : memref<13312xi32, #tpu.memory_space<vmem>>, vector<16xi32>,
    tpu.vector_store %arg9[%swap3A_43], %broadcast_in_dim3A_42 {strides = array<i32>} : memref<13312xi32, #tpu.memory_space<vmem>>, vector<16xi32>,
    %add3A_45 = arith.constant 48 : i32
    %add3A_46 = arith.addi %scan3A_12, %add3A_45 : i32
    %add3A_47 = arith.constant 10000 : i32
    %add3A_48 = vector.broadcast %add3A_47 : i32 to vector<16xi32>
    %add3A_49 = arith.addi %add3A_48, %iota3A : vector<16xi32>
    %swap3A_50 = arith.index_cast %add3A_46 : i32 to index
    %swap3A_51 = tpu.vector_load %arg8[%swap3A_50] {strides = array<i32>} : memref<13312xi32, #tpu.memory_space<vmem>>, vector<16xi32>,
    tpu.vector_store %arg8[%swap3A_50], %add3A_49 {strides = array<i32>} : memref<13312xi32, #tpu.memory_space<vmem>>, vector<16xi32>,
    %broadcast_in_dim3A_52 = arith.constant 0 : i32
    %broadcast_in_dim3A_53 = vector.broadcast %broadcast_in_dim3A_52 : i32 to vector<16xi32>
    %swap3A_54 = arith.index_cast %add3A_46 : i32 to index
    %swap3A_55 = tpu.vector_load %arg9[%swap3A_54] {strides = array<i32>} : memref<13312xi32, #tpu.memory_space<vmem>>, vector<16xi32>,
    tpu.vector_store %arg9[%swap3A_54], %broadcast_in_dim3A_53 {strides = array<i32>} : memref<13312xi32, #tpu.memory_space<vmem>>, vector<16xi32>,
    %add3A_56 = arith.constant 64 : i32
    %add3A_57 = arith.addi %scan3A_12, %add3A_56 : i32
    %sub3A = arith.constant 1 : i32
    %sub3A_58 = arith.subi %add3A_57, %sub3A : i32
    %jit3A = arith.constant 64 : i32
    %div3A = arith.divsi %sub3A_58, %jit3A : i32
    %sign3A = arith.constant 0 : i32
    %sign3A_59 = arith.cmpi sgt, %sub3A_58, %sign3A : i32
    %sign3A_60 = arith.extui %sign3A_59 : i1 to i32
    %sign3A_61 = arith.constant 0 : i32
    %sign3A_62 = arith.cmpi slt, %sub3A_58, %sign3A_61 : i32
    %sign3A_63 = arith.extui %sign3A_62 : i1 to i32
    %sign3A_64 = arith.subi %sign3A_60, %sign3A_63 : i32
    %sign3A_65 = arith.constant 0 : i32
    %sign3A_66 = arith.cmpi sgt, %jit3A, %sign3A_65 : i32
    %sign3A_67 = arith.extui %sign3A_66 : i1 to i32
    %sign3A_68 = arith.constant 0 : i32
    %sign3A_69 = arith.cmpi slt, %jit3A, %sign3A_68 : i32
    %sign3A_70 = arith.extui %sign3A_69 : i1 to i32
    %sign3A_71 = arith.subi %sign3A_67, %sign3A_70 : i32
    %ne3A = arith.cmpi ne, %sign3A_64, %sign3A_71 : i32
    %rem3A = arith.remsi %sub3A_58, %jit3A : i32
    %ne3A_72 = arith.constant 0 : i32
    %ne3A_73 = arith.cmpi ne, %rem3A, %ne3A_72 : i32
    %and3A = arith.andi %ne3A, %ne3A_73 : i1
    %sub3A_74 = arith.constant 1 : i32
    %sub3A_75 = arith.subi %div3A, %sub3A_74 : i32
    %select_n3A = arith.select %and3A, %sub3A_75, %div3A : i32
    %get3A = arith.constant 0 : index
    %get3A_76 = tpu.vector_load %arg8[%get3A] {strides = array<i32>} : memref<13312xi32, #tpu.memory_space<vmem>>, vector<16xi32>,
    %swap3A_77 = arith.constant 0 : index
    %swap3A_78 = tpu.vector_load %arg10[%swap3A_77] {strides = array<i32>} : memref<64xi32, #tpu.memory_space<vmem>>, vector<16xi32>,
    tpu.vector_store %arg10[%swap3A_77], %get3A_76 {strides = array<i32>} : memref<64xi32, #tpu.memory_space<vmem>>, vector<16xi32>,
    %get3A_79 = arith.constant 16 : index
    %get3A_80 = tpu.vector_load %arg8[%get3A_79] {strides = array<i32>} : memref<13312xi32, #tpu.memory_space<vmem>>, vector<16xi32>,
    %swap3A_81 = arith.constant 16 : index
    %swap3A_82 = tpu.vector_load %arg10[%swap3A_81] {strides = array<i32>} : memref<64xi32, #tpu.memory_space<vmem>>, vector<16xi32>,
    tpu.vector_store %arg10[%swap3A_81], %get3A_80 {strides = array<i32>} : memref<64xi32, #tpu.memory_space<vmem>>, vector<16xi32>,
    %get3A_83 = arith.constant 32 : index
    %get3A_84 = tpu.vector_load %arg8[%get3A_83] {strides = array<i32>} : memref<13312xi32, #tpu.memory_space<vmem>>, vector<16xi32>,
    %swap3A_85 = arith.constant 32 : index
    %swap3A_86 = tpu.vector_load %arg10[%swap3A_85] {strides = array<i32>} : memref<64xi32, #tpu.memory_space<vmem>>, vector<16xi32>,
    tpu.vector_store %arg10[%swap3A_85], %get3A_84 {strides = array<i32>} : memref<64xi32, #tpu.memory_space<vmem>>, vector<16xi32>,
    %get3A_87 = arith.constant 48 : index
    %get3A_88 = tpu.vector_load %arg8[%get3A_87] {strides = array<i32>} : memref<13312xi32, #tpu.memory_space<vmem>>, vector<16xi32>,
    %swap3A_89 = arith.constant 48 : index
    %swap3A_90 = tpu.vector_load %arg10[%swap3A_89] {strides = array<i32>} : memref<64xi32, #tpu.memory_space<vmem>>, vector<16xi32>,
    tpu.vector_store %arg10[%swap3A_89], %get3A_88 {strides = array<i32>} : memref<64xi32, #tpu.memory_space<vmem>>, vector<16xi32>,
    %dma_start3A = arith.constant 0 : i32
    %dma_start3A_91 = arith.constant 0 : i32
    %dma_start3A_92 = tpu.memref_slice %arg12[%dma_start3A, %dma_start3A_91] : memref<128x128xf32, #tpu.memory_space<vmem>> -> memref<64x128xf32, #tpu.memory_space<vmem>>
    %dma_start3A_93 = arith.constant 0 : i32
    %dma_start3A_94 = arith.constant 0 : i32
    %dma_start3A_95 = tpu.memref_slice %arg4[%dma_start3A_93, %dma_start3A_94] : memref<10112x128xf32, #tpu.memory_space<hbm>> -> memref<10112x128xf32, #tpu.memory_space<hbm>>
    tpu.enqueue_indirect_dma source(%dma_start3A_95 : memref<10112x128xf32, #tpu.memory_space<hbm>>) target(%dma_start3A_92 : memref<64x128xf32, #tpu.memory_space<vmem>>) offsets(%arg10 : memref<64xi32, #tpu.memory_space<vmem>>) semaphore(%arg14 : memref<!tpu.dma_semaphore, #tpu.memory_space<semaphore_mem>>)
    %add3A_96 = arith.constant 1 : i32
    %add3A_97 = arith.addi %select_n3A, %add3A_96 : i32
    %jit3A_98 = arith.constant 2 : i32
    %div3A_99 = arith.divsi %add3A_97, %jit3A_98 : i32
    %sign3A_100 = arith.constant 0 : i32
    %sign3A_101 = arith.cmpi sgt, %add3A_97, %sign3A_100 : i32
    %sign3A_102 = arith.extui %sign3A_101 : i1 to i32
    %sign3A_103 = arith.constant 0 : i32
    %sign3A_104 = arith.cmpi slt, %add3A_97, %sign3A_103 : i32
    %sign3A_105 = arith.extui %sign3A_104 : i1 to i32
    %sign3A_106 = arith.subi %sign3A_102, %sign3A_105 : i32
    %sign3A_107 = arith.constant 0 : i32
    %sign3A_108 = arith.cmpi sgt, %jit3A_98, %sign3A_107 : i32
    %sign3A_109 = arith.extui %sign3A_108 : i1 to i32
    %sign3A_110 = arith.constant 0 : i32
    %sign3A_111 = arith.cmpi slt, %jit3A_98, %sign3A_110 : i32
    %sign3A_112 = arith.extui %sign3A_111 : i1 to i32
    %sign3A_113 = arith.subi %sign3A_109, %sign3A_112 : i32
    %ne3A_114 = arith.cmpi ne, %sign3A_106, %sign3A_113 : i32
    %rem3A_115 = arith.remsi %add3A_97, %jit3A_98 : i32
    %ne3A_116 = arith.constant 0 : i32
    %ne3A_117 = arith.cmpi ne, %rem3A_115, %ne3A_116 : i32
    %and3A_118 = arith.andi %ne3A_114, %ne3A_117 : i1
    %sub3A_119 = arith.constant 1 : i32
    %sub3A_120 = arith.subi %div3A_99, %sub3A_119 : i32
    %select_n3A_121 = arith.select %and3A_118, %sub3A_120, %div3A_99 : i32
    %while3A = arith.constant 0 : i32
    %while3A_122 = arith.constant 0 : i32
    %while3A_123 = arith.subi %select_n3A_121, %while3A_122 : i32
    %while3A_124 = arith.addi %while3A_122, %while3A_123 : i32
    %while3A_125 = arith.constant 1 : i32
    %while3A_126 = arith.divsi %while3A_123, %while3A_125 : i32
    %while3A_127 = arith.muli %while3A_126, %while3A_125 : i32
    %while3A_128 = arith.addi %while3A_122, %while3A_127 : i32
    %while3A_129 = arith.constant 1 : i32
    scf.for %while3A_138 = %while3A_122 to %while3A_128 step %while3A_129  : i32 {
      %mul3A_139 = arith.constant 2 : i32
      %mul3A_140 = arith.muli %mul3A_139, %while3A_138 : i32
      %add3A_141 = arith.constant 1 : i32
      %add3A_142 = arith.addi %mul3A_140, %add3A_141 : i32
      %lt3A = arith.cmpi slt, %add3A_142, %select_n3A : i32
      %convert_element_type3A = arith.extui %lt3A : i1 to i32
      %cond3A = arith.constant 0 : i32
      %cond3A_143 = arith.cmpi ne, %convert_element_type3A, %cond3A : i32
      scf.if %cond3A_143 {
        %mul3A_165 = arith.constant 64 : i32
        %mul3A_166 = arith.muli %add3A_142, %mul3A_165 : i32
        %add3A_167 = arith.constant 0 : i32
        %add3A_168 = arith.addi %mul3A_166, %add3A_167 : i32
        %get3A_169 = arith.index_cast %add3A_168 : i32 to index
        %get3A_170 = tpu.vector_load %arg8[%get3A_169] {strides = array<i32>} : memref<13312xi32, #tpu.memory_space<vmem>>, vector<16xi32>,
        %swap3A_171 = arith.constant 0 : index
        %swap3A_172 = tpu.vector_load %arg11[%swap3A_171] {strides = array<i32>} : memref<64xi32, #tpu.memory_space<vmem>>, vector<16xi32>,
        tpu.vector_store %arg11[%swap3A_171], %get3A_170 {strides = array<i32>} : memref<64xi32, #tpu.memory_space<vmem>>, vector<16xi32>,
        %mul3A_173 = arith.constant 64 : i32
        %mul3A_174 = arith.muli %add3A_142, %mul3A_173 : i32
        %add3A_175 = arith.constant 16 : i32
        %add3A_176 = arith.addi %mul3A_174, %add3A_175 : i32
        %get3A_177 = arith.index_cast %add3A_176 : i32 to index
        %get3A_178 = tpu.vector_load %arg8[%get3A_177] {strides = array<i32>} : memref<13312xi32, #tpu.memory_space<vmem>>, vector<16xi32>,
        %swap3A_179 = arith.constant 16 : index
        %swap3A_180 = tpu.vector_load %arg11[%swap3A_179] {strides = array<i32>} : memref<64xi32, #tpu.memory_space<vmem>>, vector<16xi32>,
        tpu.vector_store %arg11[%swap3A_179], %get3A_178 {strides = array<i32>} : memref<64xi32, #tpu.memory_space<vmem>>, vector<16xi32>,
        %mul3A_181 = arith.constant 64 : i32
        %mul3A_182 = arith.muli %add3A_142, %mul3A_181 : i32
        %add3A_183 = arith.constant 32 : i32
        %add3A_184 = arith.addi %mul3A_182, %add3A_183 : i32
        %get3A_185 = arith.index_cast %add3A_184 : i32 to index
        %get3A_186 = tpu.vector_load %arg8[%get3A_185] {strides = array<i32>} : memref<13312xi32, #tpu.memory_space<vmem>>, vector<16xi32>,
        %swap3A_187 = arith.constant 32 : index
        %swap3A_188 = tpu.vector_load %arg11[%swap3A_187] {strides = array<i32>} : memref<64xi32, #tpu.memory_space<vmem>>, vector<16xi32>,
        tpu.vector_store %arg11[%swap3A_187], %get3A_186 {strides = array<i32>} : memref<64xi32, #tpu.memory_space<vmem>>, vector<16xi32>,
        %mul3A_189 = arith.constant 64 : i32
        %mul3A_190 = arith.muli %add3A_142, %mul3A_189 : i32
        %add3A_191 = arith.constant 48 : i32
        %add3A_192 = arith.addi %mul3A_190, %add3A_191 : i32
        %get3A_193 = arith.index_cast %add3A_192 : i32 to index
        %get3A_194 = tpu.vector_load %arg8[%get3A_193] {strides = array<i32>} : memref<13312xi32, #tpu.memory_space<vmem>>, vector<16xi32>,
        %swap3A_195 = arith.constant 48 : index
        %swap3A_196 = tpu.vector_load %arg11[%swap3A_195] {strides = array<i32>} : memref<64xi32, #tpu.memory_space<vmem>>, vector<16xi32>,
        tpu.vector_store %arg11[%swap3A_195], %get3A_194 {strides = array<i32>} : memref<64xi32, #tpu.memory_space<vmem>>, vector<16xi32>,
        %dma_start3A_197 = arith.constant 64 : i32
        %dma_start3A_198 = arith.constant 0 : i32
        %dma_start3A_199 = tpu.memref_slice %arg12[%dma_start3A_197, %dma_start3A_198] : memref<128x128xf32, #tpu.memory_space<vmem>> -> memref<64x128xf32, #tpu.memory_space<vmem>>
        %dma_start3A_200 = arith.constant 0 : i32
        %dma_start3A_201 = arith.constant 0 : i32
        %dma_start3A_202 = tpu.memref_slice %arg4[%dma_start3A_200, %dma_start3A_201] : memref<10112x128xf32, #tpu.memory_space<hbm>> -> memref<10112x128xf32, #tpu.memory_space<hbm>>
        tpu.enqueue_indirect_dma source(%dma_start3A_202 : memref<10112x128xf32, #tpu.memory_space<hbm>>) target(%dma_start3A_199 : memref<64x128xf32, #tpu.memory_space<vmem>>) offsets(%arg11 : memref<64xi32, #tpu.memory_space<vmem>>) semaphore(%arg15 : memref<!tpu.dma_semaphore, #tpu.memory_space<semaphore_mem>>)
      } else {
      }
      %dma_wait3A = arith.constant 0 : i32
      %dma_wait3A_144 = arith.constant 0 : i32
      %dma_wait3A_145 = tpu.memref_slice %arg12[%dma_wait3A, %dma_wait3A_144] : memref<128x128xf32, #tpu.memory_space<vmem>> -> memref<64x128xf32, #tpu.memory_space<vmem>>
      %dma_wait3A_146 = arith.constant 0 : i32
      %dma_wait3A_147 = arith.constant 0 : i32
      %dma_wait3A_148 = tpu.memref_slice %arg4[%dma_wait3A_146, %dma_wait3A_147] : memref<10112x128xf32, #tpu.memory_space<hbm>> -> memref<10112x128xf32, #tpu.memory_space<hbm>>
      tpu.wait_indirect_dma semaphore(%arg14 : memref<!tpu.dma_semaphore, #tpu.memory_space<semaphore_mem>>) src(%dma_wait3A_148 : memref<10112x128xf32, #tpu.memory_space<hbm>>) dst(%dma_wait3A_145 : memref<64x128xf32, #tpu.memory_space<vmem>>)
      %scan3A_149 = arith.constant 0 : i32
      %scan3A_150 = arith.constant 0 : i32
      %scan3A_151 = arith.constant 32 : i32
      %scan3A_152 = arith.addi %scan3A_150, %scan3A_151 : i32
      %scan3A_153 = arith.constant 1 : i32
      scf.for %scan3A_165 = %scan3A_150 to %scan3A_152 step %scan3A_153  : i32 {
        %mul3A_166 = arith.constant 2 : i32
        %mul3A_167 = arith.muli %scan3A_165, %mul3A_166 : i32
        %add3A_168 = arith.constant 0 : i32
        %add3A_169 = arith.addi %mul3A_167, %add3A_168 : i32
        %broadcast_in_dim3A_170 = arith.constant 0 : i32
        %broadcast_in_dim3A_171 = vector.broadcast %broadcast_in_dim3A_170 : i32 to vector<16xi32>
        %mul3A_172 = arith.constant 64 : i32
        %mul3A_173 = arith.muli %mul3A_140, %mul3A_172 : i32
        %add3A_174 = arith.addi %mul3A_173, %add3A_169 : i32
        %add3A_175 = vector.broadcast %add3A_174 : i32 to vector<16xi32>
        %add3A_176 = arith.addi %broadcast_in_dim3A_171, %add3A_175 : vector<16xi32>
        %gather3A = tpu.vector_load_idx %arg9[%add3A_176] : memref<13312xi32, #tpu.memory_space<vmem>>[vector<16xi32>], vector<16xi32>,
        %mul3A_177 = arith.constant 128 : i32
        %mul3A_178 = vector.broadcast %mul3A_177 : i32 to vector<16xi32>
        %mul3A_179 = arith.muli %gather3A, %mul3A_178 : vector<16xi32>
        %add3A_180 = arith.addi %mul3A_179, %iota3A : vector<16xi32>
        %add3A_181 = arith.constant 0 : i32
        %add3A_182 = vector.broadcast %add3A_181 : i32 to vector<16xi32>
        %add3A_183 = arith.addi %add3A_180, %add3A_182 : vector<16xi32>
        %add3A_184 = arith.constant 0 : i32
        %add3A_185 = arith.addi %add3A_184, %add3A_169 : i32
        %get3A_186 = arith.index_cast %add3A_185 : i32 to index
        %get3A_187 = arith.constant 0 : index
        %get3A_188 = tpu.vector_load %arg12[%get3A_186, %get3A_187] {strides = array<i32>} : memref<128x128xf32, #tpu.memory_space<vmem>>, vector<16xf32>,
        tpu.vector_store_idx %arg13[%add3A_183], %get3A_188 {add = true} : memref<80896xf32, #tpu.memory_space<vmem>>[vector<16xi32>], vector<16xf32>,
        %add3A_189 = arith.constant 16 : i32
        %add3A_190 = vector.broadcast %add3A_189 : i32 to vector<16xi32>
        %add3A_191 = arith.addi %add3A_180, %add3A_190 : vector<16xi32>
        %add3A_192 = arith.constant 0 : i32
        %add3A_193 = arith.addi %add3A_192, %add3A_169 : i32
        %get3A_194 = arith.index_cast %add3A_193 : i32 to index
        %get3A_195 = arith.constant 16 : index
        %get3A_196 = tpu.vector_load %arg12[%get3A_194, %get3A_195] {strides = array<i32>} : memref<128x128xf32, #tpu.memory_space<vmem>>, vector<16xf32>,
        tpu.vector_store_idx %arg13[%add3A_191], %get3A_196 {add = true} : memref<80896xf32, #tpu.memory_space<vmem>>[vector<16xi32>], vector<16xf32>,
        %add3A_197 = arith.constant 32 : i32
        %add3A_198 = vector.broadcast %add3A_197 : i32 to vector<16xi32>
        %add3A_199 = arith.addi %add3A_180, %add3A_198 : vector<16xi32>
        %add3A_200 = arith.constant 0 : i32
        %add3A_201 = arith.addi %add3A_200, %add3A_169 : i32
        %get3A_202 = arith.index_cast %add3A_201 : i32 to index
        %get3A_203 = arith.constant 32 : index
        %get3A_204 = tpu.vector_load %arg12[%get3A_202, %get3A_203] {strides = array<i32>} : memref<128x128xf32, #tpu.memory_space<vmem>>, vector<16xf32>,
        tpu.vector_store_idx %arg13[%add3A_199], %get3A_204 {add = true} : memref<80896xf32, #tpu.memory_space<vmem>>[vector<16xi32>], vector<16xf32>,
        %add3A_205 = arith.constant 48 : i32
        %add3A_206 = vector.broadcast %add3A_205 : i32 to vector<16xi32>
        %add3A_207 = arith.addi %add3A_180, %add3A_206 : vector<16xi32>
        %add3A_208 = arith.constant 0 : i32
        %add3A_209 = arith.addi %add3A_208, %add3A_169 : i32
        %get3A_210 = arith.index_cast %add3A_209 : i32 to index
        %get3A_211 = arith.constant 48 : index
        %get3A_212 = tpu.vector_load %arg12[%get3A_210, %get3A_211] {strides = array<i32>} : memref<128x128xf32, #tpu.memory_space<vmem>>, vector<16xf32>,
        tpu.vector_store_idx %arg13[%add3A_207], %get3A_212 {add = true} : memref<80896xf32, #tpu.memory_space<vmem>>[vector<16xi32>], vector<16xf32>,
        %add3A_213 = arith.constant 64 : i32
        %add3A_214 = vector.broadcast %add3A_213 : i32 to vector<16xi32>
        %add3A_215 = arith.addi %add3A_180, %add3A_214 : vector<16xi32>
        %add3A_216 = arith.constant 0 : i32
        %add3A_217 = arith.addi %add3A_216, %add3A_169 : i32
        %get3A_218 = arith.index_cast %add3A_217 : i32 to index
        %get3A_219 = arith.constant 64 : index
        %get3A_220 = tpu.vector_load %arg12[%get3A_218, %get3A_219] {strides = array<i32>} : memref<128x128xf32, #tpu.memory_space<vmem>>, vector<16xf32>,
        tpu.vector_store_idx %arg13[%add3A_215], %get3A_220 {add = true} : memref<80896xf32, #tpu.memory_space<vmem>>[vector<16xi32>], vector<16xf32>,
        %add3A_221 = arith.constant 80 : i32
        %add3A_222 = vector.broadcast %add3A_221 : i32 to vector<16xi32>
        %add3A_223 = arith.addi %add3A_180, %add3A_222 : vector<16xi32>
        %add3A_224 = arith.constant 0 : i32
        %add3A_225 = arith.addi %add3A_224, %add3A_169 : i32
        %get3A_226 = arith.index_cast %add3A_225 : i32 to index
        %get3A_227 = arith.constant 80 : index
        %get3A_228 = tpu.vector_load %arg12[%get3A_226, %get3A_227] {strides = array<i32>} : memref<128x128xf32, #tpu.memory_space<vmem>>, vector<16xf32>,
        tpu.vector_store_idx %arg13[%add3A_223], %get3A_228 {add = true} : memref<80896xf32, #tpu.memory_space<vmem>>[vector<16xi32>], vector<16xf32>,
        %add3A_229 = arith.constant 96 : i32
        %add3A_230 = vector.broadcast %add3A_229 : i32 to vector<16xi32>
        %add3A_231 = arith.addi %add3A_180, %add3A_230 : vector<16xi32>
        %add3A_232 = arith.constant 0 : i32
        %add3A_233 = arith.addi %add3A_232, %add3A_169 : i32
        %get3A_234 = arith.index_cast %add3A_233 : i32 to index
        %get3A_235 = arith.constant 96 : index
        %get3A_236 = tpu.vector_load %arg12[%get3A_234, %get3A_235] {strides = array<i32>} : memref<128x128xf32, #tpu.memory_space<vmem>>, vector<16xf32>,
        tpu.vector_store_idx %arg13[%add3A_231], %get3A_236 {add = true} : memref<80896xf32, #tpu.memory_space<vmem>>[vector<16xi32>], vector<16xf32>,
        %add3A_237 = arith.constant 112 : i32
        %add3A_238 = vector.broadcast %add3A_237 : i32 to vector<16xi32>
        %add3A_239 = arith.addi %add3A_180, %add3A_238 : vector<16xi32>
        %add3A_240 = arith.constant 0 : i32
        %add3A_241 = arith.addi %add3A_240, %add3A_169 : i32
        %get3A_242 = arith.index_cast %add3A_241 : i32 to index
        %get3A_243 = arith.constant 112 : index
        %get3A_244 = tpu.vector_load %arg12[%get3A_242, %get3A_243] {strides = array<i32>} : memref<128x128xf32, #tpu.memory_space<vmem>>, vector<16xf32>,
        tpu.vector_store_idx %arg13[%add3A_239], %get3A_244 {add = true} : memref<80896xf32, #tpu.memory_space<vmem>>[vector<16xi32>], vector<16xf32>,
        %mul3A_245 = arith.constant 2 : i32
        %mul3A_246 = arith.muli %scan3A_165, %mul3A_245 : i32
        %add3A_247 = arith.constant 1 : i32
        %add3A_248 = arith.addi %mul3A_246, %add3A_247 : i32
        %broadcast_in_dim3A_249 = arith.constant 0 : i32
        %broadcast_in_dim3A_250 = vector.broadcast %broadcast_in_dim3A_249 : i32 to vector<16xi32>
        %mul3A_251 = arith.constant 64 : i32
        %mul3A_252 = arith.muli %mul3A_140, %mul3A_251 : i32
        %add3A_253 = arith.addi %mul3A_252, %add3A_248 : i32
        %add3A_254 = vector.broadcast %add3A_253 : i32 to vector<16xi32>
        %add3A_255 = arith.addi %broadcast_in_dim3A_250, %add3A_254 : vector<16xi32>
        %gather3A_256 = tpu.vector_load_idx %arg9[%add3A_255] : memref<13312xi32, #tpu.memory_space<vmem>>[vector<16xi32>], vector<16xi32>,
        %mul3A_257 = arith.constant 128 : i32
        %mul3A_258 = vector.broadcast %mul3A_257 : i32 to vector<16xi32>
        %mul3A_259 = arith.muli %gather3A_256, %mul3A_258 : vector<16xi32>
        %add3A_260 = arith.addi %mul3A_259, %iota3A : vector<16xi32>
        %add3A_261 = arith.constant 0 : i32
        %add3A_262 = vector.broadcast %add3A_261 : i32 to vector<16xi32>
        %add3A_263 = arith.addi %add3A_260, %add3A_262 : vector<16xi32>
        %add3A_264 = arith.constant 0 : i32
        %add3A_265 = arith.addi %add3A_264, %add3A_248 : i32
        %get3A_266 = arith.index_cast %add3A_265 : i32 to index
        %get3A_267 = arith.constant 0 : index
        %get3A_268 = tpu.vector_load %arg12[%get3A_266, %get3A_267] {strides = array<i32>} : memref<128x128xf32, #tpu.memory_space<vmem>>, vector<16xf32>,
        tpu.vector_store_idx %arg13[%add3A_263], %get3A_268 {add = true} : memref<80896xf32, #tpu.memory_space<vmem>>[vector<16xi32>], vector<16xf32>,
        %add3A_269 = arith.constant 16 : i32
        %add3A_270 = vector.broadcast %add3A_269 : i32 to vector<16xi32>
        %add3A_271 = arith.addi %add3A_260, %add3A_270 : vector<16xi32>
        %add3A_272 = arith.constant 0 : i32
        %add3A_273 = arith.addi %add3A_272, %add3A_248 : i32
        %get3A_274 = arith.index_cast %add3A_273 : i32 to index
        %get3A_275 = arith.constant 16 : index
        %get3A_276 = tpu.vector_load %arg12[%get3A_274, %get3A_275] {strides = array<i32>} : memref<128x128xf32, #tpu.memory_space<vmem>>, vector<16xf32>,
        tpu.vector_store_idx %arg13[%add3A_271], %get3A_276 {add = true} : memref<80896xf32, #tpu.memory_space<vmem>>[vector<16xi32>], vector<16xf32>,
        %add3A_277 = arith.constant 32 : i32
        %add3A_278 = vector.broadcast %add3A_277 : i32 to vector<16xi32>
        %add3A_279 = arith.addi %add3A_260, %add3A_278 : vector<16xi32>
        %add3A_280 = arith.constant 0 : i32
        %add3A_281 = arith.addi %add3A_280, %add3A_248 : i32
        %get3A_282 = arith.index_cast %add3A_281 : i32 to index
        %get3A_283 = arith.constant 32 : index
        %get3A_284 = tpu.vector_load %arg12[%get3A_282, %get3A_283] {strides = array<i32>} : memref<128x128xf32, #tpu.memory_space<vmem>>, vector<16xf32>,
        tpu.vector_store_idx %arg13[%add3A_279], %get3A_284 {add = true} : memref<80896xf32, #tpu.memory_space<vmem>>[vector<16xi32>], vector<16xf32>,
        %add3A_285 = arith.constant 48 : i32
        %add3A_286 = vector.broadcast %add3A_285 : i32 to vector<16xi32>
        %add3A_287 = arith.addi %add3A_260, %add3A_286 : vector<16xi32>
        %add3A_288 = arith.constant 0 : i32
        %add3A_289 = arith.addi %add3A_288, %add3A_248 : i32
        %get3A_290 = arith.index_cast %add3A_289 : i32 to index
        %get3A_291 = arith.constant 48 : index
        %get3A_292 = tpu.vector_load %arg12[%get3A_290, %get3A_291] {strides = array<i32>} : memref<128x128xf32, #tpu.memory_space<vmem>>, vector<16xf32>,
        tpu.vector_store_idx %arg13[%add3A_287], %get3A_292 {add = true} : memref<80896xf32, #tpu.memory_space<vmem>>[vector<16xi32>], vector<16xf32>,
        %add3A_293 = arith.constant 64 : i32
        %add3A_294 = vector.broadcast %add3A_293 : i32 to vector<16xi32>
        %add3A_295 = arith.addi %add3A_260, %add3A_294 : vector<16xi32>
        %add3A_296 = arith.constant 0 : i32
        %add3A_297 = arith.addi %add3A_296, %add3A_248 : i32
        %get3A_298 = arith.index_cast %add3A_297 : i32 to index
        %get3A_299 = arith.constant 64 : index
        %get3A_300 = tpu.vector_load %arg12[%get3A_298, %get3A_299] {strides = array<i32>} : memref<128x128xf32, #tpu.memory_space<vmem>>, vector<16xf32>,
        tpu.vector_store_idx %arg13[%add3A_295], %get3A_300 {add = true} : memref<80896xf32, #tpu.memory_space<vmem>>[vector<16xi32>], vector<16xf32>,
        %add3A_301 = arith.constant 80 : i32
        %add3A_302 = vector.broadcast %add3A_301 : i32 to vector<16xi32>
        %add3A_303 = arith.addi %add3A_260, %add3A_302 : vector<16xi32>
        %add3A_304 = arith.constant 0 : i32
        %add3A_305 = arith.addi %add3A_304, %add3A_248 : i32
        %get3A_306 = arith.index_cast %add3A_305 : i32 to index
        %get3A_307 = arith.constant 80 : index
        %get3A_308 = tpu.vector_load %arg12[%get3A_306, %get3A_307] {strides = array<i32>} : memref<128x128xf32, #tpu.memory_space<vmem>>, vector<16xf32>,
        tpu.vector_store_idx %arg13[%add3A_303], %get3A_308 {add = true} : memref<80896xf32, #tpu.memory_space<vmem>>[vector<16xi32>], vector<16xf32>,
        %add3A_309 = arith.constant 96 : i32
        %add3A_310 = vector.broadcast %add3A_309 : i32 to vector<16xi32>
        %add3A_311 = arith.addi %add3A_260, %add3A_310 : vector<16xi32>
        %add3A_312 = arith.constant 0 : i32
        %add3A_313 = arith.addi %add3A_312, %add3A_248 : i32
        %get3A_314 = arith.index_cast %add3A_313 : i32 to index
        %get3A_315 = arith.constant 96 : index
        %get3A_316 = tpu.vector_load %arg12[%get3A_314, %get3A_315] {strides = array<i32>} : memref<128x128xf32, #tpu.memory_space<vmem>>, vector<16xf32>,
        tpu.vector_store_idx %arg13[%add3A_311], %get3A_316 {add = true} : memref<80896xf32, #tpu.memory_space<vmem>>[vector<16xi32>], vector<16xf32>,
        %add3A_317 = arith.constant 112 : i32
        %add3A_318 = vector.broadcast %add3A_317 : i32 to vector<16xi32>
        %add3A_319 = arith.addi %add3A_260, %add3A_318 : vector<16xi32>
        %add3A_320 = arith.constant 0 : i32
        %add3A_321 = arith.addi %add3A_320, %add3A_248 : i32
        %get3A_322 = arith.index_cast %add3A_321 : i32 to index
        %get3A_323 = arith.constant 112 : index
        %get3A_324 = tpu.vector_load %arg12[%get3A_322, %get3A_323] {strides = array<i32>} : memref<128x128xf32, #tpu.memory_space<vmem>>, vector<16xf32>,
        tpu.vector_store_idx %arg13[%add3A_319], %get3A_324 {add = true} : memref<80896xf32, #tpu.memory_space<vmem>>[vector<16xi32>], vector<16xf32>,
      }
      %scan3A_154 = arith.constant 32 : i32
      %add3A_155 = arith.constant 1 : i32
      %add3A_156 = arith.addi %add3A_142, %add3A_155 : i32
      %lt3A_157 = arith.cmpi slt, %add3A_156, %select_n3A : i32
      %convert_element_type3A_158 = arith.extui %lt3A_157 : i1 to i32
      %cond3A_159 = arith.constant 0 : i32
      %cond3A_160 = arith.cmpi ne, %convert_element_type3A_158, %cond3A_159 : i32
      scf.if %cond3A_160 {
        %add3A_165 = arith.constant 1 : i32
        %add3A_166 = arith.addi %add3A_142, %add3A_165 : i32
        %mul3A_167 = arith.constant 64 : i32
        %mul3A_168 = arith.muli %add3A_166, %mul3A_167 : i32
        %add3A_169 = arith.constant 0 : i32
        %add3A_170 = arith.addi %mul3A_168, %add3A_169 : i32
        %get3A_171 = arith.index_cast %add3A_170 : i32 to index
        %get3A_172 = tpu.vector_load %arg8[%get3A_171] {strides = array<i32>} : memref<13312xi32, #tpu.memory_space<vmem>>, vector<16xi32>,
        %swap3A_173 = arith.constant 0 : index
        %swap3A_174 = tpu.vector_load %arg10[%swap3A_173] {strides = array<i32>} : memref<64xi32, #tpu.memory_space<vmem>>, vector<16xi32>,
        tpu.vector_store %arg10[%swap3A_173], %get3A_172 {strides = array<i32>} : memref<64xi32, #tpu.memory_space<vmem>>, vector<16xi32>,
        %mul3A_175 = arith.constant 64 : i32
        %mul3A_176 = arith.muli %add3A_166, %mul3A_175 : i32
        %add3A_177 = arith.constant 16 : i32
        %add3A_178 = arith.addi %mul3A_176, %add3A_177 : i32
        %get3A_179 = arith.index_cast %add3A_178 : i32 to index
        %get3A_180 = tpu.vector_load %arg8[%get3A_179] {strides = array<i32>} : memref<13312xi32, #tpu.memory_space<vmem>>, vector<16xi32>,
        %swap3A_181 = arith.constant 16 : index
        %swap3A_182 = tpu.vector_load %arg10[%swap3A_181] {strides = array<i32>} : memref<64xi32, #tpu.memory_space<vmem>>, vector<16xi32>,
        tpu.vector_store %arg10[%swap3A_181], %get3A_180 {strides = array<i32>} : memref<64xi32, #tpu.memory_space<vmem>>, vector<16xi32>,
        %mul3A_183 = arith.constant 64 : i32
        %mul3A_184 = arith.muli %add3A_166, %mul3A_183 : i32
        %add3A_185 = arith.constant 32 : i32
        %add3A_186 = arith.addi %mul3A_184, %add3A_185 : i32
        %get3A_187 = arith.index_cast %add3A_186 : i32 to index
        %get3A_188 = tpu.vector_load %arg8[%get3A_187] {strides = array<i32>} : memref<13312xi32, #tpu.memory_space<vmem>>, vector<16xi32>,
        %swap3A_189 = arith.constant 32 : index
        %swap3A_190 = tpu.vector_load %arg10[%swap3A_189] {strides = array<i32>} : memref<64xi32, #tpu.memory_space<vmem>>, vector<16xi32>,
        tpu.vector_store %arg10[%swap3A_189], %get3A_188 {strides = array<i32>} : memref<64xi32, #tpu.memory_space<vmem>>, vector<16xi32>,
        %mul3A_191 = arith.constant 64 : i32
        %mul3A_192 = arith.muli %add3A_166, %mul3A_191 : i32
        %add3A_193 = arith.constant 48 : i32
        %add3A_194 = arith.addi %mul3A_192, %add3A_193 : i32
        %get3A_195 = arith.index_cast %add3A_194 : i32 to index
        %get3A_196 = tpu.vector_load %arg8[%get3A_195] {strides = array<i32>} : memref<13312xi32, #tpu.memory_space<vmem>>, vector<16xi32>,
        %swap3A_197 = arith.constant 48 : index
        %swap3A_198 = tpu.vector_load %arg10[%swap3A_197] {strides = array<i32>} : memref<64xi32, #tpu.memory_space<vmem>>, vector<16xi32>,
        tpu.vector_store %arg10[%swap3A_197], %get3A_196 {strides = array<i32>} : memref<64xi32, #tpu.memory_space<vmem>>, vector<16xi32>,
        %dma_start3A_199 = arith.constant 0 : i32
        %dma_start3A_200 = arith.constant 0 : i32
        %dma_start3A_201 = tpu.memref_slice %arg12[%dma_start3A_199, %dma_start3A_200] : memref<128x128xf32, #tpu.memory_space<vmem>> -> memref<64x128xf32, #tpu.memory_space<vmem>>
        %dma_start3A_202 = arith.constant 0 : i32
        %dma_start3A_203 = arith.constant 0 : i32
        %dma_start3A_204 = tpu.memref_slice %arg4[%dma_start3A_202, %dma_start3A_203] : memref<10112x128xf32, #tpu.memory_space<hbm>> -> memref<10112x128xf32, #tpu.memory_space<hbm>>
        tpu.enqueue_indirect_dma source(%dma_start3A_204 : memref<10112x128xf32, #tpu.memory_space<hbm>>) target(%dma_start3A_201 : memref<64x128xf32, #tpu.memory_space<vmem>>) offsets(%arg10 : memref<64xi32, #tpu.memory_space<vmem>>) semaphore(%arg14 : memref<!tpu.dma_semaphore, #tpu.memory_space<semaphore_mem>>)
      } else {
      }
      %lt3A_161 = arith.cmpi slt, %add3A_142, %select_n3A : i32
      %convert_element_type3A_162 = arith.extui %lt3A_161 : i1 to i32
      %cond3A_163 = arith.constant 0 : i32
      %cond3A_164 = arith.cmpi ne, %convert_element_type3A_162, %cond3A_163 : i32
      scf.if %cond3A_164 {
        %dma_wait3A_165 = arith.constant 64 : i32
        %dma_wait3A_166 = arith.constant 0 : i32
        %dma_wait3A_167 = tpu.memref_slice %arg12[%dma_wait3A_165, %dma_wait3A_166] : memref<128x128xf32, #tpu.memory_space<vmem>> -> memref<64x128xf32, #tpu.memory_space<vmem>>
        %dma_wait3A_168 = arith.constant 0 : i32
        %dma_wait3A_169 = arith.constant 0 : i32
        %dma_wait3A_170 = tpu.memref_slice %arg4[%dma_wait3A_168, %dma_wait3A_169] : memref<10112x128xf32, #tpu.memory_space<hbm>> -> memref<10112x128xf32, #tpu.memory_space<hbm>>
        tpu.wait_indirect_dma semaphore(%arg15 : memref<!tpu.dma_semaphore, #tpu.memory_space<semaphore_mem>>) src(%dma_wait3A_170 : memref<10112x128xf32, #tpu.memory_space<hbm>>) dst(%dma_wait3A_167 : memref<64x128xf32, #tpu.memory_space<vmem>>)
        %scan3A_171 = arith.constant 0 : i32
        %scan3A_172 = arith.constant 0 : i32
        %scan3A_173 = arith.constant 32 : i32
        %scan3A_174 = arith.addi %scan3A_172, %scan3A_173 : i32
        %scan3A_175 = arith.constant 1 : i32
        scf.for %scan3A_177 = %scan3A_172 to %scan3A_174 step %scan3A_175  : i32 {
          %mul3A_178 = arith.constant 2 : i32
          %mul3A_179 = arith.muli %scan3A_177, %mul3A_178 : i32
          %add3A_180 = arith.constant 0 : i32
          %add3A_181 = arith.addi %mul3A_179, %add3A_180 : i32
          %broadcast_in_dim3A_182 = arith.constant 0 : i32
          %broadcast_in_dim3A_183 = vector.broadcast %broadcast_in_dim3A_182 : i32 to vector<16xi32>
          %mul3A_184 = arith.constant 64 : i32
          %mul3A_185 = arith.muli %add3A_142, %mul3A_184 : i32
          %add3A_186 = arith.addi %mul3A_185, %add3A_181 : i32
          %add3A_187 = vector.broadcast %add3A_186 : i32 to vector<16xi32>
          %add3A_188 = arith.addi %broadcast_in_dim3A_183, %add3A_187 : vector<16xi32>
          %gather3A = tpu.vector_load_idx %arg9[%add3A_188] : memref<13312xi32, #tpu.memory_space<vmem>>[vector<16xi32>], vector<16xi32>,
          %mul3A_189 = arith.constant 128 : i32
          %mul3A_190 = vector.broadcast %mul3A_189 : i32 to vector<16xi32>
          %mul3A_191 = arith.muli %gather3A, %mul3A_190 : vector<16xi32>
          %add3A_192 = arith.addi %mul3A_191, %iota3A : vector<16xi32>
          %add3A_193 = arith.constant 0 : i32
          %add3A_194 = vector.broadcast %add3A_193 : i32 to vector<16xi32>
          %add3A_195 = arith.addi %add3A_192, %add3A_194 : vector<16xi32>
          %add3A_196 = arith.constant 64 : i32
          %add3A_197 = arith.addi %add3A_196, %add3A_181 : i32
          %get3A_198 = arith.index_cast %add3A_197 : i32 to index
          %get3A_199 = arith.constant 0 : index
          %get3A_200 = tpu.vector_load %arg12[%get3A_198, %get3A_199] {strides = array<i32>} : memref<128x128xf32, #tpu.memory_space<vmem>>, vector<16xf32>,
          tpu.vector_store_idx %arg13[%add3A_195], %get3A_200 {add = true} : memref<80896xf32, #tpu.memory_space<vmem>>[vector<16xi32>], vector<16xf32>,
          %add3A_201 = arith.constant 16 : i32
          %add3A_202 = vector.broadcast %add3A_201 : i32 to vector<16xi32>
          %add3A_203 = arith.addi %add3A_192, %add3A_202 : vector<16xi32>
          %add3A_204 = arith.constant 64 : i32
          %add3A_205 = arith.addi %add3A_204, %add3A_181 : i32
          %get3A_206 = arith.index_cast %add3A_205 : i32 to index
          %get3A_207 = arith.constant 16 : index
          %get3A_208 = tpu.vector_load %arg12[%get3A_206, %get3A_207] {strides = array<i32>} : memref<128x128xf32, #tpu.memory_space<vmem>>, vector<16xf32>,
          tpu.vector_store_idx %arg13[%add3A_203], %get3A_208 {add = true} : memref<80896xf32, #tpu.memory_space<vmem>>[vector<16xi32>], vector<16xf32>,
          %add3A_209 = arith.constant 32 : i32
          %add3A_210 = vector.broadcast %add3A_209 : i32 to vector<16xi32>
          %add3A_211 = arith.addi %add3A_192, %add3A_210 : vector<16xi32>
          %add3A_212 = arith.constant 64 : i32
          %add3A_213 = arith.addi %add3A_212, %add3A_181 : i32
          %get3A_214 = arith.index_cast %add3A_213 : i32 to index
          %get3A_215 = arith.constant 32 : index
          %get3A_216 = tpu.vector_load %arg12[%get3A_214, %get3A_215] {strides = array<i32>} : memref<128x128xf32, #tpu.memory_space<vmem>>, vector<16xf32>,
          tpu.vector_store_idx %arg13[%add3A_211], %get3A_216 {add = true} : memref<80896xf32, #tpu.memory_space<vmem>>[vector<16xi32>], vector<16xf32>,
          %add3A_217 = arith.constant 48 : i32
          %add3A_218 = vector.broadcast %add3A_217 : i32 to vector<16xi32>
          %add3A_219 = arith.addi %add3A_192, %add3A_218 : vector<16xi32>
          %add3A_220 = arith.constant 64 : i32
          %add3A_221 = arith.addi %add3A_220, %add3A_181 : i32
          %get3A_222 = arith.index_cast %add3A_221 : i32 to index
          %get3A_223 = arith.constant 48 : index
          %get3A_224 = tpu.vector_load %arg12[%get3A_222, %get3A_223] {strides = array<i32>} : memref<128x128xf32, #tpu.memory_space<vmem>>, vector<16xf32>,
          tpu.vector_store_idx %arg13[%add3A_219], %get3A_224 {add = true} : memref<80896xf32, #tpu.memory_space<vmem>>[vector<16xi32>], vector<16xf32>,
          %add3A_225 = arith.constant 64 : i32
          %add3A_226 = vector.broadcast %add3A_225 : i32 to vector<16xi32>
          %add3A_227 = arith.addi %add3A_192, %add3A_226 : vector<16xi32>
          %add3A_228 = arith.constant 64 : i32
          %add3A_229 = arith.addi %add3A_228, %add3A_181 : i32
          %get3A_230 = arith.index_cast %add3A_229 : i32 to index
          %get3A_231 = arith.constant 64 : index
          %get3A_232 = tpu.vector_load %arg12[%get3A_230, %get3A_231] {strides = array<i32>} : memref<128x128xf32, #tpu.memory_space<vmem>>, vector<16xf32>,
          tpu.vector_store_idx %arg13[%add3A_227], %get3A_232 {add = true} : memref<80896xf32, #tpu.memory_space<vmem>>[vector<16xi32>], vector<16xf32>,
          %add3A_233 = arith.constant 80 : i32
          %add3A_234 = vector.broadcast %add3A_233 : i32 to vector<16xi32>
          %add3A_235 = arith.addi %add3A_192, %add3A_234 : vector<16xi32>
          %add3A_236 = arith.constant 64 : i32
          %add3A_237 = arith.addi %add3A_236, %add3A_181 : i32
          %get3A_238 = arith.index_cast %add3A_237 : i32 to index
          %get3A_239 = arith.constant 80 : index
          %get3A_240 = tpu.vector_load %arg12[%get3A_238, %get3A_239] {strides = array<i32>} : memref<128x128xf32, #tpu.memory_space<vmem>>, vector<16xf32>,
          tpu.vector_store_idx %arg13[%add3A_235], %get3A_240 {add = true} : memref<80896xf32, #tpu.memory_space<vmem>>[vector<16xi32>], vector<16xf32>,
          %add3A_241 = arith.constant 96 : i32
          %add3A_242 = vector.broadcast %add3A_241 : i32 to vector<16xi32>
          %add3A_243 = arith.addi %add3A_192, %add3A_242 : vector<16xi32>
          %add3A_244 = arith.constant 64 : i32
          %add3A_245 = arith.addi %add3A_244, %add3A_181 : i32
          %get3A_246 = arith.index_cast %add3A_245 : i32 to index
          %get3A_247 = arith.constant 96 : index
          %get3A_248 = tpu.vector_load %arg12[%get3A_246, %get3A_247] {strides = array<i32>} : memref<128x128xf32, #tpu.memory_space<vmem>>, vector<16xf32>,
          tpu.vector_store_idx %arg13[%add3A_243], %get3A_248 {add = true} : memref<80896xf32, #tpu.memory_space<vmem>>[vector<16xi32>], vector<16xf32>,
          %add3A_249 = arith.constant 112 : i32
          %add3A_250 = vector.broadcast %add3A_249 : i32 to vector<16xi32>
          %add3A_251 = arith.addi %add3A_192, %add3A_250 : vector<16xi32>
          %add3A_252 = arith.constant 64 : i32
          %add3A_253 = arith.addi %add3A_252, %add3A_181 : i32
          %get3A_254 = arith.index_cast %add3A_253 : i32 to index
          %get3A_255 = arith.constant 112 : index
          %get3A_256 = tpu.vector_load %arg12[%get3A_254, %get3A_255] {strides = array<i32>} : memref<128x128xf32, #tpu.memory_space<vmem>>, vector<16xf32>,
          tpu.vector_store_idx %arg13[%add3A_251], %get3A_256 {add = true} : memref<80896xf32, #tpu.memory_space<vmem>>[vector<16xi32>], vector<16xf32>,
          %mul3A_257 = arith.constant 2 : i32
          %mul3A_258 = arith.muli %scan3A_177, %mul3A_257 : i32
          %add3A_259 = arith.constant 1 : i32
          %add3A_260 = arith.addi %mul3A_258, %add3A_259 : i32
          %broadcast_in_dim3A_261 = arith.constant 0 : i32
          %broadcast_in_dim3A_262 = vector.broadcast %broadcast_in_dim3A_261 : i32 to vector<16xi32>
          %mul3A_263 = arith.constant 64 : i32
          %mul3A_264 = arith.muli %add3A_142, %mul3A_263 : i32
          %add3A_265 = arith.addi %mul3A_264, %add3A_260 : i32
          %add3A_266 = vector.broadcast %add3A_265 : i32 to vector<16xi32>
          %add3A_267 = arith.addi %broadcast_in_dim3A_262, %add3A_266 : vector<16xi32>
          %gather3A_268 = tpu.vector_load_idx %arg9[%add3A_267] : memref<13312xi32, #tpu.memory_space<vmem>>[vector<16xi32>], vector<16xi32>,
          %mul3A_269 = arith.constant 128 : i32
          %mul3A_270 = vector.broadcast %mul3A_269 : i32 to vector<16xi32>
          %mul3A_271 = arith.muli %gather3A_268, %mul3A_270 : vector<16xi32>
          %add3A_272 = arith.addi %mul3A_271, %iota3A : vector<16xi32>
          %add3A_273 = arith.constant 0 : i32
          %add3A_274 = vector.broadcast %add3A_273 : i32 to vector<16xi32>
          %add3A_275 = arith.addi %add3A_272, %add3A_274 : vector<16xi32>
          %add3A_276 = arith.constant 64 : i32
          %add3A_277 = arith.addi %add3A_276, %add3A_260 : i32
          %get3A_278 = arith.index_cast %add3A_277 : i32 to index
          %get3A_279 = arith.constant 0 : index
          %get3A_280 = tpu.vector_load %arg12[%get3A_278, %get3A_279] {strides = array<i32>} : memref<128x128xf32, #tpu.memory_space<vmem>>, vector<16xf32>,
          tpu.vector_store_idx %arg13[%add3A_275], %get3A_280 {add = true} : memref<80896xf32, #tpu.memory_space<vmem>>[vector<16xi32>], vector<16xf32>,
          %add3A_281 = arith.constant 16 : i32
          %add3A_282 = vector.broadcast %add3A_281 : i32 to vector<16xi32>
          %add3A_283 = arith.addi %add3A_272, %add3A_282 : vector<16xi32>
          %add3A_284 = arith.constant 64 : i32
          %add3A_285 = arith.addi %add3A_284, %add3A_260 : i32
          %get3A_286 = arith.index_cast %add3A_285 : i32 to index
          %get3A_287 = arith.constant 16 : index
          %get3A_288 = tpu.vector_load %arg12[%get3A_286, %get3A_287] {strides = array<i32>} : memref<128x128xf32, #tpu.memory_space<vmem>>, vector<16xf32>,
          tpu.vector_store_idx %arg13[%add3A_283], %get3A_288 {add = true} : memref<80896xf32, #tpu.memory_space<vmem>>[vector<16xi32>], vector<16xf32>,
          %add3A_289 = arith.constant 32 : i32
          %add3A_290 = vector.broadcast %add3A_289 : i32 to vector<16xi32>
          %add3A_291 = arith.addi %add3A_272, %add3A_290 : vector<16xi32>
          %add3A_292 = arith.constant 64 : i32
          %add3A_293 = arith.addi %add3A_292, %add3A_260 : i32
          %get3A_294 = arith.index_cast %add3A_293 : i32 to index
          %get3A_295 = arith.constant 32 : index
          %get3A_296 = tpu.vector_load %arg12[%get3A_294, %get3A_295] {strides = array<i32>} : memref<128x128xf32, #tpu.memory_space<vmem>>, vector<16xf32>,
          tpu.vector_store_idx %arg13[%add3A_291], %get3A_296 {add = true} : memref<80896xf32, #tpu.memory_space<vmem>>[vector<16xi32>], vector<16xf32>,
          %add3A_297 = arith.constant 48 : i32
          %add3A_298 = vector.broadcast %add3A_297 : i32 to vector<16xi32>
          %add3A_299 = arith.addi %add3A_272, %add3A_298 : vector<16xi32>
          %add3A_300 = arith.constant 64 : i32
          %add3A_301 = arith.addi %add3A_300, %add3A_260 : i32
          %get3A_302 = arith.index_cast %add3A_301 : i32 to index
          %get3A_303 = arith.constant 48 : index
          %get3A_304 = tpu.vector_load %arg12[%get3A_302, %get3A_303] {strides = array<i32>} : memref<128x128xf32, #tpu.memory_space<vmem>>, vector<16xf32>,
          tpu.vector_store_idx %arg13[%add3A_299], %get3A_304 {add = true} : memref<80896xf32, #tpu.memory_space<vmem>>[vector<16xi32>], vector<16xf32>,
          %add3A_305 = arith.constant 64 : i32
          %add3A_306 = vector.broadcast %add3A_305 : i32 to vector<16xi32>
          %add3A_307 = arith.addi %add3A_272, %add3A_306 : vector<16xi32>
          %add3A_308 = arith.constant 64 : i32
          %add3A_309 = arith.addi %add3A_308, %add3A_260 : i32
          %get3A_310 = arith.index_cast %add3A_309 : i32 to index
          %get3A_311 = arith.constant 64 : index
          %get3A_312 = tpu.vector_load %arg12[%get3A_310, %get3A_311] {strides = array<i32>} : memref<128x128xf32, #tpu.memory_space<vmem>>, vector<16xf32>,
          tpu.vector_store_idx %arg13[%add3A_307], %get3A_312 {add = true} : memref<80896xf32, #tpu.memory_space<vmem>>[vector<16xi32>], vector<16xf32>,
          %add3A_313 = arith.constant 80 : i32
          %add3A_314 = vector.broadcast %add3A_313 : i32 to vector<16xi32>
          %add3A_315 = arith.addi %add3A_272, %add3A_314 : vector<16xi32>
          %add3A_316 = arith.constant 64 : i32
          %add3A_317 = arith.addi %add3A_316, %add3A_260 : i32
          %get3A_318 = arith.index_cast %add3A_317 : i32 to index
          %get3A_319 = arith.constant 80 : index
          %get3A_320 = tpu.vector_load %arg12[%get3A_318, %get3A_319] {strides = array<i32>} : memref<128x128xf32, #tpu.memory_space<vmem>>, vector<16xf32>,
          tpu.vector_store_idx %arg13[%add3A_315], %get3A_320 {add = true} : memref<80896xf32, #tpu.memory_space<vmem>>[vector<16xi32>], vector<16xf32>,
          %add3A_321 = arith.constant 96 : i32
          %add3A_322 = vector.broadcast %add3A_321 : i32 to vector<16xi32>
          %add3A_323 = arith.addi %add3A_272, %add3A_322 : vector<16xi32>
          %add3A_324 = arith.constant 64 : i32
          %add3A_325 = arith.addi %add3A_324, %add3A_260 : i32
          %get3A_326 = arith.index_cast %add3A_325 : i32 to index
          %get3A_327 = arith.constant 96 : index
          %get3A_328 = tpu.vector_load %arg12[%get3A_326, %get3A_327] {strides = array<i32>} : memref<128x128xf32, #tpu.memory_space<vmem>>, vector<16xf32>,
          tpu.vector_store_idx %arg13[%add3A_323], %get3A_328 {add = true} : memref<80896xf32, #tpu.memory_space<vmem>>[vector<16xi32>], vector<16xf32>,
          %add3A_329 = arith.constant 112 : i32
          %add3A_330 = vector.broadcast %add3A_329 : i32 to vector<16xi32>
          %add3A_331 = arith.addi %add3A_272, %add3A_330 : vector<16xi32>
          %add3A_332 = arith.constant 64 : i32
          %add3A_333 = arith.addi %add3A_332, %add3A_260 : i32
          %get3A_334 = arith.index_cast %add3A_333 : i32 to index
          %get3A_335 = arith.constant 112 : index
          %get3A_336 = tpu.vector_load %arg12[%get3A_334, %get3A_335] {strides = array<i32>} : memref<128x128xf32, #tpu.memory_space<vmem>>, vector<16xf32>,
          tpu.vector_store_idx %arg13[%add3A_331], %get3A_336 {add = true} : memref<80896xf32, #tpu.memory_space<vmem>>[vector<16xi32>], vector<16xf32>,
        }
        %scan3A_176 = arith.constant 32 : i32
      } else {
      }
    }
    %while3A_130 = arith.constant 1 : i32
    scf.for %while3A_138 = %while3A_128 to %while3A_124 step %while3A_130  : i32 {
      %mul3A_139 = arith.constant 2 : i32
      %mul3A_140 = arith.muli %mul3A_139, %while3A_138 : i32
      %add3A_141 = arith.constant 1 : i32
      %add3A_142 = arith.addi %mul3A_140, %add3A_141 : i32
      %lt3A = arith.cmpi slt, %add3A_142, %select_n3A : i32
      %convert_element_type3A = arith.extui %lt3A : i1 to i32
      %cond3A = arith.constant 0 : i32
      %cond3A_143 = arith.cmpi ne, %convert_element_type3A, %cond3A : i32
      scf.if %cond3A_143 {
        %mul3A_165 = arith.constant 64 : i32
        %mul3A_166 = arith.muli %add3A_142, %mul3A_165 : i32
        %add3A_167 = arith.constant 0 : i32
        %add3A_168 = arith.addi %mul3A_166, %add3A_167 : i32
        %get3A_169 = arith.index_cast %add3A_168 : i32 to index
        %get3A_170 = tpu.vector_load %arg8[%get3A_169] {strides = array<i32>} : memref<13312xi32, #tpu.memory_space<vmem>>, vector<16xi32>,
        %swap3A_171 = arith.constant 0 : index
        %swap3A_172 = tpu.vector_load %arg11[%swap3A_171] {strides = array<i32>} : memref<64xi32, #tpu.memory_space<vmem>>, vector<16xi32>,
        tpu.vector_store %arg11[%swap3A_171], %get3A_170 {strides = array<i32>} : memref<64xi32, #tpu.memory_space<vmem>>, vector<16xi32>,
        %mul3A_173 = arith.constant 64 : i32
        %mul3A_174 = arith.muli %add3A_142, %mul3A_173 : i32
        %add3A_175 = arith.constant 16 : i32
        %add3A_176 = arith.addi %mul3A_174, %add3A_175 : i32
        %get3A_177 = arith.index_cast %add3A_176 : i32 to index
        %get3A_178 = tpu.vector_load %arg8[%get3A_177] {strides = array<i32>} : memref<13312xi32, #tpu.memory_space<vmem>>, vector<16xi32>,
        %swap3A_179 = arith.constant 16 : index
        %swap3A_180 = tpu.vector_load %arg11[%swap3A_179] {strides = array<i32>} : memref<64xi32, #tpu.memory_space<vmem>>, vector<16xi32>,
        tpu.vector_store %arg11[%swap3A_179], %get3A_178 {strides = array<i32>} : memref<64xi32, #tpu.memory_space<vmem>>, vector<16xi32>,
        %mul3A_181 = arith.constant 64 : i32
        %mul3A_182 = arith.muli %add3A_142, %mul3A_181 : i32
        %add3A_183 = arith.constant 32 : i32
        %add3A_184 = arith.addi %mul3A_182, %add3A_183 : i32
        %get3A_185 = arith.index_cast %add3A_184 : i32 to index
        %get3A_186 = tpu.vector_load %arg8[%get3A_185] {strides = array<i32>} : memref<13312xi32, #tpu.memory_space<vmem>>, vector<16xi32>,
        %swap3A_187 = arith.constant 32 : index
        %swap3A_188 = tpu.vector_load %arg11[%swap3A_187] {strides = array<i32>} : memref<64xi32, #tpu.memory_space<vmem>>, vector<16xi32>,
        tpu.vector_store %arg11[%swap3A_187], %get3A_186 {strides = array<i32>} : memref<64xi32, #tpu.memory_space<vmem>>, vector<16xi32>,
        %mul3A_189 = arith.constant 64 : i32
        %mul3A_190 = arith.muli %add3A_142, %mul3A_189 : i32
        %add3A_191 = arith.constant 48 : i32
        %add3A_192 = arith.addi %mul3A_190, %add3A_191 : i32
        %get3A_193 = arith.index_cast %add3A_192 : i32 to index
        %get3A_194 = tpu.vector_load %arg8[%get3A_193] {strides = array<i32>} : memref<13312xi32, #tpu.memory_space<vmem>>, vector<16xi32>,
        %swap3A_195 = arith.constant 48 : index
        %swap3A_196 = tpu.vector_load %arg11[%swap3A_195] {strides = array<i32>} : memref<64xi32, #tpu.memory_space<vmem>>, vector<16xi32>,
        tpu.vector_store %arg11[%swap3A_195], %get3A_194 {strides = array<i32>} : memref<64xi32, #tpu.memory_space<vmem>>, vector<16xi32>,
        %dma_start3A_197 = arith.constant 64 : i32
        %dma_start3A_198 = arith.constant 0 : i32
        %dma_start3A_199 = tpu.memref_slice %arg12[%dma_start3A_197, %dma_start3A_198] : memref<128x128xf32, #tpu.memory_space<vmem>> -> memref<64x128xf32, #tpu.memory_space<vmem>>
        %dma_start3A_200 = arith.constant 0 : i32
        %dma_start3A_201 = arith.constant 0 : i32
        %dma_start3A_202 = tpu.memref_slice %arg4[%dma_start3A_200, %dma_start3A_201] : memref<10112x128xf32, #tpu.memory_space<hbm>> -> memref<10112x128xf32, #tpu.memory_space<hbm>>
        tpu.enqueue_indirect_dma source(%dma_start3A_202 : memref<10112x128xf32, #tpu.memory_space<hbm>>) target(%dma_start3A_199 : memref<64x128xf32, #tpu.memory_space<vmem>>) offsets(%arg11 : memref<64xi32, #tpu.memory_space<vmem>>) semaphore(%arg15 : memref<!tpu.dma_semaphore, #tpu.memory_space<semaphore_mem>>)
      } else {
      }
      %dma_wait3A = arith.constant 0 : i32
      %dma_wait3A_144 = arith.constant 0 : i32
      %dma_wait3A_145 = tpu.memref_slice %arg12[%dma_wait3A, %dma_wait3A_144] : memref<128x128xf32, #tpu.memory_space<vmem>> -> memref<64x128xf32, #tpu.memory_space<vmem>>
      %dma_wait3A_146 = arith.constant 0 : i32
      %dma_wait3A_147 = arith.constant 0 : i32
      %dma_wait3A_148 = tpu.memref_slice %arg4[%dma_wait3A_146, %dma_wait3A_147] : memref<10112x128xf32, #tpu.memory_space<hbm>> -> memref<10112x128xf32, #tpu.memory_space<hbm>>
      tpu.wait_indirect_dma semaphore(%arg14 : memref<!tpu.dma_semaphore, #tpu.memory_space<semaphore_mem>>) src(%dma_wait3A_148 : memref<10112x128xf32, #tpu.memory_space<hbm>>) dst(%dma_wait3A_145 : memref<64x128xf32, #tpu.memory_space<vmem>>)
      %scan3A_149 = arith.constant 0 : i32
      %scan3A_150 = arith.constant 0 : i32
      %scan3A_151 = arith.constant 32 : i32
      %scan3A_152 = arith.addi %scan3A_150, %scan3A_151 : i32
      %scan3A_153 = arith.constant 1 : i32
      scf.for %scan3A_165 = %scan3A_150 to %scan3A_152 step %scan3A_153  : i32 {
        %mul3A_166 = arith.constant 2 : i32
        %mul3A_167 = arith.muli %scan3A_165, %mul3A_166 : i32
        %add3A_168 = arith.constant 0 : i32
        %add3A_169 = arith.addi %mul3A_167, %add3A_168 : i32
        %broadcast_in_dim3A_170 = arith.constant 0 : i32
        %broadcast_in_dim3A_171 = vector.broadcast %broadcast_in_dim3A_170 : i32 to vector<16xi32>
        %mul3A_172 = arith.constant 64 : i32
        %mul3A_173 = arith.muli %mul3A_140, %mul3A_172 : i32
        %add3A_174 = arith.addi %mul3A_173, %add3A_169 : i32
        %add3A_175 = vector.broadcast %add3A_174 : i32 to vector<16xi32>
        %add3A_176 = arith.addi %broadcast_in_dim3A_171, %add3A_175 : vector<16xi32>
        %gather3A = tpu.vector_load_idx %arg9[%add3A_176] : memref<13312xi32, #tpu.memory_space<vmem>>[vector<16xi32>], vector<16xi32>,
        %mul3A_177 = arith.constant 128 : i32
        %mul3A_178 = vector.broadcast %mul3A_177 : i32 to vector<16xi32>
        %mul3A_179 = arith.muli %gather3A, %mul3A_178 : vector<16xi32>
        %add3A_180 = arith.addi %mul3A_179, %iota3A : vector<16xi32>
        %add3A_181 = arith.constant 0 : i32
        %add3A_182 = vector.broadcast %add3A_181 : i32 to vector<16xi32>
        %add3A_183 = arith.addi %add3A_180, %add3A_182 : vector<16xi32>
        %add3A_184 = arith.constant 0 : i32
        %add3A_185 = arith.addi %add3A_184, %add3A_169 : i32
        %get3A_186 = arith.index_cast %add3A_185 : i32 to index
        %get3A_187 = arith.constant 0 : index
        %get3A_188 = tpu.vector_load %arg12[%get3A_186, %get3A_187] {strides = array<i32>} : memref<128x128xf32, #tpu.memory_space<vmem>>, vector<16xf32>,
        tpu.vector_store_idx %arg13[%add3A_183], %get3A_188 {add = true} : memref<80896xf32, #tpu.memory_space<vmem>>[vector<16xi32>], vector<16xf32>,
        %add3A_189 = arith.constant 16 : i32
        %add3A_190 = vector.broadcast %add3A_189 : i32 to vector<16xi32>
        %add3A_191 = arith.addi %add3A_180, %add3A_190 : vector<16xi32>
        %add3A_192 = arith.constant 0 : i32
        %add3A_193 = arith.addi %add3A_192, %add3A_169 : i32
        %get3A_194 = arith.index_cast %add3A_193 : i32 to index
        %get3A_195 = arith.constant 16 : index
        %get3A_196 = tpu.vector_load %arg12[%get3A_194, %get3A_195] {strides = array<i32>} : memref<128x128xf32, #tpu.memory_space<vmem>>, vector<16xf32>,
        tpu.vector_store_idx %arg13[%add3A_191], %get3A_196 {add = true} : memref<80896xf32, #tpu.memory_space<vmem>>[vector<16xi32>], vector<16xf32>,
        %add3A_197 = arith.constant 32 : i32
        %add3A_198 = vector.broadcast %add3A_197 : i32 to vector<16xi32>
        %add3A_199 = arith.addi %add3A_180, %add3A_198 : vector<16xi32>
        %add3A_200 = arith.constant 0 : i32
        %add3A_201 = arith.addi %add3A_200, %add3A_169 : i32
        %get3A_202 = arith.index_cast %add3A_201 : i32 to index
        %get3A_203 = arith.constant 32 : index
        %get3A_204 = tpu.vector_load %arg12[%get3A_202, %get3A_203] {strides = array<i32>} : memref<128x128xf32, #tpu.memory_space<vmem>>, vector<16xf32>,
        tpu.vector_store_idx %arg13[%add3A_199], %get3A_204 {add = true} : memref<80896xf32, #tpu.memory_space<vmem>>[vector<16xi32>], vector<16xf32>,
        %add3A_205 = arith.constant 48 : i32
        %add3A_206 = vector.broadcast %add3A_205 : i32 to vector<16xi32>
        %add3A_207 = arith.addi %add3A_180, %add3A_206 : vector<16xi32>
        %add3A_208 = arith.constant 0 : i32
        %add3A_209 = arith.addi %add3A_208, %add3A_169 : i32
        %get3A_210 = arith.index_cast %add3A_209 : i32 to index
        %get3A_211 = arith.constant 48 : index
        %get3A_212 = tpu.vector_load %arg12[%get3A_210, %get3A_211] {strides = array<i32>} : memref<128x128xf32, #tpu.memory_space<vmem>>, vector<16xf32>,
        tpu.vector_store_idx %arg13[%add3A_207], %get3A_212 {add = true} : memref<80896xf32, #tpu.memory_space<vmem>>[vector<16xi32>], vector<16xf32>,
        %add3A_213 = arith.constant 64 : i32
        %add3A_214 = vector.broadcast %add3A_213 : i32 to vector<16xi32>
        %add3A_215 = arith.addi %add3A_180, %add3A_214 : vector<16xi32>
        %add3A_216 = arith.constant 0 : i32
        %add3A_217 = arith.addi %add3A_216, %add3A_169 : i32
        %get3A_218 = arith.index_cast %add3A_217 : i32 to index
        %get3A_219 = arith.constant 64 : index
        %get3A_220 = tpu.vector_load %arg12[%get3A_218, %get3A_219] {strides = array<i32>} : memref<128x128xf32, #tpu.memory_space<vmem>>, vector<16xf32>,
        tpu.vector_store_idx %arg13[%add3A_215], %get3A_220 {add = true} : memref<80896xf32, #tpu.memory_space<vmem>>[vector<16xi32>], vector<16xf32>,
        %add3A_221 = arith.constant 80 : i32
        %add3A_222 = vector.broadcast %add3A_221 : i32 to vector<16xi32>
        %add3A_223 = arith.addi %add3A_180, %add3A_222 : vector<16xi32>
        %add3A_224 = arith.constant 0 : i32
        %add3A_225 = arith.addi %add3A_224, %add3A_169 : i32
        %get3A_226 = arith.index_cast %add3A_225 : i32 to index
        %get3A_227 = arith.constant 80 : index
        %get3A_228 = tpu.vector_load %arg12[%get3A_226, %get3A_227] {strides = array<i32>} : memref<128x128xf32, #tpu.memory_space<vmem>>, vector<16xf32>,
        tpu.vector_store_idx %arg13[%add3A_223], %get3A_228 {add = true} : memref<80896xf32, #tpu.memory_space<vmem>>[vector<16xi32>], vector<16xf32>,
        %add3A_229 = arith.constant 96 : i32
        %add3A_230 = vector.broadcast %add3A_229 : i32 to vector<16xi32>
        %add3A_231 = arith.addi %add3A_180, %add3A_230 : vector<16xi32>
        %add3A_232 = arith.constant 0 : i32
        %add3A_233 = arith.addi %add3A_232, %add3A_169 : i32
        %get3A_234 = arith.index_cast %add3A_233 : i32 to index
        %get3A_235 = arith.constant 96 : index
        %get3A_236 = tpu.vector_load %arg12[%get3A_234, %get3A_235] {strides = array<i32>} : memref<128x128xf32, #tpu.memory_space<vmem>>, vector<16xf32>,
        tpu.vector_store_idx %arg13[%add3A_231], %get3A_236 {add = true} : memref<80896xf32, #tpu.memory_space<vmem>>[vector<16xi32>], vector<16xf32>,
        %add3A_237 = arith.constant 112 : i32
        %add3A_238 = vector.broadcast %add3A_237 : i32 to vector<16xi32>
        %add3A_239 = arith.addi %add3A_180, %add3A_238 : vector<16xi32>
        %add3A_240 = arith.constant 0 : i32
        %add3A_241 = arith.addi %add3A_240, %add3A_169 : i32
        %get3A_242 = arith.index_cast %add3A_241 : i32 to index
        %get3A_243 = arith.constant 112 : index
        %get3A_244 = tpu.vector_load %arg12[%get3A_242, %get3A_243] {strides = array<i32>} : memref<128x128xf32, #tpu.memory_space<vmem>>, vector<16xf32>,
        tpu.vector_store_idx %arg13[%add3A_239], %get3A_244 {add = true} : memref<80896xf32, #tpu.memory_space<vmem>>[vector<16xi32>], vector<16xf32>,
        %mul3A_245 = arith.constant 2 : i32
        %mul3A_246 = arith.muli %scan3A_165, %mul3A_245 : i32
        %add3A_247 = arith.constant 1 : i32
        %add3A_248 = arith.addi %mul3A_246, %add3A_247 : i32
        %broadcast_in_dim3A_249 = arith.constant 0 : i32
        %broadcast_in_dim3A_250 = vector.broadcast %broadcast_in_dim3A_249 : i32 to vector<16xi32>
        %mul3A_251 = arith.constant 64 : i32
        %mul3A_252 = arith.muli %mul3A_140, %mul3A_251 : i32
        %add3A_253 = arith.addi %mul3A_252, %add3A_248 : i32
        %add3A_254 = vector.broadcast %add3A_253 : i32 to vector<16xi32>
        %add3A_255 = arith.addi %broadcast_in_dim3A_250, %add3A_254 : vector<16xi32>
        %gather3A_256 = tpu.vector_load_idx %arg9[%add3A_255] : memref<13312xi32, #tpu.memory_space<vmem>>[vector<16xi32>], vector<16xi32>,
        %mul3A_257 = arith.constant 128 : i32
        %mul3A_258 = vector.broadcast %mul3A_257 : i32 to vector<16xi32>
        %mul3A_259 = arith.muli %gather3A_256, %mul3A_258 : vector<16xi32>
        %add3A_260 = arith.addi %mul3A_259, %iota3A : vector<16xi32>
        %add3A_261 = arith.constant 0 : i32
        %add3A_262 = vector.broadcast %add3A_261 : i32 to vector<16xi32>
        %add3A_263 = arith.addi %add3A_260, %add3A_262 : vector<16xi32>
        %add3A_264 = arith.constant 0 : i32
        %add3A_265 = arith.addi %add3A_264, %add3A_248 : i32
        %get3A_266 = arith.index_cast %add3A_265 : i32 to index
        %get3A_267 = arith.constant 0 : index
        %get3A_268 = tpu.vector_load %arg12[%get3A_266, %get3A_267] {strides = array<i32>} : memref<128x128xf32, #tpu.memory_space<vmem>>, vector<16xf32>,
        tpu.vector_store_idx %arg13[%add3A_263], %get3A_268 {add = true} : memref<80896xf32, #tpu.memory_space<vmem>>[vector<16xi32>], vector<16xf32>,
        %add3A_269 = arith.constant 16 : i32
        %add3A_270 = vector.broadcast %add3A_269 : i32 to vector<16xi32>
        %add3A_271 = arith.addi %add3A_260, %add3A_270 : vector<16xi32>
        %add3A_272 = arith.constant 0 : i32
        %add3A_273 = arith.addi %add3A_272, %add3A_248 : i32
        %get3A_274 = arith.index_cast %add3A_273 : i32 to index
        %get3A_275 = arith.constant 16 : index
        %get3A_276 = tpu.vector_load %arg12[%get3A_274, %get3A_275] {strides = array<i32>} : memref<128x128xf32, #tpu.memory_space<vmem>>, vector<16xf32>,
        tpu.vector_store_idx %arg13[%add3A_271], %get3A_276 {add = true} : memref<80896xf32, #tpu.memory_space<vmem>>[vector<16xi32>], vector<16xf32>,
        %add3A_277 = arith.constant 32 : i32
        %add3A_278 = vector.broadcast %add3A_277 : i32 to vector<16xi32>
        %add3A_279 = arith.addi %add3A_260, %add3A_278 : vector<16xi32>
        %add3A_280 = arith.constant 0 : i32
        %add3A_281 = arith.addi %add3A_280, %add3A_248 : i32
        %get3A_282 = arith.index_cast %add3A_281 : i32 to index
        %get3A_283 = arith.constant 32 : index
        %get3A_284 = tpu.vector_load %arg12[%get3A_282, %get3A_283] {strides = array<i32>} : memref<128x128xf32, #tpu.memory_space<vmem>>, vector<16xf32>,
        tpu.vector_store_idx %arg13[%add3A_279], %get3A_284 {add = true} : memref<80896xf32, #tpu.memory_space<vmem>>[vector<16xi32>], vector<16xf32>,
        %add3A_285 = arith.constant 48 : i32
        %add3A_286 = vector.broadcast %add3A_285 : i32 to vector<16xi32>
        %add3A_287 = arith.addi %add3A_260, %add3A_286 : vector<16xi32>
        %add3A_288 = arith.constant 0 : i32
        %add3A_289 = arith.addi %add3A_288, %add3A_248 : i32
        %get3A_290 = arith.index_cast %add3A_289 : i32 to index
        %get3A_291 = arith.constant 48 : index
        %get3A_292 = tpu.vector_load %arg12[%get3A_290, %get3A_291] {strides = array<i32>} : memref<128x128xf32, #tpu.memory_space<vmem>>, vector<16xf32>,
        tpu.vector_store_idx %arg13[%add3A_287], %get3A_292 {add = true} : memref<80896xf32, #tpu.memory_space<vmem>>[vector<16xi32>], vector<16xf32>,
        %add3A_293 = arith.constant 64 : i32
        %add3A_294 = vector.broadcast %add3A_293 : i32 to vector<16xi32>
        %add3A_295 = arith.addi %add3A_260, %add3A_294 : vector<16xi32>
        %add3A_296 = arith.constant 0 : i32
        %add3A_297 = arith.addi %add3A_296, %add3A_248 : i32
        %get3A_298 = arith.index_cast %add3A_297 : i32 to index
        %get3A_299 = arith.constant 64 : index
        %get3A_300 = tpu.vector_load %arg12[%get3A_298, %get3A_299] {strides = array<i32>} : memref<128x128xf32, #tpu.memory_space<vmem>>, vector<16xf32>,
        tpu.vector_store_idx %arg13[%add3A_295], %get3A_300 {add = true} : memref<80896xf32, #tpu.memory_space<vmem>>[vector<16xi32>], vector<16xf32>,
        %add3A_301 = arith.constant 80 : i32
        %add3A_302 = vector.broadcast %add3A_301 : i32 to vector<16xi32>
        %add3A_303 = arith.addi %add3A_260, %add3A_302 : vector<16xi32>
        %add3A_304 = arith.constant 0 : i32
        %add3A_305 = arith.addi %add3A_304, %add3A_248 : i32
        %get3A_306 = arith.index_cast %add3A_305 : i32 to index
        %get3A_307 = arith.constant 80 : index
        %get3A_308 = tpu.vector_load %arg12[%get3A_306, %get3A_307] {strides = array<i32>} : memref<128x128xf32, #tpu.memory_space<vmem>>, vector<16xf32>,
        tpu.vector_store_idx %arg13[%add3A_303], %get3A_308 {add = true} : memref<80896xf32, #tpu.memory_space<vmem>>[vector<16xi32>], vector<16xf32>,
        %add3A_309 = arith.constant 96 : i32
        %add3A_310 = vector.broadcast %add3A_309 : i32 to vector<16xi32>
        %add3A_311 = arith.addi %add3A_260, %add3A_310 : vector<16xi32>
        %add3A_312 = arith.constant 0 : i32
        %add3A_313 = arith.addi %add3A_312, %add3A_248 : i32
        %get3A_314 = arith.index_cast %add3A_313 : i32 to index
        %get3A_315 = arith.constant 96 : index
        %get3A_316 = tpu.vector_load %arg12[%get3A_314, %get3A_315] {strides = array<i32>} : memref<128x128xf32, #tpu.memory_space<vmem>>, vector<16xf32>,
        tpu.vector_store_idx %arg13[%add3A_311], %get3A_316 {add = true} : memref<80896xf32, #tpu.memory_space<vmem>>[vector<16xi32>], vector<16xf32>,
        %add3A_317 = arith.constant 112 : i32
        %add3A_318 = vector.broadcast %add3A_317 : i32 to vector<16xi32>
        %add3A_319 = arith.addi %add3A_260, %add3A_318 : vector<16xi32>
        %add3A_320 = arith.constant 0 : i32
        %add3A_321 = arith.addi %add3A_320, %add3A_248 : i32
        %get3A_322 = arith.index_cast %add3A_321 : i32 to index
        %get3A_323 = arith.constant 112 : index
        %get3A_324 = tpu.vector_load %arg12[%get3A_322, %get3A_323] {strides = array<i32>} : memref<128x128xf32, #tpu.memory_space<vmem>>, vector<16xf32>,
        tpu.vector_store_idx %arg13[%add3A_319], %get3A_324 {add = true} : memref<80896xf32, #tpu.memory_space<vmem>>[vector<16xi32>], vector<16xf32>,
      }
      %scan3A_154 = arith.constant 32 : i32
      %add3A_155 = arith.constant 1 : i32
      %add3A_156 = arith.addi %add3A_142, %add3A_155 : i32
      %lt3A_157 = arith.cmpi slt, %add3A_156, %select_n3A : i32
      %convert_element_type3A_158 = arith.extui %lt3A_157 : i1 to i32
      %cond3A_159 = arith.constant 0 : i32
      %cond3A_160 = arith.cmpi ne, %convert_element_type3A_158, %cond3A_159 : i32
      scf.if %cond3A_160 {
        %add3A_165 = arith.constant 1 : i32
        %add3A_166 = arith.addi %add3A_142, %add3A_165 : i32
        %mul3A_167 = arith.constant 64 : i32
        %mul3A_168 = arith.muli %add3A_166, %mul3A_167 : i32
        %add3A_169 = arith.constant 0 : i32
        %add3A_170 = arith.addi %mul3A_168, %add3A_169 : i32
        %get3A_171 = arith.index_cast %add3A_170 : i32 to index
        %get3A_172 = tpu.vector_load %arg8[%get3A_171] {strides = array<i32>} : memref<13312xi32, #tpu.memory_space<vmem>>, vector<16xi32>,
        %swap3A_173 = arith.constant 0 : index
        %swap3A_174 = tpu.vector_load %arg10[%swap3A_173] {strides = array<i32>} : memref<64xi32, #tpu.memory_space<vmem>>, vector<16xi32>,
        tpu.vector_store %arg10[%swap3A_173], %get3A_172 {strides = array<i32>} : memref<64xi32, #tpu.memory_space<vmem>>, vector<16xi32>,
        %mul3A_175 = arith.constant 64 : i32
        %mul3A_176 = arith.muli %add3A_166, %mul3A_175 : i32
        %add3A_177 = arith.constant 16 : i32
        %add3A_178 = arith.addi %mul3A_176, %add3A_177 : i32
        %get3A_179 = arith.index_cast %add3A_178 : i32 to index
        %get3A_180 = tpu.vector_load %arg8[%get3A_179] {strides = array<i32>} : memref<13312xi32, #tpu.memory_space<vmem>>, vector<16xi32>,
        %swap3A_181 = arith.constant 16 : index
        %swap3A_182 = tpu.vector_load %arg10[%swap3A_181] {strides = array<i32>} : memref<64xi32, #tpu.memory_space<vmem>>, vector<16xi32>,
        tpu.vector_store %arg10[%swap3A_181], %get3A_180 {strides = array<i32>} : memref<64xi32, #tpu.memory_space<vmem>>, vector<16xi32>,
        %mul3A_183 = arith.constant 64 : i32
        %mul3A_184 = arith.muli %add3A_166, %mul3A_183 : i32
        %add3A_185 = arith.constant 32 : i32
        %add3A_186 = arith.addi %mul3A_184, %add3A_185 : i32
        %get3A_187 = arith.index_cast %add3A_186 : i32 to index
        %get3A_188 = tpu.vector_load %arg8[%get3A_187] {strides = array<i32>} : memref<13312xi32, #tpu.memory_space<vmem>>, vector<16xi32>,
        %swap3A_189 = arith.constant 32 : index
        %swap3A_190 = tpu.vector_load %arg10[%swap3A_189] {strides = array<i32>} : memref<64xi32, #tpu.memory_space<vmem>>, vector<16xi32>,
        tpu.vector_store %arg10[%swap3A_189], %get3A_188 {strides = array<i32>} : memref<64xi32, #tpu.memory_space<vmem>>, vector<16xi32>,
        %mul3A_191 = arith.constant 64 : i32
        %mul3A_192 = arith.muli %add3A_166, %mul3A_191 : i32
        %add3A_193 = arith.constant 48 : i32
        %add3A_194 = arith.addi %mul3A_192, %add3A_193 : i32
        %get3A_195 = arith.index_cast %add3A_194 : i32 to index
        %get3A_196 = tpu.vector_load %arg8[%get3A_195] {strides = array<i32>} : memref<13312xi32, #tpu.memory_space<vmem>>, vector<16xi32>,
        %swap3A_197 = arith.constant 48 : index
        %swap3A_198 = tpu.vector_load %arg10[%swap3A_197] {strides = array<i32>} : memref<64xi32, #tpu.memory_space<vmem>>, vector<16xi32>,
        tpu.vector_store %arg10[%swap3A_197], %get3A_196 {strides = array<i32>} : memref<64xi32, #tpu.memory_space<vmem>>, vector<16xi32>,
        %dma_start3A_199 = arith.constant 0 : i32
        %dma_start3A_200 = arith.constant 0 : i32
        %dma_start3A_201 = tpu.memref_slice %arg12[%dma_start3A_199, %dma_start3A_200] : memref<128x128xf32, #tpu.memory_space<vmem>> -> memref<64x128xf32, #tpu.memory_space<vmem>>
        %dma_start3A_202 = arith.constant 0 : i32
        %dma_start3A_203 = arith.constant 0 : i32
        %dma_start3A_204 = tpu.memref_slice %arg4[%dma_start3A_202, %dma_start3A_203] : memref<10112x128xf32, #tpu.memory_space<hbm>> -> memref<10112x128xf32, #tpu.memory_space<hbm>>
        tpu.enqueue_indirect_dma source(%dma_start3A_204 : memref<10112x128xf32, #tpu.memory_space<hbm>>) target(%dma_start3A_201 : memref<64x128xf32, #tpu.memory_space<vmem>>) offsets(%arg10 : memref<64xi32, #tpu.memory_space<vmem>>) semaphore(%arg14 : memref<!tpu.dma_semaphore, #tpu.memory_space<semaphore_mem>>)
      } else {
      }
      %lt3A_161 = arith.cmpi slt, %add3A_142, %select_n3A : i32
      %convert_element_type3A_162 = arith.extui %lt3A_161 : i1 to i32
      %cond3A_163 = arith.constant 0 : i32
      %cond3A_164 = arith.cmpi ne, %convert_element_type3A_162, %cond3A_163 : i32
      scf.if %cond3A_164 {
        %dma_wait3A_165 = arith.constant 64 : i32
        %dma_wait3A_166 = arith.constant 0 : i32
        %dma_wait3A_167 = tpu.memref_slice %arg12[%dma_wait3A_165, %dma_wait3A_166] : memref<128x128xf32, #tpu.memory_space<vmem>> -> memref<64x128xf32, #tpu.memory_space<vmem>>
        %dma_wait3A_168 = arith.constant 0 : i32
        %dma_wait3A_169 = arith.constant 0 : i32
        %dma_wait3A_170 = tpu.memref_slice %arg4[%dma_wait3A_168, %dma_wait3A_169] : memref<10112x128xf32, #tpu.memory_space<hbm>> -> memref<10112x128xf32, #tpu.memory_space<hbm>>
        tpu.wait_indirect_dma semaphore(%arg15 : memref<!tpu.dma_semaphore, #tpu.memory_space<semaphore_mem>>) src(%dma_wait3A_170 : memref<10112x128xf32, #tpu.memory_space<hbm>>) dst(%dma_wait3A_167 : memref<64x128xf32, #tpu.memory_space<vmem>>)
        %scan3A_171 = arith.constant 0 : i32
        %scan3A_172 = arith.constant 0 : i32
        %scan3A_173 = arith.constant 32 : i32
        %scan3A_174 = arith.addi %scan3A_172, %scan3A_173 : i32
        %scan3A_175 = arith.constant 1 : i32
        scf.for %scan3A_177 = %scan3A_172 to %scan3A_174 step %scan3A_175  : i32 {
          %mul3A_178 = arith.constant 2 : i32
          %mul3A_179 = arith.muli %scan3A_177, %mul3A_178 : i32
          %add3A_180 = arith.constant 0 : i32
          %add3A_181 = arith.addi %mul3A_179, %add3A_180 : i32
          %broadcast_in_dim3A_182 = arith.constant 0 : i32
          %broadcast_in_dim3A_183 = vector.broadcast %broadcast_in_dim3A_182 : i32 to vector<16xi32>
          %mul3A_184 = arith.constant 64 : i32
          %mul3A_185 = arith.muli %add3A_142, %mul3A_184 : i32
          %add3A_186 = arith.addi %mul3A_185, %add3A_181 : i32
          %add3A_187 = vector.broadcast %add3A_186 : i32 to vector<16xi32>
          %add3A_188 = arith.addi %broadcast_in_dim3A_183, %add3A_187 : vector<16xi32>
          %gather3A = tpu.vector_load_idx %arg9[%add3A_188] : memref<13312xi32, #tpu.memory_space<vmem>>[vector<16xi32>], vector<16xi32>,
          %mul3A_189 = arith.constant 128 : i32
          %mul3A_190 = vector.broadcast %mul3A_189 : i32 to vector<16xi32>
          %mul3A_191 = arith.muli %gather3A, %mul3A_190 : vector<16xi32>
          %add3A_192 = arith.addi %mul3A_191, %iota3A : vector<16xi32>
          %add3A_193 = arith.constant 0 : i32
          %add3A_194 = vector.broadcast %add3A_193 : i32 to vector<16xi32>
          %add3A_195 = arith.addi %add3A_192, %add3A_194 : vector<16xi32>
          %add3A_196 = arith.constant 64 : i32
          %add3A_197 = arith.addi %add3A_196, %add3A_181 : i32
          %get3A_198 = arith.index_cast %add3A_197 : i32 to index
          %get3A_199 = arith.constant 0 : index
          %get3A_200 = tpu.vector_load %arg12[%get3A_198, %get3A_199] {strides = array<i32>} : memref<128x128xf32, #tpu.memory_space<vmem>>, vector<16xf32>,
          tpu.vector_store_idx %arg13[%add3A_195], %get3A_200 {add = true} : memref<80896xf32, #tpu.memory_space<vmem>>[vector<16xi32>], vector<16xf32>,
          %add3A_201 = arith.constant 16 : i32
          %add3A_202 = vector.broadcast %add3A_201 : i32 to vector<16xi32>
          %add3A_203 = arith.addi %add3A_192, %add3A_202 : vector<16xi32>
          %add3A_204 = arith.constant 64 : i32
          %add3A_205 = arith.addi %add3A_204, %add3A_181 : i32
          %get3A_206 = arith.index_cast %add3A_205 : i32 to index
          %get3A_207 = arith.constant 16 : index
          %get3A_208 = tpu.vector_load %arg12[%get3A_206, %get3A_207] {strides = array<i32>} : memref<128x128xf32, #tpu.memory_space<vmem>>, vector<16xf32>,
          tpu.vector_store_idx %arg13[%add3A_203], %get3A_208 {add = true} : memref<80896xf32, #tpu.memory_space<vmem>>[vector<16xi32>], vector<16xf32>,
          %add3A_209 = arith.constant 32 : i32
          %add3A_210 = vector.broadcast %add3A_209 : i32 to vector<16xi32>
          %add3A_211 = arith.addi %add3A_192, %add3A_210 : vector<16xi32>
          %add3A_212 = arith.constant 64 : i32
          %add3A_213 = arith.addi %add3A_212, %add3A_181 : i32
          %get3A_214 = arith.index_cast %add3A_213 : i32 to index
          %get3A_215 = arith.constant 32 : index
          %get3A_216 = tpu.vector_load %arg12[%get3A_214, %get3A_215] {strides = array<i32>} : memref<128x128xf32, #tpu.memory_space<vmem>>, vector<16xf32>,
          tpu.vector_store_idx %arg13[%add3A_211], %get3A_216 {add = true} : memref<80896xf32, #tpu.memory_space<vmem>>[vector<16xi32>], vector<16xf32>,
          %add3A_217 = arith.constant 48 : i32
          %add3A_218 = vector.broadcast %add3A_217 : i32 to vector<16xi32>
          %add3A_219 = arith.addi %add3A_192, %add3A_218 : vector<16xi32>
          %add3A_220 = arith.constant 64 : i32
          %add3A_221 = arith.addi %add3A_220, %add3A_181 : i32
          %get3A_222 = arith.index_cast %add3A_221 : i32 to index
          %get3A_223 = arith.constant 48 : index
          %get3A_224 = tpu.vector_load %arg12[%get3A_222, %get3A_223] {strides = array<i32>} : memref<128x128xf32, #tpu.memory_space<vmem>>, vector<16xf32>,
          tpu.vector_store_idx %arg13[%add3A_219], %get3A_224 {add = true} : memref<80896xf32, #tpu.memory_space<vmem>>[vector<16xi32>], vector<16xf32>,
          %add3A_225 = arith.constant 64 : i32
          %add3A_226 = vector.broadcast %add3A_225 : i32 to vector<16xi32>
          %add3A_227 = arith.addi %add3A_192, %add3A_226 : vector<16xi32>
          %add3A_228 = arith.constant 64 : i32
          %add3A_229 = arith.addi %add3A_228, %add3A_181 : i32
          %get3A_230 = arith.index_cast %add3A_229 : i32 to index
          %get3A_231 = arith.constant 64 : index
          %get3A_232 = tpu.vector_load %arg12[%get3A_230, %get3A_231] {strides = array<i32>} : memref<128x128xf32, #tpu.memory_space<vmem>>, vector<16xf32>,
          tpu.vector_store_idx %arg13[%add3A_227], %get3A_232 {add = true} : memref<80896xf32, #tpu.memory_space<vmem>>[vector<16xi32>], vector<16xf32>,
          %add3A_233 = arith.constant 80 : i32
          %add3A_234 = vector.broadcast %add3A_233 : i32 to vector<16xi32>
          %add3A_235 = arith.addi %add3A_192, %add3A_234 : vector<16xi32>
          %add3A_236 = arith.constant 64 : i32
          %add3A_237 = arith.addi %add3A_236, %add3A_181 : i32
          %get3A_238 = arith.index_cast %add3A_237 : i32 to index
          %get3A_239 = arith.constant 80 : index
          %get3A_240 = tpu.vector_load %arg12[%get3A_238, %get3A_239] {strides = array<i32>} : memref<128x128xf32, #tpu.memory_space<vmem>>, vector<16xf32>,
          tpu.vector_store_idx %arg13[%add3A_235], %get3A_240 {add = true} : memref<80896xf32, #tpu.memory_space<vmem>>[vector<16xi32>], vector<16xf32>,
          %add3A_241 = arith.constant 96 : i32
          %add3A_242 = vector.broadcast %add3A_241 : i32 to vector<16xi32>
          %add3A_243 = arith.addi %add3A_192, %add3A_242 : vector<16xi32>
          %add3A_244 = arith.constant 64 : i32
          %add3A_245 = arith.addi %add3A_244, %add3A_181 : i32
          %get3A_246 = arith.index_cast %add3A_245 : i32 to index
          %get3A_247 = arith.constant 96 : index
          %get3A_248 = tpu.vector_load %arg12[%get3A_246, %get3A_247] {strides = array<i32>} : memref<128x128xf32, #tpu.memory_space<vmem>>, vector<16xf32>,
          tpu.vector_store_idx %arg13[%add3A_243], %get3A_248 {add = true} : memref<80896xf32, #tpu.memory_space<vmem>>[vector<16xi32>], vector<16xf32>,
          %add3A_249 = arith.constant 112 : i32
          %add3A_250 = vector.broadcast %add3A_249 : i32 to vector<16xi32>
          %add3A_251 = arith.addi %add3A_192, %add3A_250 : vector<16xi32>
          %add3A_252 = arith.constant 64 : i32
          %add3A_253 = arith.addi %add3A_252, %add3A_181 : i32
          %get3A_254 = arith.index_cast %add3A_253 : i32 to index
          %get3A_255 = arith.constant 112 : index
          %get3A_256 = tpu.vector_load %arg12[%get3A_254, %get3A_255] {strides = array<i32>} : memref<128x128xf32, #tpu.memory_space<vmem>>, vector<16xf32>,
          tpu.vector_store_idx %arg13[%add3A_251], %get3A_256 {add = true} : memref<80896xf32, #tpu.memory_space<vmem>>[vector<16xi32>], vector<16xf32>,
          %mul3A_257 = arith.constant 2 : i32
          %mul3A_258 = arith.muli %scan3A_177, %mul3A_257 : i32
          %add3A_259 = arith.constant 1 : i32
          %add3A_260 = arith.addi %mul3A_258, %add3A_259 : i32
          %broadcast_in_dim3A_261 = arith.constant 0 : i32
          %broadcast_in_dim3A_262 = vector.broadcast %broadcast_in_dim3A_261 : i32 to vector<16xi32>
          %mul3A_263 = arith.constant 64 : i32
          %mul3A_264 = arith.muli %add3A_142, %mul3A_263 : i32
          %add3A_265 = arith.addi %mul3A_264, %add3A_260 : i32
          %add3A_266 = vector.broadcast %add3A_265 : i32 to vector<16xi32>
          %add3A_267 = arith.addi %broadcast_in_dim3A_262, %add3A_266 : vector<16xi32>
          %gather3A_268 = tpu.vector_load_idx %arg9[%add3A_267] : memref<13312xi32, #tpu.memory_space<vmem>>[vector<16xi32>], vector<16xi32>,
          %mul3A_269 = arith.constant 128 : i32
          %mul3A_270 = vector.broadcast %mul3A_269 : i32 to vector<16xi32>
          %mul3A_271 = arith.muli %gather3A_268, %mul3A_270 : vector<16xi32>
          %add3A_272 = arith.addi %mul3A_271, %iota3A : vector<16xi32>
          %add3A_273 = arith.constant 0 : i32
          %add3A_274 = vector.broadcast %add3A_273 : i32 to vector<16xi32>
          %add3A_275 = arith.addi %add3A_272, %add3A_274 : vector<16xi32>
          %add3A_276 = arith.constant 64 : i32
          %add3A_277 = arith.addi %add3A_276, %add3A_260 : i32
          %get3A_278 = arith.index_cast %add3A_277 : i32 to index
          %get3A_279 = arith.constant 0 : index
          %get3A_280 = tpu.vector_load %arg12[%get3A_278, %get3A_279] {strides = array<i32>} : memref<128x128xf32, #tpu.memory_space<vmem>>, vector<16xf32>,
          tpu.vector_store_idx %arg13[%add3A_275], %get3A_280 {add = true} : memref<80896xf32, #tpu.memory_space<vmem>>[vector<16xi32>], vector<16xf32>,
          %add3A_281 = arith.constant 16 : i32
          %add3A_282 = vector.broadcast %add3A_281 : i32 to vector<16xi32>
          %add3A_283 = arith.addi %add3A_272, %add3A_282 : vector<16xi32>
          %add3A_284 = arith.constant 64 : i32
          %add3A_285 = arith.addi %add3A_284, %add3A_260 : i32
          %get3A_286 = arith.index_cast %add3A_285 : i32 to index
          %get3A_287 = arith.constant 16 : index
          %get3A_288 = tpu.vector_load %arg12[%get3A_286, %get3A_287] {strides = array<i32>} : memref<128x128xf32, #tpu.memory_space<vmem>>, vector<16xf32>,
          tpu.vector_store_idx %arg13[%add3A_283], %get3A_288 {add = true} : memref<80896xf32, #tpu.memory_space<vmem>>[vector<16xi32>], vector<16xf32>,
          %add3A_289 = arith.constant 32 : i32
          %add3A_290 = vector.broadcast %add3A_289 : i32 to vector<16xi32>
          %add3A_291 = arith.addi %add3A_272, %add3A_290 : vector<16xi32>
          %add3A_292 = arith.constant 64 : i32
          %add3A_293 = arith.addi %add3A_292, %add3A_260 : i32
          %get3A_294 = arith.index_cast %add3A_293 : i32 to index
          %get3A_295 = arith.constant 32 : index
          %get3A_296 = tpu.vector_load %arg12[%get3A_294, %get3A_295] {strides = array<i32>} : memref<128x128xf32, #tpu.memory_space<vmem>>, vector<16xf32>,
          tpu.vector_store_idx %arg13[%add3A_291], %get3A_296 {add = true} : memref<80896xf32, #tpu.memory_space<vmem>>[vector<16xi32>], vector<16xf32>,
          %add3A_297 = arith.constant 48 : i32
          %add3A_298 = vector.broadcast %add3A_297 : i32 to vector<16xi32>
          %add3A_299 = arith.addi %add3A_272, %add3A_298 : vector<16xi32>
          %add3A_300 = arith.constant 64 : i32
          %add3A_301 = arith.addi %add3A_300, %add3A_260 : i32
          %get3A_302 = arith.index_cast %add3A_301 : i32 to index
          %get3A_303 = arith.constant 48 : index
          %get3A_304 = tpu.vector_load %arg12[%get3A_302, %get3A_303] {strides = array<i32>} : memref<128x128xf32, #tpu.memory_space<vmem>>, vector<16xf32>,
          tpu.vector_store_idx %arg13[%add3A_299], %get3A_304 {add = true} : memref<80896xf32, #tpu.memory_space<vmem>>[vector<16xi32>], vector<16xf32>,
          %add3A_305 = arith.constant 64 : i32
          %add3A_306 = vector.broadcast %add3A_305 : i32 to vector<16xi32>
          %add3A_307 = arith.addi %add3A_272, %add3A_306 : vector<16xi32>
          %add3A_308 = arith.constant 64 : i32
          %add3A_309 = arith.addi %add3A_308, %add3A_260 : i32
          %get3A_310 = arith.index_cast %add3A_309 : i32 to index
          %get3A_311 = arith.constant 64 : index
          %get3A_312 = tpu.vector_load %arg12[%get3A_310, %get3A_311] {strides = array<i32>} : memref<128x128xf32, #tpu.memory_space<vmem>>, vector<16xf32>,
          tpu.vector_store_idx %arg13[%add3A_307], %get3A_312 {add = true} : memref<80896xf32, #tpu.memory_space<vmem>>[vector<16xi32>], vector<16xf32>,
          %add3A_313 = arith.constant 80 : i32
          %add3A_314 = vector.broadcast %add3A_313 : i32 to vector<16xi32>
          %add3A_315 = arith.addi %add3A_272, %add3A_314 : vector<16xi32>
          %add3A_316 = arith.constant 64 : i32
          %add3A_317 = arith.addi %add3A_316, %add3A_260 : i32
          %get3A_318 = arith.index_cast %add3A_317 : i32 to index
          %get3A_319 = arith.constant 80 : index
          %get3A_320 = tpu.vector_load %arg12[%get3A_318, %get3A_319] {strides = array<i32>} : memref<128x128xf32, #tpu.memory_space<vmem>>, vector<16xf32>,
          tpu.vector_store_idx %arg13[%add3A_315], %get3A_320 {add = true} : memref<80896xf32, #tpu.memory_space<vmem>>[vector<16xi32>], vector<16xf32>,
          %add3A_321 = arith.constant 96 : i32
          %add3A_322 = vector.broadcast %add3A_321 : i32 to vector<16xi32>
          %add3A_323 = arith.addi %add3A_272, %add3A_322 : vector<16xi32>
          %add3A_324 = arith.constant 64 : i32
          %add3A_325 = arith.addi %add3A_324, %add3A_260 : i32
          %get3A_326 = arith.index_cast %add3A_325 : i32 to index
          %get3A_327 = arith.constant 96 : index
          %get3A_328 = tpu.vector_load %arg12[%get3A_326, %get3A_327] {strides = array<i32>} : memref<128x128xf32, #tpu.memory_space<vmem>>, vector<16xf32>,
          tpu.vector_store_idx %arg13[%add3A_323], %get3A_328 {add = true} : memref<80896xf32, #tpu.memory_space<vmem>>[vector<16xi32>], vector<16xf32>,
          %add3A_329 = arith.constant 112 : i32
          %add3A_330 = vector.broadcast %add3A_329 : i32 to vector<16xi32>
          %add3A_331 = arith.addi %add3A_272, %add3A_330 : vector<16xi32>
          %add3A_332 = arith.constant 64 : i32
          %add3A_333 = arith.addi %add3A_332, %add3A_260 : i32
          %get3A_334 = arith.index_cast %add3A_333 : i32 to index
          %get3A_335 = arith.constant 112 : index
          %get3A_336 = tpu.vector_load %arg12[%get3A_334, %get3A_335] {strides = array<i32>} : memref<128x128xf32, #tpu.memory_space<vmem>>, vector<16xf32>,
          tpu.vector_store_idx %arg13[%add3A_331], %get3A_336 {add = true} : memref<80896xf32, #tpu.memory_space<vmem>>[vector<16xi32>], vector<16xf32>,
        }
        %scan3A_176 = arith.constant 32 : i32
      } else {
      }
    }
    %mul3A_131 = arith.constant 10112 : i32
    %mul3A_132 = arith.muli %arg0, %mul3A_131 : i32
    %mul3A_133 = arith.constant 632 : i32
    %mul3A_134 = arith.muli %arg1, %mul3A_133 : i32
    %add3A_135 = arith.addi %mul3A_132, %mul3A_134 : i32
    %mul3A_136 = arith.constant 128 : i32
    %mul3A_137 = arith.muli %add3A_135, %mul3A_136 : i32
    "tpu.region"() ({
      %run_scoped3A = tpu.sem_alloc : memref<!tpu.dma_semaphore, #tpu.memory_space<semaphore_mem>>
      %dma_start3A_138 = tpu.memref_slice %arg5[%mul3A_137] : memref<2588672xf32, #tpu.memory_space<hbm>> -> memref<80896xf32, #tpu.memory_space<hbm>>
      %dma_start3A_139 = tpu.memref_slice %arg5[%mul3A_137] : memref<2588672xf32, #tpu.memory_space<hbm>> -> memref<80896xf32, #tpu.memory_space<hbm>>
      tpu.enqueue_dma source(%arg13 : memref<80896xf32, #tpu.memory_space<vmem>>) target(%dma_start3A_139 : memref<80896xf32, #tpu.memory_space<hbm>>) target_semaphore(%run_scoped3A : memref<!tpu.dma_semaphore, #tpu.memory_space<semaphore_mem>>)
      %dma_wait3A = tpu.memref_slice %arg5[%mul3A_137] : memref<2588672xf32, #tpu.memory_space<hbm>> -> memref<80896xf32, #tpu.memory_space<hbm>>
      %dma_wait3A_140 = tpu.memref_slice %arg5[%mul3A_137] : memref<2588672xf32, #tpu.memory_space<hbm>> -> memref<80896xf32, #tpu.memory_space<hbm>>
      tpu.wait_dma2 semaphore(%run_scoped3A : memref<!tpu.dma_semaphore, #tpu.memory_space<semaphore_mem>>) src(%arg13 : memref<80896xf32, #tpu.memory_space<vmem>>) dst(%dma_wait3A_140 : memref<80896xf32, #tpu.memory_space<hbm>>)
      tpu.yield
    }) : () -> ()
    return
  }
}

#map = affine_map<(d0, d1) -> (0)>
#map1 = affine_map<(d0, d1) -> (0, 0)>
module attributes {stable_mosaic.version = 14 : i64} {
  func.func @deg_kernel(%arg0: i32, %arg1: i32, %arg2: memref<323584xi32, #tpu.memory_space<hbm>>, %arg3: memref<32x10112xf32, #tpu.memory_space<hbm>>, %arg4: memref<10112xi32, #tpu.memory_space<vmem>>, %arg5: memref<80896xf32, #tpu.memory_space<vmem>>) attributes {dimension_semantics = [#tpu.dimension_semantics<core_parallel>, #tpu.dimension_semantics<subcore_parallel>], iteration_bounds = array<i64: 2, 16>, scalar_prefetch = 0 : i64, scratch_operands = 2 : i64, tpu.core_type = #tpu.core_type<sc_vector_subcore>, window_params = [{transform_indices = #map}, {transform_indices = #map1}]} {
    %mul3A = arith.constant 2 : i32
    %mul3A_0 = arith.muli %arg1, %mul3A : i32
    %add3A = arith.addi %mul3A_0, %arg0 : i32
    %broadcast_in_dim3A = arith.constant 0.000000e+00 : f32
    %broadcast_in_dim3A_1 = vector.broadcast %broadcast_in_dim3A : f32 to vector<16xf32>
    %broadcast_in_dim3A_2 = arith.constant 1.000000e+00 : f32
    %broadcast_in_dim3A_3 = vector.broadcast %broadcast_in_dim3A_2 : f32 to vector<16xf32>
    %iota3A = tpu.iota {dimensions = array<i32: 0>} : vector<16xi32>
    %lt3A = arith.constant 8 : i32
    %lt3A_4 = vector.broadcast %lt3A : i32 to vector<16xi32>
    %lt3A_5 = arith.cmpi slt, %iota3A, %lt3A_4 : vector<16xi32>
    %sub3A = arith.constant 8 : i32
    %sub3A_6 = vector.broadcast %sub3A : i32 to vector<16xi32>
    %sub3A_7 = arith.subi %iota3A, %sub3A_6 : vector<16xi32>
    %select_n3A = arith.select %lt3A_5, %iota3A, %sub3A_7 : vector<16xi1>, vector<16xi32>
    %mul3A_8 = arith.constant 10112 : i32
    %mul3A_9 = vector.broadcast %mul3A_8 : i32 to vector<16xi32>
    %mul3A_10 = arith.muli %select_n3A, %mul3A_9 : vector<16xi32>
    %scan3A = arith.constant 0 : i32
    %scan3A_11 = arith.constant 0 : i32
    %scan3A_12 = arith.constant 5056 : i32
    %scan3A_13 = arith.addi %scan3A_11, %scan3A_12 : i32
    %scan3A_14 = arith.constant 1 : i32
    scf.for %scan3A_30 = %scan3A_11 to %scan3A_13 step %scan3A_14  : i32 {
      %mul3A_31 = arith.constant 16 : i32
      %mul3A_32 = arith.muli %scan3A_30, %mul3A_31 : i32
      %swap3A = arith.index_cast %mul3A_32 : i32 to index
      %swap3A_33 = tpu.vector_load %arg5[%swap3A] {strides = array<i32>} : memref<80896xf32, #tpu.memory_space<vmem>>, vector<16xf32>,
      tpu.vector_store %arg5[%swap3A], %broadcast_in_dim3A_1 {strides = array<i32>} : memref<80896xf32, #tpu.memory_space<vmem>>, vector<16xf32>,
    }
    %scan3A_15 = arith.constant 5056 : i32
    %mul3A_16 = arith.constant 10112 : i32
    %mul3A_17 = arith.muli %add3A, %mul3A_16 : i32
    "tpu.region"() ({
      %run_scoped3A = tpu.sem_alloc : memref<!tpu.dma_semaphore, #tpu.memory_space<semaphore_mem>>
      %dma_start3A = tpu.memref_slice %arg2[%mul3A_17] : memref<323584xi32, #tpu.memory_space<hbm>> -> memref<10112xi32, #tpu.memory_space<hbm>>
      %dma_start3A_30 = tpu.memref_slice %arg2[%mul3A_17] : memref<323584xi32, #tpu.memory_space<hbm>> -> memref<10112xi32, #tpu.memory_space<hbm>>
      tpu.enqueue_dma source(%dma_start3A_30 : memref<10112xi32, #tpu.memory_space<hbm>>) target(%arg4 : memref<10112xi32, #tpu.memory_space<vmem>>) target_semaphore(%run_scoped3A : memref<!tpu.dma_semaphore, #tpu.memory_space<semaphore_mem>>)
      %dma_wait3A = tpu.memref_slice %arg2[%mul3A_17] : memref<323584xi32, #tpu.memory_space<hbm>> -> memref<10112xi32, #tpu.memory_space<hbm>>
      %dma_wait3A_31 = tpu.memref_slice %arg2[%mul3A_17] : memref<323584xi32, #tpu.memory_space<hbm>> -> memref<10112xi32, #tpu.memory_space<hbm>>
      tpu.wait_dma2 semaphore(%run_scoped3A : memref<!tpu.dma_semaphore, #tpu.memory_space<semaphore_mem>>) src(%dma_wait3A_31 : memref<10112xi32, #tpu.memory_space<hbm>>) dst(%arg4 : memref<10112xi32, #tpu.memory_space<vmem>>)
      tpu.yield
    }) : () -> ()
    %scan3A_18 = arith.constant 0 : i32
    %scan3A_19 = arith.constant 0 : i32
    %scan3A_20 = arith.constant 632 : i32
    %scan3A_21 = arith.addi %scan3A_19, %scan3A_20 : i32
    %scan3A_22 = arith.constant 1 : i32
    scf.for %scan3A_30 = %scan3A_19 to %scan3A_21 step %scan3A_22  : i32 {
      %mul3A_31 = arith.constant 16 : i32
      %mul3A_32 = arith.muli %scan3A_30, %mul3A_31 : i32
      %get3A = arith.index_cast %mul3A_32 : i32 to index
      %get3A_33 = tpu.vector_load %arg4[%get3A] {strides = array<i32>} : memref<10112xi32, #tpu.memory_space<vmem>>, vector<16xi32>,
      %add3A_34 = arith.addi %get3A_33, %mul3A_10 : vector<16xi32>
      tpu.vector_store_idx %arg5[%add3A_34], %broadcast_in_dim3A_3 masked %lt3A_5 {add = true} : memref<80896xf32, #tpu.memory_space<vmem>>[vector<16xi32>], vector<16xf32>, vector<16xi1>
      %not3A = arith.constant dense<true> : vector<16xi1>
      %not3A_35 = arith.xori %lt3A_5, %not3A : vector<16xi1>
      tpu.vector_store_idx %arg5[%add3A_34], %broadcast_in_dim3A_3 masked %not3A_35 {add = true} : memref<80896xf32, #tpu.memory_space<vmem>>[vector<16xi32>], vector<16xf32>, vector<16xi1>
    }
    %scan3A_23 = arith.constant 632 : i32
    %scan3A_24 = arith.constant 0 : i32
    %scan3A_25 = arith.constant 0 : i32
    %scan3A_26 = arith.constant 632 : i32
    %scan3A_27 = arith.addi %scan3A_25, %scan3A_26 : i32
    %scan3A_28 = arith.constant 1 : i32
    scf.for %scan3A_30 = %scan3A_25 to %scan3A_27 step %scan3A_28  : i32 {
      %mul3A_31 = arith.constant 16 : i32
      %mul3A_32 = arith.muli %scan3A_30, %mul3A_31 : i32
      %get3A = arith.index_cast %mul3A_32 : i32 to index
      %get3A_33 = tpu.vector_load %arg5[%get3A] {strides = array<i32>} : memref<80896xf32, #tpu.memory_space<vmem>>, vector<16xf32>,
      %mul3A_34 = arith.constant 16 : i32
      %mul3A_35 = arith.muli %scan3A_30, %mul3A_34 : i32
      %add3A_36 = arith.constant 10112 : i32
      %add3A_37 = arith.addi %add3A_36, %mul3A_35 : i32
      %get3A_38 = arith.index_cast %add3A_37 : i32 to index
      %get3A_39 = tpu.vector_load %arg5[%get3A_38] {strides = array<i32>} : memref<80896xf32, #tpu.memory_space<vmem>>, vector<16xf32>,
      %add3A_40 = arith.addf %get3A_33, %get3A_39 : vector<16xf32>
      %mul3A_41 = arith.constant 16 : i32
      %mul3A_42 = arith.muli %scan3A_30, %mul3A_41 : i32
      %add3A_43 = arith.constant 20224 : i32
      %add3A_44 = arith.addi %add3A_43, %mul3A_42 : i32
      %get3A_45 = arith.index_cast %add3A_44 : i32 to index
      %get3A_46 = tpu.vector_load %arg5[%get3A_45] {strides = array<i32>} : memref<80896xf32, #tpu.memory_space<vmem>>, vector<16xf32>,
      %add3A_47 = arith.addf %add3A_40, %get3A_46 : vector<16xf32>
      %mul3A_48 = arith.constant 16 : i32
      %mul3A_49 = arith.muli %scan3A_30, %mul3A_48 : i32
      %add3A_50 = arith.constant 30336 : i32
      %add3A_51 = arith.addi %add3A_50, %mul3A_49 : i32
      %get3A_52 = arith.index_cast %add3A_51 : i32 to index
      %get3A_53 = tpu.vector_load %arg5[%get3A_52] {strides = array<i32>} : memref<80896xf32, #tpu.memory_space<vmem>>, vector<16xf32>,
      %add3A_54 = arith.addf %add3A_47, %get3A_53 : vector<16xf32>
      %mul3A_55 = arith.constant 16 : i32
      %mul3A_56 = arith.muli %scan3A_30, %mul3A_55 : i32
      %add3A_57 = arith.constant 40448 : i32
      %add3A_58 = arith.addi %add3A_57, %mul3A_56 : i32
      %get3A_59 = arith.index_cast %add3A_58 : i32 to index
      %get3A_60 = tpu.vector_load %arg5[%get3A_59] {strides = array<i32>} : memref<80896xf32, #tpu.memory_space<vmem>>, vector<16xf32>,
      %add3A_61 = arith.addf %add3A_54, %get3A_60 : vector<16xf32>
      %mul3A_62 = arith.constant 16 : i32
      %mul3A_63 = arith.muli %scan3A_30, %mul3A_62 : i32
      %add3A_64 = arith.constant 50560 : i32
      %add3A_65 = arith.addi %add3A_64, %mul3A_63 : i32
      %get3A_66 = arith.index_cast %add3A_65 : i32 to index
      %get3A_67 = tpu.vector_load %arg5[%get3A_66] {strides = array<i32>} : memref<80896xf32, #tpu.memory_space<vmem>>, vector<16xf32>,
      %add3A_68 = arith.addf %add3A_61, %get3A_67 : vector<16xf32>
      %mul3A_69 = arith.constant 16 : i32
      %mul3A_70 = arith.muli %scan3A_30, %mul3A_69 : i32
      %add3A_71 = arith.constant 60672 : i32
      %add3A_72 = arith.addi %add3A_71, %mul3A_70 : i32
      %get3A_73 = arith.index_cast %add3A_72 : i32 to index
      %get3A_74 = tpu.vector_load %arg5[%get3A_73] {strides = array<i32>} : memref<80896xf32, #tpu.memory_space<vmem>>, vector<16xf32>,
      %add3A_75 = arith.addf %add3A_68, %get3A_74 : vector<16xf32>
      %mul3A_76 = arith.constant 16 : i32
      %mul3A_77 = arith.muli %scan3A_30, %mul3A_76 : i32
      %add3A_78 = arith.constant 70784 : i32
      %add3A_79 = arith.addi %add3A_78, %mul3A_77 : i32
      %get3A_80 = arith.index_cast %add3A_79 : i32 to index
      %get3A_81 = tpu.vector_load %arg5[%get3A_80] {strides = array<i32>} : memref<80896xf32, #tpu.memory_space<vmem>>, vector<16xf32>,
      %add3A_82 = arith.addf %add3A_75, %get3A_81 : vector<16xf32>
      %mul3A_83 = arith.constant 16 : i32
      %mul3A_84 = arith.muli %scan3A_30, %mul3A_83 : i32
      %swap3A = arith.index_cast %mul3A_84 : i32 to index
      %swap3A_85 = tpu.vector_load %arg5[%swap3A] {strides = array<i32>} : memref<80896xf32, #tpu.memory_space<vmem>>, vector<16xf32>,
      tpu.vector_store %arg5[%swap3A], %add3A_82 {strides = array<i32>} : memref<80896xf32, #tpu.memory_space<vmem>>, vector<16xf32>,
    }
    %scan3A_29 = arith.constant 632 : i32
    "tpu.region"() ({
      %run_scoped3A = tpu.sem_alloc : memref<!tpu.dma_semaphore, #tpu.memory_space<semaphore_mem>>
      %dma_start3A = arith.constant 0 : i32
      %dma_start3A_30 = tpu.memref_slice %arg5[%dma_start3A] : memref<80896xf32, #tpu.memory_space<vmem>> -> memref<10112xf32, #tpu.memory_space<vmem>>
      %dma_start3A_31 = arith.constant 0 : i32
      %dma_start3A_32 = tpu.memref_slice %arg3[%add3A, %dma_start3A_31] : memref<32x10112xf32, #tpu.memory_space<hbm>> -> memref<1x10112xf32, #tpu.memory_space<hbm>>
      %dma_start3A_33 = tpu.memref_squeeze %dma_start3A_32 : memref<1x10112xf32, #tpu.memory_space<hbm>> -> memref<10112xf32, #tpu.memory_space<hbm>>
      %dma_start3A_34 = arith.constant 0 : i32
      %dma_start3A_35 = tpu.memref_slice %arg3[%add3A, %dma_start3A_34] : memref<32x10112xf32, #tpu.memory_space<hbm>> -> memref<1x10112xf32, #tpu.memory_space<hbm>>
      %dma_start3A_36 = tpu.memref_squeeze %dma_start3A_35 : memref<1x10112xf32, #tpu.memory_space<hbm>> -> memref<10112xf32, #tpu.memory_space<hbm>>
      %dma_start3A_37 = arith.constant 0 : i32
      %dma_start3A_38 = tpu.memref_slice %arg5[%dma_start3A_37] : memref<80896xf32, #tpu.memory_space<vmem>> -> memref<10112xf32, #tpu.memory_space<vmem>>
      tpu.enqueue_dma source(%dma_start3A_38 : memref<10112xf32, #tpu.memory_space<vmem>>) target(%dma_start3A_36 : memref<10112xf32, #tpu.memory_space<hbm>>) target_semaphore(%run_scoped3A : memref<!tpu.dma_semaphore, #tpu.memory_space<semaphore_mem>>)
      %dma_wait3A = arith.constant 0 : i32
      %dma_wait3A_39 = tpu.memref_slice %arg5[%dma_wait3A] : memref<80896xf32, #tpu.memory_space<vmem>> -> memref<10112xf32, #tpu.memory_space<vmem>>
      %dma_wait3A_40 = arith.constant 0 : i32
      %dma_wait3A_41 = tpu.memref_slice %arg3[%add3A, %dma_wait3A_40] : memref<32x10112xf32, #tpu.memory_space<hbm>> -> memref<1x10112xf32, #tpu.memory_space<hbm>>
      %dma_wait3A_42 = tpu.memref_squeeze %dma_wait3A_41 : memref<1x10112xf32, #tpu.memory_space<hbm>> -> memref<10112xf32, #tpu.memory_space<hbm>>
      %dma_wait3A_43 = arith.constant 0 : i32
      %dma_wait3A_44 = tpu.memref_slice %arg3[%add3A, %dma_wait3A_43] : memref<32x10112xf32, #tpu.memory_space<hbm>> -> memref<1x10112xf32, #tpu.memory_space<hbm>>
      %dma_wait3A_45 = tpu.memref_squeeze %dma_wait3A_44 : memref<1x10112xf32, #tpu.memory_space<hbm>> -> memref<10112xf32, #tpu.memory_space<hbm>>
      %dma_wait3A_46 = arith.constant 0 : i32
      %dma_wait3A_47 = tpu.memref_slice %arg5[%dma_wait3A_46] : memref<80896xf32, #tpu.memory_space<vmem>> -> memref<10112xf32, #tpu.memory_space<vmem>>
      tpu.wait_dma2 semaphore(%run_scoped3A : memref<!tpu.dma_semaphore, #tpu.memory_space<semaphore_mem>>) src(%dma_wait3A_47 : memref<10112xf32, #tpu.memory_space<vmem>>) dst(%dma_wait3A_45 : memref<10112xf32, #tpu.memory_space<hbm>>)
      tpu.yield
    }) : () -> ()
    return
  }
}

#map = affine_map<(d0, d1) -> (0)>
#map1 = affine_map<(d0, d1) -> (0, 0)>
module attributes {stable_mosaic.version = 14 : i64} {
  func.func @score_kernel(%arg0: i32, %arg1: i32, %arg2: memref<200704xi32, #tpu.memory_space<hbm>>, %arg3: memref<200704xi32, #tpu.memory_space<hbm>>, %arg4: memref<10000x128xf32, #tpu.memory_space<hbm>>, %arg5: memref<10000x128xf32, #tpu.memory_space<hbm>>, %arg6: memref<10000xf32, #tpu.memory_space<hbm>>, %arg7: memref<10000xf32, #tpu.memory_space<hbm>>, %arg8: memref<200704xf32, #tpu.memory_space<hbm>>, %arg9: memref<6272xi32, #tpu.memory_space<vmem>>, %arg10: memref<6272xi32, #tpu.memory_space<vmem>>, %arg11: memref<128xi32, #tpu.memory_space<vmem>>, %arg12: memref<128xi32, #tpu.memory_space<vmem>>, %arg13: memref<128x128xf32, #tpu.memory_space<vmem>>, %arg14: memref<128x128xf32, #tpu.memory_space<vmem>>, %arg15: memref<2048xf32, #tpu.memory_space<vmem>>, %arg16: memref<128xf32, #tpu.memory_space<vmem>>, %arg17: memref<10000xf32, #tpu.memory_space<vmem>>, %arg18: memref<10000xf32, #tpu.memory_space<vmem>>, %arg19: memref<!tpu.dma_semaphore, #tpu.memory_space<semaphore_mem>>, %arg20: memref<!tpu.dma_semaphore, #tpu.memory_space<semaphore_mem>>) attributes {dimension_semantics = [#tpu.dimension_semantics<core_parallel>, #tpu.dimension_semantics<subcore_parallel>], iteration_bounds = array<i64: 2, 16>, scalar_prefetch = 0 : i64, scratch_operands = 12 : i64, tpu.core_type = #tpu.core_type<sc_vector_subcore>, window_params = [{transform_indices = #map}, {transform_indices = #map}, {transform_indices = #map1}, {transform_indices = #map1}, {transform_indices = #map}, {transform_indices = #map}, {transform_indices = #map}]} {
    %mul3A = arith.constant 2 : i32
    %mul3A_0 = arith.muli %arg1, %mul3A : i32
    %add3A = arith.addi %mul3A_0, %arg0 : i32
    "tpu.region"() ({
      %run_scoped3A = tpu.sem_alloc : memref<!tpu.dma_semaphore, #tpu.memory_space<semaphore_mem>>
      tpu.enqueue_dma source(%arg6 : memref<10000xf32, #tpu.memory_space<hbm>>) target(%arg17 : memref<10000xf32, #tpu.memory_space<vmem>>) target_semaphore(%run_scoped3A : memref<!tpu.dma_semaphore, #tpu.memory_space<semaphore_mem>>)
      tpu.wait_dma2 semaphore(%run_scoped3A : memref<!tpu.dma_semaphore, #tpu.memory_space<semaphore_mem>>) src(%arg6 : memref<10000xf32, #tpu.memory_space<hbm>>) dst(%arg17 : memref<10000xf32, #tpu.memory_space<vmem>>)
      tpu.yield
    }) : () -> ()
    "tpu.region"() ({
      %run_scoped3A = tpu.sem_alloc : memref<!tpu.dma_semaphore, #tpu.memory_space<semaphore_mem>>
      tpu.enqueue_dma source(%arg7 : memref<10000xf32, #tpu.memory_space<hbm>>) target(%arg18 : memref<10000xf32, #tpu.memory_space<vmem>>) target_semaphore(%run_scoped3A : memref<!tpu.dma_semaphore, #tpu.memory_space<semaphore_mem>>)
      tpu.wait_dma2 semaphore(%run_scoped3A : memref<!tpu.dma_semaphore, #tpu.memory_space<semaphore_mem>>) src(%arg7 : memref<10000xf32, #tpu.memory_space<hbm>>) dst(%arg18 : memref<10000xf32, #tpu.memory_space<vmem>>)
      tpu.yield
    }) : () -> ()
    %mul3A_1 = arith.constant 6272 : i32
    %mul3A_2 = arith.muli %add3A, %mul3A_1 : i32
    "tpu.region"() ({
      %run_scoped3A = tpu.sem_alloc : memref<!tpu.dma_semaphore, #tpu.memory_space<semaphore_mem>>
      %dma_start3A = tpu.memref_slice %arg2[%mul3A_2] : memref<200704xi32, #tpu.memory_space<hbm>> -> memref<6272xi32, #tpu.memory_space<hbm>>
      %dma_start3A_10 = tpu.memref_slice %arg2[%mul3A_2] : memref<200704xi32, #tpu.memory_space<hbm>> -> memref<6272xi32, #tpu.memory_space<hbm>>
      tpu.enqueue_dma source(%dma_start3A_10 : memref<6272xi32, #tpu.memory_space<hbm>>) target(%arg9 : memref<6272xi32, #tpu.memory_space<vmem>>) target_semaphore(%run_scoped3A : memref<!tpu.dma_semaphore, #tpu.memory_space<semaphore_mem>>)
      %dma_wait3A = tpu.memref_slice %arg2[%mul3A_2] : memref<200704xi32, #tpu.memory_space<hbm>> -> memref<6272xi32, #tpu.memory_space<hbm>>
      %dma_wait3A_11 = tpu.memref_slice %arg2[%mul3A_2] : memref<200704xi32, #tpu.memory_space<hbm>> -> memref<6272xi32, #tpu.memory_space<hbm>>
      tpu.wait_dma2 semaphore(%run_scoped3A : memref<!tpu.dma_semaphore, #tpu.memory_space<semaphore_mem>>) src(%dma_wait3A_11 : memref<6272xi32, #tpu.memory_space<hbm>>) dst(%arg9 : memref<6272xi32, #tpu.memory_space<vmem>>)
      tpu.yield
    }) : () -> ()
    %mul3A_3 = arith.constant 6272 : i32
    %mul3A_4 = arith.muli %add3A, %mul3A_3 : i32
    "tpu.region"() ({
      %run_scoped3A = tpu.sem_alloc : memref<!tpu.dma_semaphore, #tpu.memory_space<semaphore_mem>>
      %dma_start3A = tpu.memref_slice %arg3[%mul3A_4] : memref<200704xi32, #tpu.memory_space<hbm>> -> memref<6272xi32, #tpu.memory_space<hbm>>
      %dma_start3A_10 = tpu.memref_slice %arg3[%mul3A_4] : memref<200704xi32, #tpu.memory_space<hbm>> -> memref<6272xi32, #tpu.memory_space<hbm>>
      tpu.enqueue_dma source(%dma_start3A_10 : memref<6272xi32, #tpu.memory_space<hbm>>) target(%arg10 : memref<6272xi32, #tpu.memory_space<vmem>>) target_semaphore(%run_scoped3A : memref<!tpu.dma_semaphore, #tpu.memory_space<semaphore_mem>>)
      %dma_wait3A = tpu.memref_slice %arg3[%mul3A_4] : memref<200704xi32, #tpu.memory_space<hbm>> -> memref<6272xi32, #tpu.memory_space<hbm>>
      %dma_wait3A_11 = tpu.memref_slice %arg3[%mul3A_4] : memref<200704xi32, #tpu.memory_space<hbm>> -> memref<6272xi32, #tpu.memory_space<hbm>>
      tpu.wait_dma2 semaphore(%run_scoped3A : memref<!tpu.dma_semaphore, #tpu.memory_space<semaphore_mem>>) src(%dma_wait3A_11 : memref<6272xi32, #tpu.memory_space<hbm>>) dst(%arg10 : memref<6272xi32, #tpu.memory_space<vmem>>)
      tpu.yield
    }) : () -> ()
    %iota3A = tpu.iota {dimensions = array<i32: 0>} : vector<16xi32>
    %scan3A = arith.constant 0 : i32
    %scan3A_5 = arith.constant 0 : i32
    %scan3A_6 = arith.constant 49 : i32
    %scan3A_7 = arith.addi %scan3A_5, %scan3A_6 : i32
    %scan3A_8 = arith.constant 1 : i32
    scf.for %scan3A_10 = %scan3A_5 to %scan3A_7 step %scan3A_8  : i32 {
      %mul3A_11 = arith.constant 6272 : i32
      %mul3A_12 = arith.muli %add3A, %mul3A_11 : i32
      %mul3A_13 = arith.constant 128 : i32
      %mul3A_14 = arith.muli %scan3A_10, %mul3A_13 : i32
      %add3A_15 = arith.addi %mul3A_12, %mul3A_14 : i32
      %mul3A_16 = arith.constant 128 : i32
      %mul3A_17 = arith.muli %scan3A_10, %mul3A_16 : i32
      %add3A_18 = arith.constant 0 : i32
      %add3A_19 = arith.addi %mul3A_17, %add3A_18 : i32
      %get3A = arith.index_cast %add3A_19 : i32 to index
      %get3A_20 = tpu.vector_load %arg9[%get3A] {strides = array<i32>} : memref<6272xi32, #tpu.memory_space<vmem>>, vector<16xi32>,
      %swap3A = arith.constant 0 : index
      %swap3A_21 = tpu.vector_load %arg11[%swap3A] {strides = array<i32>} : memref<128xi32, #tpu.memory_space<vmem>>, vector<16xi32>,
      tpu.vector_store %arg11[%swap3A], %get3A_20 {strides = array<i32>} : memref<128xi32, #tpu.memory_space<vmem>>, vector<16xi32>,
      %mul3A_22 = arith.constant 128 : i32
      %mul3A_23 = arith.muli %scan3A_10, %mul3A_22 : i32
      %add3A_24 = arith.constant 0 : i32
      %add3A_25 = arith.addi %mul3A_23, %add3A_24 : i32
      %get3A_26 = arith.index_cast %add3A_25 : i32 to index
      %get3A_27 = tpu.vector_load %arg10[%get3A_26] {strides = array<i32>} : memref<6272xi32, #tpu.memory_space<vmem>>, vector<16xi32>,
      %swap3A_28 = arith.constant 0 : index
      %swap3A_29 = tpu.vector_load %arg12[%swap3A_28] {strides = array<i32>} : memref<128xi32, #tpu.memory_space<vmem>>, vector<16xi32>,
      tpu.vector_store %arg12[%swap3A_28], %get3A_27 {strides = array<i32>} : memref<128xi32, #tpu.memory_space<vmem>>, vector<16xi32>,
      %mul3A_30 = arith.constant 128 : i32
      %mul3A_31 = arith.muli %scan3A_10, %mul3A_30 : i32
      %add3A_32 = arith.constant 16 : i32
      %add3A_33 = arith.addi %mul3A_31, %add3A_32 : i32
      %get3A_34 = arith.index_cast %add3A_33 : i32 to index
      %get3A_35 = tpu.vector_load %arg9[%get3A_34] {strides = array<i32>} : memref<6272xi32, #tpu.memory_space<vmem>>, vector<16xi32>,
      %swap3A_36 = arith.constant 16 : index
      %swap3A_37 = tpu.vector_load %arg11[%swap3A_36] {strides = array<i32>} : memref<128xi32, #tpu.memory_space<vmem>>, vector<16xi32>,
      tpu.vector_store %arg11[%swap3A_36], %get3A_35 {strides = array<i32>} : memref<128xi32, #tpu.memory_space<vmem>>, vector<16xi32>,
      %mul3A_38 = arith.constant 128 : i32
      %mul3A_39 = arith.muli %scan3A_10, %mul3A_38 : i32
      %add3A_40 = arith.constant 16 : i32
      %add3A_41 = arith.addi %mul3A_39, %add3A_40 : i32
      %get3A_42 = arith.index_cast %add3A_41 : i32 to index
      %get3A_43 = tpu.vector_load %arg10[%get3A_42] {strides = array<i32>} : memref<6272xi32, #tpu.memory_space<vmem>>, vector<16xi32>,
      %swap3A_44 = arith.constant 16 : index
      %swap3A_45 = tpu.vector_load %arg12[%swap3A_44] {strides = array<i32>} : memref<128xi32, #tpu.memory_space<vmem>>, vector<16xi32>,
      tpu.vector_store %arg12[%swap3A_44], %get3A_43 {strides = array<i32>} : memref<128xi32, #tpu.memory_space<vmem>>, vector<16xi32>,
      %mul3A_46 = arith.constant 128 : i32
      %mul3A_47 = arith.muli %scan3A_10, %mul3A_46 : i32
      %add3A_48 = arith.constant 32 : i32
      %add3A_49 = arith.addi %mul3A_47, %add3A_48 : i32
      %get3A_50 = arith.index_cast %add3A_49 : i32 to index
      %get3A_51 = tpu.vector_load %arg9[%get3A_50] {strides = array<i32>} : memref<6272xi32, #tpu.memory_space<vmem>>, vector<16xi32>,
      %swap3A_52 = arith.constant 32 : index
      %swap3A_53 = tpu.vector_load %arg11[%swap3A_52] {strides = array<i32>} : memref<128xi32, #tpu.memory_space<vmem>>, vector<16xi32>,
      tpu.vector_store %arg11[%swap3A_52], %get3A_51 {strides = array<i32>} : memref<128xi32, #tpu.memory_space<vmem>>, vector<16xi32>,
      %mul3A_54 = arith.constant 128 : i32
      %mul3A_55 = arith.muli %scan3A_10, %mul3A_54 : i32
      %add3A_56 = arith.constant 32 : i32
      %add3A_57 = arith.addi %mul3A_55, %add3A_56 : i32
      %get3A_58 = arith.index_cast %add3A_57 : i32 to index
      %get3A_59 = tpu.vector_load %arg10[%get3A_58] {strides = array<i32>} : memref<6272xi32, #tpu.memory_space<vmem>>, vector<16xi32>,
      %swap3A_60 = arith.constant 32 : index
      %swap3A_61 = tpu.vector_load %arg12[%swap3A_60] {strides = array<i32>} : memref<128xi32, #tpu.memory_space<vmem>>, vector<16xi32>,
      tpu.vector_store %arg12[%swap3A_60], %get3A_59 {strides = array<i32>} : memref<128xi32, #tpu.memory_space<vmem>>, vector<16xi32>,
      %mul3A_62 = arith.constant 128 : i32
      %mul3A_63 = arith.muli %scan3A_10, %mul3A_62 : i32
      %add3A_64 = arith.constant 48 : i32
      %add3A_65 = arith.addi %mul3A_63, %add3A_64 : i32
      %get3A_66 = arith.index_cast %add3A_65 : i32 to index
      %get3A_67 = tpu.vector_load %arg9[%get3A_66] {strides = array<i32>} : memref<6272xi32, #tpu.memory_space<vmem>>, vector<16xi32>,
      %swap3A_68 = arith.constant 48 : index
      %swap3A_69 = tpu.vector_load %arg11[%swap3A_68] {strides = array<i32>} : memref<128xi32, #tpu.memory_space<vmem>>, vector<16xi32>,
      tpu.vector_store %arg11[%swap3A_68], %get3A_67 {strides = array<i32>} : memref<128xi32, #tpu.memory_space<vmem>>, vector<16xi32>,
      %mul3A_70 = arith.constant 128 : i32
      %mul3A_71 = arith.muli %scan3A_10, %mul3A_70 : i32
      %add3A_72 = arith.constant 48 : i32
      %add3A_73 = arith.addi %mul3A_71, %add3A_72 : i32
      %get3A_74 = arith.index_cast %add3A_73 : i32 to index
      %get3A_75 = tpu.vector_load %arg10[%get3A_74] {strides = array<i32>} : memref<6272xi32, #tpu.memory_space<vmem>>, vector<16xi32>,
      %swap3A_76 = arith.constant 48 : index
      %swap3A_77 = tpu.vector_load %arg12[%swap3A_76] {strides = array<i32>} : memref<128xi32, #tpu.memory_space<vmem>>, vector<16xi32>,
      tpu.vector_store %arg12[%swap3A_76], %get3A_75 {strides = array<i32>} : memref<128xi32, #tpu.memory_space<vmem>>, vector<16xi32>,
      %mul3A_78 = arith.constant 128 : i32
      %mul3A_79 = arith.muli %scan3A_10, %mul3A_78 : i32
      %add3A_80 = arith.constant 64 : i32
      %add3A_81 = arith.addi %mul3A_79, %add3A_80 : i32
      %get3A_82 = arith.index_cast %add3A_81 : i32 to index
      %get3A_83 = tpu.vector_load %arg9[%get3A_82] {strides = array<i32>} : memref<6272xi32, #tpu.memory_space<vmem>>, vector<16xi32>,
      %swap3A_84 = arith.constant 64 : index
      %swap3A_85 = tpu.vector_load %arg11[%swap3A_84] {strides = array<i32>} : memref<128xi32, #tpu.memory_space<vmem>>, vector<16xi32>,
      tpu.vector_store %arg11[%swap3A_84], %get3A_83 {strides = array<i32>} : memref<128xi32, #tpu.memory_space<vmem>>, vector<16xi32>,
      %mul3A_86 = arith.constant 128 : i32
      %mul3A_87 = arith.muli %scan3A_10, %mul3A_86 : i32
      %add3A_88 = arith.constant 64 : i32
      %add3A_89 = arith.addi %mul3A_87, %add3A_88 : i32
      %get3A_90 = arith.index_cast %add3A_89 : i32 to index
      %get3A_91 = tpu.vector_load %arg10[%get3A_90] {strides = array<i32>} : memref<6272xi32, #tpu.memory_space<vmem>>, vector<16xi32>,
      %swap3A_92 = arith.constant 64 : index
      %swap3A_93 = tpu.vector_load %arg12[%swap3A_92] {strides = array<i32>} : memref<128xi32, #tpu.memory_space<vmem>>, vector<16xi32>,
      tpu.vector_store %arg12[%swap3A_92], %get3A_91 {strides = array<i32>} : memref<128xi32, #tpu.memory_space<vmem>>, vector<16xi32>,
      %mul3A_94 = arith.constant 128 : i32
      %mul3A_95 = arith.muli %scan3A_10, %mul3A_94 : i32
      %add3A_96 = arith.constant 80 : i32
      %add3A_97 = arith.addi %mul3A_95, %add3A_96 : i32
      %get3A_98 = arith.index_cast %add3A_97 : i32 to index
      %get3A_99 = tpu.vector_load %arg9[%get3A_98] {strides = array<i32>} : memref<6272xi32, #tpu.memory_space<vmem>>, vector<16xi32>,
      %swap3A_100 = arith.constant 80 : index
      %swap3A_101 = tpu.vector_load %arg11[%swap3A_100] {strides = array<i32>} : memref<128xi32, #tpu.memory_space<vmem>>, vector<16xi32>,
      tpu.vector_store %arg11[%swap3A_100], %get3A_99 {strides = array<i32>} : memref<128xi32, #tpu.memory_space<vmem>>, vector<16xi32>,
      %mul3A_102 = arith.constant 128 : i32
      %mul3A_103 = arith.muli %scan3A_10, %mul3A_102 : i32
      %add3A_104 = arith.constant 80 : i32
      %add3A_105 = arith.addi %mul3A_103, %add3A_104 : i32
      %get3A_106 = arith.index_cast %add3A_105 : i32 to index
      %get3A_107 = tpu.vector_load %arg10[%get3A_106] {strides = array<i32>} : memref<6272xi32, #tpu.memory_space<vmem>>, vector<16xi32>,
      %swap3A_108 = arith.constant 80 : index
      %swap3A_109 = tpu.vector_load %arg12[%swap3A_108] {strides = array<i32>} : memref<128xi32, #tpu.memory_space<vmem>>, vector<16xi32>,
      tpu.vector_store %arg12[%swap3A_108], %get3A_107 {strides = array<i32>} : memref<128xi32, #tpu.memory_space<vmem>>, vector<16xi32>,
      %mul3A_110 = arith.constant 128 : i32
      %mul3A_111 = arith.muli %scan3A_10, %mul3A_110 : i32
      %add3A_112 = arith.constant 96 : i32
      %add3A_113 = arith.addi %mul3A_111, %add3A_112 : i32
      %get3A_114 = arith.index_cast %add3A_113 : i32 to index
      %get3A_115 = tpu.vector_load %arg9[%get3A_114] {strides = array<i32>} : memref<6272xi32, #tpu.memory_space<vmem>>, vector<16xi32>,
      %swap3A_116 = arith.constant 96 : index
      %swap3A_117 = tpu.vector_load %arg11[%swap3A_116] {strides = array<i32>} : memref<128xi32, #tpu.memory_space<vmem>>, vector<16xi32>,
      tpu.vector_store %arg11[%swap3A_116], %get3A_115 {strides = array<i32>} : memref<128xi32, #tpu.memory_space<vmem>>, vector<16xi32>,
      %mul3A_118 = arith.constant 128 : i32
      %mul3A_119 = arith.muli %scan3A_10, %mul3A_118 : i32
      %add3A_120 = arith.constant 96 : i32
      %add3A_121 = arith.addi %mul3A_119, %add3A_120 : i32
      %get3A_122 = arith.index_cast %add3A_121 : i32 to index
      %get3A_123 = tpu.vector_load %arg10[%get3A_122] {strides = array<i32>} : memref<6272xi32, #tpu.memory_space<vmem>>, vector<16xi32>,
      %swap3A_124 = arith.constant 96 : index
      %swap3A_125 = tpu.vector_load %arg12[%swap3A_124] {strides = array<i32>} : memref<128xi32, #tpu.memory_space<vmem>>, vector<16xi32>,
      tpu.vector_store %arg12[%swap3A_124], %get3A_123 {strides = array<i32>} : memref<128xi32, #tpu.memory_space<vmem>>, vector<16xi32>,
      %mul3A_126 = arith.constant 128 : i32
      %mul3A_127 = arith.muli %scan3A_10, %mul3A_126 : i32
      %add3A_128 = arith.constant 112 : i32
      %add3A_129 = arith.addi %mul3A_127, %add3A_128 : i32
      %get3A_130 = arith.index_cast %add3A_129 : i32 to index
      %get3A_131 = tpu.vector_load %arg9[%get3A_130] {strides = array<i32>} : memref<6272xi32, #tpu.memory_space<vmem>>, vector<16xi32>,
      %swap3A_132 = arith.constant 112 : index
      %swap3A_133 = tpu.vector_load %arg11[%swap3A_132] {strides = array<i32>} : memref<128xi32, #tpu.memory_space<vmem>>, vector<16xi32>,
      tpu.vector_store %arg11[%swap3A_132], %get3A_131 {strides = array<i32>} : memref<128xi32, #tpu.memory_space<vmem>>, vector<16xi32>,
      %mul3A_134 = arith.constant 128 : i32
      %mul3A_135 = arith.muli %scan3A_10, %mul3A_134 : i32
      %add3A_136 = arith.constant 112 : i32
      %add3A_137 = arith.addi %mul3A_135, %add3A_136 : i32
      %get3A_138 = arith.index_cast %add3A_137 : i32 to index
      %get3A_139 = tpu.vector_load %arg10[%get3A_138] {strides = array<i32>} : memref<6272xi32, #tpu.memory_space<vmem>>, vector<16xi32>,
      %swap3A_140 = arith.constant 112 : index
      %swap3A_141 = tpu.vector_load %arg12[%swap3A_140] {strides = array<i32>} : memref<128xi32, #tpu.memory_space<vmem>>, vector<16xi32>,
      tpu.vector_store %arg12[%swap3A_140], %get3A_139 {strides = array<i32>} : memref<128xi32, #tpu.memory_space<vmem>>, vector<16xi32>,
      %dma_start3A = arith.constant 0 : i32
      %dma_start3A_142 = arith.constant 0 : i32
      %dma_start3A_143 = tpu.memref_slice %arg4[%dma_start3A, %dma_start3A_142] : memref<10000x128xf32, #tpu.memory_space<hbm>> -> memref<10000x128xf32, #tpu.memory_space<hbm>>
      tpu.enqueue_indirect_dma source(%dma_start3A_143 : memref<10000x128xf32, #tpu.memory_space<hbm>>) target(%arg13 : memref<128x128xf32, #tpu.memory_space<vmem>>) offsets(%arg11 : memref<128xi32, #tpu.memory_space<vmem>>) semaphore(%arg19 : memref<!tpu.dma_semaphore, #tpu.memory_space<semaphore_mem>>)
      %dma_start3A_144 = arith.constant 0 : i32
      %dma_start3A_145 = arith.constant 0 : i32
      %dma_start3A_146 = tpu.memref_slice %arg5[%dma_start3A_144, %dma_start3A_145] : memref<10000x128xf32, #tpu.memory_space<hbm>> -> memref<10000x128xf32, #tpu.memory_space<hbm>>
      tpu.enqueue_indirect_dma source(%dma_start3A_146 : memref<10000x128xf32, #tpu.memory_space<hbm>>) target(%arg14 : memref<128x128xf32, #tpu.memory_space<vmem>>) offsets(%arg12 : memref<128xi32, #tpu.memory_space<vmem>>) semaphore(%arg20 : memref<!tpu.dma_semaphore, #tpu.memory_space<semaphore_mem>>)
      %dma_wait3A = arith.constant 0 : i32
      %dma_wait3A_147 = arith.constant 0 : i32
      %dma_wait3A_148 = tpu.memref_slice %arg4[%dma_wait3A, %dma_wait3A_147] : memref<10000x128xf32, #tpu.memory_space<hbm>> -> memref<10000x128xf32, #tpu.memory_space<hbm>>
      tpu.wait_indirect_dma semaphore(%arg19 : memref<!tpu.dma_semaphore, #tpu.memory_space<semaphore_mem>>) src(%dma_wait3A_148 : memref<10000x128xf32, #tpu.memory_space<hbm>>) dst(%arg13 : memref<128x128xf32, #tpu.memory_space<vmem>>)
      %dma_wait3A_149 = arith.constant 0 : i32
      %dma_wait3A_150 = arith.constant 0 : i32
      %dma_wait3A_151 = tpu.memref_slice %arg5[%dma_wait3A_149, %dma_wait3A_150] : memref<10000x128xf32, #tpu.memory_space<hbm>> -> memref<10000x128xf32, #tpu.memory_space<hbm>>
      tpu.wait_indirect_dma semaphore(%arg20 : memref<!tpu.dma_semaphore, #tpu.memory_space<semaphore_mem>>) src(%dma_wait3A_151 : memref<10000x128xf32, #tpu.memory_space<hbm>>) dst(%arg14 : memref<128x128xf32, #tpu.memory_space<vmem>>)
      %scan3A_152 = arith.constant 0 : i32
      %scan3A_153 = arith.constant 0 : i32
      %scan3A_154 = arith.constant 128 : i32
      %scan3A_155 = arith.addi %scan3A_153, %scan3A_154 : i32
      %scan3A_156 = arith.constant 1 : i32
      scf.for %scan3A_164 = %scan3A_153 to %scan3A_155 step %scan3A_156  : i32 {
        %get3A_165 = arith.index_cast %scan3A_164 : i32 to index
        %get3A_166 = arith.constant 0 : index
        %get3A_167 = tpu.vector_load %arg13[%get3A_165, %get3A_166] {strides = array<i32>} : memref<128x128xf32, #tpu.memory_space<vmem>>, vector<16xf32>,
        %get3A_168 = arith.index_cast %scan3A_164 : i32 to index
        %get3A_169 = arith.constant 0 : index
        %get3A_170 = tpu.vector_load %arg14[%get3A_168, %get3A_169] {strides = array<i32>} : memref<128x128xf32, #tpu.memory_space<vmem>>, vector<16xf32>,
        %mul3A_171 = arith.mulf %get3A_167, %get3A_170 : vector<16xf32>
        %get3A_172 = arith.index_cast %scan3A_164 : i32 to index
        %get3A_173 = arith.constant 16 : index
        %get3A_174 = tpu.vector_load %arg13[%get3A_172, %get3A_173] {strides = array<i32>} : memref<128x128xf32, #tpu.memory_space<vmem>>, vector<16xf32>,
        %get3A_175 = arith.index_cast %scan3A_164 : i32 to index
        %get3A_176 = arith.constant 16 : index
        %get3A_177 = tpu.vector_load %arg14[%get3A_175, %get3A_176] {strides = array<i32>} : memref<128x128xf32, #tpu.memory_space<vmem>>, vector<16xf32>,
        %mul3A_178 = arith.mulf %get3A_174, %get3A_177 : vector<16xf32>
        %add3A_179 = arith.addf %mul3A_171, %mul3A_178 : vector<16xf32>
        %get3A_180 = arith.index_cast %scan3A_164 : i32 to index
        %get3A_181 = arith.constant 32 : index
        %get3A_182 = tpu.vector_load %arg13[%get3A_180, %get3A_181] {strides = array<i32>} : memref<128x128xf32, #tpu.memory_space<vmem>>, vector<16xf32>,
        %get3A_183 = arith.index_cast %scan3A_164 : i32 to index
        %get3A_184 = arith.constant 32 : index
        %get3A_185 = tpu.vector_load %arg14[%get3A_183, %get3A_184] {strides = array<i32>} : memref<128x128xf32, #tpu.memory_space<vmem>>, vector<16xf32>,
        %mul3A_186 = arith.mulf %get3A_182, %get3A_185 : vector<16xf32>
        %add3A_187 = arith.addf %add3A_179, %mul3A_186 : vector<16xf32>
        %get3A_188 = arith.index_cast %scan3A_164 : i32 to index
        %get3A_189 = arith.constant 48 : index
        %get3A_190 = tpu.vector_load %arg13[%get3A_188, %get3A_189] {strides = array<i32>} : memref<128x128xf32, #tpu.memory_space<vmem>>, vector<16xf32>,
        %get3A_191 = arith.index_cast %scan3A_164 : i32 to index
        %get3A_192 = arith.constant 48 : index
        %get3A_193 = tpu.vector_load %arg14[%get3A_191, %get3A_192] {strides = array<i32>} : memref<128x128xf32, #tpu.memory_space<vmem>>, vector<16xf32>,
        %mul3A_194 = arith.mulf %get3A_190, %get3A_193 : vector<16xf32>
        %add3A_195 = arith.addf %add3A_187, %mul3A_194 : vector<16xf32>
        %get3A_196 = arith.index_cast %scan3A_164 : i32 to index
        %get3A_197 = arith.constant 64 : index
        %get3A_198 = tpu.vector_load %arg13[%get3A_196, %get3A_197] {strides = array<i32>} : memref<128x128xf32, #tpu.memory_space<vmem>>, vector<16xf32>,
        %get3A_199 = arith.index_cast %scan3A_164 : i32 to index
        %get3A_200 = arith.constant 64 : index
        %get3A_201 = tpu.vector_load %arg14[%get3A_199, %get3A_200] {strides = array<i32>} : memref<128x128xf32, #tpu.memory_space<vmem>>, vector<16xf32>,
        %mul3A_202 = arith.mulf %get3A_198, %get3A_201 : vector<16xf32>
        %add3A_203 = arith.addf %add3A_195, %mul3A_202 : vector<16xf32>
        %get3A_204 = arith.index_cast %scan3A_164 : i32 to index
        %get3A_205 = arith.constant 80 : index
        %get3A_206 = tpu.vector_load %arg13[%get3A_204, %get3A_205] {strides = array<i32>} : memref<128x128xf32, #tpu.memory_space<vmem>>, vector<16xf32>,
        %get3A_207 = arith.index_cast %scan3A_164 : i32 to index
        %get3A_208 = arith.constant 80 : index
        %get3A_209 = tpu.vector_load %arg14[%get3A_207, %get3A_208] {strides = array<i32>} : memref<128x128xf32, #tpu.memory_space<vmem>>, vector<16xf32>,
        %mul3A_210 = arith.mulf %get3A_206, %get3A_209 : vector<16xf32>
        %add3A_211 = arith.addf %add3A_203, %mul3A_210 : vector<16xf32>
        %get3A_212 = arith.index_cast %scan3A_164 : i32 to index
        %get3A_213 = arith.constant 96 : index
        %get3A_214 = tpu.vector_load %arg13[%get3A_212, %get3A_213] {strides = array<i32>} : memref<128x128xf32, #tpu.memory_space<vmem>>, vector<16xf32>,
        %get3A_215 = arith.index_cast %scan3A_164 : i32 to index
        %get3A_216 = arith.constant 96 : index
        %get3A_217 = tpu.vector_load %arg14[%get3A_215, %get3A_216] {strides = array<i32>} : memref<128x128xf32, #tpu.memory_space<vmem>>, vector<16xf32>,
        %mul3A_218 = arith.mulf %get3A_214, %get3A_217 : vector<16xf32>
        %add3A_219 = arith.addf %add3A_211, %mul3A_218 : vector<16xf32>
        %get3A_220 = arith.index_cast %scan3A_164 : i32 to index
        %get3A_221 = arith.constant 112 : index
        %get3A_222 = tpu.vector_load %arg13[%get3A_220, %get3A_221] {strides = array<i32>} : memref<128x128xf32, #tpu.memory_space<vmem>>, vector<16xf32>,
        %get3A_223 = arith.index_cast %scan3A_164 : i32 to index
        %get3A_224 = arith.constant 112 : index
        %get3A_225 = tpu.vector_load %arg14[%get3A_223, %get3A_224] {strides = array<i32>} : memref<128x128xf32, #tpu.memory_space<vmem>>, vector<16xf32>,
        %mul3A_226 = arith.mulf %get3A_222, %get3A_225 : vector<16xf32>
        %add3A_227 = arith.addf %add3A_219, %mul3A_226 : vector<16xf32>
        %mul3A_228 = arith.constant 16 : i32
        %mul3A_229 = arith.muli %scan3A_164, %mul3A_228 : i32
        %swap3A_230 = arith.index_cast %mul3A_229 : i32 to index
        %swap3A_231 = tpu.vector_load %arg15[%swap3A_230] {strides = array<i32>} : memref<2048xf32, #tpu.memory_space<vmem>>, vector<16xf32>,
        tpu.vector_store %arg15[%swap3A_230], %add3A_227 {strides = array<i32>} : memref<2048xf32, #tpu.memory_space<vmem>>, vector<16xf32>,
      }
      %scan3A_157 = arith.constant 128 : i32
      %scan3A_158 = arith.constant 0 : i32
      %scan3A_159 = arith.constant 0 : i32
      %scan3A_160 = arith.constant 8 : i32
      %scan3A_161 = arith.addi %scan3A_159, %scan3A_160 : i32
      %scan3A_162 = arith.constant 1 : i32
      scf.for %scan3A_164 = %scan3A_159 to %scan3A_161 step %scan3A_162  : i32 {
        %mul3A_165 = arith.constant 16 : i32
        %mul3A_166 = arith.muli %scan3A_164, %mul3A_165 : i32
        %add3A_167 = vector.broadcast %mul3A_166 : i32 to vector<16xi32>
        %add3A_168 = arith.addi %add3A_167, %iota3A : vector<16xi32>
        %mul3A_169 = arith.constant 16 : i32
        %mul3A_170 = vector.broadcast %mul3A_169 : i32 to vector<16xi32>
        %mul3A_171 = arith.muli %add3A_168, %mul3A_170 : vector<16xi32>
        %broadcast_in_dim3A = arith.constant 0.000000e+00 : f32
        %broadcast_in_dim3A_172 = vector.broadcast %broadcast_in_dim3A : f32 to vector<16xf32>
        %add3A_173 = arith.constant 0 : i32
        %add3A_174 = vector.broadcast %add3A_173 : i32 to vector<16xi32>
        %add3A_175 = arith.addi %mul3A_171, %add3A_174 : vector<16xi32>
        %gather3A = tpu.vector_load_idx %arg15[%add3A_175] : memref<2048xf32, #tpu.memory_space<vmem>>[vector<16xi32>], vector<16xf32>,
        %add3A_176 = arith.addf %broadcast_in_dim3A_172, %gather3A : vector<16xf32>
        %add3A_177 = arith.constant 1 : i32
        %add3A_178 = vector.broadcast %add3A_177 : i32 to vector<16xi32>
        %add3A_179 = arith.addi %mul3A_171, %add3A_178 : vector<16xi32>
        %gather3A_180 = tpu.vector_load_idx %arg15[%add3A_179] : memref<2048xf32, #tpu.memory_space<vmem>>[vector<16xi32>], vector<16xf32>,
        %add3A_181 = arith.addf %add3A_176, %gather3A_180 : vector<16xf32>
        %add3A_182 = arith.constant 2 : i32
        %add3A_183 = vector.broadcast %add3A_182 : i32 to vector<16xi32>
        %add3A_184 = arith.addi %mul3A_171, %add3A_183 : vector<16xi32>
        %gather3A_185 = tpu.vector_load_idx %arg15[%add3A_184] : memref<2048xf32, #tpu.memory_space<vmem>>[vector<16xi32>], vector<16xf32>,
        %add3A_186 = arith.addf %add3A_181, %gather3A_185 : vector<16xf32>
        %add3A_187 = arith.constant 3 : i32
        %add3A_188 = vector.broadcast %add3A_187 : i32 to vector<16xi32>
        %add3A_189 = arith.addi %mul3A_171, %add3A_188 : vector<16xi32>
        %gather3A_190 = tpu.vector_load_idx %arg15[%add3A_189] : memref<2048xf32, #tpu.memory_space<vmem>>[vector<16xi32>], vector<16xf32>,
        %add3A_191 = arith.addf %add3A_186, %gather3A_190 : vector<16xf32>
        %add3A_192 = arith.constant 4 : i32
        %add3A_193 = vector.broadcast %add3A_192 : i32 to vector<16xi32>
        %add3A_194 = arith.addi %mul3A_171, %add3A_193 : vector<16xi32>
        %gather3A_195 = tpu.vector_load_idx %arg15[%add3A_194] : memref<2048xf32, #tpu.memory_space<vmem>>[vector<16xi32>], vector<16xf32>,
        %add3A_196 = arith.addf %add3A_191, %gather3A_195 : vector<16xf32>
        %add3A_197 = arith.constant 5 : i32
        %add3A_198 = vector.broadcast %add3A_197 : i32 to vector<16xi32>
        %add3A_199 = arith.addi %mul3A_171, %add3A_198 : vector<16xi32>
        %gather3A_200 = tpu.vector_load_idx %arg15[%add3A_199] : memref<2048xf32, #tpu.memory_space<vmem>>[vector<16xi32>], vector<16xf32>,
        %add3A_201 = arith.addf %add3A_196, %gather3A_200 : vector<16xf32>
        %add3A_202 = arith.constant 6 : i32
        %add3A_203 = vector.broadcast %add3A_202 : i32 to vector<16xi32>
        %add3A_204 = arith.addi %mul3A_171, %add3A_203 : vector<16xi32>
        %gather3A_205 = tpu.vector_load_idx %arg15[%add3A_204] : memref<2048xf32, #tpu.memory_space<vmem>>[vector<16xi32>], vector<16xf32>,
        %add3A_206 = arith.addf %add3A_201, %gather3A_205 : vector<16xf32>
        %add3A_207 = arith.constant 7 : i32
        %add3A_208 = vector.broadcast %add3A_207 : i32 to vector<16xi32>
        %add3A_209 = arith.addi %mul3A_171, %add3A_208 : vector<16xi32>
        %gather3A_210 = tpu.vector_load_idx %arg15[%add3A_209] : memref<2048xf32, #tpu.memory_space<vmem>>[vector<16xi32>], vector<16xf32>,
        %add3A_211 = arith.addf %add3A_206, %gather3A_210 : vector<16xf32>
        %add3A_212 = arith.constant 8 : i32
        %add3A_213 = vector.broadcast %add3A_212 : i32 to vector<16xi32>
        %add3A_214 = arith.addi %mul3A_171, %add3A_213 : vector<16xi32>
        %gather3A_215 = tpu.vector_load_idx %arg15[%add3A_214] : memref<2048xf32, #tpu.memory_space<vmem>>[vector<16xi32>], vector<16xf32>,
        %add3A_216 = arith.addf %add3A_211, %gather3A_215 : vector<16xf32>
        %add3A_217 = arith.constant 9 : i32
        %add3A_218 = vector.broadcast %add3A_217 : i32 to vector<16xi32>
        %add3A_219 = arith.addi %mul3A_171, %add3A_218 : vector<16xi32>
        %gather3A_220 = tpu.vector_load_idx %arg15[%add3A_219] : memref<2048xf32, #tpu.memory_space<vmem>>[vector<16xi32>], vector<16xf32>,
        %add3A_221 = arith.addf %add3A_216, %gather3A_220 : vector<16xf32>
        %add3A_222 = arith.constant 10 : i32
        %add3A_223 = vector.broadcast %add3A_222 : i32 to vector<16xi32>
        %add3A_224 = arith.addi %mul3A_171, %add3A_223 : vector<16xi32>
        %gather3A_225 = tpu.vector_load_idx %arg15[%add3A_224] : memref<2048xf32, #tpu.memory_space<vmem>>[vector<16xi32>], vector<16xf32>,
        %add3A_226 = arith.addf %add3A_221, %gather3A_225 : vector<16xf32>
        %add3A_227 = arith.constant 11 : i32
        %add3A_228 = vector.broadcast %add3A_227 : i32 to vector<16xi32>
        %add3A_229 = arith.addi %mul3A_171, %add3A_228 : vector<16xi32>
        %gather3A_230 = tpu.vector_load_idx %arg15[%add3A_229] : memref<2048xf32, #tpu.memory_space<vmem>>[vector<16xi32>], vector<16xf32>,
        %add3A_231 = arith.addf %add3A_226, %gather3A_230 : vector<16xf32>
        %add3A_232 = arith.constant 12 : i32
        %add3A_233 = vector.broadcast %add3A_232 : i32 to vector<16xi32>
        %add3A_234 = arith.addi %mul3A_171, %add3A_233 : vector<16xi32>
        %gather3A_235 = tpu.vector_load_idx %arg15[%add3A_234] : memref<2048xf32, #tpu.memory_space<vmem>>[vector<16xi32>], vector<16xf32>,
        %add3A_236 = arith.addf %add3A_231, %gather3A_235 : vector<16xf32>
        %add3A_237 = arith.constant 13 : i32
        %add3A_238 = vector.broadcast %add3A_237 : i32 to vector<16xi32>
        %add3A_239 = arith.addi %mul3A_171, %add3A_238 : vector<16xi32>
        %gather3A_240 = tpu.vector_load_idx %arg15[%add3A_239] : memref<2048xf32, #tpu.memory_space<vmem>>[vector<16xi32>], vector<16xf32>,
        %add3A_241 = arith.addf %add3A_236, %gather3A_240 : vector<16xf32>
        %add3A_242 = arith.constant 14 : i32
        %add3A_243 = vector.broadcast %add3A_242 : i32 to vector<16xi32>
        %add3A_244 = arith.addi %mul3A_171, %add3A_243 : vector<16xi32>
        %gather3A_245 = tpu.vector_load_idx %arg15[%add3A_244] : memref<2048xf32, #tpu.memory_space<vmem>>[vector<16xi32>], vector<16xf32>,
        %add3A_246 = arith.addf %add3A_241, %gather3A_245 : vector<16xf32>
        %add3A_247 = arith.constant 15 : i32
        %add3A_248 = vector.broadcast %add3A_247 : i32 to vector<16xi32>
        %add3A_249 = arith.addi %mul3A_171, %add3A_248 : vector<16xi32>
        %gather3A_250 = tpu.vector_load_idx %arg15[%add3A_249] : memref<2048xf32, #tpu.memory_space<vmem>>[vector<16xi32>], vector<16xf32>,
        %add3A_251 = arith.addf %add3A_246, %gather3A_250 : vector<16xf32>
        %mul3A_252 = arith.constant 16 : i32
        %mul3A_253 = arith.muli %scan3A_164, %mul3A_252 : i32
        %get3A_254 = arith.index_cast %mul3A_253 : i32 to index
        %get3A_255 = tpu.vector_load %arg11[%get3A_254] {strides = array<i32>} : memref<128xi32, #tpu.memory_space<vmem>>, vector<16xi32>,
        %mul3A_256 = arith.constant 16 : i32
        %mul3A_257 = arith.muli %scan3A_164, %mul3A_256 : i32
        %get3A_258 = arith.index_cast %mul3A_257 : i32 to index
        %get3A_259 = tpu.vector_load %arg12[%get3A_258] {strides = array<i32>} : memref<128xi32, #tpu.memory_space<vmem>>, vector<16xi32>,
        %gather3A_260 = tpu.vector_load_idx %arg17[%get3A_255] : memref<10000xf32, #tpu.memory_space<vmem>>[vector<16xi32>], vector<16xf32>,
        %gather3A_261 = tpu.vector_load_idx %arg18[%get3A_259] : memref<10000xf32, #tpu.memory_space<vmem>>[vector<16xi32>], vector<16xf32>,
        %add3A_262 = arith.addf %add3A_251, %gather3A_260 : vector<16xf32>
        %add3A_263 = arith.addf %add3A_262, %gather3A_261 : vector<16xf32>
        %add3A_264 = arith.constant 3.500000e+00 : f32
        %add3A_265 = vector.broadcast %add3A_264 : f32 to vector<16xf32>
        %add3A_266 = arith.addf %add3A_263, %add3A_265 : vector<16xf32>
        %mul3A_267 = arith.constant 16 : i32
        %mul3A_268 = arith.muli %scan3A_164, %mul3A_267 : i32
        %swap3A_269 = arith.index_cast %mul3A_268 : i32 to index
        %swap3A_270 = tpu.vector_load %arg16[%swap3A_269] {strides = array<i32>} : memref<128xf32, #tpu.memory_space<vmem>>, vector<16xf32>,
        tpu.vector_store %arg16[%swap3A_269], %add3A_266 {strides = array<i32>} : memref<128xf32, #tpu.memory_space<vmem>>, vector<16xf32>,
      }
      %scan3A_163 = arith.constant 8 : i32
      "tpu.region"() ({
        %run_scoped3A = tpu.sem_alloc : memref<!tpu.dma_semaphore, #tpu.memory_space<semaphore_mem>>
        %dma_start3A_164 = tpu.memref_slice %arg8[%add3A_15] : memref<200704xf32, #tpu.memory_space<hbm>> -> memref<128xf32, #tpu.memory_space<hbm>>
        %dma_start3A_165 = tpu.memref_slice %arg8[%add3A_15] : memref<200704xf32, #tpu.memory_space<hbm>> -> memref<128xf32, #tpu.memory_space<hbm>>
        tpu.enqueue_dma source(%arg16 : memref<128xf32, #tpu.memory_space<vmem>>) target(%dma_start3A_165 : memref<128xf32, #tpu.memory_space<hbm>>) target_semaphore(%run_scoped3A : memref<!tpu.dma_semaphore, #tpu.memory_space<semaphore_mem>>)
        %dma_wait3A_166 = tpu.memref_slice %arg8[%add3A_15] : memref<200704xf32, #tpu.memory_space<hbm>> -> memref<128xf32, #tpu.memory_space<hbm>>
        %dma_wait3A_167 = tpu.memref_slice %arg8[%add3A_15] : memref<200704xf32, #tpu.memory_space<hbm>> -> memref<128xf32, #tpu.memory_space<hbm>>
        tpu.wait_dma2 semaphore(%run_scoped3A : memref<!tpu.dma_semaphore, #tpu.memory_space<semaphore_mem>>) src(%arg16 : memref<128xf32, #tpu.memory_space<vmem>>) dst(%dma_wait3A_167 : memref<128xf32, #tpu.memory_space<hbm>>)
        tpu.yield
      }) : () -> ()
    }
    %scan3A_9 = arith.constant 49 : i32
    return
  }
}

module attributes {stable_mosaic.version = 14 : i64} {
  func.func @body(%arg0: memref<32x10112xf32, #tpu.memory_space<vmem>>, %arg1: memref<10112x128xf32, #tpu.memory_space<vmem>>, %arg2: memref<10112x128xf32, #tpu.memory_space<vmem>>) attributes {dimension_semantics = [], scalar_prefetch = 0 : i64, scratch_operands = 0 : i64, tpu.core_type = #tpu.core_type<tc>} {
    %get3A = arith.constant 0 : index
    %get3A_0 = arith.constant 0 : index
    %get3A_1 = vector.load %arg0[%get3A, %get3A_0] : memref<32x10112xf32, #tpu.memory_space<vmem>>, vector<32x10112xf32>
    %reduce_sum3A = arith.constant dense<0.000000e+00> : vector<10112xf32>
    %reduce_sum3A_2 = vector.multi_reduction <add>, %get3A_1, %reduce_sum3A [0] : vector<32x10112xf32> to vector<10112xf32>
    %broadcast_in_dim3A = vector.shape_cast %reduce_sum3A_2 : vector<10112xf32> to vector<10112x1xf32>
    %jit3A = arith.constant 1.000000e+00 : f32
    %max3A = vector.broadcast %jit3A : f32 to vector<10112x1xf32>
    %max3A_3 = arith.maximumf %max3A, %broadcast_in_dim3A : vector<10112x1xf32>
    %div3A = arith.constant 1.000000e+00 : f32
    %div3A_4 = vector.broadcast %div3A : f32 to vector<10112x1xf32>
    %div3A_5 = arith.divf %div3A_4, %max3A_3 : vector<10112x1xf32>
    %get3A_6 = arith.constant 0 : index
    %get3A_7 = arith.constant 0 : index
    %get3A_8 = vector.load %arg1[%get3A_6, %get3A_7] : memref<10112x128xf32, #tpu.memory_space<vmem>>, vector<10112x128xf32>
    %mul3A = vector.broadcast %div3A_5 : vector<10112x1xf32> to vector<10112x128xf32>
    %mul3A_9 = arith.mulf %get3A_8, %mul3A : vector<10112x128xf32>
    %swap3A = arith.constant 0 : index
    %swap3A_10 = arith.constant 0 : index
    %swap3A_11 = vector.load %arg2[%swap3A, %swap3A_10] : memref<10112x128xf32, #tpu.memory_space<vmem>>, vector<10112x128xf32>
    tpu.vector_store %arg2[%swap3A, %swap3A_10], %mul3A_9 {strides = array<i32>} : memref<10112x128xf32, #tpu.memory_space<vmem>>, vector<10112x128xf32>,
    return
  }
}

module attributes {stable_mosaic.version = 14 : i64} {
  func.func @body(%arg0: memref<20224x128xf32, #tpu.memory_space<vmem>>, %arg1: memref<10000x128xf32, #tpu.memory_space<vmem>>, %arg2: memref<10000x128xf32, #tpu.memory_space<vmem>>) attributes {dimension_semantics = [], scalar_prefetch = 0 : i64, scratch_operands = 0 : i64, tpu.core_type = #tpu.core_type<tc>} {
    %get3A = arith.constant 0 : index
    %get3A_0 = arith.constant 0 : index
    %get3A_1 = vector.load %arg0[%get3A, %get3A_0] : memref<20224x128xf32, #tpu.memory_space<vmem>>, vector<10000x128xf32>
    %get3A_2 = arith.constant 10112 : index
    %get3A_3 = arith.constant 0 : index
    %get3A_4 = vector.load %arg0[%get3A_2, %get3A_3] : memref<20224x128xf32, #tpu.memory_space<vmem>>, vector<10000x128xf32>
    %add3A = arith.addf %get3A_1, %get3A_4 : vector<10000x128xf32>
    %get3A_5 = arith.constant 0 : index
    %get3A_6 = arith.constant 0 : index
    %get3A_7 = vector.load %arg1[%get3A_5, %get3A_6] : memref<10000x128xf32, #tpu.memory_space<vmem>>, vector<10000x128xf32>
    %add3A_8 = arith.addf %add3A, %get3A_7 : vector<10000x128xf32>
    %swap3A = arith.constant 0 : index
    %swap3A_9 = arith.constant 0 : index
    %swap3A_10 = vector.load %arg2[%swap3A, %swap3A_9] : memref<10000x128xf32, #tpu.memory_space<vmem>>, vector<10000x128xf32>
    tpu.vector_store %arg2[%swap3A, %swap3A_9], %add3A_8 {strides = array<i32>} : memref<10000x128xf32, #tpu.memory_space<vmem>>, vector<10000x128xf32>,
    return
  }
}

module attributes {stable_mosaic.version = 14 : i64} {
  func.func @body(%arg0: memref<10000x128xf32, #tpu.memory_space<vmem>>, %arg1: memref<10000x128xf32, #tpu.memory_space<vmem>>, %arg2: memref<10000x128xf32, #tpu.memory_space<vmem>>, %arg3: memref<10000x1xf32, #tpu.memory_space<vmem>>, %arg4: memref<10000x1xf32, #tpu.memory_space<vmem>>, %arg5: memref<1x1xf32, #tpu.memory_space<smem>>) attributes {dimension_semantics = [], scalar_prefetch = 0 : i64, scratch_operands = 0 : i64, tpu.core_type = #tpu.core_type<tc>} {
    %get3A = arith.constant 0 : index
    %get3A_0 = arith.constant 0 : index
    %get3A_1 = vector.load %arg0[%get3A, %get3A_0] : memref<10000x128xf32, #tpu.memory_space<vmem>>, vector<10000x128xf32>
    %integer_pow3A = arith.mulf %get3A_1, %get3A_1 : vector<10000x128xf32>
    %reduce_sum3A = vector.shape_cast %integer_pow3A : vector<10000x128xf32> to vector<1x10000x128xf32>
    %reduce_sum3A_2 = arith.constant dense<0.000000e+00> : vector<1xf32>
    %reduce_sum3A_3 = vector.multi_reduction <add>, %reduce_sum3A, %reduce_sum3A_2 [1, 2] : vector<1x10000x128xf32> to vector<1xf32>
    %reduce_sum3A_4 = vector.shape_cast %reduce_sum3A_3 : vector<1xf32> to vector<1x1x1xf32>
    %reduce_sum3A_5 = vector.extract %reduce_sum3A_4[0, 0, 0] : f32 from vector<1x1x1xf32>
    %sqrt3A = math.sqrt %reduce_sum3A_5 : f32
    %get3A_6 = arith.constant 0 : index
    %get3A_7 = arith.constant 0 : index
    %get3A_8 = vector.load %arg1[%get3A_6, %get3A_7] : memref<10000x128xf32, #tpu.memory_space<vmem>>, vector<10000x128xf32>
    %integer_pow3A_9 = arith.mulf %get3A_8, %get3A_8 : vector<10000x128xf32>
    %reduce_sum3A_10 = vector.shape_cast %integer_pow3A_9 : vector<10000x128xf32> to vector<1x10000x128xf32>
    %reduce_sum3A_11 = arith.constant dense<0.000000e+00> : vector<1xf32>
    %reduce_sum3A_12 = vector.multi_reduction <add>, %reduce_sum3A_10, %reduce_sum3A_11 [1, 2] : vector<1x10000x128xf32> to vector<1xf32>
    %reduce_sum3A_13 = vector.shape_cast %reduce_sum3A_12 : vector<1xf32> to vector<1x1x1xf32>
    %reduce_sum3A_14 = vector.extract %reduce_sum3A_13[0, 0, 0] : f32 from vector<1x1x1xf32>
    %sqrt3A_15 = math.sqrt %reduce_sum3A_14 : f32
    %get3A_16 = arith.constant 0 : index
    %get3A_17 = arith.constant 0 : index
    %get3A_18 = vector.load %arg2[%get3A_16, %get3A_17] : memref<10000x128xf32, #tpu.memory_space<vmem>>, vector<10000x128xf32>
    %integer_pow3A_19 = arith.mulf %get3A_18, %get3A_18 : vector<10000x128xf32>
    %reduce_sum3A_20 = vector.shape_cast %integer_pow3A_19 : vector<10000x128xf32> to vector<1x10000x128xf32>
    %reduce_sum3A_21 = arith.constant dense<0.000000e+00> : vector<1xf32>
    %reduce_sum3A_22 = vector.multi_reduction <add>, %reduce_sum3A_20, %reduce_sum3A_21 [1, 2] : vector<1x10000x128xf32> to vector<1xf32>
    %reduce_sum3A_23 = vector.shape_cast %reduce_sum3A_22 : vector<1xf32> to vector<1x1x1xf32>
    %reduce_sum3A_24 = vector.extract %reduce_sum3A_23[0, 0, 0] : f32 from vector<1x1x1xf32>
    %sqrt3A_25 = math.sqrt %reduce_sum3A_24 : f32
    %get3A_26 = arith.constant 0 : index
    %get3A_27 = arith.constant 0 : index
    %get3A_28 = vector.load %arg3[%get3A_26, %get3A_27] : memref<10000x1xf32, #tpu.memory_space<vmem>>, vector<10000x1xf32>
    %integer_pow3A_29 = arith.mulf %get3A_28, %get3A_28 : vector<10000x1xf32>
    %reduce_sum3A_30 = vector.shape_cast %integer_pow3A_29 : vector<10000x1xf32> to vector<1x10000x1xf32>
    %reduce_sum3A_31 = arith.constant dense<0.000000e+00> : vector<1xf32>
    %reduce_sum3A_32 = vector.multi_reduction <add>, %reduce_sum3A_30, %reduce_sum3A_31 [1, 2] : vector<1x10000x1xf32> to vector<1xf32>
    %reduce_sum3A_33 = vector.shape_cast %reduce_sum3A_32 : vector<1xf32> to vector<1x1x1xf32>
    %reduce_sum3A_34 = vector.extract %reduce_sum3A_33[0, 0, 0] : f32 from vector<1x1x1xf32>
    %sqrt3A_35 = math.sqrt %reduce_sum3A_34 : f32
    %get3A_36 = arith.constant 0 : index
    %get3A_37 = arith.constant 0 : index
    %get3A_38 = vector.load %arg4[%get3A_36, %get3A_37] : memref<10000x1xf32, #tpu.memory_space<vmem>>, vector<10000x1xf32>
    %integer_pow3A_39 = arith.mulf %get3A_38, %get3A_38 : vector<10000x1xf32>
    %reduce_sum3A_40 = vector.shape_cast %integer_pow3A_39 : vector<10000x1xf32> to vector<1x10000x1xf32>
    %reduce_sum3A_41 = arith.constant dense<0.000000e+00> : vector<1xf32>
    %reduce_sum3A_42 = vector.multi_reduction <add>, %reduce_sum3A_40, %reduce_sum3A_41 [1, 2] : vector<1x10000x1xf32> to vector<1xf32>
    %reduce_sum3A_43 = vector.shape_cast %reduce_sum3A_42 : vector<1xf32> to vector<1x1x1xf32>
    %reduce_sum3A_44 = vector.extract %reduce_sum3A_43[0, 0, 0] : f32 from vector<1x1x1xf32>
    %sqrt3A_45 = math.sqrt %reduce_sum3A_44 : f32
    %add3A = arith.addf %sqrt3A_35, %sqrt3A : f32
    %mul3A = arith.constant 1.600000e+01 : f32
    %mul3A_46 = arith.mulf %mul3A, %add3A : f32
    %add3A_47 = arith.addf %sqrt3A_45, %sqrt3A_15 : f32
    %add3A_48 = arith.addf %add3A_47, %sqrt3A_25 : f32
    %mul3A_49 = arith.constant 1.600000e+01 : f32
    %mul3A_50 = arith.mulf %mul3A_49, %add3A_48 : f32
    %add3A_51 = arith.addf %mul3A_46, %mul3A_50 : f32
    %swap3A = arith.constant 0 : index
    %swap3A_52 = arith.constant 0 : index
    %swap3A_53 = memref.load %arg5[%swap3A, %swap3A_52] : memref<1x1xf32, #tpu.memory_space<smem>>
    memref.store %add3A_51, %arg5[%swap3A, %swap3A_52] : memref<1x1xf32, #tpu.memory_space<smem>>
    return
  }
}

</mosaic_0001>

<sc_bundles>
// kernel: kernel.11.cloned.1.call-start
scs
__scs_entry_jumppad:
0x0: {  	(pc) =	sbr.rel $0x88, $3  }
0x1: {  	(tag) =	ssettag $0x0;
	lr =	simm.s32 $0x1  }
0x2: {  	[smem:$0x3F99] =	sst lr;
	_ =	strace $0xD0000000  }
0x3: {  	_ = 	snop  }
0x4: {  	_ = 	snop  }
0x5: {  	_ = 	snop  }
0x6: {  	_ = 	snop  }
0x7: {  	_ = 	snop  }
__scs_overlays_trampoline_lowered:
0x8: {  	[smem:$0x3FA8] =	sst s0  }
0x9: {  	[smem:$0x3FA9] =	sst s1  }
0xa: {  	[smem:$0x3FAA] =	sst s2  }
0xb: {  	[smem:$0x3FAB] =	sst s3  }
0xc: {  	[smem:$0x3FAC] =	sst s4  }
0xd: {  	[smem:$0x3FAD] =	sst s5  }
0xe: {  	[smem:$0x3FAE] =	sst s6  }
0xf: {  	[smem:$0x3FAF] =	sst s7  }
0x10: {  	[smem:$0x3FB0] =	sst s8  }
0x11: {  	[smem:$0x3FB1] =	sst s9;
	s0 =	simm.s32 @!p0 $0x0  }
0x12: {  	s1 =	sld [smem:$0x3F97];
	s0 =	simm.s32 @p0 $0x1  }
0x13: {  	[smem:$0x3FB2] =	sst s0;
	s0 =	simm.s32 @!p1 $0x0  }
0x14: {  	s2 =	sld [smem:$0x3F96];
	s0 =	simm.s32 @p1 $0x1  }
0x15: {  	[smem:$0x3FB3] =	sst s0;
	s0 =	simm.s32 @!p2 $0x0  }
0x16: {  	s3 =	sld [smem:$0x3FDB];
	s0 =	simm.s32 @p2 $0x1  }
0x17: {  	s4 =	simm.s32 $0x1BF5;
	[smem:$0x3FB5] =	sst s0  }
0x18: {  	s0 =	sld [smem:$0x3F98];
	_ =	swait.ge [sflag:s4], $0x0  }
0x19: {  	s7 =	sld [smem:$0x3F99]  }
0x1a: {  	s8 =	sadd.s32 $0xFFFFE003, lr  }
0x1b: {  	s9 =	sadd.s32 $0xFFFFFEF7, lr;
	s5 =	simm.s32 $0xFFFFFFFF;
	p2 =	slt.u32 s8, $0xFFFFF086  }
0x1c: {  	p1 =	slt.u32 s9, $0xF7A;
	s5 =	simm.s32 @!p2 $0x0  }
0x1d: {  	s5 =	simm.s32 @p1 $0x1;
	p0 =	seq.s32 s7, s2  }
0x1e: {  	s7 =	smul.u32 @!p0 $0xF7A, s2;
	p2 =	seq.s32 @!p0 s5, $0x0  }
0x1f: {  	s9 =	smul.u32 $0xF7A, s1;
	s8 =	simm.s32 @!p0 $0x1BF5;
	p2 =	por !p2, p0  }
0x20: {  	[sflag:s8] =	ssyncset.s32 @!p0 $0xFFFFF086;
	s6 =	sadd.s32 @!p0 s3, s7;
	s7 =	simm.s32 @!p0 $0x108  }
0x21: {  	s3 =	sadd.s32 s3, s9;
	s6 =	sadd.s32 @!p0 $0x88, s6;
	s7 =	simm.s32 @p2 $0x1082  }
0x22: {  	[simem:s7], [sflag:s8] =	dma.local @!p0 [hbm:s6], $0xF7A  }
0x23: {  	s9 =	sor.u32 $0xD0000000, s2;
	s6 =	simm.s32 $0x108;
	_ =	swait.ge @!p0 [sflag:s8], $0x0  }
0x24: {  	s3 =	sadd.s32 $0x88, s3;
	s6 =	simm.s32 @!p1 $0x1082;
	[sflag:s4] =	ssyncset.s32 $0xFFFFF086  }
0x25: {  	[simem:s6], [sflag:s4] =	dma.local [hbm:s3], $0xF7A  }
0x26: {  	[smem:$0x3F99] =	sst s1;
	(tag) =	ssettag s2;
	_ =	strace s9  }
0x27: {  	s1 =	sld [smem:$0x3FA9]  }
0x28: {  	s2 =	sld [smem:$0x3FAA]  }
0x29: {  	s4 =	sld [smem:$0x3FAC]  }
0x2a: {  	p0 =	seq.s32 s5, $0x0;
	s5 =	sld [smem:$0x3FAD]  }
0x2b: {  	s6 =	sld [smem:$0x3FAE]  }
0x2c: {  	s7 =	sld [smem:$0x3FAF]  }
0x2d: {  	s3 =	simm.s32 $0x108;
	s8 =	sld [smem:$0x3FB0]  }
0x2e: {  	s3 =	simm.s32 @!p0 $0x1082;
	s9 =	sld [smem:$0x3FB1]  }
0x2f: {  	lr =	sadd.s32 s0, s3;
	s0 =	sld [smem:$0x3FA8]  }
0x30: {  	s3 =	sld [smem:$0x3FAB]  }
0x31: {  	[smem:$0x3FB4] =	sst s10  }
0x32: {  	s10 =	sld [smem:$0x3FB2];
	_ =	sdelay $0x3  }
0x33: {  	p0 =	seq.s32 s10, $0x1;
	s10 =	sld [smem:$0x3FB4];
	_ =	sdelay $0x3  }
0x34: {  	[smem:$0x3FB4] =	sst s10  }
0x35: {  	s10 =	sld [smem:$0x3FB3];
	_ =	sdelay $0x3  }
0x36: {  	p1 =	seq.s32 s10, $0x1;
	s10 =	sld [smem:$0x3FB4];
	_ =	sdelay $0x3  }
0x37: {  	[smem:$0x3FB4] =	sst s10  }
0x38: {  	s10 =	sld [smem:$0x3FB5]  }
0x39: {  	_ = 	snop;
	(pc) =	sbr.ind lr, $3  }
0x3a: {  	_ = 	snop  }
0x3b: {  	_ = 	snop  }
0x3c: {  	p2 =	seq.s32 s10, $0x1;
	s10 =	sld [smem:$0x3FB4]  }
0x3d: {  	_ =	shalt  }
0x3e: {  	_ =	shalt  }
0x3f: {  	_ =	shalt  }
0x40: {  	_ =	shalt  }
0x41: {  	_ =	shalt  }
0x42: {  	_ =	shalt  }
0x43: {  	_ =	shalt  }
0x44: {  	_ =	shalt  }
0x45: {  	_ =	shalt  }
0x46: {  	_ =	shalt  }
0x47: {  	_ =	shalt  }
0x48: {  	_ =	shalt  }
0x49: {  	_ =	shalt  }
0x4a: {  	_ =	shalt  }
0x4b: {  	_ =	shalt  }
0x4c: {  	_ =	shalt  }
0x4d: {  	_ =	shalt  }
0x4e: {  	_ =	shalt  }
0x4f: {  	_ =	shalt  }
0x50: {  	_ =	shalt  }
0x51: {  	_ =	shalt  }
0x52: {  	_ =	shalt  }
0x53: {  	_ =	shalt  }
0x54: {  	_ =	shalt  }
0x55: {  	_ =	shalt  }
0x56: {  	_ =	shalt  }
0x57: {  	_ =	shalt  }
0x58: {  	_ =	shalt  }
0x59: {  	_ =	shalt  }
0x5a: {  	_ =	shalt  }
0x5b: {  	_ =	shalt  }
0x5c: {  	_ =	shalt  }
0x5d: {  	_ =	shalt  }
0x5e: {  	_ =	shalt  }
0x5f: {  	_ =	shalt  }
0x60: {  	_ =	shalt  }
0x61: {  	_ =	shalt  }
0x62: {  	_ =	shalt  }
0x63: {  	_ =	shalt  }
0x64: {  	_ =	shalt  }
0x65: {  	_ =	shalt  }
0x66: {  	_ =	shalt  }
0x67: {  	_ =	shalt  }
0x68: {  	_ =	shalt  }
0x69: {  	_ =	shalt  }
0x6a: {  	_ =	shalt  }
0x6b: {  	_ =	shalt  }
0x6c: {  	_ =	shalt  }
0x6d: {  	_ =	shalt  }
0x6e: {  	_ =	shalt  }
0x6f: {  	_ =	shalt  }
0x70: {  	_ =	shalt  }
0x71: {  	_ =	shalt  }
0x72: {  	_ =	shalt  }
0x73: {  	_ =	shalt  }
0x74: {  	_ =	shalt  }
0x75: {  	_ =	shalt  }
0x76: {  	_ =	shalt  }
0x77: {  	_ =	shalt  }
0x78: {  	_ =	shalt  }
0x79: {  	_ =	shalt  }
0x7a: {  	_ =	shalt  }
0x7b: {  	_ =	shalt  }
0x7c: {  	_ =	shalt  }
0x7d: {  	_ =	shalt  }
0x7e: {  	_ =	shalt  }
0x7f: {  	_ =	shalt  }
0x80: {  	_ =	shalt  }
0x81: {  	_ =	shalt  }
0x82: {  	_ =	shalt  }
0x83: {  	_ =	shalt  }
0x84: {  	_ =	shalt  }
0x85: {  	_ =	shalt  }
0x86: {  	_ =	shalt  }
0x87: {  	_ =	shalt  }
.Lfunc_end0:
.L_simem_size_0:
called_computation.1_lowered:
.L_overlay_start_0:
0x88: {  	s2 =	sld [smem:$0x3FD9]  }
0x89: {  	s3 =	sld [smem:$0x3FFE];
	_ =	sdelay $0x1  }
0x8a: {  	s1 =	srdreg.scid  }
0x8b: {  	s0 =	sand.u32 $0x1, s1  }
0x8c: {  	s16 =	sshll.u32 s0, $0xA;
	s2 =	sadd.s32 s3, s2  }
0x8d: {  	s2 =	sadd.s32 s2, s16  }
0x8e: {  	[smem:$0x3FC0] =	sst s2  }
0x8f: {  	_ = 	snop  }
0x90: {  	(tm) =	ssettm $0x1  }
0x91: {  	s17 =	sld [smem:$0x3FFB];
	_ =	sdelay $0x3  }
0x92: {  	_ =	strace s17  }
0x93: {  	s2 =	sld [smem:$0x3FFC];
	_ =	sdelay $0x3  }
0x94: {  	_ =	strace s2  }
0x95: {  	s2 =	sld [smem:$0x3FFD];
	_ =	sdelay $0x3  }
0x96: {  	_ =	strace s2  }
0x97: {  	_ =	strace $0x8FFFFFFF  }
0x98: {  	s18 =	sld [smem:$0x3FDB];
	_ =	sdelay $0x1  }
0x99: {  	s19 =	simm.s32 $_scs_section_size  }
0x9a: {  	s4 =	simm.s32 $_size__tile_overlayer_lowered;
	s5 =	simm.s32 $_tile_overlayer_lowered  }
0x9b: {  	s22 =	simm.s32 $0x1BFF;
	s21 =	sshll.u32 s5, $0x1;
	s2 =	sadd.s32 s19, s18  }
0x9c: {  	s6 =	simm.s32 $0x0;
	s20 =	sshll.u32 s4, $0x1;
	s4 =	sadd.s32 s21, s2  }
0x9d: {  	[timem:s6], [sflag:s22] =	dma.local [hbm:s4], s20  }
0x9e: {  	_ =	swait.ge [sflag:s22], s20  }
0x9f: {  	s3 =	ssub.s32 $0x0, s20;
	[sflag:s22] =	ssyncset.done $0x0  }
0xa0: {  	[sflag:s22] =	ssyncadd.s32 s3;
	_ =	sdelay $0x1  }
0xa1: {  	s23 =	simm.s32 $0x1B8B  }
0xa2: {  	_ =	swait.ge [sflag:s23], $0x1  }
0xa3: {  	[sflag:s23] =	ssyncset.done $0x0  }
0xa4: {  	s25 =	simm.s32 $0x1B8E;
	s24 =	sld [smem:$0x3FFE];
	[sflag:s23] =	ssyncadd.s32 $0xFFFFFFFF  }
0xa5: {  	s26 =	simm.s32 $execute0_lowered;
	[smem:$0x3FD2] =	sst s25  }
0xa6: {  	s4 =	sshll.u32 s26, $0x1;
	_ =	strace $0x80000049;
	[dreg:$0x1] =	wrdreg $0xFFFFFFFF  }
0xa7: {  	s28 =	simm.s32 $_size_execute0_lowered;
	s2 =	sadd.s32 s2, s4;
	[dreg:$0x0] =	wrdreg $0x0  }
0xa8: {  	s4 =	sshll.u32 s28, $0x1;
	[dreg:$0x2] =	wrdreg s2  }
0xa9: {  	[dreg:$0x3] =	wrdreg s4  }
0xaa: {  	[dreg:$0x4] =	wrdreg $0xC0  }
0xab: {  	_ =	task [dreg:s6], $0x5FFFF  }
0xac: {  	[dreg:$0x1] =	wrdreg $0xFFFFFFFF  }
0xad: {  	[dreg:$0x0] =	wrdreg $0x60  }
0xae: {  	[dreg:$0x2] =	wrdreg s24  }
0xaf: {  	[dreg:$0x3] =	wrdreg $0x9  }
0xb0: {  	_ =	task.clear_ibuf [dreg:s6], $0x4FFFF;
	_ =	strace $0x90000049  }
0xb1: {  	s29 =	simm.s32 $0x9;
	_ =	strace $0x8000004B  }
0xb2: {  	_ =	swait.ge [sflag:s29], $0x1  }
0xb3: {  	[sflag:s29] =	ssyncadd.s32 $0xFFFFFFFF  }
0xb4: {  	_ =	strace $0x9000004B  }
0xb5: {  	_ =	sfence  }
0xb6: {  	s30 =	sld [smem:$0x0];
	_ =	sdelay $0x2  }
0xb7: {  	s31 =	sshll.u32 s1, $0xD;
	s1 =	sshrl.u32 s1, $0x2  }
0xb8: {  	s3 =	sand.u32 $0x4000, s31;
	s1 =	sadd.s32 s1, s30  }
0xb9: {  	s0 =	sor.u32 s3, s0;
	s1 =	sshll.u32 s1, $0x11  }
0xba: {  	s0 =	sor.u32 s1, s0  }
0xbb: {  	s0 =	sadd.s32 $0x8F2B, s0  }
0xbc: {  	[sflag:s0] =	ssyncadd.remote.s32 $0x1  }
0xbd: {  	_ =	sfence.sel $0xFFFF  }
0xbe: {  	[dreg:$0x0] =	wrdreg $0xFFFFFFFF;
	(pc) =	sbr.abs _section_cstart, $3  }
0xbf: {  	[dreg:$0x1] =	wrdreg $0xFFFFFFFF  }
0xc0: {  	_ =	task.clear_ibuf [dreg:s6], $0x2FFFF;
	_ =	strace $0x9FFFFFFF  }
0xc1: {  	(tm) =	ssettm $0x7FFFFFFF  }
tec
execute0_lowered:
.L_overlay_start_1:
0x0: {  	(tag) =	ssettag $0x1  }
0x1: {  	s1 =	srdreg.scid;
	s0 =	stileid.u32  }
0x2: {  	s4 =	rddreg [dreg:$0x0];
	s2 =	simm.s32 $0x0;
	s31 =	simm.s32 $0x400  }
0x3: {  	s11 =	simm.s32 $0x3C00;
	s12 =	simm.s32 $0xB100;
	s13 =	simm.s32 $0x2  }
0x4: {  	s3 =	sand.u32 $0x1, s1;
	s9 =	smul.u32 $0x278, s0;
	s1 =	rddreg [dreg:$0x1]  }
0x5: {  	s14 =	simm.s32 $0x0;
	[smem:$0x7FF] =	sst s2;
	s5 =	smul.u32 $0x2780, s3  }
0x6: {  	s6 =	smul.u32 $0x4F00, s3;
	_ =	strace $0x8000004A;
	s7 =	ssub.s32 $0x2, s3  }
0x7: {  	s3 =	sadd.s32 $0x14C00, s4;
	[dreg:$0x4] =	wrdreg s31;
	s8 =	sshrl.u32 s7, $0x1  }
0x8: {  	s10 =	sadd.s32 $0x278, s9;
	s5 =	sadd.s32 s9, s5;
	s6 =	sadd.s32 s6, s4  }
.Ltmp0:
0x9: {  	s29 =	ssub.s32 s7, s8;
	s7 =	simm.s32 $0x1;
	(pc) =	sbr.rel .LBB2_1-.Ltmp0, $4  }
0xa: {  	v0 =	vmov s9;
	s8 =	simm.s32 $0x40;
	v1 =	vmov s10;
	s9 =	simm.s32 $0x7000;
	s10 =	simm.s32 $0x7100  }
0xb: {  	s5 =	sshll.u32 s5, $0x4;
	s30 =	sadd.s32 $0x1000, s6;
	s6 =	sadd.s32 $0xAE00, s6  }
0xc: {  	v2 =	vlaneseq.u32;
	s4 =	sadd.s32 s5, s4;
	s5 =	smax.u32 s29, $0x1;
	[dreg:$0x3] =	wrdreg s30  }
0xd: {  	v3 =	vimm.f32 $0.0e+00;
	v5 =	vimm.s32 $0x0;
	v4 =	vor.u32 $0x2710, v2;
	[dreg:$0x2] =	wrdreg s6;
	s6 =	simm.s32 $0x3;
	s4 =	sadd.s32 $0x3C400, s4  }
.LBB2_13:
0xe: {  	s14 =	sadd.s32 $0x1, s14  }
0xf: {  	p0 =	sne.s32 s14, s5  }
.Ltmp1:
0x10: {  	_ = 	snop;
	(pc) =	sbr.rel @!p0 .LBB2_14-.Ltmp1, $4  }
0x11: {  	[hbm4b:s4+s2] =	stream.linear.scatter [tilespmem:s12], [sflag:$0x3], $0x13C00, $0x38;
	[tilespmem:$0x1ED00] =	vst v63  }
0x12: {  	_ =	swait.ge [sflag:s6], $0x13C00  }
0x13: {  	[sflag:s6] =	ssyncset.done $0x0  }
0x14: {  	[sflag:s6] =	ssyncadd.s32 $0xFFFEC400  }
.LBB2_1:
0x15: {  	s15 =	simm.s32 $0x0  }
.LBB2_2:
0x16: {  	p0 =	sne.s32 s15, $0x4EFC0  }
.Ltmp2:
0x17: {  	_ = 	snop;
	(pc) =	sbr.rel @p0 .LBB2_2-.Ltmp2, $3  }
0x18: {  	_ =	sdelay $0x1  }
0x19: {  	s16 =	sshra.s32 s15, $0x2  }
0x1a: {  	s15 =	sadd.s32 $0x40, s15;
	[tilespmem:s16+$0xB100] =	vst v3  }
0x1b: {  	s15 =	simm.s32 $0x0;
	s16 =	simm.s32 $0x0  }
.LBB2_4:
0x1c: {  	s17 =	rddreg [dreg:$0x2]  }
0x1d: {  	s17 =	sadd.s32 s15, s17  }
0x1e: {  	[tilespmem:s2], [sflag:$0x3] =	stream.linear.gather [hbm4b:s17+s2], $0x400, $0x38;
	[tilespmem:$0x1ED00] =	vst v63  }
0x1f: {  	_ =	swait.ge [sflag:s6], $0x400  }
0x20: {  	s31 =	rddreg [dreg:$0x3];
	[sflag:s6] =	ssyncset.done $0x0  }
0x21: {  	s18 =	rddreg [dreg:$0x4];
	[sflag:s6] =	ssyncadd.s32 $0xFFFFFC00;
	s17 =	sadd.s32 s15, s31  }
0x22: {  	[tilespmem:s18], [sflag:$0x3] =	stream.linear.gather [hbm4b:s17+s2], $0x400, $0x38;
	[tilespmem:$0x1ED00] =	vst v63  }
0x23: {  	_ =	swait.ge [sflag:s6], $0x400  }
0x24: {  	[sflag:s6] =	ssyncset.done $0x0  }
0x25: {  	[sflag:s6] =	ssyncadd.s32 $0xFFFFFC00  }
0x26: {  	v6 =	vld [tilespmem:$0x0];
	_ =	sdelay $0x1  }
0x27: {  	v7 =	vld [tilespmem:$0x400];
	_ =	sdelay $0x2  }
0x28: {  	vm0 =	vge.s32 v6, v0;
	vm1 =	vlt.s32 v6, v1  }
0x29: {  	vm0 =	vmand vm0, vm1  }
0x2a: {  	v6 =	vsub.s32 v6, v0;
	[tilespmem:s16+$0x800] =	vst.msk vm0, v7;
	v7 =	vmpcnt.ones.xlane vm0  }
0x2b: {  	[tilespmem:s16+$0x3C00] =	vst.msk vm0, v6  }
0x2c: {  	(v2sf) =	vpush v7, $0x0;
	v6 =	vld [tilespmem:$0x10];
	_ =	sdelay $0x4  }
0x2d: {  	vm10 =	vge.s32 v6, v0;
	vm11 =	vlt.s32 v6, v1  }
0x2e: {  	vm0 =	vmand vm10, vm11  }
0x2f: {  	v7 =	vmpcnt.ones.xlane vm0;
	_ =	sdelay $0x1  }
0x30: {  	(v2sf) =	vpush v7, $0x0;
	_ =	sdelay $0x2  }
0x31: {  	v7 =	vld [tilespmem:$0x410];
	_ =	sdelay $0x2  }
0x32: {  	s18 =	spop (v2sf)  }
0x33: {  	s19 =	sadd.s32 s16, s18  }
0x34: {  	v6 =	vsub.s32 v6, v0;
	[tilespmem:s19+$0x800] =	vst.msk vm0, v7  }
0x35: {  	[tilespmem:s19+$0x3C00] =	vst.msk vm0, v6  }
0x36: {  	v6 =	vld [tilespmem:$0x20];
	_ =	sdelay $0x1  }
0x37: {  	v7 =	vld [tilespmem:$0x420];
	_ =	sdelay $0x2  }
0x38: {  	s20 =	spop (v2sf);
	vm12 =	vge.s32 v6, v0;
	vm13 =	vlt.s32 v6, v1  }
0x39: {  	s16 =	sadd.s32 s19, s20;
	vm0 =	vmand vm12, vm13  }
0x3a: {  	v6 =	vsub.s32 v6, v0;
	[tilespmem:s16+$0x800] =	vst.msk vm0, v7;
	v7 =	vmpcnt.ones.xlane vm0  }
0x3b: {  	[tilespmem:s16+$0x3C00] =	vst.msk vm0, v6  }
0x3c: {  	(v2sf) =	vpush v7, $0x0;
	v6 =	vld [tilespmem:$0x30];
	_ =	sdelay $0x4  }
0x3d: {  	vm14 =	vge.s32 v6, v0;
	vm15 =	vlt.s32 v6, v1  }
0x3e: {  	vm0 =	vmand vm14, vm15  }
0x3f: {  	v7 =	vmpcnt.ones.xlane vm0;
	_ =	sdelay $0x1  }
0x40: {  	(v2sf) =	vpush v7, $0x0;
	_ =	sdelay $0x2  }
0x41: {  	v7 =	vld [tilespmem:$0x430];
	_ =	sdelay $0x2  }
0x42: {  	s21 =	spop (v2sf)  }
0x43: {  	s16 =	sadd.s32 s16, s21  }
0x44: {  	v6 =	vsub.s32 v6, v0;
	[tilespmem:s16+$0x800] =	vst.msk vm0, v7  }
0x45: {  	[tilespmem:s16+$0x3C00] =	vst.msk vm0, v6  }
0x46: {  	v6 =	vld [tilespmem:$0x40];
	_ =	sdelay $0x1  }
0x47: {  	v7 =	vld [tilespmem:$0x440];
	_ =	sdelay $0x2  }
0x48: {  	s22 =	spop (v2sf);
	vm4 =	vge.s32 v6, v0;
	vm5 =	vlt.s32 v6, v1  }
0x49: {  	s16 =	sadd.s32 s16, s22;
	vm0 =	vmand vm4, vm5  }
0x4a: {  	v6 =	vsub.s32 v6, v0;
	[tilespmem:s16+$0x800] =	vst.msk vm0, v7;
	v7 =	vmpcnt.ones.xlane vm0  }
0x4b: {  	[tilespmem:s16+$0x3C00] =	vst.msk vm0, v6  }
0x4c: {  	(v2sf) =	vpush v7, $0x0;
	v6 =	vld [tilespmem:$0x50];
	_ =	sdelay $0x4  }
0x4d: {  	vm6 =	vge.s32 v6, v0;
	vm7 =	vlt.s32 v6, v1  }
0x4e: {  	vm0 =	vmand vm6, vm7  }
0x4f: {  	v7 =	vmpcnt.ones.xlane vm0;
	_ =	sdelay $0x1  }
0x50: {  	(v2sf) =	vpush v7, $0x0;
	_ =	sdelay $0x2  }
0x51: {  	v7 =	vld [tilespmem:$0x450];
	_ =	sdelay $0x2  }
0x52: {  	s23 =	spop (v2sf)  }
0x53: {  	s16 =	sadd.s32 s16, s23  }
0x54: {  	v6 =	vsub.s32 v6, v0;
	[tilespmem:s16+$0x800] =	vst.msk vm0, v7  }
0x55: {  	[tilespmem:s16+$0x3C00] =	vst.msk vm0, v6  }
0x56: {  	v6 =	vld [tilespmem:$0x60];
	_ =	sdelay $0x1  }
0x57: {  	v7 =	vld [tilespmem:$0x460];
	_ =	sdelay $0x2  }
0x58: {  	s24 =	spop (v2sf);
	vm8 =	vge.s32 v6, v0;
	vm9 =	vlt.s32 v6, v1  }
0x59: {  	s16 =	sadd.s32 s16, s24;
	vm0 =	vmand vm8, vm9  }
0x5a: {  	v6 =	vsub.s32 v6, v0;
	[tilespmem:s16+$0x800] =	vst.msk vm0, v7;
	v7 =	vmpcnt.ones.xlane vm0  }
0x5b: {  	[tilespmem:s16+$0x3C00] =	vst.msk vm0, v6  }
0x5c: {  	(v2sf) =	vpush v7, $0x0;
	v6 =	vld [tilespmem:$0x70];
	_ =	sdelay $0x4  }
0x5d: {  	vm10 =	vge.s32 v6, v0;
	vm11 =	vlt.s32 v6, v1  }
0x5e: {  	vm0 =	vmand vm10, vm11  }
0x5f: {  	v7 =	vmpcnt.ones.xlane vm0;
	_ =	sdelay $0x1  }
0x60: {  	(v2sf) =	vpush v7, $0x0;
	_ =	sdelay $0x2  }
0x61: {  	v7 =	vld [tilespmem:$0x470];
	_ =	sdelay $0x2  }
0x62: {  	s25 =	spop (v2sf)  }
0x63: {  	s16 =	sadd.s32 s16, s25  }
0x64: {  	v6 =	vsub.s32 v6, v0;
	[tilespmem:s16+$0x800] =	vst.msk vm0, v7  }
0x65: {  	[tilespmem:s16+$0x3C00] =	vst.msk vm0, v6  }
0x66: {  	v6 =	vld [tilespmem:$0x80];
	_ =	sdelay $0x1  }
0x67: {  	v7 =	vld [tilespmem:$0x480];
	_ =	sdelay $0x2  }
0x68: {  	s26 =	spop (v2sf);
	vm12 =	vge.s32 v6, v0;
	vm13 =	vlt.s32 v6, v1  }
0x69: {  	s16 =	sadd.s32 s16, s26;
	vm0 =	vmand vm12, vm13  }
0x6a: {  	v6 =	vsub.s32 v6, v0;
	[tilespmem:s16+$0x800] =	vst.msk vm0, v7;
	v7 =	vmpcnt.ones.xlane vm0  }
0x6b: {  	[tilespmem:s16+$0x3C00] =	vst.msk vm0, v6  }
0x6c: {  	(v2sf) =	vpush v7, $0x0;
	v6 =	vld [tilespmem:$0x90];
	_ =	sdelay $0x4  }
0x6d: {  	vm14 =	vge.s32 v6, v0;
	vm15 =	vlt.s32 v6, v1  }
0x6e: {  	vm0 =	vmand vm14, vm15  }
0x6f: {  	v7 =	vmpcnt.ones.xlane vm0;
	_ =	sdelay $0x1  }
0x70: {  	(v2sf) =	vpush v7, $0x0;
	_ =	sdelay $0x2  }
0x71: {  	v7 =	vld [tilespmem:$0x490];
	_ =	sdelay $0x2  }
0x72: {  	s28 =	spop (v2sf)  }
0x73: {  	s16 =	sadd.s32 s16, s28  }
0x74: {  	v6 =	vsub.s32 v6, v0;
	[tilespmem:s16+$0x800] =	vst.msk vm0, v7  }
0x75: {  	[tilespmem:s16+$0x3C00] =	vst.msk vm0, v6  }
0x76: {  	v6 =	vld [tilespmem:$0xA0];
	_ =	sdelay $0x1  }
0x77: {  	v7 =	vld [tilespmem:$0x4A0];
	_ =	sdelay $0x2  }
0x78: {  	s29 =	spop (v2sf);
	vm4 =	vge.s32 v6, v0;
	vm5 =	vlt.s32 v6, v1  }
0x79: {  	s16 =	sadd.s32 s16, s29;
	vm0 =	vmand vm4, vm5  }
0x7a: {  	v6 =	vsub.s32 v6, v0;
	[tilespmem:s16+$0x800] =	vst.msk vm0, v7;
	v7 =	vmpcnt.ones.xlane vm0  }
0x7b: {  	[tilespmem:s16+$0x3C00] =	vst.msk vm0, v6  }
0x7c: {  	(v2sf) =	vpush v7, $0x0;
	v6 =	vld [tilespmem:$0xB0];
	_ =	sdelay $0x4  }
0x7d: {  	vm6 =	vge.s32 v6, v0;
	vm7 =	vlt.s32 v6, v1  }
0x7e: {  	vm0 =	vmand vm6, vm7  }
0x7f: {  	v7 =	vmpcnt.ones.xlane vm0;
	_ =	sdelay $0x1  }
0x80: {  	(v2sf) =	vpush v7, $0x0;
	_ =	sdelay $0x2  }
0x81: {  	v7 =	vld [tilespmem:$0x4B0];
	_ =	sdelay $0x2  }
0x82: {  	s30 =	spop (v2sf)  }
0x83: {  	s16 =	sadd.s32 s16, s30  }
0x84: {  	v6 =	vsub.s32 v6, v0;
	[tilespmem:s16+$0x800] =	vst.msk vm0, v7  }
0x85: {  	[tilespmem:s16+$0x3C00] =	vst.msk vm0, v6  }
0x86: {  	v6 =	vld [tilespmem:$0xC0];
	_ =	sdelay $0x1  }
0x87: {  	v7 =	vld [tilespmem:$0x4C0];
	_ =	sdelay $0x2  }
0x88: {  	s31 =	spop (v2sf);
	vm8 =	vge.s32 v6, v0;
	vm9 =	vlt.s32 v6, v1  }
0x89: {  	s16 =	sadd.s32 s16, s31;
	vm0 =	vmand vm8, vm9  }
0x8a: {  	v6 =	vsub.s32 v6, v0;
	[tilespmem:s16+$0x800] =	vst.msk vm0, v7;
	v7 =	vmpcnt.ones.xlane vm0  }
0x8b: {  	[tilespmem:s16+$0x3C00] =	vst.msk vm0, v6  }
0x8c: {  	(v2sf) =	vpush v7, $0x0;
	v6 =	vld [tilespmem:$0xD0];
	_ =	sdelay $0x4  }
0x8d: {  	vm10 =	vge.s32 v6, v0;
	vm11 =	vlt.s32 v6, v1  }
0x8e: {  	vm0 =	vmand vm10, vm11  }
0x8f: {  	v7 =	vmpcnt.ones.xlane vm0;
	_ =	sdelay $0x1  }
0x90: {  	(v2sf) =	vpush v7, $0x0;
	_ =	sdelay $0x2  }
0x91: {  	v7 =	vld [tilespmem:$0x4D0];
	_ =	sdelay $0x2  }
0x92: {  	s18 =	spop (v2sf)  }
0x93: {  	s16 =	sadd.s32 s16, s18  }
0x94: {  	v6 =	vsub.s32 v6, v0;
	[tilespmem:s16+$0x800] =	vst.msk vm0, v7  }
0x95: {  	[tilespmem:s16+$0x3C00] =	vst.msk vm0, v6  }
0x96: {  	v6 =	vld [tilespmem:$0xE0];
	_ =	sdelay $0x1  }
0x97: {  	v7 =	vld [tilespmem:$0x4E0];
	_ =	sdelay $0x2  }
0x98: {  	s19 =	spop (v2sf);
	vm12 =	vge.s32 v6, v0;
	vm13 =	vlt.s32 v6, v1  }
0x99: {  	s16 =	sadd.s32 s16, s19;
	vm0 =	vmand vm12, vm13  }
0x9a: {  	v6 =	vsub.s32 v6, v0;
	[tilespmem:s16+$0x800] =	vst.msk vm0, v7;
	v7 =	vmpcnt.ones.xlane vm0  }
0x9b: {  	[tilespmem:s16+$0x3C00] =	vst.msk vm0, v6  }
0x9c: {  	(v2sf) =	vpush v7, $0x0;
	v6 =	vld [tilespmem:$0xF0];
	_ =	sdelay $0x4  }
0x9d: {  	vm14 =	vge.s32 v6, v0;
	vm15 =	vlt.s32 v6, v1  }
0x9e: {  	vm0 =	vmand vm14, vm15  }
0x9f: {  	v7 =	vmpcnt.ones.xlane vm0;
	_ =	sdelay $0x1  }
0xa0: {  	(v2sf) =	vpush v7, $0x0;
	_ =	sdelay $0x2  }
0xa1: {  	v7 =	vld [tilespmem:$0x4F0];
	_ =	sdelay $0x2  }
0xa2: {  	s20 =	spop (v2sf)  }
0xa3: {  	s16 =	sadd.s32 s16, s20  }
0xa4: {  	v6 =	vsub.s32 v6, v0;
	[tilespmem:s16+$0x800] =	vst.msk vm0, v7  }
0xa5: {  	[tilespmem:s16+$0x3C00] =	vst.msk vm0, v6  }
0xa6: {  	v6 =	vld [tilespmem:$0x100];
	_ =	sdelay $0x1  }
0xa7: {  	v7 =	vld [tilespmem:$0x500];
	_ =	sdelay $0x2  }
0xa8: {  	s21 =	spop (v2sf);
	vm4 =	vge.s32 v6, v0;
	vm5 =	vlt.s32 v6, v1  }
0xa9: {  	s16 =	sadd.s32 s16, s21;
	vm0 =	vmand vm4, vm5  }
0xaa: {  	v6 =	vsub.s32 v6, v0;
	[tilespmem:s16+$0x800] =	vst.msk vm0, v7;
	v7 =	vmpcnt.ones.xlane vm0  }
0xab: {  	[tilespmem:s16+$0x3C00] =	vst.msk vm0, v6  }
0xac: {  	(v2sf) =	vpush v7, $0x0;
	v6 =	vld [tilespmem:$0x110];
	_ =	sdelay $0x4  }
0xad: {  	vm6 =	vge.s32 v6, v0;
	vm7 =	vlt.s32 v6, v1  }
0xae: {  	vm0 =	vmand vm6, vm7  }
0xaf: {  	v7 =	vmpcnt.ones.xlane vm0;
	_ =	sdelay $0x1  }
0xb0: {  	(v2sf) =	vpush v7, $0x0;
	_ =	sdelay $0x2  }
0xb1: {  	v7 =	vld [tilespmem:$0x510];
	_ =	sdelay $0x2  }
0xb2: {  	s22 =	spop (v2sf)  }
0xb3: {  	s16 =	sadd.s32 s16, s22  }
0xb4: {  	v6 =	vsub.s32 v6, v0;
	[tilespmem:s16+$0x800] =	vst.msk vm0, v7  }
0xb5: {  	[tilespmem:s16+$0x3C00] =	vst.msk vm0, v6  }
0xb6: {  	v6 =	vld [tilespmem:$0x120];
	_ =	sdelay $0x1  }
0xb7: {  	v7 =	vld [tilespmem:$0x520];
	_ =	sdelay $0x2  }
0xb8: {  	s23 =	spop (v2sf);
	vm8 =	vge.s32 v6, v0;
	vm9 =	vlt.s32 v6, v1  }
0xb9: {  	s16 =	sadd.s32 s16, s23;
	vm0 =	vmand vm8, vm9  }
0xba: {  	v6 =	vsub.s32 v6, v0;
	[tilespmem:s16+$0x800] =	vst.msk vm0, v7;
	v7 =	vmpcnt.ones.xlane vm0  }
0xbb: {  	[tilespmem:s16+$0x3C00] =	vst.msk vm0, v6  }
0xbc: {  	(v2sf) =	vpush v7, $0x0;
	v6 =	vld [tilespmem:$0x130];
	_ =	sdelay $0x4  }
0xbd: {  	vm10 =	vge.s32 v6, v0;
	vm11 =	vlt.s32 v6, v1  }
0xbe: {  	vm0 =	vmand vm10, vm11  }
0xbf: {  	v7 =	vmpcnt.ones.xlane vm0;
	_ =	sdelay $0x1  }
0xc0: {  	(v2sf) =	vpush v7, $0x0;
	_ =	sdelay $0x2  }
0xc1: {  	v7 =	vld [tilespmem:$0x530];
	_ =	sdelay $0x2  }
0xc2: {  	s24 =	spop (v2sf)  }
0xc3: {  	s16 =	sadd.s32 s16, s24  }
0xc4: {  	v6 =	vsub.s32 v6, v0;
	[tilespmem:s16+$0x800] =	vst.msk vm0, v7  }
0xc5: {  	[tilespmem:s16+$0x3C00] =	vst.msk vm0, v6  }
0xc6: {  	v6 =	vld [tilespmem:$0x140];
	_ =	sdelay $0x1  }
0xc7: {  	v7 =	vld [tilespmem:$0x540];
	_ =	sdelay $0x2  }
0xc8: {  	s25 =	spop (v2sf);
	vm12 =	vge.s32 v6, v0;
	vm13 =	vlt.s32 v6, v1  }
0xc9: {  	s16 =	sadd.s32 s16, s25;
	vm0 =	vmand vm12, vm13  }
0xca: {  	v6 =	vsub.s32 v6, v0;
	[tilespmem:s16+$0x800] =	vst.msk vm0, v7;
	v7 =	vmpcnt.ones.xlane vm0  }
0xcb: {  	[tilespmem:s16+$0x3C00] =	vst.msk vm0, v6  }
0xcc: {  	(v2sf) =	vpush v7, $0x0;
	v6 =	vld [tilespmem:$0x150];
	_ =	sdelay $0x4  }
0xcd: {  	vm14 =	vge.s32 v6, v0;
	vm15 =	vlt.s32 v6, v1  }
0xce: {  	vm0 =	vmand vm14, vm15  }
0xcf: {  	v7 =	vmpcnt.ones.xlane vm0;
	_ =	sdelay $0x1  }
0xd0: {  	(v2sf) =	vpush v7, $0x0;
	_ =	sdelay $0x2  }
0xd1: {  	v7 =	vld [tilespmem:$0x550];
	_ =	sdelay $0x2  }
0xd2: {  	s26 =	spop (v2sf)  }
0xd3: {  	s16 =	sadd.s32 s16, s26  }
0xd4: {  	v6 =	vsub.s32 v6, v0;
	[tilespmem:s16+$0x800] =	vst.msk vm0, v7  }
0xd5: {  	[tilespmem:s16+$0x3C00] =	vst.msk vm0, v6  }
0xd6: {  	v6 =	vld [tilespmem:$0x160];
	_ =	sdelay $0x1  }
0xd7: {  	v7 =	vld [tilespmem:$0x560];
	_ =	sdelay $0x2  }
0xd8: {  	s28 =	spop (v2sf);
	vm4 =	vge.s32 v6, v0;
	vm5 =	vlt.s32 v6, v1  }
0xd9: {  	s16 =	sadd.s32 s16, s28;
	vm0 =	vmand vm4, vm5  }
0xda: {  	v6 =	vsub.s32 v6, v0;
	[tilespmem:s16+$0x800] =	vst.msk vm0, v7;
	v7 =	vmpcnt.ones.xlane vm0  }
0xdb: {  	[tilespmem:s16+$0x3C00] =	vst.msk vm0, v6  }
0xdc: {  	(v2sf) =	vpush v7, $0x0;
	v6 =	vld [tilespmem:$0x170];
	_ =	sdelay $0x4  }
0xdd: {  	vm6 =	vge.s32 v6, v0;
	vm7 =	vlt.s32 v6, v1  }
0xde: {  	vm0 =	vmand vm6, vm7  }
0xdf: {  	v7 =	vmpcnt.ones.xlane vm0;
	_ =	sdelay $0x1  }
0xe0: {  	(v2sf) =	vpush v7, $0x0;
	_ =	sdelay $0x2  }
0xe1: {  	v7 =	vld [tilespmem:$0x570];
	_ =	sdelay $0x2  }
0xe2: {  	s29 =	spop (v2sf)  }
0xe3: {  	s16 =	sadd.s32 s16, s29  }
0xe4: {  	v6 =	vsub.s32 v6, v0;
	[tilespmem:s16+$0x800] =	vst.msk vm0, v7  }
0xe5: {  	[tilespmem:s16+$0x3C00] =	vst.msk vm0, v6  }
0xe6: {  	v6 =	vld [tilespmem:$0x180];
	_ =	sdelay $0x1  }
0xe7: {  	v7 =	vld [tilespmem:$0x580];
	_ =	sdelay $0x2  }
0xe8: {  	s30 =	spop (v2sf);
	vm8 =	vge.s32 v6, v0;
	vm9 =	vlt.s32 v6, v1  }
0xe9: {  	s16 =	sadd.s32 s16, s30;
	vm0 =	vmand vm8, vm9  }
0xea: {  	v6 =	vsub.s32 v6, v0;
	[tilespmem:s16+$0x800] =	vst.msk vm0, v7;
	v7 =	vmpcnt.ones.xlane vm0  }
0xeb: {  	[tilespmem:s16+$0x3C00] =	vst.msk vm0, v6  }
0xec: {  	(v2sf) =	vpush v7, $0x0;
	v6 =	vld [tilespmem:$0x190];
	_ =	sdelay $0x4  }
0xed: {  	vm10 =	vge.s32 v6, v0;
	vm11 =	vlt.s32 v6, v1  }
0xee: {  	vm0 =	vmand vm10, vm11  }
0xef: {  	v7 =	vmpcnt.ones.xlane vm0;
	_ =	sdelay $0x1  }
0xf0: {  	(v2sf) =	vpush v7, $0x0;
	_ =	sdelay $0x2  }
0xf1: {  	v7 =	vld [tilespmem:$0x590];
	_ =	sdelay $0x2  }
0xf2: {  	s31 =	spop (v2sf)  }
0xf3: {  	s16 =	sadd.s32 s16, s31  }
0xf4: {  	v6 =	vsub.s32 v6, v0;
	[tilespmem:s16+$0x800] =	vst.msk vm0, v7  }
0xf5: {  	[tilespmem:s16+$0x3C00] =	vst.msk vm0, v6  }
0xf6: {  	v6 =	vld [tilespmem:$0x1A0];
	_ =	sdelay $0x1  }
0xf7: {  	v7 =	vld [tilespmem:$0x5A0];
	_ =	sdelay $0x2  }
0xf8: {  	s18 =	spop (v2sf);
	vm12 =	vge.s32 v6, v0;
	vm13 =	vlt.s32 v6, v1  }
0xf9: {  	s16 =	sadd.s32 s16, s18;
	vm0 =	vmand vm12, vm13  }
0xfa: {  	v6 =	vsub.s32 v6, v0;
	[tilespmem:s16+$0x800] =	vst.msk vm0, v7;
	v7 =	vmpcnt.ones.xlane vm0  }
0xfb: {  	[tilespmem:s16+$0x3C00] =	vst.msk vm0, v6  }
0xfc: {  	(v2sf) =	vpush v7, $0x0;
	v6 =	vld [tilespmem:$0x1B0];
	_ =	sdelay $0x4  }
0xfd: {  	vm14 =	vge.s32 v6, v0;
	vm15 =	vlt.s32 v6, v1  }
0xfe: {  	vm0 =	vmand vm14, vm15  }
0xff: {  	v7 =	vmpcnt.ones.xlane vm0;
	_ =	sdelay $0x1  }
0x100: {  	(v2sf) =	vpush v7, $0x0;
	_ =	sdelay $0x2  }
0x101: {  	v7 =	vld [tilespmem:$0x5B0];
	_ =	sdelay $0x2  }
0x102: {  	s19 =	spop (v2sf)  }
0x103: {  	s16 =	sadd.s32 s16, s19  }
0x104: {  	v6 =	vsub.s32 v6, v0;
	[tilespmem:s16+$0x800] =	vst.msk vm0, v7  }
0x105: {  	[tilespmem:s16+$0x3C00] =	vst.msk vm0, v6  }
0x106: {  	v6 =	vld [tilespmem:$0x1C0];
	_ =	sdelay $0x1  }
0x107: {  	v7 =	vld [tilespmem:$0x5C0];
	_ =	sdelay $0x2  }
0x108: {  	s20 =	spop (v2sf);
	vm4 =	vge.s32 v6, v0;
	vm5 =	vlt.s32 v6, v1  }
0x109: {  	s16 =	sadd.s32 s16, s20;
	vm0 =	vmand vm4, vm5  }
0x10a: {  	v6 =	vsub.s32 v6, v0;
	[tilespmem:s16+$0x800] =	vst.msk vm0, v7;
	v7 =	vmpcnt.ones.xlane vm0  }
0x10b: {  	[tilespmem:s16+$0x3C00] =	vst.msk vm0, v6  }
0x10c: {  	(v2sf) =	vpush v7, $0x0;
	v6 =	vld [tilespmem:$0x1D0];
	_ =	sdelay $0x4  }
0x10d: {  	vm6 =	vge.s32 v6, v0;
	vm7 =	vlt.s32 v6, v1  }
0x10e: {  	vm0 =	vmand vm6, vm7  }
0x10f: {  	v7 =	vmpcnt.ones.xlane vm0;
	_ =	sdelay $0x1  }
0x110: {  	(v2sf) =	vpush v7, $0x0;
	_ =	sdelay $0x2  }
0x111: {  	v7 =	vld [tilespmem:$0x5D0];
	_ =	sdelay $0x2  }
0x112: {  	s21 =	spop (v2sf)  }
0x113: {  	s16 =	sadd.s32 s16, s21  }
0x114: {  	v6 =	vsub.s32 v6, v0;
	[tilespmem:s16+$0x800] =	vst.msk vm0, v7  }
0x115: {  	[tilespmem:s16+$0x3C00] =	vst.msk vm0, v6  }
0x116: {  	v6 =	vld [tilespmem:$0x1E0];
	_ =	sdelay $0x1  }
0x117: {  	v7 =	vld [tilespmem:$0x5E0];
	_ =	sdelay $0x2  }
0x118: {  	s22 =	spop (v2sf);
	vm8 =	vge.s32 v6, v0;
	vm9 =	vlt.s32 v6, v1  }
0x119: {  	s16 =	sadd.s32 s16, s22;
	vm0 =	vmand vm8, vm9  }
0x11a: {  	v6 =	vsub.s32 v6, v0;
	[tilespmem:s16+$0x800] =	vst.msk vm0, v7;
	v7 =	vmpcnt.ones.xlane vm0  }
0x11b: {  	[tilespmem:s16+$0x3C00] =	vst.msk vm0, v6  }
0x11c: {  	(v2sf) =	vpush v7, $0x0;
	v6 =	vld [tilespmem:$0x1F0];
	_ =	sdelay $0x4  }
0x11d: {  	vm10 =	vge.s32 v6, v0;
	vm11 =	vlt.s32 v6, v1  }
0x11e: {  	vm0 =	vmand vm10, vm11  }
0x11f: {  	v7 =	vmpcnt.ones.xlane vm0;
	_ =	sdelay $0x1  }
0x120: {  	(v2sf) =	vpush v7, $0x0;
	_ =	sdelay $0x2  }
0x121: {  	v7 =	vld [tilespmem:$0x5F0];
	_ =	sdelay $0x2  }
0x122: {  	s23 =	spop (v2sf)  }
0x123: {  	s16 =	sadd.s32 s16, s23  }
0x124: {  	v6 =	vsub.s32 v6, v0;
	[tilespmem:s16+$0x800] =	vst.msk vm0, v7  }
0x125: {  	[tilespmem:s16+$0x3C00] =	vst.msk vm0, v6  }
0x126: {  	v6 =	vld [tilespmem:$0x200];
	_ =	sdelay $0x1  }
0x127: {  	v7 =	vld [tilespmem:$0x600];
	_ =	sdelay $0x2  }
0x128: {  	s24 =	spop (v2sf);
	vm12 =	vge.s32 v6, v0;
	vm13 =	vlt.s32 v6, v1  }
0x129: {  	s16 =	sadd.s32 s16, s24;
	vm0 =	vmand vm12, vm13  }
0x12a: {  	v6 =	vsub.s32 v6, v0;
	[tilespmem:s16+$0x800] =	vst.msk vm0, v7;
	v7 =	vmpcnt.ones.xlane vm0  }
0x12b: {  	[tilespmem:s16+$0x3C00] =	vst.msk vm0, v6  }
0x12c: {  	(v2sf) =	vpush v7, $0x0;
	v6 =	vld [tilespmem:$0x210];
	_ =	sdelay $0x4  }
0x12d: {  	vm14 =	vge.s32 v6, v0;
	vm15 =	vlt.s32 v6, v1  }
0x12e: {  	vm0 =	vmand vm14, vm15  }
0x12f: {  	v7 =	vmpcnt.ones.xlane vm0;
	_ =	sdelay $0x1  }
0x130: {  	(v2sf) =	vpush v7, $0x0;
	_ =	sdelay $0x2  }
0x131: {  	v7 =	vld [tilespmem:$0x610];
	_ =	sdelay $0x2  }
0x132: {  	s25 =	spop (v2sf)  }
0x133: {  	s16 =	sadd.s32 s16, s25  }
0x134: {  	v6 =	vsub.s32 v6, v0;
	[tilespmem:s16+$0x800] =	vst.msk vm0, v7  }
0x135: {  	[tilespmem:s16+$0x3C00] =	vst.msk vm0, v6  }
0x136: {  	v6 =	vld [tilespmem:$0x220];
	_ =	sdelay $0x1  }
0x137: {  	v7 =	vld [tilespmem:$0x620];
	_ =	sdelay $0x2  }
0x138: {  	s26 =	spop (v2sf);
	vm4 =	vge.s32 v6, v0;
	vm5 =	vlt.s32 v6, v1  }
0x139: {  	s16 =	sadd.s32 s16, s26;
	vm0 =	vmand vm4, vm5  }
0x13a: {  	v6 =	vsub.s32 v6, v0;
	[tilespmem:s16+$0x800] =	vst.msk vm0, v7;
	v7 =	vmpcnt.ones.xlane vm0  }
0x13b: {  	[tilespmem:s16+$0x3C00] =	vst.msk vm0, v6  }
0x13c: {  	(v2sf) =	vpush v7, $0x0;
	v6 =	vld [tilespmem:$0x230];
	_ =	sdelay $0x4  }
0x13d: {  	vm6 =	vge.s32 v6, v0;
	vm7 =	vlt.s32 v6, v1  }
0x13e: {  	vm0 =	vmand vm6, vm7  }
0x13f: {  	v7 =	vmpcnt.ones.xlane vm0;
	_ =	sdelay $0x1  }
0x140: {  	(v2sf) =	vpush v7, $0x0;
	_ =	sdelay $0x2  }
0x141: {  	v7 =	vld [tilespmem:$0x630];
	_ =	sdelay $0x2  }
0x142: {  	s28 =	spop (v2sf)  }
0x143: {  	s16 =	sadd.s32 s16, s28  }
0x144: {  	v6 =	vsub.s32 v6, v0;
	[tilespmem:s16+$0x800] =	vst.msk vm0, v7  }
0x145: {  	[tilespmem:s16+$0x3C00] =	vst.msk vm0, v6  }
0x146: {  	v6 =	vld [tilespmem:$0x240];
	_ =	sdelay $0x1  }
0x147: {  	v7 =	vld [tilespmem:$0x640];
	_ =	sdelay $0x2  }
0x148: {  	s29 =	spop (v2sf);
	vm8 =	vge.s32 v6, v0;
	vm9 =	vlt.s32 v6, v1  }
0x149: {  	s16 =	sadd.s32 s16, s29;
	vm0 =	vmand vm8, vm9  }
0x14a: {  	v6 =	vsub.s32 v6, v0;
	[tilespmem:s16+$0x800] =	vst.msk vm0, v7;
	v7 =	vmpcnt.ones.xlane vm0  }
0x14b: {  	[tilespmem:s16+$0x3C00] =	vst.msk vm0, v6  }
0x14c: {  	(v2sf) =	vpush v7, $0x0;
	v6 =	vld [tilespmem:$0x250];
	_ =	sdelay $0x4  }
0x14d: {  	vm10 =	vge.s32 v6, v0;
	vm11 =	vlt.s32 v6, v1  }
0x14e: {  	vm0 =	vmand vm10, vm11  }
0x14f: {  	v7 =	vmpcnt.ones.xlane vm0;
	_ =	sdelay $0x1  }
0x150: {  	(v2sf) =	vpush v7, $0x0;
	_ =	sdelay $0x2  }
0x151: {  	v7 =	vld [tilespmem:$0x650];
	_ =	sdelay $0x2  }
0x152: {  	s30 =	spop (v2sf)  }
0x153: {  	s16 =	sadd.s32 s16, s30  }
0x154: {  	v6 =	vsub.s32 v6, v0;
	[tilespmem:s16+$0x800] =	vst.msk vm0, v7  }
0x155: {  	[tilespmem:s16+$0x3C00] =	vst.msk vm0, v6  }
0x156: {  	v6 =	vld [tilespmem:$0x260];
	_ =	sdelay $0x1  }
0x157: {  	v7 =	vld [tilespmem:$0x660];
	_ =	sdelay $0x2  }
0x158: {  	s31 =	spop (v2sf);
	vm12 =	vge.s32 v6, v0;
	vm13 =	vlt.s32 v6, v1  }
0x159: {  	s16 =	sadd.s32 s16, s31;
	vm0 =	vmand vm12, vm13  }
0x15a: {  	v6 =	vsub.s32 v6, v0;
	[tilespmem:s16+$0x800] =	vst.msk vm0, v7;
	v7 =	vmpcnt.ones.xlane vm0  }
0x15b: {  	[tilespmem:s16+$0x3C00] =	vst.msk vm0, v6  }
0x15c: {  	(v2sf) =	vpush v7, $0x0;
	v6 =	vld [tilespmem:$0x270];
	_ =	sdelay $0x4  }
0x15d: {  	vm14 =	vge.s32 v6, v0;
	vm15 =	vlt.s32 v6, v1  }
0x15e: {  	vm0 =	vmand vm14, vm15  }
0x15f: {  	v7 =	vmpcnt.ones.xlane vm0;
	_ =	sdelay $0x1  }
0x160: {  	(v2sf) =	vpush v7, $0x0;
	_ =	sdelay $0x2  }
0x161: {  	v7 =	vld [tilespmem:$0x670];
	_ =	sdelay $0x2  }
0x162: {  	s18 =	spop (v2sf)  }
0x163: {  	s16 =	sadd.s32 s16, s18  }
0x164: {  	v6 =	vsub.s32 v6, v0;
	[tilespmem:s16+$0x800] =	vst.msk vm0, v7  }
0x165: {  	[tilespmem:s16+$0x3C00] =	vst.msk vm0, v6  }
0x166: {  	v6 =	vld [tilespmem:$0x280];
	_ =	sdelay $0x1  }
0x167: {  	v7 =	vld [tilespmem:$0x680];
	_ =	sdelay $0x2  }
0x168: {  	s19 =	spop (v2sf);
	vm4 =	vge.s32 v6, v0;
	vm5 =	vlt.s32 v6, v1  }
0x169: {  	s16 =	sadd.s32 s16, s19;
	vm0 =	vmand vm4, vm5  }
0x16a: {  	v6 =	vsub.s32 v6, v0;
	[tilespmem:s16+$0x800] =	vst.msk vm0, v7;
	v7 =	vmpcnt.ones.xlane vm0  }
0x16b: {  	[tilespmem:s16+$0x3C00] =	vst.msk vm0, v6  }
0x16c: {  	(v2sf) =	vpush v7, $0x0;
	v6 =	vld [tilespmem:$0x290];
	_ =	sdelay $0x4  }
0x16d: {  	vm6 =	vge.s32 v6, v0;
	vm7 =	vlt.s32 v6, v1  }
0x16e: {  	vm0 =	vmand vm6, vm7  }
0x16f: {  	v7 =	vmpcnt.ones.xlane vm0;
	_ =	sdelay $0x1  }
0x170: {  	(v2sf) =	vpush v7, $0x0;
	_ =	sdelay $0x2  }
0x171: {  	v7 =	vld [tilespmem:$0x690];
	_ =	sdelay $0x2  }
0x172: {  	s20 =	spop (v2sf)  }
0x173: {  	s16 =	sadd.s32 s16, s20  }
0x174: {  	v6 =	vsub.s32 v6, v0;
	[tilespmem:s16+$0x800] =	vst.msk vm0, v7  }
0x175: {  	[tilespmem:s16+$0x3C00] =	vst.msk vm0, v6  }
0x176: {  	v6 =	vld [tilespmem:$0x2A0];
	_ =	sdelay $0x1  }
0x177: {  	v7 =	vld [tilespmem:$0x6A0];
	_ =	sdelay $0x2  }
0x178: {  	s21 =	spop (v2sf);
	vm8 =	vge.s32 v6, v0;
	vm9 =	vlt.s32 v6, v1  }
0x179: {  	s16 =	sadd.s32 s16, s21;
	vm0 =	vmand vm8, vm9  }
0x17a: {  	v6 =	vsub.s32 v6, v0;
	[tilespmem:s16+$0x800] =	vst.msk vm0, v7;
	v7 =	vmpcnt.ones.xlane vm0  }
0x17b: {  	[tilespmem:s16+$0x3C00] =	vst.msk vm0, v6  }
0x17c: {  	(v2sf) =	vpush v7, $0x0;
	v6 =	vld [tilespmem:$0x2B0];
	_ =	sdelay $0x4  }
0x17d: {  	vm10 =	vge.s32 v6, v0;
	vm11 =	vlt.s32 v6, v1  }
0x17e: {  	vm0 =	vmand vm10, vm11  }
0x17f: {  	v7 =	vmpcnt.ones.xlane vm0;
	_ =	sdelay $0x1  }
0x180: {  	(v2sf) =	vpush v7, $0x0;
	_ =	sdelay $0x2  }
0x181: {  	v7 =	vld [tilespmem:$0x6B0];
	_ =	sdelay $0x2  }
0x182: {  	s22 =	spop (v2sf)  }
0x183: {  	s16 =	sadd.s32 s16, s22  }
0x184: {  	v6 =	vsub.s32 v6, v0;
	[tilespmem:s16+$0x800] =	vst.msk vm0, v7  }
0x185: {  	[tilespmem:s16+$0x3C00] =	vst.msk vm0, v6  }
0x186: {  	v6 =	vld [tilespmem:$0x2C0];
	_ =	sdelay $0x1  }
0x187: {  	v7 =	vld [tilespmem:$0x6C0];
	_ =	sdelay $0x2  }
0x188: {  	s23 =	spop (v2sf);
	vm12 =	vge.s32 v6, v0;
	vm13 =	vlt.s32 v6, v1  }
0x189: {  	s16 =	sadd.s32 s16, s23;
	vm0 =	vmand vm12, vm13  }
0x18a: {  	v6 =	vsub.s32 v6, v0;
	[tilespmem:s16+$0x800] =	vst.msk vm0, v7;
	v7 =	vmpcnt.ones.xlane vm0  }
0x18b: {  	[tilespmem:s16+$0x3C00] =	vst.msk vm0, v6  }
0x18c: {  	(v2sf) =	vpush v7, $0x0;
	v6 =	vld [tilespmem:$0x2D0];
	_ =	sdelay $0x4  }
0x18d: {  	vm14 =	vge.s32 v6, v0;
	vm15 =	vlt.s32 v6, v1  }
0x18e: {  	vm0 =	vmand vm14, vm15  }
0x18f: {  	v7 =	vmpcnt.ones.xlane vm0;
	_ =	sdelay $0x1  }
0x190: {  	(v2sf) =	vpush v7, $0x0;
	_ =	sdelay $0x2  }
0x191: {  	v7 =	vld [tilespmem:$0x6D0];
	_ =	sdelay $0x2  }
0x192: {  	s24 =	spop (v2sf)  }
0x193: {  	s16 =	sadd.s32 s16, s24  }
0x194: {  	v6 =	vsub.s32 v6, v0;
	[tilespmem:s16+$0x800] =	vst.msk vm0, v7  }
0x195: {  	[tilespmem:s16+$0x3C00] =	vst.msk vm0, v6  }
0x196: {  	v6 =	vld [tilespmem:$0x2E0];
	_ =	sdelay $0x1  }
0x197: {  	v7 =	vld [tilespmem:$0x6E0];
	_ =	sdelay $0x2  }
0x198: {  	s25 =	spop (v2sf);
	vm4 =	vge.s32 v6, v0;
	vm5 =	vlt.s32 v6, v1  }
0x199: {  	s16 =	sadd.s32 s16, s25;
	vm0 =	vmand vm4, vm5  }
0x19a: {  	v6 =	vsub.s32 v6, v0;
	[tilespmem:s16+$0x800] =	vst.msk vm0, v7;
	v7 =	vmpcnt.ones.xlane vm0  }
0x19b: {  	[tilespmem:s16+$0x3C00] =	vst.msk vm0, v6  }
0x19c: {  	(v2sf) =	vpush v7, $0x0;
	v6 =	vld [tilespmem:$0x2F0];
	_ =	sdelay $0x4  }
0x19d: {  	vm6 =	vge.s32 v6, v0;
	vm7 =	vlt.s32 v6, v1  }
0x19e: {  	vm0 =	vmand vm6, vm7  }
0x19f: {  	v7 =	vmpcnt.ones.xlane vm0;
	_ =	sdelay $0x1  }
0x1a0: {  	(v2sf) =	vpush v7, $0x0;
	_ =	sdelay $0x2  }
0x1a1: {  	v7 =	vld [tilespmem:$0x6F0];
	_ =	sdelay $0x2  }
0x1a2: {  	s26 =	spop (v2sf)  }
0x1a3: {  	s16 =	sadd.s32 s16, s26  }
0x1a4: {  	v6 =	vsub.s32 v6, v0;
	[tilespmem:s16+$0x800] =	vst.msk vm0, v7  }
0x1a5: {  	[tilespmem:s16+$0x3C00] =	vst.msk vm0, v6  }
0x1a6: {  	v6 =	vld [tilespmem:$0x300];
	_ =	sdelay $0x1  }
0x1a7: {  	v7 =	vld [tilespmem:$0x700];
	_ =	sdelay $0x2  }
0x1a8: {  	s28 =	spop (v2sf);
	vm8 =	vge.s32 v6, v0;
	vm9 =	vlt.s32 v6, v1  }
0x1a9: {  	s16 =	sadd.s32 s16, s28;
	vm0 =	vmand vm8, vm9  }
0x1aa: {  	v6 =	vsub.s32 v6, v0;
	[tilespmem:s16+$0x800] =	vst.msk vm0, v7;
	v7 =	vmpcnt.ones.xlane vm0  }
0x1ab: {  	[tilespmem:s16+$0x3C00] =	vst.msk vm0, v6  }
0x1ac: {  	(v2sf) =	vpush v7, $0x0;
	v6 =	vld [tilespmem:$0x310];
	_ =	sdelay $0x4  }
0x1ad: {  	vm10 =	vge.s32 v6, v0;
	vm11 =	vlt.s32 v6, v1  }
0x1ae: {  	vm0 =	vmand vm10, vm11  }
0x1af: {  	v7 =	vmpcnt.ones.xlane vm0;
	_ =	sdelay $0x1  }
0x1b0: {  	(v2sf) =	vpush v7, $0x0;
	_ =	sdelay $0x2  }
0x1b1: {  	v7 =	vld [tilespmem:$0x710];
	_ =	sdelay $0x2  }
0x1b2: {  	s29 =	spop (v2sf)  }
0x1b3: {  	s16 =	sadd.s32 s16, s29  }
0x1b4: {  	v6 =	vsub.s32 v6, v0;
	[tilespmem:s16+$0x800] =	vst.msk vm0, v7  }
0x1b5: {  	[tilespmem:s16+$0x3C00] =	vst.msk vm0, v6  }
0x1b6: {  	v6 =	vld [tilespmem:$0x320];
	_ =	sdelay $0x1  }
0x1b7: {  	v7 =	vld [tilespmem:$0x720];
	_ =	sdelay $0x2  }
0x1b8: {  	s30 =	spop (v2sf);
	vm12 =	vge.s32 v6, v0;
	vm13 =	vlt.s32 v6, v1  }
0x1b9: {  	s16 =	sadd.s32 s16, s30;
	vm0 =	vmand vm12, vm13  }
0x1ba: {  	v6 =	vsub.s32 v6, v0;
	[tilespmem:s16+$0x800] =	vst.msk vm0, v7;
	v7 =	vmpcnt.ones.xlane vm0  }
0x1bb: {  	[tilespmem:s16+$0x3C00] =	vst.msk vm0, v6  }
0x1bc: {  	(v2sf) =	vpush v7, $0x0;
	v6 =	vld [tilespmem:$0x330];
	_ =	sdelay $0x4  }
0x1bd: {  	vm14 =	vge.s32 v6, v0;
	vm15 =	vlt.s32 v6, v1  }
0x1be: {  	vm0 =	vmand vm14, vm15  }
0x1bf: {  	v7 =	vmpcnt.ones.xlane vm0;
	_ =	sdelay $0x1  }
0x1c0: {  	(v2sf) =	vpush v7, $0x0;
	_ =	sdelay $0x2  }
0x1c1: {  	v7 =	vld [tilespmem:$0x730];
	_ =	sdelay $0x2  }
0x1c2: {  	s31 =	spop (v2sf)  }
0x1c3: {  	s16 =	sadd.s32 s16, s31  }
0x1c4: {  	v6 =	vsub.s32 v6, v0;
	[tilespmem:s16+$0x800] =	vst.msk vm0, v7  }
0x1c5: {  	[tilespmem:s16+$0x3C00] =	vst.msk vm0, v6  }
0x1c6: {  	v6 =	vld [tilespmem:$0x340];
	_ =	sdelay $0x1  }
0x1c7: {  	v7 =	vld [tilespmem:$0x740];
	_ =	sdelay $0x2  }
0x1c8: {  	s18 =	spop (v2sf);
	vm4 =	vge.s32 v6, v0;
	vm5 =	vlt.s32 v6, v1  }
0x1c9: {  	s16 =	sadd.s32 s16, s18;
	vm0 =	vmand vm4, vm5  }
0x1ca: {  	v6 =	vsub.s32 v6, v0;
	[tilespmem:s16+$0x800] =	vst.msk vm0, v7;
	v7 =	vmpcnt.ones.xlane vm0  }
0x1cb: {  	[tilespmem:s16+$0x3C00] =	vst.msk vm0, v6  }
0x1cc: {  	(v2sf) =	vpush v7, $0x0;
	v6 =	vld [tilespmem:$0x350];
	_ =	sdelay $0x4  }
0x1cd: {  	vm6 =	vge.s32 v6, v0;
	vm7 =	vlt.s32 v6, v1  }
0x1ce: {  	vm0 =	vmand vm6, vm7  }
0x1cf: {  	v7 =	vmpcnt.ones.xlane vm0;
	_ =	sdelay $0x1  }
0x1d0: {  	(v2sf) =	vpush v7, $0x0;
	_ =	sdelay $0x2  }
0x1d1: {  	v7 =	vld [tilespmem:$0x750];
	_ =	sdelay $0x2  }
0x1d2: {  	s19 =	spop (v2sf)  }
0x1d3: {  	s16 =	sadd.s32 s16, s19  }
0x1d4: {  	v6 =	vsub.s32 v6, v0;
	[tilespmem:s16+$0x800] =	vst.msk vm0, v7  }
0x1d5: {  	[tilespmem:s16+$0x3C00] =	vst.msk vm0, v6  }
0x1d6: {  	v6 =	vld [tilespmem:$0x360];
	_ =	sdelay $0x1  }
0x1d7: {  	v7 =	vld [tilespmem:$0x760];
	_ =	sdelay $0x2  }
0x1d8: {  	s20 =	spop (v2sf);
	vm8 =	vge.s32 v6, v0;
	vm9 =	vlt.s32 v6, v1  }
0x1d9: {  	s16 =	sadd.s32 s16, s20;
	vm0 =	vmand vm8, vm9  }
0x1da: {  	v6 =	vsub.s32 v6, v0;
	[tilespmem:s16+$0x800] =	vst.msk vm0, v7;
	v7 =	vmpcnt.ones.xlane vm0  }
0x1db: {  	[tilespmem:s16+$0x3C00] =	vst.msk vm0, v6  }
0x1dc: {  	(v2sf) =	vpush v7, $0x0;
	v6 =	vld [tilespmem:$0x370];
	_ =	sdelay $0x4  }
0x1dd: {  	vm10 =	vge.s32 v6, v0;
	vm11 =	vlt.s32 v6, v1  }
0x1de: {  	vm0 =	vmand vm10, vm11  }
0x1df: {  	v7 =	vmpcnt.ones.xlane vm0;
	_ =	sdelay $0x1  }
0x1e0: {  	(v2sf) =	vpush v7, $0x0;
	_ =	sdelay $0x2  }
0x1e1: {  	v7 =	vld [tilespmem:$0x770];
	_ =	sdelay $0x2  }
0x1e2: {  	s21 =	spop (v2sf)  }
0x1e3: {  	s16 =	sadd.s32 s16, s21  }
0x1e4: {  	v6 =	vsub.s32 v6, v0;
	[tilespmem:s16+$0x800] =	vst.msk vm0, v7  }
0x1e5: {  	[tilespmem:s16+$0x3C00] =	vst.msk vm0, v6  }
0x1e6: {  	v6 =	vld [tilespmem:$0x380];
	_ =	sdelay $0x1  }
0x1e7: {  	v7 =	vld [tilespmem:$0x780];
	_ =	sdelay $0x2  }
0x1e8: {  	s22 =	spop (v2sf);
	vm12 =	vge.s32 v6, v0;
	vm13 =	vlt.s32 v6, v1  }
0x1e9: {  	s16 =	sadd.s32 s16, s22;
	vm0 =	vmand vm12, vm13  }
0x1ea: {  	v6 =	vsub.s32 v6, v0;
	[tilespmem:s16+$0x800] =	vst.msk vm0, v7;
	v7 =	vmpcnt.ones.xlane vm0  }
0x1eb: {  	[tilespmem:s16+$0x3C00] =	vst.msk vm0, v6  }
0x1ec: {  	(v2sf) =	vpush v7, $0x0;
	v6 =	vld [tilespmem:$0x390];
	_ =	sdelay $0x4  }
0x1ed: {  	vm14 =	vge.s32 v6, v0;
	vm15 =	vlt.s32 v6, v1  }
0x1ee: {  	vm0 =	vmand vm14, vm15  }
0x1ef: {  	v7 =	vmpcnt.ones.xlane vm0;
	_ =	sdelay $0x1  }
0x1f0: {  	(v2sf) =	vpush v7, $0x0;
	_ =	sdelay $0x2  }
0x1f1: {  	v7 =	vld [tilespmem:$0x790];
	_ =	sdelay $0x2  }
0x1f2: {  	s23 =	spop (v2sf)  }
0x1f3: {  	s16 =	sadd.s32 s16, s23  }
0x1f4: {  	v6 =	vsub.s32 v6, v0;
	[tilespmem:s16+$0x800] =	vst.msk vm0, v7  }
0x1f5: {  	[tilespmem:s16+$0x3C00] =	vst.msk vm0, v6  }
0x1f6: {  	v6 =	vld [tilespmem:$0x3A0];
	_ =	sdelay $0x1  }
0x1f7: {  	v7 =	vld [tilespmem:$0x7A0];
	_ =	sdelay $0x2  }
0x1f8: {  	s24 =	spop (v2sf);
	vm4 =	vge.s32 v6, v0;
	vm5 =	vlt.s32 v6, v1  }
0x1f9: {  	s16 =	sadd.s32 s16, s24;
	vm0 =	vmand vm4, vm5  }
0x1fa: {  	v6 =	vsub.s32 v6, v0;
	[tilespmem:s16+$0x800] =	vst.msk vm0, v7;
	v7 =	vmpcnt.ones.xlane vm0  }
0x1fb: {  	[tilespmem:s16+$0x3C00] =	vst.msk vm0, v6  }
0x1fc: {  	(v2sf) =	vpush v7, $0x0;
	v6 =	vld [tilespmem:$0x3B0];
	_ =	sdelay $0x4  }
0x1fd: {  	vm6 =	vge.s32 v6, v0;
	vm7 =	vlt.s32 v6, v1  }
0x1fe: {  	vm0 =	vmand vm6, vm7  }
0x1ff: {  	v7 =	vmpcnt.ones.xlane vm0;
	_ =	sdelay $0x1  }
0x200: {  	(v2sf) =	vpush v7, $0x0;
	_ =	sdelay $0x2  }
0x201: {  	v7 =	vld [tilespmem:$0x7B0];
	_ =	sdelay $0x2  }
0x202: {  	s25 =	spop (v2sf)  }
0x203: {  	s16 =	sadd.s32 s16, s25  }
0x204: {  	v6 =	vsub.s32 v6, v0;
	[tilespmem:s16+$0x800] =	vst.msk vm0, v7  }
0x205: {  	[tilespmem:s16+$0x3C00] =	vst.msk vm0, v6  }
0x206: {  	v6 =	vld [tilespmem:$0x3C0];
	_ =	sdelay $0x1  }
0x207: {  	v7 =	vld [tilespmem:$0x7C0];
	_ =	sdelay $0x2  }
0x208: {  	s26 =	spop (v2sf);
	vm8 =	vge.s32 v6, v0;
	vm9 =	vlt.s32 v6, v1  }
0x209: {  	s16 =	sadd.s32 s16, s26;
	vm0 =	vmand vm8, vm9  }
0x20a: {  	v6 =	vsub.s32 v6, v0;
	[tilespmem:s16+$0x800] =	vst.msk vm0, v7;
	v7 =	vmpcnt.ones.xlane vm0  }
0x20b: {  	[tilespmem:s16+$0x3C00] =	vst.msk vm0, v6  }
0x20c: {  	(v2sf) =	vpush v7, $0x0;
	v6 =	vld [tilespmem:$0x3D0];
	_ =	sdelay $0x4  }
0x20d: {  	vm10 =	vge.s32 v6, v0;
	vm11 =	vlt.s32 v6, v1  }
0x20e: {  	vm0 =	vmand vm10, vm11  }
0x20f: {  	v7 =	vmpcnt.ones.xlane vm0;
	_ =	sdelay $0x1  }
0x210: {  	(v2sf) =	vpush v7, $0x0;
	_ =	sdelay $0x2  }
0x211: {  	v7 =	vld [tilespmem:$0x7D0];
	_ =	sdelay $0x2  }
0x212: {  	s28 =	spop (v2sf)  }
0x213: {  	s16 =	sadd.s32 s16, s28  }
0x214: {  	v6 =	vsub.s32 v6, v0;
	[tilespmem:s16+$0x800] =	vst.msk vm0, v7  }
0x215: {  	[tilespmem:s16+$0x3C00] =	vst.msk vm0, v6  }
0x216: {  	v6 =	vld [tilespmem:$0x3E0];
	_ =	sdelay $0x1  }
0x217: {  	v7 =	vld [tilespmem:$0x7E0];
	_ =	sdelay $0x2  }
0x218: {  	s29 =	spop (v2sf);
	vm12 =	vge.s32 v6, v0;
	vm13 =	vlt.s32 v6, v1  }
0x219: {  	s16 =	sadd.s32 s16, s29;
	vm0 =	vmand vm12, vm13  }
0x21a: {  	v6 =	vsub.s32 v6, v0;
	[tilespmem:s16+$0x800] =	vst.msk vm0, v7  }
0x21b: {  	[tilespmem:s16+$0x3C00] =	vst.msk vm0, v6  }
0x21c: {  	v6 =	vld [tilespmem:$0x3F0];
	_ =	sdelay $0x4  }
0x21d: {  	v7 =	vmpcnt.ones.xlane vm0;
	vm14 =	vge.s32 v6, v0;
	vm15 =	vlt.s32 v6, v1  }
0x21e: {  	vm0 =	vmand vm14, vm15  }
0x21f: {  	(v2sf) =	vpush v7, $0x0;
	v7 =	vmpcnt.ones.xlane vm0;
	_ =	sdelay $0x1  }
0x220: {  	(v2sf) =	vpush v7, $0x0;
	_ =	sdelay $0x9  }
0x221: {  	v7 =	vld [tilespmem:$0x7F0]  }
0x222: {  	p0 =	sne.s32 s15, $0x4E80  }
.Ltmp3:
0x223: {  	_ = 	snop;
	(pc) =	sbr.rel @p0 .LBB2_4-.Ltmp3, $4  }
0x224: {  	s30 =	spop (v2sf)  }
0x225: {  	s16 =	sadd.s32 s16, s30  }
0x226: {  	v6 =	vsub.s32 v6, v0;
	[tilespmem:s16+$0x800] =	vst.msk vm0, v7;
	s31 =	spop (v2sf)  }
0x227: {  	s15 =	sadd.s32 $0x80, s15;
	[tilespmem:s16+$0x3C00] =	vst.msk vm0, v6;
	s16 =	sadd.s32 s16, s31  }
0x228: {  	[tilespmem:s16+$0x800] =	vst v4  }
0x229: {  	[tilespmem:s16+$0x3C00] =	vst v5  }
0x22a: {  	[tilespmem:s16+$0x810] =	vst v4  }
0x22b: {  	[tilespmem:s16+$0x3C10] =	vst v5  }
0x22c: {  	[tilespmem:s16+$0x820] =	vst v4  }
0x22d: {  	[tilespmem:s16+$0x3C20] =	vst v5  }
0x22e: {  	[tilespmem:s16+$0x830] =	vst v4;
	s15 =	sadd.s32 $0x3F, s16  }
0x22f: {  	[tilespmem:s16+$0x3C30] =	vst v5;
	s16 =	sand.u32 $0x3F, s15  }
0x230: {  	s17 =	sshra.s32 s15, $0x1F;
	p0 =	slt.s32 s15, $0x1;
	p1 =	sne.s32 s16, $0x0  }
0x231: {  	s29 =	sshrl.u32 s17, $0x1A;
	p0 =	por !p0, !p1  }
0x232: {  	s16 =	simm.s32 $0x1;
	s15 =	sadd.s32 s29, s15;
	p0 =	por !p0, !p0  }
0x233: {  	s15 =	sshra.s32 s15, $0x6;
	s16 =	simm.s32 @!p0 $0x0  }
0x234: {  	s15 =	ssub.s32 s15, s16  }
0x235: {  	s16 =	sadd.s32 $0x1, s15  }
0x236: {  	s30 =	sand.u32 $0x1, s16  }
0x237: {  	v6 =	vld [tilespmem:$0x800];
	p5 =	slt.s32 s15, $0x0;
	p6 =	seq.s32 s30, $0x1  }
0x238: {  	v7 =	vld [tilespmem:$0x810];
	s31 =	sshrl.u32 s16, $0x1F;
	p0 =	por !p5, !p6  }
0x239: {  	v8 =	vld [tilespmem:$0x820];
	s17 =	simm.s32 $0x1;
	s16 =	sadd.s32 s31, s16;
	p0 =	por !p0, !p0  }
0x23a: {  	v9 =	vld [tilespmem:$0x830];
	s16 =	sshra.s32 s16, $0x1;
	s17 =	simm.s32 @!p0 $0x0  }
0x23b: {  	s16 =	ssub.s32 s16, s17  }
0x23c: {  	[tilespmem:$0x7000] =	vst v6;
	p0 =	slt.s32 s16, $0x1  }
.Ltmp4:
0x23d: {  	[tilespmem:$0x7010] =	vst v7;
	(pc) =	sbr.rel @!p0 .LBB2_6-.Ltmp4, $4  }
.Ltmp5:
0x23e: {  	[tilespmem:$0x7020] =	vst v8;
	(pc) =	sbr.rel @p0 .LBB2_13-.Ltmp5, $4  }
0x23f: {  	[tilespmem:$0x7030] =	vst v9  }
0x240: {  	[tilespmem:s10], [sflag:$0x1] =	stream.indirect.gather [hbm4b:s3+s8], $0x80, s9, s8, $0xb8;
	[tilespmem:$0x1ED00] =	vst v63  }
0x241: {  	s18 =	simm.s32 $0x0;
	s17 =	simm.s32 $0x0  }
0x242: {  	_ = 	snop  }
.LBB2_12:
0x243: {  	s18 =	sadd.s32 $0x1, s18  }
0x244: {  	p0 =	sne.s32 s18, s16  }
.Ltmp6:
0x245: {  	_ = 	snop;
	(pc) =	sbr.rel @!p0 .LBB2_13-.Ltmp6, $2  }
0x246: {  	_ =	sdelay $0x2  }
0x247: {  	s17 =	sadd.s32 $0x80, s17  }
.LBB2_6:
0x248: {  	s19 =	sshllo.u32 s18, $0x1  }
0x249: {  	p0 =	sge.s32 s19, s15  }
0x24a: {  	s19 =	sshll.u32 @!p0 s19, $0x6  }
0x24b: {  	v6 =	vld @!p0 [tilespmem:s19+$0x800];
	_ =	sdelay $0x4  }
0x24c: {  	s20 =	sor.u32 @!p0 $0x50, s19;
	[tilespmem:$0x7080] =	vst @!p0 v6  }
0x24d: {  	v6 =	vld @!p0 [tilespmem:s20+$0x800];
	_ =	sdelay $0x4  }
0x24e: {  	s20 =	sor.u32 @!p0 $0x60, s19;
	[tilespmem:$0x7090] =	vst @!p0 v6  }
0x24f: {  	v6 =	vld @!p0 [tilespmem:s20+$0x800];
	_ =	sdelay $0x4  }
0x250: {  	s19 =	sor.u32 @!p0 $0x70, s19;
	[tilespmem:$0x70A0] =	vst @!p0 v6  }
0x251: {  	v6 =	vld @!p0 [tilespmem:s19+$0x800]  }
0x252: {  	s30 =	sadd.s32 $0x0, s17  }
0x253: {  	v7 =	vmov s30  }
0x254: {  	v7 =	vand.u32 $0xFFFFFFFE, v7  }
0x255: {  	v7 =	vbroadcast v7, $0x0  }
0x256: {  	s21 =	simm.s32 @!p0 $0x7080;
	s22 =	simm.s32 @!p0 $0x9100;
	s19 =	simm.s32 @!p0 $0x40;
	[tilespmem:$0x70B0] =	vst @!p0 v6  }
0x257: {  	[tilespmem:s22], [sflag:$0x2] =	stream.indirect.gather @!p0 [hbm4b:s3+s19], $0x80, s21, s19, $0xb8;
	[tilespmem:$0x1ED00] =	vst v63  }
0x258: {  	_ =	swait.ge [sflag:s7], $0x2000  }
0x259: {  	[sflag:s7] =	ssyncset.done $0x0  }
0x25a: {  	[sflag:s7] =	ssyncadd.s32 $0xFFFFE000  }
0x25b: {  	v6 =	vld.idx.msk [tilespmem:v7+s11+$0x0], $0xffff;
	_ =	sdelay $0x4  }
0x25c: {  	s19 =	simm.s32 $0x7180;
	v13 =	vshll.u32 v6, $0x7  }
0x25d: {  	v6 =	vld [tilespmem:s19+$0xFFFFFF80];
	v7 =	vor.u32 v2, v13;
	_ =	sdelay $0x4  }
0x25e: {  	[tilespmem:v7+s12+$0x0] =	vst.idx.add.f32.msk $0xffff, v6;
	v6 =	vor.u32 $0x10, v2  }
0x25f: {  	v7 =	vld [tilespmem:s19+$0xFFFFFF90];
	v8 =	vor.u32 v6, v13;
	_ =	sdelay $0x4  }
0x260: {  	[tilespmem:v8+s12+$0x0] =	vst.idx.add.f32.msk $0xffff, v7;
	v7 =	vor.u32 $0x20, v2  }
0x261: {  	v8 =	vld [tilespmem:s19+$0xFFFFFFA0];
	v9 =	vor.u32 v7, v13;
	_ =	sdelay $0x4  }
0x262: {  	[tilespmem:v9+s12+$0x0] =	vst.idx.add.f32.msk $0xffff, v8;
	v8 =	vor.u32 $0x30, v2  }
0x263: {  	v9 =	vld [tilespmem:s19+$0xFFFFFFB0];
	v10 =	vor.u32 v8, v13;
	_ =	sdelay $0x4  }
0x264: {  	[tilespmem:v10+s12+$0x0] =	vst.idx.add.f32.msk $0xffff, v9;
	v9 =	vor.u32 $0x40, v2  }
0x265: {  	v10 =	vld [tilespmem:s19+$0xFFFFFFC0];
	v11 =	vor.u32 v9, v13;
	_ =	sdelay $0x4  }
0x266: {  	[tilespmem:v11+s12+$0x0] =	vst.idx.add.f32.msk $0xffff, v10;
	v10 =	vor.u32 $0x50, v2  }
0x267: {  	v11 =	vld [tilespmem:s19+$0xFFFFFFD0];
	v12 =	vor.u32 v10, v13;
	_ =	sdelay $0x4  }
0x268: {  	[tilespmem:v12+s12+$0x0] =	vst.idx.add.f32.msk $0xffff, v11;
	v11 =	vor.u32 $0x60, v2  }
0x269: {  	v12 =	vld [tilespmem:s19+$0xFFFFFFE0];
	v14 =	vor.u32 v11, v13;
	_ =	sdelay $0x4  }
0x26a: {  	[tilespmem:v14+s12+$0x0] =	vst.idx.add.f32.msk $0xffff, v12;
	v12 =	vor.u32 $0x70, v2  }
0x26b: {  	s20 =	sadd.s32 $0x1, s30;
	v14 =	vld [tilespmem:s19+$0xFFFFFFF0];
	v13 =	vor.u32 v12, v13  }
0x26c: {  	v15 =	vmov s20;
	_ =	sdelay $0x3  }
0x26d: {  	[tilespmem:v13+s12+$0x0] =	vst.idx.add.f32.msk $0xffff, v14  }
0x26e: {  	v13 =	vld.idx.msk [tilespmem:v15+s11+$0x0], $0xffff;
	_ =	sdelay $0x4  }
0x26f: {  	v15 =	vshll.u32 v13, $0x7  }
0x270: {  	v13 =	vld [tilespmem:s19+$0x0];
	v14 =	vor.u32 v2, v15;
	_ =	sdelay $0x4  }
0x271: {  	[tilespmem:v14+s12+$0x0] =	vst.idx.add.f32.msk $0xffff, v13  }
0x272: {  	v14 =	vor.u32 v6, v15;
	v13 =	vld [tilespmem:s19+$0x10];
	_ =	sdelay $0x4  }
0x273: {  	[tilespmem:v14+s12+$0x0] =	vst.idx.add.f32.msk $0xffff, v13  }
0x274: {  	v14 =	vor.u32 v7, v15;
	v13 =	vld [tilespmem:s19+$0x20];
	_ =	sdelay $0x4  }
0x275: {  	[tilespmem:v14+s12+$0x0] =	vst.idx.add.f32.msk $0xffff, v13  }
0x276: {  	v14 =	vor.u32 v8, v15;
	v13 =	vld [tilespmem:s19+$0x30];
	_ =	sdelay $0x4  }
0x277: {  	[tilespmem:v14+s12+$0x0] =	vst.idx.add.f32.msk $0xffff, v13  }
0x278: {  	v14 =	vor.u32 v9, v15;
	v13 =	vld [tilespmem:s19+$0x40];
	_ =	sdelay $0x4  }
0x279: {  	[tilespmem:v14+s12+$0x0] =	vst.idx.add.f32.msk $0xffff, v13  }
0x27a: {  	v14 =	vor.u32 v10, v15;
	v13 =	vld [tilespmem:s19+$0x50];
	_ =	sdelay $0x4  }
0x27b: {  	[tilespmem:v14+s12+$0x0] =	vst.idx.add.f32.msk $0xffff, v13  }
0x27c: {  	v14 =	vor.u32 v11, v15;
	v13 =	vld [tilespmem:s19+$0x60];
	_ =	sdelay $0x2  }
0x27d: {  	s31 =	sadd.s32 $0x2, s17  }
0x27e: {  	v16 =	vmov s31  }
0x27f: {  	v16 =	vand.u32 $0xFFFFFFFE, v16;
	[tilespmem:v14+s12+$0x0] =	vst.idx.add.f32.msk $0xffff, v13  }
0x280: {  	s23 =	sadd.s32 $0x1, s31;
	s20 =	sshll.u32 s18, $0x1;
	s21 =	simm.s32 $0x4;
	v15 =	vor.u32 v12, v15;
	v13 =	vbroadcast v16, $0x0;
	v14 =	vld [tilespmem:s19+$0x70]  }
.LBB2_7:
0x281: {  	_ =	sdelay $0x2  }
0x282: {  	p1 =	sne.s32 s21, $0x3E  }
0x283: {  	s19 =	sadd.s32 $0x100, s19;
	s22 =	smov.u32 s21;
	s21 =	sadd.s32 $0x2, s21;
	[tilespmem:v15+s12+$0x0] =	vst.idx.add.f32.msk $0xffff, v14  }
0x284: {  	v13 =	vld.idx.msk [tilespmem:v13+s11+$0x0], $0xffff;
	_ =	sdelay $0x5  }
0x285: {  	v13 =	vshll.u32 v13, $0x7  }
0x286: {  	v15 =	vor.u32 v2, v13;
	v14 =	vld [tilespmem:s19+$0xFFFFFF80];
	_ =	sdelay $0x4  }
0x287: {  	[tilespmem:v15+s12+$0x0] =	vst.idx.add.f32.msk $0xffff, v14  }
0x288: {  	v15 =	vor.u32 v6, v13;
	v14 =	vld [tilespmem:s19+$0xFFFFFF90];
	_ =	sdelay $0x4  }
0x289: {  	[tilespmem:v15+s12+$0x0] =	vst.idx.add.f32.msk $0xffff, v14  }
0x28a: {  	v15 =	vor.u32 v7, v13;
	v14 =	vld [tilespmem:s19+$0xFFFFFFA0];
	_ =	sdelay $0x4  }
0x28b: {  	[tilespmem:v15+s12+$0x0] =	vst.idx.add.f32.msk $0xffff, v14  }
0x28c: {  	v15 =	vor.u32 v8, v13;
	v14 =	vld [tilespmem:s19+$0xFFFFFFB0];
	_ =	sdelay $0x4  }
0x28d: {  	[tilespmem:v15+s12+$0x0] =	vst.idx.add.f32.msk $0xffff, v14  }
0x28e: {  	v15 =	vor.u32 v9, v13;
	v14 =	vld [tilespmem:s19+$0xFFFFFFC0];
	_ =	sdelay $0x4  }
0x28f: {  	[tilespmem:v15+s12+$0x0] =	vst.idx.add.f32.msk $0xffff, v14  }
0x290: {  	v15 =	vor.u32 v10, v13;
	v14 =	vld [tilespmem:s19+$0xFFFFFFD0];
	_ =	sdelay $0x4  }
0x291: {  	[tilespmem:v15+s12+$0x0] =	vst.idx.add.f32.msk $0xffff, v14  }
0x292: {  	v15 =	vor.u32 v11, v13;
	v14 =	vld [tilespmem:s19+$0xFFFFFFE0];
	_ =	sdelay $0x4  }
0x293: {  	[tilespmem:v15+s12+$0x0] =	vst.idx.add.f32.msk $0xffff, v14  }
0x294: {  	v13 =	vor.u32 v12, v13;
	v14 =	vld [tilespmem:s19+$0xFFFFFFF0]  }
0x295: {  	v15 =	vmov s23;
	_ =	sdelay $0x3  }
0x296: {  	[tilespmem:v13+s12+$0x0] =	vst.idx.add.f32.msk $0xffff, v14  }
0x297: {  	v13 =	vld.idx.msk [tilespmem:v15+s11+$0x0], $0xffff;
	_ =	sdelay $0x5  }
0x298: {  	v15 =	vshll.u32 v13, $0x7  }
0x299: {  	v14 =	vor.u32 v2, v15;
	v13 =	vld [tilespmem:s19+$0x0];
	_ =	sdelay $0x4  }
0x29a: {  	[tilespmem:v14+s12+$0x0] =	vst.idx.add.f32.msk $0xffff, v13  }
0x29b: {  	v14 =	vor.u32 v6, v15;
	v13 =	vld [tilespmem:s19+$0x10];
	_ =	sdelay $0x4  }
0x29c: {  	[tilespmem:v14+s12+$0x0] =	vst.idx.add.f32.msk $0xffff, v13  }
0x29d: {  	v14 =	vor.u32 v7, v15;
	v13 =	vld [tilespmem:s19+$0x20];
	_ =	sdelay $0x4  }
0x29e: {  	[tilespmem:v14+s12+$0x0] =	vst.idx.add.f32.msk $0xffff, v13  }
0x29f: {  	v14 =	vor.u32 v8, v15;
	v13 =	vld [tilespmem:s19+$0x30];
	_ =	sdelay $0x4  }
0x2a0: {  	[tilespmem:v14+s12+$0x0] =	vst.idx.add.f32.msk $0xffff, v13  }
0x2a1: {  	v14 =	vor.u32 v9, v15;
	v13 =	vld [tilespmem:s19+$0x40];
	_ =	sdelay $0x4  }
0x2a2: {  	[tilespmem:v14+s12+$0x0] =	vst.idx.add.f32.msk $0xffff, v13  }
0x2a3: {  	v14 =	vor.u32 v10, v15;
	v13 =	vld [tilespmem:s19+$0x50];
	_ =	sdelay $0x4  }
0x2a4: {  	[tilespmem:v14+s12+$0x0] =	vst.idx.add.f32.msk $0xffff, v13  }
0x2a5: {  	v14 =	vor.u32 v11, v15;
	v13 =	vld [tilespmem:s19+$0x60];
	_ =	sdelay $0x1  }
.Ltmp7:
0x2a6: {  	(pc) =	sbr.rel @p1 .LBB2_7-.Ltmp7, $4  }
0x2a7: {  	s22 =	sadd.s32 s22, s17  }
0x2a8: {  	v16 =	vmov s22;
	s23 =	sadd.s32 $0x1, s22  }
0x2a9: {  	v16 =	vand.u32 $0xFFFFFFFE, v16;
	[tilespmem:v14+s12+$0x0] =	vst.idx.add.f32.msk $0xffff, v13  }
0x2aa: {  	v15 =	vor.u32 v12, v15;
	v13 =	vbroadcast v16, $0x0;
	v14 =	vld [tilespmem:s19+$0x70]  }
0x2ab: {  	_ =	sdelay $0x3  }
0x2ac: {  	[tilespmem:v15+s12+$0x0] =	vst.idx.add.f32.msk $0xffff, v14  }
0x2ad: {  	v13 =	vld.idx.msk [tilespmem:v13+s11+$0x0], $0xffff;
	_ =	sdelay $0x4  }
0x2ae: {  	s19 =	sadd.s32 $0x100, s19;
	v13 =	vshll.u32 v13, $0x7  }
0x2af: {  	v14 =	vld [tilespmem:s19+$0xFFFFFF80];
	v15 =	vor.u32 v2, v13;
	_ =	sdelay $0x4  }
0x2b0: {  	[tilespmem:v15+s12+$0x0] =	vst.idx.add.f32.msk $0xffff, v14  }
0x2b1: {  	v15 =	vor.u32 v6, v13;
	v14 =	vld [tilespmem:s19+$0xFFFFFF90];
	_ =	sdelay $0x4  }
0x2b2: {  	[tilespmem:v15+s12+$0x0] =	vst.idx.add.f32.msk $0xffff, v14  }
0x2b3: {  	v15 =	vor.u32 v7, v13;
	v14 =	vld [tilespmem:s19+$0xFFFFFFA0];
	_ =	sdelay $0x4  }
0x2b4: {  	[tilespmem:v15+s12+$0x0] =	vst.idx.add.f32.msk $0xffff, v14  }
0x2b5: {  	v15 =	vor.u32 v8, v13;
	v14 =	vld [tilespmem:s19+$0xFFFFFFB0];
	_ =	sdelay $0x4  }
0x2b6: {  	[tilespmem:v15+s12+$0x0] =	vst.idx.add.f32.msk $0xffff, v14  }
0x2b7: {  	v15 =	vor.u32 v9, v13;
	v14 =	vld [tilespmem:s19+$0xFFFFFFC0];
	_ =	sdelay $0x4  }
0x2b8: {  	[tilespmem:v15+s12+$0x0] =	vst.idx.add.f32.msk $0xffff, v14  }
0x2b9: {  	v15 =	vor.u32 v10, v13;
	v14 =	vld [tilespmem:s19+$0xFFFFFFD0];
	_ =	sdelay $0x4  }
0x2ba: {  	[tilespmem:v15+s12+$0x0] =	vst.idx.add.f32.msk $0xffff, v14  }
0x2bb: {  	v15 =	vor.u32 v11, v13;
	v14 =	vld [tilespmem:s19+$0xFFFFFFE0];
	_ =	sdelay $0x4  }
0x2bc: {  	[tilespmem:v15+s12+$0x0] =	vst.idx.add.f32.msk $0xffff, v14  }
0x2bd: {  	v13 =	vor.u32 v12, v13;
	v14 =	vld [tilespmem:s19+$0xFFFFFFF0]  }
0x2be: {  	v15 =	vmov s23;
	_ =	sdelay $0x3  }
0x2bf: {  	[tilespmem:v13+s12+$0x0] =	vst.idx.add.f32.msk $0xffff, v14  }
0x2c0: {  	v13 =	vld.idx.msk [tilespmem:v15+s11+$0x0], $0xffff;
	_ =	sdelay $0x4  }
0x2c1: {  	v13 =	vshll.u32 v13, $0x7  }
0x2c2: {  	v14 =	vld [tilespmem:s19+$0x0];
	v15 =	vor.u32 v2, v13;
	_ =	sdelay $0x4  }
0x2c3: {  	[tilespmem:v15+s12+$0x0] =	vst.idx.add.f32.msk $0xffff, v14  }
0x2c4: {  	v15 =	vor.u32 v6, v13;
	v14 =	vld [tilespmem:s19+$0x10];
	_ =	sdelay $0x4  }
0x2c5: {  	[tilespmem:v15+s12+$0x0] =	vst.idx.add.f32.msk $0xffff, v14  }
0x2c6: {  	v15 =	vor.u32 v7, v13;
	v14 =	vld [tilespmem:s19+$0x20];
	_ =	sdelay $0x4  }
0x2c7: {  	[tilespmem:v15+s12+$0x0] =	vst.idx.add.f32.msk $0xffff, v14  }
0x2c8: {  	v15 =	vor.u32 v8, v13;
	v14 =	vld [tilespmem:s19+$0x30];
	_ =	sdelay $0x4  }
0x2c9: {  	[tilespmem:v15+s12+$0x0] =	vst.idx.add.f32.msk $0xffff, v14  }
0x2ca: {  	v15 =	vor.u32 v9, v13;
	v14 =	vld [tilespmem:s19+$0x40];
	_ =	sdelay $0x4  }
0x2cb: {  	[tilespmem:v15+s12+$0x0] =	vst.idx.add.f32.msk $0xffff, v14  }
0x2cc: {  	v15 =	vor.u32 v10, v13;
	v14 =	vld [tilespmem:s19+$0x50];
	_ =	sdelay $0x4  }
0x2cd: {  	[tilespmem:v15+s12+$0x0] =	vst.idx.add.f32.msk $0xffff, v14  }
0x2ce: {  	v15 =	vor.u32 v11, v13;
	v14 =	vld [tilespmem:s19+$0x60];
	_ =	sdelay $0x4  }
0x2cf: {  	[tilespmem:v15+s12+$0x0] =	vst.idx.add.f32.msk $0xffff, v14  }
0x2d0: {  	v13 =	vor.u32 v12, v13;
	v14 =	vld [tilespmem:s19+$0x70];
	_ =	sdelay $0x1  }
0x2d1: {  	s19 =	sadd.s32 $0x2, s20  }
0x2d2: {  	p1 =	sge.s32 s19, s15  }
0x2d3: {  	s19 =	sshll.u32 @!p1 s19, $0x8  }
0x2d4: {  	s19 =	sshra.s32 @!p1 s19, $0x2;
	[tilespmem:v13+s12+$0x0] =	vst.idx.add.f32.msk $0xffff, v14  }
0x2d5: {  	v13 =	vld @!p1 [tilespmem:s19+$0x800];
	_ =	sdelay $0x4  }
0x2d6: {  	[tilespmem:$0x7000] =	vst @!p1 v13  }
0x2d7: {  	v13 =	vld @!p1 [tilespmem:s19+$0x810];
	_ =	sdelay $0x4  }
0x2d8: {  	[tilespmem:$0x7010] =	vst @!p1 v13  }
0x2d9: {  	v13 =	vld @!p1 [tilespmem:s19+$0x820];
	_ =	sdelay $0x4  }
0x2da: {  	[tilespmem:$0x7020] =	vst @!p1 v13  }
0x2db: {  	v13 =	vld @!p1 [tilespmem:s19+$0x830];
	_ =	sdelay $0x1  }
.Ltmp8:
0x2dc: {  	_ = 	snop;
	(pc) =	sbr.rel @p0 .LBB2_12-.Ltmp8, $3  }
0x2dd: {  	_ =	sdelay $0x1  }
0x2de: {  	s20 =	simm.s32 @!p1 $0x7000;
	s21 =	simm.s32 @!p1 $0x7100;
	s19 =	simm.s32 @!p1 $0x40;
	[tilespmem:$0x7030] =	vst @!p1 v13  }
0x2df: {  	[tilespmem:s21], [sflag:$0x1] =	stream.indirect.gather @!p1 [hbm4b:s3+s19], $0x80, s20, s19, $0xb8;
	[tilespmem:$0x1ED00] =	vst v63  }
0x2e0: {  	s20 =	sadd.s32 $0xFFFFFFC0, s17  }
0x2e1: {  	s19 =	sadd.s32 $0x80, s20  }
0x2e2: {  	v13 =	vmov s19  }
0x2e3: {  	v13 =	vand.u32 $0xFFFFFFFE, v13  }
0x2e4: {  	v13 =	vbroadcast v13, $0x0;
	_ =	sdelay $0x2  }
0x2e5: {  	_ =	swait.ge [sflag:s13], $0x2000  }
0x2e6: {  	[sflag:s13] =	ssyncset.done $0x0  }
0x2e7: {  	[sflag:s13] =	ssyncadd.s32 $0xFFFFE000  }
0x2e8: {  	v13 =	vld.idx.msk [tilespmem:v13+s11+$0x0], $0xffff;
	_ =	sdelay $0x4  }
0x2e9: {  	s19 =	simm.s32 $0x91F0;
	v13 =	vshll.u32 v13, $0x7  }
0x2ea: {  	v14 =	vld [tilespmem:s19+$0xFFFFFF10];
	v15 =	vor.u32 v2, v13;
	_ =	sdelay $0x4  }
0x2eb: {  	[tilespmem:v15+s12+$0x0] =	vst.idx.add.f32.msk $0xffff, v14  }
0x2ec: {  	v15 =	vor.u32 v6, v13;
	v14 =	vld [tilespmem:s19+$0xFFFFFF20];
	_ =	sdelay $0x4  }
0x2ed: {  	[tilespmem:v15+s12+$0x0] =	vst.idx.add.f32.msk $0xffff, v14  }
0x2ee: {  	v15 =	vor.u32 v7, v13;
	v14 =	vld [tilespmem:s19+$0xFFFFFF30];
	_ =	sdelay $0x4  }
0x2ef: {  	[tilespmem:v15+s12+$0x0] =	vst.idx.add.f32.msk $0xffff, v14  }
0x2f0: {  	v15 =	vor.u32 v8, v13;
	v14 =	vld [tilespmem:s19+$0xFFFFFF40];
	_ =	sdelay $0x4  }
0x2f1: {  	[tilespmem:v15+s12+$0x0] =	vst.idx.add.f32.msk $0xffff, v14  }
0x2f2: {  	v15 =	vor.u32 v9, v13;
	v14 =	vld [tilespmem:s19+$0xFFFFFF50];
	_ =	sdelay $0x4  }
0x2f3: {  	[tilespmem:v15+s12+$0x0] =	vst.idx.add.f32.msk $0xffff, v14  }
0x2f4: {  	v15 =	vor.u32 v10, v13;
	v14 =	vld [tilespmem:s19+$0xFFFFFF60];
	_ =	sdelay $0x4  }
0x2f5: {  	[tilespmem:v15+s12+$0x0] =	vst.idx.add.f32.msk $0xffff, v14  }
0x2f6: {  	v15 =	vor.u32 v11, v13;
	v14 =	vld [tilespmem:s19+$0xFFFFFF70];
	_ =	sdelay $0x4  }
0x2f7: {  	[tilespmem:v15+s12+$0x0] =	vst.idx.add.f32.msk $0xffff, v14  }
0x2f8: {  	s20 =	sadd.s32 $0x81, s20;
	v13 =	vor.u32 v12, v13;
	v14 =	vld [tilespmem:s19+$0xFFFFFF80]  }
0x2f9: {  	v15 =	vmov s20;
	_ =	sdelay $0x3  }
0x2fa: {  	[tilespmem:v13+s12+$0x0] =	vst.idx.add.f32.msk $0xffff, v14  }
0x2fb: {  	v13 =	vld.idx.msk [tilespmem:v15+s11+$0x0], $0xffff;
	_ =	sdelay $0x4  }
0x2fc: {  	v15 =	vshll.u32 v13, $0x7  }
0x2fd: {  	v13 =	vld [tilespmem:s19+$0xFFFFFF90];
	v14 =	vor.u32 v2, v15;
	_ =	sdelay $0x4  }
0x2fe: {  	[tilespmem:v14+s12+$0x0] =	vst.idx.add.f32.msk $0xffff, v13  }
0x2ff: {  	v14 =	vor.u32 v6, v15;
	v13 =	vld [tilespmem:s19+$0xFFFFFFA0];
	_ =	sdelay $0x4  }
0x300: {  	[tilespmem:v14+s12+$0x0] =	vst.idx.add.f32.msk $0xffff, v13  }
0x301: {  	v14 =	vor.u32 v7, v15;
	v13 =	vld [tilespmem:s19+$0xFFFFFFB0];
	_ =	sdelay $0x4  }
0x302: {  	[tilespmem:v14+s12+$0x0] =	vst.idx.add.f32.msk $0xffff, v13  }
0x303: {  	v14 =	vor.u32 v8, v15;
	v13 =	vld [tilespmem:s19+$0xFFFFFFC0];
	_ =	sdelay $0x4  }
0x304: {  	[tilespmem:v14+s12+$0x0] =	vst.idx.add.f32.msk $0xffff, v13  }
0x305: {  	v14 =	vor.u32 v9, v15;
	v13 =	vld [tilespmem:s19+$0xFFFFFFD0];
	_ =	sdelay $0x4  }
0x306: {  	[tilespmem:v14+s12+$0x0] =	vst.idx.add.f32.msk $0xffff, v13  }
0x307: {  	v14 =	vor.u32 v10, v15;
	v13 =	vld [tilespmem:s19+$0xFFFFFFE0];
	_ =	sdelay $0x4  }
0x308: {  	[tilespmem:v14+s12+$0x0] =	vst.idx.add.f32.msk $0xffff, v13  }
0x309: {  	v14 =	vor.u32 v11, v15;
	v13 =	vld [tilespmem:s19+$0xFFFFFFF0];
	_ =	sdelay $0x1  }
0x30a: {  	s21 =	sadd.s32 $0xFFFFFFC2, s17  }
0x30b: {  	s31 =	sadd.s32 $0x80, s21  }
0x30c: {  	v16 =	vmov s31  }
0x30d: {  	v16 =	vand.u32 $0xFFFFFFFE, v16;
	[tilespmem:v14+s12+$0x0] =	vst.idx.add.f32.msk $0xffff, v13  }
0x30e: {  	s22 =	sadd.s32 $0x81, s21;
	s20 =	simm.s32 $0xFFFFFFC4;
	v15 =	vor.u32 v12, v15;
	v13 =	vbroadcast v16, $0x0;
	v14 =	vld [tilespmem:s19+$0x0]  }
.LBB2_10:
0x30f: {  	_ =	sdelay $0x2  }
0x310: {  	p0 =	sne.s32 s20, $0xFFFFFFFE  }
0x311: {  	s19 =	sadd.s32 $0x100, s19;
	s21 =	smov.u32 s20;
	s20 =	sadd.s32 $0x2, s20;
	[tilespmem:v15+s12+$0x0] =	vst.idx.add.f32.msk $0xffff, v14  }
0x312: {  	v13 =	vld.idx.msk [tilespmem:v13+s11+$0x0], $0xffff;
	_ =	sdelay $0x5  }
0x313: {  	v13 =	vshll.u32 v13, $0x7  }
0x314: {  	v15 =	vor.u32 v2, v13;
	v14 =	vld [tilespmem:s19+$0xFFFFFF10];
	_ =	sdelay $0x4  }
0x315: {  	[tilespmem:v15+s12+$0x0] =	vst.idx.add.f32.msk $0xffff, v14  }
0x316: {  	v15 =	vor.u32 v6, v13;
	v14 =	vld [tilespmem:s19+$0xFFFFFF20];
	_ =	sdelay $0x4  }
0x317: {  	[tilespmem:v15+s12+$0x0] =	vst.idx.add.f32.msk $0xffff, v14  }
0x318: {  	v15 =	vor.u32 v7, v13;
	v14 =	vld [tilespmem:s19+$0xFFFFFF30];
	_ =	sdelay $0x4  }
0x319: {  	[tilespmem:v15+s12+$0x0] =	vst.idx.add.f32.msk $0xffff, v14  }
0x31a: {  	v15 =	vor.u32 v8, v13;
	v14 =	vld [tilespmem:s19+$0xFFFFFF40];
	_ =	sdelay $0x4  }
0x31b: {  	[tilespmem:v15+s12+$0x0] =	vst.idx.add.f32.msk $0xffff, v14  }
0x31c: {  	v15 =	vor.u32 v9, v13;
	v14 =	vld [tilespmem:s19+$0xFFFFFF50];
	_ =	sdelay $0x4  }
0x31d: {  	[tilespmem:v15+s12+$0x0] =	vst.idx.add.f32.msk $0xffff, v14  }
0x31e: {  	v15 =	vor.u32 v10, v13;
	v14 =	vld [tilespmem:s19+$0xFFFFFF60];
	_ =	sdelay $0x4  }
0x31f: {  	[tilespmem:v15+s12+$0x0] =	vst.idx.add.f32.msk $0xffff, v14  }
0x320: {  	v15 =	vor.u32 v11, v13;
	v14 =	vld [tilespmem:s19+$0xFFFFFF70];
	_ =	sdelay $0x4  }
0x321: {  	[tilespmem:v15+s12+$0x0] =	vst.idx.add.f32.msk $0xffff, v14  }
0x322: {  	v13 =	vor.u32 v12, v13;
	v14 =	vld [tilespmem:s19+$0xFFFFFF80]  }
0x323: {  	v15 =	vmov s22;
	_ =	sdelay $0x3  }
0x324: {  	[tilespmem:v13+s12+$0x0] =	vst.idx.add.f32.msk $0xffff, v14  }
0x325: {  	v13 =	vld.idx.msk [tilespmem:v15+s11+$0x0], $0xffff;
	_ =	sdelay $0x5  }
0x326: {  	v15 =	vshll.u32 v13, $0x7  }
0x327: {  	v14 =	vor.u32 v2, v15;
	v13 =	vld [tilespmem:s19+$0xFFFFFF90];
	_ =	sdelay $0x4  }
0x328: {  	[tilespmem:v14+s12+$0x0] =	vst.idx.add.f32.msk $0xffff, v13  }
0x329: {  	v14 =	vor.u32 v6, v15;
	v13 =	vld [tilespmem:s19+$0xFFFFFFA0];
	_ =	sdelay $0x4  }
0x32a: {  	[tilespmem:v14+s12+$0x0] =	vst.idx.add.f32.msk $0xffff, v13  }
0x32b: {  	v14 =	vor.u32 v7, v15;
	v13 =	vld [tilespmem:s19+$0xFFFFFFB0];
	_ =	sdelay $0x4  }
0x32c: {  	[tilespmem:v14+s12+$0x0] =	vst.idx.add.f32.msk $0xffff, v13  }
0x32d: {  	v14 =	vor.u32 v8, v15;
	v13 =	vld [tilespmem:s19+$0xFFFFFFC0];
	_ =	sdelay $0x4  }
0x32e: {  	[tilespmem:v14+s12+$0x0] =	vst.idx.add.f32.msk $0xffff, v13  }
0x32f: {  	v14 =	vor.u32 v9, v15;
	v13 =	vld [tilespmem:s19+$0xFFFFFFD0];
	_ =	sdelay $0x4  }
0x330: {  	[tilespmem:v14+s12+$0x0] =	vst.idx.add.f32.msk $0xffff, v13  }
0x331: {  	v14 =	vor.u32 v10, v15;
	v13 =	vld [tilespmem:s19+$0xFFFFFFE0];
	_ =	sdelay $0x4  }
0x332: {  	[tilespmem:v14+s12+$0x0] =	vst.idx.add.f32.msk $0xffff, v13  }
0x333: {  	v14 =	vor.u32 v11, v15;
	v13 =	vld [tilespmem:s19+$0xFFFFFFF0];
	_ =	sdelay $0x1  }
.Ltmp9:
0x334: {  	s21 =	sadd.s32 s21, s17;
	(pc) =	sbr.rel @p0 .LBB2_10-.Ltmp9, $4  }
0x335: {  	s23 =	sadd.s32 $0x80, s21;
	s22 =	sadd.s32 $0x81, s21  }
0x336: {  	v16 =	vmov s23  }
0x337: {  	v16 =	vand.u32 $0xFFFFFFFE, v16;
	[tilespmem:v14+s12+$0x0] =	vst.idx.add.f32.msk $0xffff, v13  }
0x338: {  	v15 =	vor.u32 v12, v15;
	v13 =	vbroadcast v16, $0x0;
	v14 =	vld [tilespmem:s19+$0x0]  }
0x339: {  	_ =	sdelay $0x3  }
0x33a: {  	[tilespmem:v15+s12+$0x0] =	vst.idx.add.f32.msk $0xffff, v14  }
0x33b: {  	v13 =	vld.idx.msk [tilespmem:v13+s11+$0x0], $0xffff;
	_ =	sdelay $0x4  }
0x33c: {  	s19 =	sadd.s32 $0x100, s19;
	v13 =	vshll.u32 v13, $0x7  }
0x33d: {  	v14 =	vld [tilespmem:s19+$0xFFFFFF10];
	v55 =	vor.u32 v2, v13;
	_ =	sdelay $0x4  }
0x33e: {  	[tilespmem:v55+s12+$0x0] =	vst.idx.add.f32.msk $0xffff, v14  }
0x33f: {  	v56 =	vor.u32 v6, v13;
	v14 =	vld [tilespmem:s19+$0xFFFFFF20];
	_ =	sdelay $0x4  }
0x340: {  	[tilespmem:v56+s12+$0x0] =	vst.idx.add.f32.msk $0xffff, v14  }
0x341: {  	v57 =	vor.u32 v7, v13;
	v14 =	vld [tilespmem:s19+$0xFFFFFF30];
	_ =	sdelay $0x4  }
0x342: {  	[tilespmem:v57+s12+$0x0] =	vst.idx.add.f32.msk $0xffff, v14  }
0x343: {  	v58 =	vor.u32 v8, v13;
	v14 =	vld [tilespmem:s19+$0xFFFFFF40];
	_ =	sdelay $0x4  }
0x344: {  	[tilespmem:v58+s12+$0x0] =	vst.idx.add.f32.msk $0xffff, v14  }
0x345: {  	v59 =	vor.u32 v9, v13;
	v14 =	vld [tilespmem:s19+$0xFFFFFF50];
	_ =	sdelay $0x4  }
0x346: {  	[tilespmem:v59+s12+$0x0] =	vst.idx.add.f32.msk $0xffff, v14  }
0x347: {  	v60 =	vor.u32 v10, v13;
	v14 =	vld [tilespmem:s19+$0xFFFFFF60];
	_ =	sdelay $0x4  }
0x348: {  	[tilespmem:v60+s12+$0x0] =	vst.idx.add.f32.msk $0xffff, v14  }
0x349: {  	v61 =	vor.u32 v11, v13;
	v14 =	vld [tilespmem:s19+$0xFFFFFF70];
	_ =	sdelay $0x4  }
0x34a: {  	[tilespmem:v61+s12+$0x0] =	vst.idx.add.f32.msk $0xffff, v14  }
0x34b: {  	v13 =	vor.u32 v12, v13;
	v14 =	vld [tilespmem:s19+$0xFFFFFF80]  }
0x34c: {  	v62 =	vmov s22;
	_ =	sdelay $0x3  }
0x34d: {  	[tilespmem:v13+s12+$0x0] =	vst.idx.add.f32.msk $0xffff, v14  }
0x34e: {  	v13 =	vld.idx.msk [tilespmem:v62+s11+$0x0], $0xffff;
	_ =	sdelay $0x4  }
0x34f: {  	v13 =	vshll.u32 v13, $0x7  }
0x350: {  	v14 =	vld [tilespmem:s19+$0xFFFFFF90];
	v63 =	vor.u32 v2, v13;
	_ =	sdelay $0x4  }
0x351: {  	[tilespmem:v63+s12+$0x0] =	vst.idx.add.f32.msk $0xffff, v14  }
0x352: {  	v6 =	vor.u32 v6, v13;
	v14 =	vld [tilespmem:s19+$0xFFFFFFA0];
	_ =	sdelay $0x4  }
0x353: {  	[tilespmem:v6+s12+$0x0] =	vst.idx.add.f32.msk $0xffff, v14  }
0x354: {  	v7 =	vor.u32 v7, v13;
	v6 =	vld [tilespmem:s19+$0xFFFFFFB0];
	_ =	sdelay $0x4  }
0x355: {  	[tilespmem:v7+s12+$0x0] =	vst.idx.add.f32.msk $0xffff, v6  }
0x356: {  	v7 =	vor.u32 v8, v13;
	v6 =	vld [tilespmem:s19+$0xFFFFFFC0];
	_ =	sdelay $0x4  }
0x357: {  	[tilespmem:v7+s12+$0x0] =	vst.idx.add.f32.msk $0xffff, v6  }
0x358: {  	v7 =	vor.u32 v9, v13;
	v6 =	vld [tilespmem:s19+$0xFFFFFFD0];
	_ =	sdelay $0x4  }
0x359: {  	[tilespmem:v7+s12+$0x0] =	vst.idx.add.f32.msk $0xffff, v6  }
0x35a: {  	v7 =	vor.u32 v10, v13;
	v6 =	vld [tilespmem:s19+$0xFFFFFFE0];
	_ =	sdelay $0x4  }
0x35b: {  	[tilespmem:v7+s12+$0x0] =	vst.idx.add.f32.msk $0xffff, v6  }
0x35c: {  	v7 =	vor.u32 v11, v13;
	v6 =	vld [tilespmem:s19+$0xFFFFFFF0];
	_ =	sdelay $0x4  }
0x35d: {  	[tilespmem:v7+s12+$0x0] =	vst.idx.add.f32.msk $0xffff, v6  }
0x35e: {  	v7 =	vor.u32 v12, v13;
	v6 =	vld [tilespmem:s19+$0x0]  }
.Ltmp10:
0x35f: {  	_ = 	snop;
	(pc) =	sbr.rel .LBB2_12-.Ltmp10, $2  }
0x360: {  	_ =	sdelay $0x2  }
0x361: {  	[tilespmem:v7+s12+$0x0] =	vst.idx.add.f32.msk $0xffff, v6  }
.LBB2_14:
0x362: {  	_ =	sfence.sel $0x180000  }
0x363: {  	[bflag:$0x0] =	sbarrier.arrive $0xFFFF  }
0x364: {  	p0 =	sne.s32 s0, $0x0;
	_ =	strace $0x9000004A  }
0x365: {  	s0 =	sadd.s32 @!p0 $0x100000, s1;
	[bflag:$0x2] =	sbarrier.arrive $0xFFFF  }
0x366: {  	[sflag:s0] =	ssyncadd.tile.s32 @!p0 $0x1;
	_ =	shalt  }
.Lfunc_end2:
_tile_overlayer_lowered:
.L_overlay_start_2:
0x367: {  	(tag) =	ssettag $0x2  }
0x368: {  	s0 =	rddreg [dreg:$0x0];
	s2 =	stileid.u32  }
0x369: {  	s1 =	rddreg [dreg:$0x1];
	p0 =	sne.s32 s2, $0x0  }
0x36a: {  	s3 =	rddreg [dreg:$0x2];
	[bflag:$0x3] =	sbarrier.arrive $0xFFFF;
	s2 =	simm.s32 @!p0 $0x1C03  }
0x36b: {  	[timem:s3], [sflag:s2] =	dma.local @!p0 [hbm:s0], s1  }
0x36c: {  	s0 =	simm.s32 @!p0 $0x3  }
0x36d: {  	_ =	swait.ge @!p0 [sflag:s0], s1  }
0x36e: {  	s1 =	ssub.s32 @!p0 $0x0, s1;
	[sflag:s0] =	ssyncset.done @!p0 $0x0  }
0x36f: {  	[sflag:s0] =	ssyncadd.s32 @!p0 s1  }
0x370: {  	[bflag:$0x3] =	sbarrier.arrive $0xFFFF  }
0x371: {  	_ =	shalt  }

// kernel: kernel.14.cloned.1.call-start
scs
__scs_entry_jumppad:
0x0: {  	(pc) =	sbr.rel $0x88, $3  }
0x1: {  	(tag) =	ssettag $0x0;
	lr =	simm.s32 $0x1  }
0x2: {  	[smem:$0x3F99] =	sst lr;
	_ =	strace $0xD0000000  }
0x3: {  	_ = 	snop  }
0x4: {  	_ = 	snop  }
0x5: {  	_ = 	snop  }
0x6: {  	_ = 	snop  }
0x7: {  	_ = 	snop  }
__scs_overlays_trampoline_lowered:
0x8: {  	[smem:$0x3FA8] =	sst s0  }
0x9: {  	[smem:$0x3FA9] =	sst s1  }
0xa: {  	[smem:$0x3FAA] =	sst s2  }
0xb: {  	[smem:$0x3FAB] =	sst s3  }
0xc: {  	[smem:$0x3FAC] =	sst s4  }
0xd: {  	[smem:$0x3FAD] =	sst s5  }
0xe: {  	[smem:$0x3FAE] =	sst s6  }
0xf: {  	[smem:$0x3FAF] =	sst s7  }
0x10: {  	[smem:$0x3FB0] =	sst s8  }
0x11: {  	[smem:$0x3FB1] =	sst s9;
	s0 =	simm.s32 @!p0 $0x0  }
0x12: {  	s1 =	sld [smem:$0x3F97];
	s0 =	simm.s32 @p0 $0x1  }
0x13: {  	[smem:$0x3FB2] =	sst s0;
	s0 =	simm.s32 @!p1 $0x0  }
0x14: {  	s2 =	sld [smem:$0x3F96];
	s0 =	simm.s32 @p1 $0x1  }
0x15: {  	[smem:$0x3FB3] =	sst s0;
	s0 =	simm.s32 @!p2 $0x0  }
0x16: {  	s3 =	sld [smem:$0x3FDB];
	s0 =	simm.s32 @p2 $0x1  }
0x17: {  	s4 =	simm.s32 $0x1BF5;
	[smem:$0x3FB5] =	sst s0  }
0x18: {  	s0 =	sld [smem:$0x3F98];
	_ =	swait.ge [sflag:s4], $0x0  }
0x19: {  	s7 =	sld [smem:$0x3F99]  }
0x1a: {  	s8 =	sadd.s32 $0xFFFFE003, lr  }
0x1b: {  	s9 =	sadd.s32 $0xFFFFFEF7, lr;
	s5 =	simm.s32 $0xFFFFFFFF;
	p2 =	slt.u32 s8, $0xFFFFF086  }
0x1c: {  	p1 =	slt.u32 s9, $0xF7A;
	s5 =	simm.s32 @!p2 $0x0  }
0x1d: {  	s5 =	simm.s32 @p1 $0x1;
	p0 =	seq.s32 s7, s2  }
0x1e: {  	s7 =	smul.u32 @!p0 $0xF7A, s2;
	p2 =	seq.s32 @!p0 s5, $0x0  }
0x1f: {  	s9 =	smul.u32 $0xF7A, s1;
	s8 =	simm.s32 @!p0 $0x1BF5;
	p2 =	por !p2, p0  }
0x20: {  	[sflag:s8] =	ssyncset.s32 @!p0 $0xFFFFF086;
	s6 =	sadd.s32 @!p0 s3, s7;
	s7 =	simm.s32 @!p0 $0x108  }
0x21: {  	s3 =	sadd.s32 s3, s9;
	s6 =	sadd.s32 @!p0 $0x88, s6;
	s7 =	simm.s32 @p2 $0x1082  }
0x22: {  	[simem:s7], [sflag:s8] =	dma.local @!p0 [hbm:s6], $0xF7A  }
0x23: {  	s9 =	sor.u32 $0xD0000000, s2;
	s6 =	simm.s32 $0x108;
	_ =	swait.ge @!p0 [sflag:s8], $0x0  }
0x24: {  	s3 =	sadd.s32 $0x88, s3;
	s6 =	simm.s32 @!p1 $0x1082;
	[sflag:s4] =	ssyncset.s32 $0xFFFFF086  }
0x25: {  	[simem:s6], [sflag:s4] =	dma.local [hbm:s3], $0xF7A  }
0x26: {  	[smem:$0x3F99] =	sst s1;
	(tag) =	ssettag s2;
	_ =	strace s9  }
0x27: {  	s1 =	sld [smem:$0x3FA9]  }
0x28: {  	s2 =	sld [smem:$0x3FAA]  }
0x29: {  	s4 =	sld [smem:$0x3FAC]  }
0x2a: {  	p0 =	seq.s32 s5, $0x0;
	s5 =	sld [smem:$0x3FAD]  }
0x2b: {  	s6 =	sld [smem:$0x3FAE]  }
0x2c: {  	s7 =	sld [smem:$0x3FAF]  }
0x2d: {  	s3 =	simm.s32 $0x108;
	s8 =	sld [smem:$0x3FB0]  }
0x2e: {  	s3 =	simm.s32 @!p0 $0x1082;
	s9 =	sld [smem:$0x3FB1]  }
0x2f: {  	lr =	sadd.s32 s0, s3;
	s0 =	sld [smem:$0x3FA8]  }
0x30: {  	s3 =	sld [smem:$0x3FAB]  }
0x31: {  	[smem:$0x3FB4] =	sst s10  }
0x32: {  	s10 =	sld [smem:$0x3FB2];
	_ =	sdelay $0x3  }
0x33: {  	p0 =	seq.s32 s10, $0x1;
	s10 =	sld [smem:$0x3FB4];
	_ =	sdelay $0x3  }
0x34: {  	[smem:$0x3FB4] =	sst s10  }
0x35: {  	s10 =	sld [smem:$0x3FB3];
	_ =	sdelay $0x3  }
0x36: {  	p1 =	seq.s32 s10, $0x1;
	s10 =	sld [smem:$0x3FB4];
	_ =	sdelay $0x3  }
0x37: {  	[smem:$0x3FB4] =	sst s10  }
0x38: {  	s10 =	sld [smem:$0x3FB5]  }
0x39: {  	_ = 	snop;
	(pc) =	sbr.ind lr, $3  }
0x3a: {  	_ = 	snop  }
0x3b: {  	_ = 	snop  }
0x3c: {  	p2 =	seq.s32 s10, $0x1;
	s10 =	sld [smem:$0x3FB4]  }
0x3d: {  	_ =	shalt  }
0x3e: {  	_ =	shalt  }
0x3f: {  	_ =	shalt  }
0x40: {  	_ =	shalt  }
0x41: {  	_ =	shalt  }
0x42: {  	_ =	shalt  }
0x43: {  	_ =	shalt  }
0x44: {  	_ =	shalt  }
0x45: {  	_ =	shalt  }
0x46: {  	_ =	shalt  }
0x47: {  	_ =	shalt  }
0x48: {  	_ =	shalt  }
0x49: {  	_ =	shalt  }
0x4a: {  	_ =	shalt  }
0x4b: {  	_ =	shalt  }
0x4c: {  	_ =	shalt  }
0x4d: {  	_ =	shalt  }
0x4e: {  	_ =	shalt  }
0x4f: {  	_ =	shalt  }
0x50: {  	_ =	shalt  }
0x51: {  	_ =	shalt  }
0x52: {  	_ =	shalt  }
0x53: {  	_ =	shalt  }
0x54: {  	_ =	shalt  }
0x55: {  	_ =	shalt  }
0x56: {  	_ =	shalt  }
0x57: {  	_ =	shalt  }
0x58: {  	_ =	shalt  }
0x59: {  	_ =	shalt  }
0x5a: {  	_ =	shalt  }
0x5b: {  	_ =	shalt  }
0x5c: {  	_ =	shalt  }
0x5d: {  	_ =	shalt  }
0x5e: {  	_ =	shalt  }
0x5f: {  	_ =	shalt  }
0x60: {  	_ =	shalt  }
0x61: {  	_ =	shalt  }
0x62: {  	_ =	shalt  }
0x63: {  	_ =	shalt  }
0x64: {  	_ =	shalt  }
0x65: {  	_ =	shalt  }
0x66: {  	_ =	shalt  }
0x67: {  	_ =	shalt  }
0x68: {  	_ =	shalt  }
0x69: {  	_ =	shalt  }
0x6a: {  	_ =	shalt  }
0x6b: {  	_ =	shalt  }
0x6c: {  	_ =	shalt  }
0x6d: {  	_ =	shalt  }
0x6e: {  	_ =	shalt  }
0x6f: {  	_ =	shalt  }
0x70: {  	_ =	shalt  }
0x71: {  	_ =	shalt  }
0x72: {  	_ =	shalt  }
0x73: {  	_ =	shalt  }
0x74: {  	_ =	shalt  }
0x75: {  	_ =	shalt  }
0x76: {  	_ =	shalt  }
0x77: {  	_ =	shalt  }
0x78: {  	_ =	shalt  }
0x79: {  	_ =	shalt  }
0x7a: {  	_ =	shalt  }
0x7b: {  	_ =	shalt  }
0x7c: {  	_ =	shalt  }
0x7d: {  	_ =	shalt  }
0x7e: {  	_ =	shalt  }
0x7f: {  	_ =	shalt  }
0x80: {  	_ =	shalt  }
0x81: {  	_ =	shalt  }
0x82: {  	_ =	shalt  }
0x83: {  	_ =	shalt  }
0x84: {  	_ =	shalt  }
0x85: {  	_ =	shalt  }
0x86: {  	_ =	shalt  }
0x87: {  	_ =	shalt  }
.Lfunc_end0:
.L_simem_size_0:
called_computation.2_lowered:
.L_overlay_start_0:
0x88: {  	s2 =	sld [smem:$0x3FD9]  }
0x89: {  	s3 =	sld [smem:$0x3FFE];
	_ =	sdelay $0x1  }
0x8a: {  	s1 =	srdreg.scid  }
0x8b: {  	s0 =	sand.u32 $0x1, s1  }
0x8c: {  	s14 =	sshll.u32 s0, $0xA;
	s2 =	sadd.s32 s3, s2  }
0x8d: {  	s2 =	sadd.s32 s2, s14  }
0x8e: {  	[smem:$0x3FC0] =	sst s2  }
0x8f: {  	_ = 	snop  }
0x90: {  	s2 =	sld [smem:$0x3FD0];
	_ =	sdelay $0x2  }
0x91: {  	s4 =	simm.s32 $0xA;
	s5 =	simm.s32 $0x10;
	s15 =	sld [smem:$0x3FC5]  }
0x92: {  	[smem:s5], [sflag:s4] =	dma.local [hbm:s2], $0x1  }
0x93: {  	_ =	swait.eq [sflag:s4], $0x1  }
0x94: {  	[sflag:s4] =	ssyncset.done $0x0  }
0x95: {  	s16 =	sld [smem:$0x10];
	[sflag:s4] =	ssyncadd.s32 $0xFFFFFFFF  }
0x96: {  	s17 =	sld [smem:$0x11];
	(tm) =	ssettm $0x1  }
0x97: {  	s18 =	sld [smem:$0x3FFB];
	_ =	sdelay $0x3  }
0x98: {  	_ =	strace s18  }
0x99: {  	s5 =	sld [smem:$0x3FFC];
	_ =	sdelay $0x3  }
0x9a: {  	_ =	strace s5  }
0x9b: {  	s5 =	sld [smem:$0x3FFD];
	_ =	sdelay $0x3  }
0x9c: {  	_ =	strace s5  }
0x9d: {  	_ =	strace $0x8FFFFFFF  }
0x9e: {  	s19 =	sld [smem:$0x3FDB];
	_ =	sdelay $0x1  }
0x9f: {  	s6 =	simm.s32 $_scs_section_size  }
0xa0: {  	s7 =	simm.s32 $_size__tile_overlayer_lowered;
	s8 =	simm.s32 $_tile_overlayer_lowered  }
0xa1: {  	s22 =	simm.s32 $0x1BFF;
	s21 =	sshll.u32 s8, $0x1;
	s5 =	sadd.s32 s6, s19  }
0xa2: {  	s9 =	simm.s32 $0x0;
	s20 =	sshll.u32 s7, $0x1;
	s7 =	sadd.s32 s21, s5  }
0xa3: {  	[timem:s9], [sflag:s22] =	dma.local [hbm:s7], s20  }
0xa4: {  	_ =	swait.ge [sflag:s22], s20  }
0xa5: {  	s6 =	ssub.s32 $0x0, s20;
	[sflag:s22] =	ssyncset.done $0x0  }
0xa6: {  	[sflag:s22] =	ssyncadd.s32 s6;
	_ =	sdelay $0x1  }
0xa7: {  	s23 =	simm.s32 $0x1B8B  }
0xa8: {  	_ =	swait.ge [sflag:s23], $0x1  }
0xa9: {  	[sflag:s23] =	ssyncset.done $0x0  }
0xaa: {  	s25 =	simm.s32 $0x1B8E;
	s24 =	sld [smem:$0x3FFE];
	[sflag:s23] =	ssyncadd.s32 $0xFFFFFFFF  }
0xab: {  	s26 =	simm.s32 $execute0_lowered;
	[smem:$0x3FD2] =	sst s25  }
0xac: {  	s7 =	sshll.u32 s26, $0x1;
	_ =	strace $0x8000004C;
	[dreg:$0x1] =	wrdreg $0xFFFFFFFF  }
0xad: {  	s28 =	simm.s32 $_size_execute0_lowered;
	s5 =	sadd.s32 s5, s7;
	[dreg:$0x0] =	wrdreg $0x0  }
0xae: {  	s7 =	sshll.u32 s28, $0x1;
	[dreg:$0x2] =	wrdreg s5  }
0xaf: {  	[dreg:$0x3] =	wrdreg s7  }
0xb0: {  	[dreg:$0x4] =	wrdreg $0xC0  }
0xb1: {  	_ =	task [dreg:s9], $0x5FFFF  }
0xb2: {  	[dreg:$0x1] =	wrdreg $0xFFFFFFFF  }
0xb3: {  	[dreg:$0x0] =	wrdreg $0x60  }
0xb4: {  	[dreg:$0x2] =	wrdreg s24  }
0xb5: {  	[dreg:$0x3] =	wrdreg s15  }
0xb6: {  	[dreg:$0x4] =	wrdreg s17  }
0xb7: {  	[dreg:$0x5] =	wrdreg s16  }
0xb8: {  	[dreg:$0x6] =	wrdreg $0x9  }
0xb9: {  	_ =	task.clear_ibuf [dreg:s9], $0x7FFFF;
	_ =	strace $0x9000004C  }
0xba: {  	s29 =	simm.s32 $0x9;
	_ =	strace $0x8000004E  }
0xbb: {  	_ =	swait.ge [sflag:s29], $0x1  }
0xbc: {  	[sflag:s29] =	ssyncadd.s32 $0xFFFFFFFF  }
0xbd: {  	_ =	strace $0x9000004E  }
0xbe: {  	_ =	sfence  }
0xbf: {  	s30 =	sld [smem:$0x0];
	_ =	sdelay $0x2  }
0xc0: {  	s31 =	sshll.u32 s1, $0xD;
	s1 =	sshrl.u32 s1, $0x2  }
0xc1: {  	s3 =	sand.u32 $0x4000, s31;
	s1 =	sadd.s32 s1, s30  }
0xc2: {  	s0 =	sor.u32 s3, s0;
	s1 =	sshll.u32 s1, $0x11  }
0xc3: {  	s0 =	sor.u32 s1, s0  }
0xc4: {  	s0 =	sadd.s32 $0x8F2B, s0  }
0xc5: {  	[sflag:s0] =	ssyncadd.remote.s32 $0x1  }
0xc6: {  	_ =	sfence.sel $0xFFFF  }
0xc7: {  	[dreg:$0x0] =	wrdreg $0xFFFFFFFF;
	(pc) =	sbr.abs _section_cstart, $3  }
0xc8: {  	[dreg:$0x1] =	wrdreg $0xFFFFFFFF  }
0xc9: {  	_ =	task.clear_ibuf [dreg:s9], $0x2FFFF;
	_ =	strace $0x9FFFFFFF  }
0xca: {  	(tm) =	ssettm $0x7FFFFFFF  }
0xcb: {  	_ =	shalt  }
tec
execute0_lowered:
.L_overlay_start_1:
0x0: {  	(tag) =	ssettag $0x1  }
0x1: {  	s2 =	rddreg [dreg:$0x0];
	s3 =	srdreg.scid  }
0x2: {  	s0 =	stileid.u32;
	s1 =	rddreg [dreg:$0x1]  }
0x3: {  	s6 =	simm.s32 $0x0;
	s12 =	simm.s32 $0xBA80;
	s13 =	simm.s32 $0x3  }
0x4: {  	s14 =	simm.s32 $0xE200;
	s15 =	simm.s32 $0x1880;
	s16 =	simm.s32 $0x80  }
0x5: {  	s17 =	simm.s32 $0x3100;
	s18 =	simm.s32 $0x3200;
	s19 =	simm.s32 $0x3180  }
0x6: {  	s20 =	simm.s32 $0x7200;
	s21 =	simm.s32 $0x1;
	s22 =	simm.s32 $0x2  }
0x7: {  	s23 =	simm.s32 $0xB200;
	s7 =	sand.u32 $0x1, s3;
	s4 =	sshll.u32 s0, $0x1  }
0x8: {  	s24 =	simm.s32 $0xBA00;
	s3 =	rddreg [dreg:$0x2];
	s5 =	sor.u32 s7, s4  }
0x9: {  	s25 =	simm.s32 $0x0;
	[smem:$0x7FF] =	sst s6;
	s5 =	smul.u32 $0x1880, s5  }
0xa: {  	s4 =	rddreg [dreg:$0x3];
	_ =	strace $0x8000004D;
	s9 =	ssub.s32 $0x2, s7  }
0xb: {  	s7 =	sadd.s32 $0x1000, s2;
	s31 =	sshrl.u32 s9, $0x1;
	s8 =	sshrl.u32 s5, $0x3  }
0xc: {  	v0 =	vlaneseq.u32;
	s10 =	sadd.s32 s8, s2;
	s8 =	sadd.s32 $0x28200, s2;
	s2 =	ssub.s32 s9, s31  }
0xd: {  	v0 =	vmul.u32 $0x10, v0;
	s9 =	sadd.s32 $0x91600, s10;
	s10 =	sadd.s32 $0x8B400, s10;
	s11 =	smax.u32 s2, $0x1  }
.LBB2_1:
0xe: {  	[tilespmem:s12], [sflag:$0x3] =	stream.linear.gather [hbm4b:s3+s6], $0x2780, $0x38;
	[tilespmem:$0x10980] =	vst v63  }
0xf: {  	_ =	swait.ge [sflag:s13], $0x2780  }
0x10: {  	[sflag:s13] =	ssyncset.done $0x0  }
0x11: {  	[sflag:s13] =	ssyncadd.s32 $0xFFFFD880  }
0x12: {  	[tilespmem:s14], [sflag:$0x3] =	stream.linear.gather [hbm4b:s4+s6], $0x2780, $0x38;
	[tilespmem:$0x10980] =	vst v63  }
0x13: {  	_ =	swait.ge [sflag:s13], $0x2780  }
0x14: {  	[sflag:s13] =	ssyncset.done $0x0  }
0x15: {  	[sflag:s13] =	ssyncadd.s32 $0xFFFFD880  }
0x16: {  	[tilespmem:s6], [sflag:$0x3] =	stream.linear.gather [hbm4b:s9+s6], $0x1880, $0x38;
	[tilespmem:$0x10980] =	vst v63  }
0x17: {  	_ =	swait.ge [sflag:s13], $0x1880  }
0x18: {  	[sflag:s13] =	ssyncset.done $0x0  }
0x19: {  	[sflag:s13] =	ssyncadd.s32 $0xFFFFE780  }
0x1a: {  	[tilespmem:s15], [sflag:$0x3] =	stream.linear.gather [hbm4b:s10+s6], $0x1880, $0x38;
	[tilespmem:$0x10980] =	vst v63  }
0x1b: {  	_ =	swait.ge [sflag:s13], $0x1880  }
0x1c: {  	[sflag:s13] =	ssyncset.done $0x0  }
0x1d: {  	s26 =	simm.s32 $0x0;
	[sflag:s13] =	ssyncadd.s32 $0xFFFFE780  }
.LBB2_2:
0x1e: {  	s28 =	sshll.u32 s26, $0x7  }
0x1f: {  	v1 =	vld [tilespmem:s28+$0x0];
	_ =	sdelay $0x4  }
0x20: {  	[tilespmem:$0x3100] =	vst v1  }
0x21: {  	v1 =	vld [tilespmem:s28+$0x1880];
	_ =	sdelay $0x4  }
0x22: {  	[tilespmem:$0x3180] =	vst v1  }
0x23: {  	v1 =	vld [tilespmem:s28+$0x10];
	_ =	sdelay $0x4  }
0x24: {  	[tilespmem:$0x3110] =	vst v1  }
0x25: {  	v1 =	vld [tilespmem:s28+$0x1890];
	_ =	sdelay $0x4  }
0x26: {  	[tilespmem:$0x3190] =	vst v1  }
0x27: {  	v1 =	vld [tilespmem:s28+$0x20];
	_ =	sdelay $0x4  }
0x28: {  	[tilespmem:$0x3120] =	vst v1  }
0x29: {  	v1 =	vld [tilespmem:s28+$0x18A0];
	_ =	sdelay $0x4  }
0x2a: {  	[tilespmem:$0x31A0] =	vst v1  }
0x2b: {  	v1 =	vld [tilespmem:s28+$0x30];
	_ =	sdelay $0x4  }
0x2c: {  	[tilespmem:$0x3130] =	vst v1  }
0x2d: {  	v1 =	vld [tilespmem:s28+$0x18B0];
	_ =	sdelay $0x4  }
0x2e: {  	[tilespmem:$0x31B0] =	vst v1  }
0x2f: {  	v1 =	vld [tilespmem:s28+$0x40];
	_ =	sdelay $0x4  }
0x30: {  	[tilespmem:$0x3140] =	vst v1  }
0x31: {  	v1 =	vld [tilespmem:s28+$0x18C0];
	_ =	sdelay $0x4  }
0x32: {  	[tilespmem:$0x31C0] =	vst v1  }
0x33: {  	v1 =	vld [tilespmem:s28+$0x50];
	_ =	sdelay $0x4  }
0x34: {  	[tilespmem:$0x3150] =	vst v1  }
0x35: {  	v1 =	vld [tilespmem:s28+$0x18D0];
	_ =	sdelay $0x4  }
0x36: {  	[tilespmem:$0x31D0] =	vst v1  }
0x37: {  	v1 =	vld [tilespmem:s28+$0x60];
	_ =	sdelay $0x4  }
0x38: {  	[tilespmem:$0x3160] =	vst v1  }
0x39: {  	v1 =	vld [tilespmem:s28+$0x18E0];
	_ =	sdelay $0x4  }
0x3a: {  	[tilespmem:$0x31E0] =	vst v1  }
0x3b: {  	v1 =	vld [tilespmem:s28+$0x70];
	_ =	sdelay $0x4  }
0x3c: {  	[tilespmem:$0x3170] =	vst v1  }
0x3d: {  	v1 =	vld [tilespmem:s28+$0x18F0];
	_ =	sdelay $0x4  }
0x3e: {  	[tilespmem:$0x31F0] =	vst v1  }
0x3f: {  	[tilespmem:s18], [sflag:$0x1] =	stream.indirect.gather [hbm4b:s7+s16], $0x80, s17, s16, $0xb8;
	[tilespmem:$0x10980] =	vst v63  }
0x40: {  	_ = 	snop  }
0x41: {  	[tilespmem:s20], [sflag:$0x2] =	stream.indirect.gather [hbm4b:s1+s16], $0x80, s19, s16, $0xb8;
	[tilespmem:$0x10980] =	vst v63  }
0x42: {  	_ =	swait.ge [sflag:s21], $0x4000  }
0x43: {  	[sflag:s21] =	ssyncset.done $0x0  }
0x44: {  	[sflag:s21] =	ssyncadd.s32 $0xFFFFC000  }
0x45: {  	_ =	swait.ge [sflag:s22], $0x4000  }
0x46: {  	[sflag:s22] =	ssyncset.done $0x0  }
0x47: {  	s2 =	simm.s32 $0x0;
	[sflag:s22] =	ssyncadd.s32 $0xFFFFC000  }
0x48: {  	v1 =	vld [tilespmem:s2+$0x7200]  }
0x49: {  	v2 =	vld [tilespmem:s2+$0x3200]  }
0x4a: {  	v3 =	vld [tilespmem:s2+$0x3210]  }
0x4b: {  	v4 =	vld [tilespmem:s2+$0x7210]  }
0x4c: {  	v5 =	vld [tilespmem:s2+$0x3220]  }
0x4d: {  	v6 =	vld [tilespmem:s2+$0x7220]  }
0x4e: {  	v7 =	vld [tilespmem:s2+$0x3230]  }
0x4f: {  	v8 =	vld [tilespmem:s2+$0x7230]  }
0x50: {  	v1 =	vmul.f32 v1, v2;
	v2 =	vmul.f32 v4, v3;
	v3 =	vld [tilespmem:s2+$0x3240]  }
0x51: {  	v4 =	vld [tilespmem:s2+$0x7240]  }
0x52: {  	v61 =	vld [tilespmem:s2+$0x7250];
	v1 =	vadd.f32 v2, v1;
	v2 =	vmul.f32 v6, v5  }
0x53: {  	v5 =	vld [tilespmem:s2+$0x3250]  }
0x54: {  	v62 =	vld [tilespmem:s2+$0x3260];
	v1 =	vadd.f32 v2, v1;
	v2 =	vmul.f32 v8, v7  }
0x55: {  	v63 =	vld [tilespmem:s2+$0x7260]  }
0x56: {  	v1 =	vadd.f32 v2, v1;
	v2 =	vmul.f32 v4, v3;
	v3 =	vld [tilespmem:s2+$0x3270]  }
0x57: {  	v4 =	vld [tilespmem:s2+$0x7270]  }
0x58: {  	v1 =	vadd.f32 v2, v1;
	v2 =	vmul.f32 v61, v5;
	_ =	sdelay $0x1  }
0x59: {  	v1 =	vadd.f32 v2, v1;
	v2 =	vmul.f32 v63, v62;
	_ =	sdelay $0x1  }
0x5a: {  	v1 =	vadd.f32 v2, v1;
	v2 =	vmul.f32 v4, v3;
	_ =	sdelay $0x1  }
0x5b: {  	v1 =	vadd.f32 v2, v1  }
0x5c: {  	s2 =	simm.s32 $0xB200  }
0x5d: {  	s30 =	simm.s32 $0x80;
	[tilespmem:s2+$0x0] =	vst v1  }
0x5e: {  	v1 =	vld [tilespmem:s30+$0x7200]  }
0x5f: {  	v2 =	vld [tilespmem:s30+$0x3200]  }
0x60: {  	s29 =	simm.s32 $0x0;
	s31 =	simm.s32 $0x400;
	v3 =	vld [tilespmem:s30+$0x3210]  }
.LBB2_3:
0x61: {  	p0 =	sne.s32 s31, $0xFE00;
	v4 =	vld [tilespmem:s30+$0x7210]  }
0x62: {  	v5 =	vld [tilespmem:s30+$0x3220]  }
0x63: {  	v6 =	vld [tilespmem:s30+$0x7220]  }
0x64: {  	v7 =	vld [tilespmem:s30+$0x3230]  }
0x65: {  	v8 =	vld [tilespmem:s30+$0x7230]  }
0x66: {  	v1 =	vmul.f32 v1, v2;
	v2 =	vmul.f32 v4, v3;
	v3 =	vld [tilespmem:s30+$0x3240]  }
0x67: {  	v4 =	vld [tilespmem:s30+$0x7240]  }
0x68: {  	v1 =	vadd.f32 v2, v1;
	v2 =	vmul.f32 v6, v5;
	v5 =	vld [tilespmem:s30+$0x3250]  }
0x69: {  	v6 =	vld [tilespmem:s30+$0x7250]  }
0x6a: {  	v1 =	vadd.f32 v2, v1;
	v2 =	vmul.f32 v8, v7;
	v7 =	vld [tilespmem:s30+$0x3260]  }
0x6b: {  	v8 =	vld [tilespmem:s30+$0x7260]  }
0x6c: {  	v1 =	vadd.f32 v2, v1;
	v2 =	vmul.f32 v4, v3;
	v3 =	vld [tilespmem:s30+$0x3270]  }
0x6d: {  	v4 =	vld [tilespmem:s30+$0x7270]  }
0x6e: {  	v1 =	vadd.f32 v2, v1;
	v2 =	vmul.f32 v6, v5;
	_ =	sdelay $0x1  }
0x6f: {  	v1 =	vadd.f32 v2, v1;
	v2 =	vmul.f32 v8, v7;
	_ =	sdelay $0x1  }
0x70: {  	v1 =	vadd.f32 v2, v1;
	v2 =	vmul.f32 v4, v3;
	_ =	sdelay $0x1  }
0x71: {  	v1 =	vadd.f32 v2, v1  }
.Ltmp0:
0x72: {  	s2 =	sadd.s32 $0x10, s2;
	(pc) =	sbr.rel @p0 .LBB2_3-.Ltmp0, $4  }
0x73: {  	s30 =	sshra.s32 s31, $0x2;
	[tilespmem:s2+$0x0] =	vst v1  }
0x74: {  	v1 =	vld [tilespmem:s30+$0x7200]  }
0x75: {  	v2 =	vld [tilespmem:s30+$0x3200]  }
0x76: {  	s31 =	sadd.s32 $0x200, s31;
	v3 =	vld [tilespmem:s30+$0x3210]  }
0x77: {  	v4 =	vld [tilespmem:s30+$0x7210]  }
0x78: {  	v5 =	vld [tilespmem:s30+$0x3220]  }
0x79: {  	v6 =	vld [tilespmem:s30+$0x7220]  }
0x7a: {  	v7 =	vld [tilespmem:s30+$0x3230]  }
0x7b: {  	v8 =	vld [tilespmem:s30+$0x7230]  }
0x7c: {  	v1 =	vmul.f32 v1, v2;
	v2 =	vmul.f32 v4, v3;
	v3 =	vld [tilespmem:s30+$0x3240]  }
0x7d: {  	v4 =	vld [tilespmem:s30+$0x7240]  }
0x7e: {  	v36 =	vld [tilespmem:s30+$0x7250];
	v1 =	vadd.f32 v2, v1;
	v2 =	vmul.f32 v6, v5  }
0x7f: {  	v5 =	vld [tilespmem:s30+$0x3250]  }
0x80: {  	v37 =	vld [tilespmem:s30+$0x3260];
	v1 =	vadd.f32 v2, v1;
	v2 =	vmul.f32 v8, v7  }
0x81: {  	v38 =	vld [tilespmem:s30+$0x7260]  }
0x82: {  	v1 =	vadd.f32 v2, v1;
	v2 =	vmul.f32 v4, v3;
	v3 =	vld [tilespmem:s30+$0x3270]  }
0x83: {  	v4 =	vld [tilespmem:s30+$0x7270]  }
0x84: {  	v1 =	vadd.f32 v2, v1;
	v2 =	vmul.f32 v36, v5;
	_ =	sdelay $0x1  }
0x85: {  	v5 =	vmov s29;
	v1 =	vadd.f32 v2, v1;
	v2 =	vmul.f32 v38, v37  }
0x86: {  	v5 =	vshll.u32 v5, $0x4  }
0x87: {  	v1 =	vadd.f32 v2, v1;
	v2 =	vmul.f32 v4, v3;
	v3 =	vor.u32 v0, v5;
	_ =	sdelay $0x1  }
0x88: {  	v1 =	vadd.f32 v2, v1;
	v2 =	vor.u32 $0x1, v3  }
0x89: {  	s2 =	sadd.s32 $0x10, s2  }
0x8a: {  	[tilespmem:s2+$0x0] =	vst v1;
	v1 =	vor.u32 $0x2, v3  }
0x8b: {  	v4 =	vld.idx.msk [tilespmem:v3+s23+$0x0], $0xffff  }
0x8c: {  	v5 =	vor.u32 $0x3, v3  }
0x8d: {  	v2 =	vld.idx.msk [tilespmem:v2+s23+$0x0], $0xffff  }
0x8e: {  	v39 =	vor.u32 $0x4, v3  }
0x8f: {  	v1 =	vld.idx.msk [tilespmem:v1+s23+$0x0], $0xffff  }
0x90: {  	v40 =	vor.u32 $0x5, v3;
	v4 =	vadd.f32 $0.0e+00, v4  }
0x91: {  	v5 =	vld.idx.msk [tilespmem:v5+s23+$0x0], $0xffff  }
0x92: {  	v41 =	vor.u32 $0x6, v3;
	v2 =	vadd.f32 v2, v4  }
0x93: {  	v4 =	vld.idx.msk [tilespmem:v39+s23+$0x0], $0xffff  }
0x94: {  	v42 =	vor.u32 $0x7, v3;
	v1 =	vadd.f32 v1, v2  }
0x95: {  	v2 =	vld.idx.msk [tilespmem:v40+s23+$0x0], $0xffff  }
0x96: {  	v43 =	vor.u32 $0x8, v3;
	v1 =	vadd.f32 v5, v1  }
0x97: {  	v5 =	vld.idx.msk [tilespmem:v41+s23+$0x0], $0xffff  }
0x98: {  	v44 =	vor.u32 $0x9, v3;
	v1 =	vadd.f32 v4, v1  }
0x99: {  	v4 =	vld.idx.msk [tilespmem:v42+s23+$0x0], $0xffff  }
0x9a: {  	v45 =	vor.u32 $0xA, v3;
	v1 =	vadd.f32 v2, v1  }
0x9b: {  	v2 =	vld.idx.msk [tilespmem:v43+s23+$0x0], $0xffff  }
0x9c: {  	v46 =	vor.u32 $0xB, v3;
	v1 =	vadd.f32 v5, v1  }
0x9d: {  	v5 =	vld.idx.msk [tilespmem:v44+s23+$0x0], $0xffff  }
0x9e: {  	v47 =	vor.u32 $0xC, v3;
	v1 =	vadd.f32 v4, v1  }
0x9f: {  	v4 =	vld.idx.msk [tilespmem:v45+s23+$0x0], $0xffff  }
0xa0: {  	v48 =	vor.u32 $0xD, v3;
	v1 =	vadd.f32 v2, v1  }
0xa1: {  	s2 =	simm.s32 $0x3100;
	v2 =	vld.idx.msk [tilespmem:v46+s23+$0x0], $0xffff  }
0xa2: {  	v49 =	vor.u32 $0xE, v3;
	v9 =	vld [tilespmem:s2+$0x0];
	v1 =	vadd.f32 v5, v1  }
0xa3: {  	s2 =	simm.s32 $0x3180;
	v5 =	vld.idx.msk [tilespmem:v47+s23+$0x0], $0xffff  }
0xa4: {  	v3 =	vor.u32 $0xF, v3;
	v50 =	vld [tilespmem:s2+$0x0];
	v1 =	vadd.f32 v4, v1  }
0xa5: {  	v4 =	vld.idx.msk [tilespmem:v48+s23+$0x0], $0xffff  }
0xa6: {  	v1 =	vadd.f32 v2, v1  }
0xa7: {  	v2 =	vld.idx.msk [tilespmem:v49+s23+$0x0], $0xffff  }
0xa8: {  	v1 =	vadd.f32 v5, v1  }
0xa9: {  	v3 =	vld.idx.msk [tilespmem:v3+s23+$0x0], $0xffff  }
0xaa: {  	v1 =	vadd.f32 v4, v1  }
0xab: {  	v4 =	vld.idx.msk [tilespmem:v9+s12+$0x0], $0xffff  }
0xac: {  	v1 =	vadd.f32 v2, v1  }
0xad: {  	v2 =	vld.idx.msk [tilespmem:v50+s14+$0x0], $0xffff  }
0xae: {  	v1 =	vadd.f32 v3, v1  }
0xaf: {  	s2 =	simm.s32 $0x10  }
0xb0: {  	v3 =	vmov s2;
	v1 =	vadd.f32 v4, v1  }
0xb1: {  	v3 =	vshll.u32 v3, $0x4  }
0xb2: {  	v3 =	vor.u32 v0, v3;
	v1 =	vadd.f32 v2, v1;
	_ =	sdelay $0x1  }
0xb3: {  	v2 =	vor.u32 $0x1, v3;
	v1 =	vadd.f32 $3.500000000e+00, v1  }
0xb4: {  	s29 =	simm.s32 $0xBA00  }
0xb5: {  	v4 =	vor.u32 $0x2, v3;
	[tilespmem:s29+$0x0] =	vst v1  }
0xb6: {  	v1 =	vld.idx.msk [tilespmem:v3+s23+$0x0], $0xffff  }
0xb7: {  	v5 =	vor.u32 $0x3, v3  }
0xb8: {  	v2 =	vld.idx.msk [tilespmem:v2+s23+$0x0], $0xffff  }
0xb9: {  	v51 =	vor.u32 $0x4, v3  }
0xba: {  	v4 =	vld.idx.msk [tilespmem:v4+s23+$0x0], $0xffff  }
0xbb: {  	v52 =	vor.u32 $0x5, v3;
	v1 =	vadd.f32 $0.0e+00, v1  }
0xbc: {  	v5 =	vld.idx.msk [tilespmem:v5+s23+$0x0], $0xffff  }
0xbd: {  	v53 =	vor.u32 $0x6, v3;
	v1 =	vadd.f32 v2, v1  }
0xbe: {  	v2 =	vld.idx.msk [tilespmem:v51+s23+$0x0], $0xffff  }
0xbf: {  	v54 =	vor.u32 $0x7, v3;
	v1 =	vadd.f32 v4, v1  }
0xc0: {  	v4 =	vld.idx.msk [tilespmem:v52+s23+$0x0], $0xffff  }
0xc1: {  	v55 =	vor.u32 $0x8, v3;
	v1 =	vadd.f32 v5, v1  }
0xc2: {  	v5 =	vld.idx.msk [tilespmem:v53+s23+$0x0], $0xffff  }
0xc3: {  	v56 =	vor.u32 $0x9, v3;
	v1 =	vadd.f32 v2, v1  }
0xc4: {  	v2 =	vld.idx.msk [tilespmem:v54+s23+$0x0], $0xffff  }
0xc5: {  	v57 =	vor.u32 $0xA, v3;
	v1 =	vadd.f32 v4, v1  }
0xc6: {  	v4 =	vld.idx.msk [tilespmem:v55+s23+$0x0], $0xffff  }
0xc7: {  	v58 =	vor.u32 $0xB, v3;
	v1 =	vadd.f32 v5, v1  }
0xc8: {  	v5 =	vld.idx.msk [tilespmem:v56+s23+$0x0], $0xffff  }
0xc9: {  	v59 =	vor.u32 $0xC, v3;
	v1 =	vadd.f32 v2, v1  }
0xca: {  	v2 =	vld.idx.msk [tilespmem:v57+s23+$0x0], $0xffff  }
0xcb: {  	v60 =	vor.u32 $0xD, v3;
	v1 =	vadd.f32 v4, v1  }
0xcc: {  	v4 =	vld.idx.msk [tilespmem:v58+s23+$0x0], $0xffff  }
0xcd: {  	v61 =	vor.u32 $0xE, v3;
	v1 =	vadd.f32 v5, v1  }
0xce: {  	s30 =	simm.s32 $0x3110;
	v5 =	vld.idx.msk [tilespmem:v59+s23+$0x0], $0xffff  }
0xcf: {  	v62 =	vld [tilespmem:s30+$0x0];
	v3 =	vor.u32 $0xF, v3;
	v1 =	vadd.f32 v2, v1  }
0xd0: {  	s31 =	simm.s32 $0x3190;
	v2 =	vld.idx.msk [tilespmem:v60+s23+$0x0], $0xffff  }
0xd1: {  	v63 =	vld [tilespmem:s31+$0x0];
	v1 =	vadd.f32 v4, v1  }
0xd2: {  	v4 =	vld.idx.msk [tilespmem:v61+s23+$0x0], $0xffff  }
0xd3: {  	v1 =	vadd.f32 v5, v1  }
0xd4: {  	v3 =	vld.idx.msk [tilespmem:v3+s23+$0x0], $0xffff  }
0xd5: {  	v1 =	vadd.f32 v2, v1;
	_ =	sdelay $0x1  }
0xd6: {  	v2 =	vld.idx.msk [tilespmem:v62+s12+$0x0], $0xffff;
	v1 =	vadd.f32 v4, v1;
	_ =	sdelay $0x1  }
0xd7: {  	v4 =	vadd.f32 v3, v1;
	v1 =	vld.idx.msk [tilespmem:v63+s14+$0x0], $0xffff;
	_ =	sdelay $0x1  }
0xd8: {  	s2 =	simm.s32 $0x20  }
0xd9: {  	v3 =	vmov s2;
	s2 =	simm.s32 $0x30;
	v2 =	vadd.f32 v2, v4  }
.LBB2_5:
0xda: {  	p0 =	sne.s32 s2, $0x70;
	v3 =	vshll.u32 v3, $0x4  }
0xdb: {  	v3 =	vor.u32 v0, v3;
	v1 =	vadd.f32 v1, v2;
	_ =	sdelay $0x1  }
0xdc: {  	v2 =	vor.u32 $0x1, v3;
	v1 =	vadd.f32 $3.500000000e+00, v1  }
0xdd: {  	s29 =	sadd.s32 $0x10, s29  }
0xde: {  	v4 =	vor.u32 $0x2, v3;
	[tilespmem:s29+$0x0] =	vst v1  }
0xdf: {  	v1 =	vld.idx.msk [tilespmem:v3+s23+$0x0], $0xffff  }
0xe0: {  	v5 =	vor.u32 $0x3, v3  }
0xe1: {  	v2 =	vld.idx.msk [tilespmem:v2+s23+$0x0], $0xffff  }
0xe2: {  	v6 =	vor.u32 $0x4, v3  }
0xe3: {  	v4 =	vld.idx.msk [tilespmem:v4+s23+$0x0], $0xffff  }
0xe4: {  	v7 =	vor.u32 $0x5, v3  }
0xe5: {  	v1 =	vadd.f32 $0.0e+00, v1;
	v5 =	vld.idx.msk [tilespmem:v5+s23+$0x0], $0xffff  }
0xe6: {  	v8 =	vor.u32 $0x6, v3  }
0xe7: {  	v1 =	vadd.f32 v2, v1;
	v2 =	vld.idx.msk [tilespmem:v6+s23+$0x0], $0xffff  }
0xe8: {  	v6 =	vor.u32 $0x7, v3  }
0xe9: {  	v1 =	vadd.f32 v4, v1;
	v4 =	vld.idx.msk [tilespmem:v7+s23+$0x0], $0xffff  }
0xea: {  	v7 =	vor.u32 $0x8, v3  }
0xeb: {  	v1 =	vadd.f32 v5, v1;
	v5 =	vld.idx.msk [tilespmem:v8+s23+$0x0], $0xffff  }
0xec: {  	v8 =	vor.u32 $0x9, v3  }
0xed: {  	v1 =	vadd.f32 v2, v1;
	v2 =	vld.idx.msk [tilespmem:v6+s23+$0x0], $0xffff  }
0xee: {  	v6 =	vor.u32 $0xA, v3  }
0xef: {  	v1 =	vadd.f32 v4, v1;
	v4 =	vld.idx.msk [tilespmem:v7+s23+$0x0], $0xffff  }
0xf0: {  	v7 =	vor.u32 $0xB, v3  }
0xf1: {  	v1 =	vadd.f32 v5, v1;
	v5 =	vld.idx.msk [tilespmem:v8+s23+$0x0], $0xffff  }
0xf2: {  	v8 =	vor.u32 $0xC, v3  }
0xf3: {  	v1 =	vadd.f32 v2, v1;
	v2 =	vld.idx.msk [tilespmem:v6+s23+$0x0], $0xffff  }
0xf4: {  	v6 =	vor.u32 $0xD, v3  }
0xf5: {  	s30 =	sadd.s32 $0x10, s30;
	v1 =	vadd.f32 v4, v1;
	v4 =	vld.idx.msk [tilespmem:v7+s23+$0x0], $0xffff  }
0xf6: {  	v7 =	vor.u32 $0xE, v3;
	v9 =	vld [tilespmem:s30+$0x0]  }
0xf7: {  	s31 =	sadd.s32 $0x10, s31;
	v1 =	vadd.f32 v5, v1;
	v5 =	vld.idx.msk [tilespmem:v8+s23+$0x0], $0xffff  }
0xf8: {  	v3 =	vor.u32 $0xF, v3;
	v8 =	vld [tilespmem:s31+$0x0]  }
0xf9: {  	v1 =	vadd.f32 v2, v1;
	v2 =	vld.idx.msk [tilespmem:v6+s23+$0x0], $0xffff;
	_ =	sdelay $0x1  }
0xfa: {  	v1 =	vadd.f32 v4, v1;
	v4 =	vld.idx.msk [tilespmem:v7+s23+$0x0], $0xffff;
	_ =	sdelay $0x1  }
0xfb: {  	v1 =	vadd.f32 v5, v1;
	v3 =	vld.idx.msk [tilespmem:v3+s23+$0x0], $0xffff;
	_ =	sdelay $0x1  }
0xfc: {  	v1 =	vadd.f32 v2, v1;
	v2 =	vld.idx.msk [tilespmem:v9+s12+$0x0], $0xffff;
	_ =	sdelay $0x1  }
.Ltmp1:
0xfd: {  	v4 =	vadd.f32 v4, v1;
	v1 =	vld.idx.msk [tilespmem:v8+s14+$0x0], $0xffff;
	(pc) =	sbr.rel @p0 .LBB2_5-.Ltmp1, $3  }
0xfe: {  	_ = 	snop  }
0xff: {  	v4 =	vadd.f32 v3, v4;
	_ =	sdelay $0x1  }
0x100: {  	v3 =	vmov s2;
	s2 =	sadd.s32 $0x10, s2;
	v2 =	vadd.f32 v2, v4  }
0x101: {  	v3 =	vshll.u32 v3, $0x4  }
0x102: {  	v3 =	vor.u32 v0, v3;
	v1 =	vadd.f32 v1, v2;
	_ =	sdelay $0x1  }
0x103: {  	v2 =	vor.u32 $0x1, v3;
	v1 =	vadd.f32 $3.500000000e+00, v1  }
0x104: {  	s2 =	sadd.s32 $0x10, s29  }
0x105: {  	v4 =	vor.u32 $0x2, v3;
	[tilespmem:s2+$0x0] =	vst v1  }
0x106: {  	v1 =	vld.idx.msk [tilespmem:v3+s23+$0x0], $0xffff  }
0x107: {  	v5 =	vor.u32 $0x3, v3  }
0x108: {  	v2 =	vld.idx.msk [tilespmem:v2+s23+$0x0], $0xffff  }
0x109: {  	v6 =	vor.u32 $0x4, v3  }
0x10a: {  	v4 =	vld.idx.msk [tilespmem:v4+s23+$0x0], $0xffff  }
0x10b: {  	v7 =	vor.u32 $0x5, v3;
	v1 =	vadd.f32 $0.0e+00, v1  }
0x10c: {  	v5 =	vld.idx.msk [tilespmem:v5+s23+$0x0], $0xffff  }
0x10d: {  	v8 =	vor.u32 $0x6, v3;
	v1 =	vadd.f32 v2, v1  }
0x10e: {  	v2 =	vld.idx.msk [tilespmem:v6+s23+$0x0], $0xffff  }
0x10f: {  	v47 =	vor.u32 $0x7, v3;
	v1 =	vadd.f32 v4, v1  }
0x110: {  	v48 =	vld.idx.msk [tilespmem:v7+s23+$0x0], $0xffff  }
0x111: {  	v49 =	vor.u32 $0x8, v3;
	v1 =	vadd.f32 v5, v1  }
0x112: {  	v50 =	vld.idx.msk [tilespmem:v8+s23+$0x0], $0xffff  }
0x113: {  	v51 =	vor.u32 $0x9, v3;
	v1 =	vadd.f32 v2, v1  }
0x114: {  	v2 =	vld.idx.msk [tilespmem:v47+s23+$0x0], $0xffff  }
0x115: {  	v52 =	vor.u32 $0xA, v3;
	v1 =	vadd.f32 v48, v1  }
0x116: {  	v53 =	vld.idx.msk [tilespmem:v49+s23+$0x0], $0xffff  }
0x117: {  	v54 =	vor.u32 $0xB, v3;
	v1 =	vadd.f32 v50, v1  }
0x118: {  	v55 =	vld.idx.msk [tilespmem:v51+s23+$0x0], $0xffff  }
0x119: {  	v56 =	vor.u32 $0xC, v3;
	v1 =	vadd.f32 v2, v1  }
0x11a: {  	v2 =	vld.idx.msk [tilespmem:v52+s23+$0x0], $0xffff  }
0x11b: {  	v57 =	vor.u32 $0xD, v3;
	v1 =	vadd.f32 v53, v1  }
0x11c: {  	s30 =	sadd.s32 $0x10, s30;
	v58 =	vld.idx.msk [tilespmem:v54+s23+$0x0], $0xffff  }
0x11d: {  	v59 =	vor.u32 $0xE, v3;
	v9 =	vld [tilespmem:s30+$0x0];
	v1 =	vadd.f32 v55, v1  }
0x11e: {  	s30 =	sadd.s32 $0x10, s31;
	v60 =	vld.idx.msk [tilespmem:v56+s23+$0x0], $0xffff  }
0x11f: {  	v3 =	vor.u32 $0xF, v3;
	v61 =	vld [tilespmem:s30+$0x0];
	v1 =	vadd.f32 v2, v1  }
0x120: {  	v2 =	vld.idx.msk [tilespmem:v57+s23+$0x0], $0xffff  }
0x121: {  	v1 =	vadd.f32 v58, v1  }
0x122: {  	v62 =	vld.idx.msk [tilespmem:v59+s23+$0x0], $0xffff  }
0x123: {  	v1 =	vadd.f32 v60, v1  }
0x124: {  	v3 =	vld.idx.msk [tilespmem:v3+s23+$0x0], $0xffff  }
0x125: {  	v1 =	vadd.f32 v2, v1  }
0x126: {  	v2 =	vld.idx.msk [tilespmem:v9+s12+$0x0], $0xffff  }
0x127: {  	v1 =	vadd.f32 v62, v1  }
0x128: {  	v63 =	vld.idx.msk [tilespmem:v61+s14+$0x0], $0xffff  }
0x129: {  	v1 =	vadd.f32 v3, v1;
	_ =	sdelay $0x1  }
0x12a: {  	v1 =	vadd.f32 v2, v1;
	_ =	sdelay $0x1  }
0x12b: {  	v1 =	vadd.f32 v63, v1;
	_ =	sdelay $0x1  }
0x12c: {  	s28 =	sadd.s32 s5, s28;
	s26 =	sadd.s32 $0x1, s26;
	v1 =	vadd.f32 $3.500000000e+00, v1  }
0x12d: {  	s28 =	sshrl.u32 s28, $0x3;
	p0 =	sne.s32 s26, $0x31;
	s2 =	sadd.s32 $0x10, s2  }
.Ltmp2:
0x12e: {  	s31 =	sadd.s32 s8, s28;
	[tilespmem:s2+$0x0] =	vst v1;
	(pc) =	sbr.rel @p0 .LBB2_2-.Ltmp2, $4  }
0x12f: {  	[hbm4b:s31+s6] =	stream.linear.scatter [tilespmem:s24], [sflag:$0x3], $0x80, $0x38;
	[tilespmem:$0x10980] =	vst v63  }
0x130: {  	_ =	swait.ge [sflag:s13], $0x80  }
0x131: {  	[sflag:s13] =	ssyncset.done $0x0  }
0x132: {  	[sflag:s13] =	ssyncadd.s32 $0xFFFFFF80  }
0x133: {  	s25 =	sadd.s32 $0x1, s25  }
0x134: {  	p0 =	sne.s32 s25, s11  }
.Ltmp3:
0x135: {  	_ = 	snop;
	(pc) =	sbr.rel @p0 .LBB2_1-.Ltmp3, $1  }
0x136: {  	_ =	sdelay $0x3  }
0x137: {  	_ =	sfence.sel $0x180000  }
0x138: {  	[bflag:$0x0] =	sbarrier.arrive $0xFFFF  }
0x139: {  	_ =	strace $0x9000004D  }
0x13a: {  	[bflag:$0x2] =	sbarrier.arrive $0xFFFF  }
0x13b: {  	p0 =	sne.s32 s0, $0x0;
	s0 =	rddreg [dreg:$0x4]  }
0x13c: {  	s0 =	sadd.s32 @!p0 $0x100000, s0  }
0x13d: {  	[sflag:s0] =	ssyncadd.tile.s32 @!p0 $0x1;
	_ =	shalt  }
.Lfunc_end2:
_tile_overlayer_lowered:
.L_overlay_start_2:
0x13e: {  	(tag) =	ssettag $0x2  }
0x13f: {  	s0 =	rddreg [dreg:$0x0];
	s2 =	stileid.u32  }
0x140: {  	s1 =	rddreg [dreg:$0x1];
	p0 =	sne.s32 s2, $0x0  }
0x141: {  	s3 =	rddreg [dreg:$0x2];
	[bflag:$0x3] =	sbarrier.arrive $0xFFFF;
	s2 =	simm.s32 @!p0 $0x1C03  }
0x142: {  	[timem:s3], [sflag:s2] =	dma.local @!p0 [hbm:s0], s1  }
0x143: {  	s0 =	simm.s32 @!p0 $0x3  }
0x144: {  	_ =	swait.ge @!p0 [sflag:s0], s1  }
0x145: {  	s1 =	ssub.s32 @!p0 $0x0, s1;
	[sflag:s0] =	ssyncset.done @!p0 $0x0  }
0x146: {  	[sflag:s0] =	ssyncadd.s32 @!p0 s1  }
0x147: {  	[bflag:$0x3] =	sbarrier.arrive $0xFFFF  }
0x148: {  	_ =	shalt  }

// kernel: kernel.8.cloned.1.call-start
scs
__scs_entry_jumppad:
0x0: {  	(pc) =	sbr.rel $0x88, $3  }
0x1: {  	(tag) =	ssettag $0x0;
	lr =	simm.s32 $0x1  }
0x2: {  	[smem:$0x3F99] =	sst lr;
	_ =	strace $0xD0000000  }
0x3: {  	_ = 	snop  }
0x4: {  	_ = 	snop  }
0x5: {  	_ = 	snop  }
0x6: {  	_ = 	snop  }
0x7: {  	_ = 	snop  }
__scs_overlays_trampoline_lowered:
0x8: {  	[smem:$0x3FA8] =	sst s0  }
0x9: {  	[smem:$0x3FA9] =	sst s1  }
0xa: {  	[smem:$0x3FAA] =	sst s2  }
0xb: {  	[smem:$0x3FAB] =	sst s3  }
0xc: {  	[smem:$0x3FAC] =	sst s4  }
0xd: {  	[smem:$0x3FAD] =	sst s5  }
0xe: {  	[smem:$0x3FAE] =	sst s6  }
0xf: {  	[smem:$0x3FAF] =	sst s7  }
0x10: {  	[smem:$0x3FB0] =	sst s8  }
0x11: {  	[smem:$0x3FB1] =	sst s9;
	s0 =	simm.s32 @!p0 $0x0  }
0x12: {  	s1 =	sld [smem:$0x3F97];
	s0 =	simm.s32 @p0 $0x1  }
0x13: {  	[smem:$0x3FB2] =	sst s0;
	s0 =	simm.s32 @!p1 $0x0  }
0x14: {  	s2 =	sld [smem:$0x3F96];
	s0 =	simm.s32 @p1 $0x1  }
0x15: {  	[smem:$0x3FB3] =	sst s0;
	s0 =	simm.s32 @!p2 $0x0  }
0x16: {  	s3 =	sld [smem:$0x3FDB];
	s0 =	simm.s32 @p2 $0x1  }
0x17: {  	s4 =	simm.s32 $0x1BF5;
	[smem:$0x3FB5] =	sst s0  }
0x18: {  	s0 =	sld [smem:$0x3F98];
	_ =	swait.ge [sflag:s4], $0x0  }
0x19: {  	s7 =	sld [smem:$0x3F99]  }
0x1a: {  	s8 =	sadd.s32 $0xFFFFE003, lr  }
0x1b: {  	s9 =	sadd.s32 $0xFFFFFEF7, lr;
	s5 =	simm.s32 $0xFFFFFFFF;
	p2 =	slt.u32 s8, $0xFFFFF086  }
0x1c: {  	p1 =	slt.u32 s9, $0xF7A;
	s5 =	simm.s32 @!p2 $0x0  }
0x1d: {  	s5 =	simm.s32 @p1 $0x1;
	p0 =	seq.s32 s7, s2  }
0x1e: {  	s7 =	smul.u32 @!p0 $0xF7A, s2;
	p2 =	seq.s32 @!p0 s5, $0x0  }
0x1f: {  	s9 =	smul.u32 $0xF7A, s1;
	s8 =	simm.s32 @!p0 $0x1BF5;
	p2 =	por !p2, p0  }
0x20: {  	[sflag:s8] =	ssyncset.s32 @!p0 $0xFFFFF086;
	s6 =	sadd.s32 @!p0 s3, s7;
	s7 =	simm.s32 @!p0 $0x108  }
0x21: {  	s3 =	sadd.s32 s3, s9;
	s6 =	sadd.s32 @!p0 $0x88, s6;
	s7 =	simm.s32 @p2 $0x1082  }
0x22: {  	[simem:s7], [sflag:s8] =	dma.local @!p0 [hbm:s6], $0xF7A  }
0x23: {  	s9 =	sor.u32 $0xD0000000, s2;
	s6 =	simm.s32 $0x108;
	_ =	swait.ge @!p0 [sflag:s8], $0x0  }
0x24: {  	s3 =	sadd.s32 $0x88, s3;
	s6 =	simm.s32 @!p1 $0x1082;
	[sflag:s4] =	ssyncset.s32 $0xFFFFF086  }
0x25: {  	[simem:s6], [sflag:s4] =	dma.local [hbm:s3], $0xF7A  }
0x26: {  	[smem:$0x3F99] =	sst s1;
	(tag) =	ssettag s2;
	_ =	strace s9  }
0x27: {  	s1 =	sld [smem:$0x3FA9]  }
0x28: {  	s2 =	sld [smem:$0x3FAA]  }
0x29: {  	s4 =	sld [smem:$0x3FAC]  }
0x2a: {  	p0 =	seq.s32 s5, $0x0;
	s5 =	sld [smem:$0x3FAD]  }
0x2b: {  	s6 =	sld [smem:$0x3FAE]  }
0x2c: {  	s7 =	sld [smem:$0x3FAF]  }
0x2d: {  	s3 =	simm.s32 $0x108;
	s8 =	sld [smem:$0x3FB0]  }
0x2e: {  	s3 =	simm.s32 @!p0 $0x1082;
	s9 =	sld [smem:$0x3FB1]  }
0x2f: {  	lr =	sadd.s32 s0, s3;
	s0 =	sld [smem:$0x3FA8]  }
0x30: {  	s3 =	sld [smem:$0x3FAB]  }
0x31: {  	[smem:$0x3FB4] =	sst s10  }
0x32: {  	s10 =	sld [smem:$0x3FB2];
	_ =	sdelay $0x3  }
0x33: {  	p0 =	seq.s32 s10, $0x1;
	s10 =	sld [smem:$0x3FB4];
	_ =	sdelay $0x3  }
0x34: {  	[smem:$0x3FB4] =	sst s10  }
0x35: {  	s10 =	sld [smem:$0x3FB3];
	_ =	sdelay $0x3  }
0x36: {  	p1 =	seq.s32 s10, $0x1;
	s10 =	sld [smem:$0x3FB4];
	_ =	sdelay $0x3  }
0x37: {  	[smem:$0x3FB4] =	sst s10  }
0x38: {  	s10 =	sld [smem:$0x3FB5]  }
0x39: {  	_ = 	snop;
	(pc) =	sbr.ind lr, $3  }
0x3a: {  	_ = 	snop  }
0x3b: {  	_ = 	snop  }
0x3c: {  	p2 =	seq.s32 s10, $0x1;
	s10 =	sld [smem:$0x3FB4]  }
0x3d: {  	_ =	shalt  }
0x3e: {  	_ =	shalt  }
0x3f: {  	_ =	shalt  }
0x40: {  	_ =	shalt  }
0x41: {  	_ =	shalt  }
0x42: {  	_ =	shalt  }
0x43: {  	_ =	shalt  }
0x44: {  	_ =	shalt  }
0x45: {  	_ =	shalt  }
0x46: {  	_ =	shalt  }
0x47: {  	_ =	shalt  }
0x48: {  	_ =	shalt  }
0x49: {  	_ =	shalt  }
0x4a: {  	_ =	shalt  }
0x4b: {  	_ =	shalt  }
0x4c: {  	_ =	shalt  }
0x4d: {  	_ =	shalt  }
0x4e: {  	_ =	shalt  }
0x4f: {  	_ =	shalt  }
0x50: {  	_ =	shalt  }
0x51: {  	_ =	shalt  }
0x52: {  	_ =	shalt  }
0x53: {  	_ =	shalt  }
0x54: {  	_ =	shalt  }
0x55: {  	_ =	shalt  }
0x56: {  	_ =	shalt  }
0x57: {  	_ =	shalt  }
0x58: {  	_ =	shalt  }
0x59: {  	_ =	shalt  }
0x5a: {  	_ =	shalt  }
0x5b: {  	_ =	shalt  }
0x5c: {  	_ =	shalt  }
0x5d: {  	_ =	shalt  }
0x5e: {  	_ =	shalt  }
0x5f: {  	_ =	shalt  }
0x60: {  	_ =	shalt  }
0x61: {  	_ =	shalt  }
0x62: {  	_ =	shalt  }
0x63: {  	_ =	shalt  }
0x64: {  	_ =	shalt  }
0x65: {  	_ =	shalt  }
0x66: {  	_ =	shalt  }
0x67: {  	_ =	shalt  }
0x68: {  	_ =	shalt  }
0x69: {  	_ =	shalt  }
0x6a: {  	_ =	shalt  }
0x6b: {  	_ =	shalt  }
0x6c: {  	_ =	shalt  }
0x6d: {  	_ =	shalt  }
0x6e: {  	_ =	shalt  }
0x6f: {  	_ =	shalt  }
0x70: {  	_ =	shalt  }
0x71: {  	_ =	shalt  }
0x72: {  	_ =	shalt  }
0x73: {  	_ =	shalt  }
0x74: {  	_ =	shalt  }
0x75: {  	_ =	shalt  }
0x76: {  	_ =	shalt  }
0x77: {  	_ =	shalt  }
0x78: {  	_ =	shalt  }
0x79: {  	_ =	shalt  }
0x7a: {  	_ =	shalt  }
0x7b: {  	_ =	shalt  }
0x7c: {  	_ =	shalt  }
0x7d: {  	_ =	shalt  }
0x7e: {  	_ =	shalt  }
0x7f: {  	_ =	shalt  }
0x80: {  	_ =	shalt  }
0x81: {  	_ =	shalt  }
0x82: {  	_ =	shalt  }
0x83: {  	_ =	shalt  }
0x84: {  	_ =	shalt  }
0x85: {  	_ =	shalt  }
0x86: {  	_ =	shalt  }
0x87: {  	_ =	shalt  }
.Lfunc_end0:
.L_simem_size_0:
called_computation_lowered:
.L_overlay_start_0:
0x88: {  	s2 =	sld [smem:$0x3FD9]  }
0x89: {  	s3 =	sld [smem:$0x3FFE];
	_ =	sdelay $0x1  }
0x8a: {  	s1 =	srdreg.scid  }
0x8b: {  	s0 =	sand.u32 $0x1, s1  }
0x8c: {  	s16 =	sshll.u32 s0, $0xA;
	s2 =	sadd.s32 s3, s2  }
0x8d: {  	s2 =	sadd.s32 s2, s16  }
0x8e: {  	[smem:$0x3FC0] =	sst s2  }
0x8f: {  	_ = 	snop  }
0x90: {  	(tm) =	ssettm $0x1  }
0x91: {  	s17 =	sld [smem:$0x3FFB];
	_ =	sdelay $0x3  }
0x92: {  	_ =	strace s17  }
0x93: {  	s2 =	sld [smem:$0x3FFC];
	_ =	sdelay $0x3  }
0x94: {  	_ =	strace s2  }
0x95: {  	s2 =	sld [smem:$0x3FFD];
	_ =	sdelay $0x3  }
0x96: {  	_ =	strace s2  }
0x97: {  	_ =	strace $0x8FFFFFFF  }
0x98: {  	s18 =	sld [smem:$0x3FDB];
	_ =	sdelay $0x1  }
0x99: {  	s19 =	simm.s32 $_scs_section_size  }
0x9a: {  	s4 =	simm.s32 $_size__tile_overlayer_lowered;
	s5 =	simm.s32 $_tile_overlayer_lowered  }
0x9b: {  	s22 =	simm.s32 $0x1BFF;
	s21 =	sshll.u32 s5, $0x1;
	s2 =	sadd.s32 s19, s18  }
0x9c: {  	s6 =	simm.s32 $0x0;
	s20 =	sshll.u32 s4, $0x1;
	s4 =	sadd.s32 s21, s2  }
0x9d: {  	[timem:s6], [sflag:s22] =	dma.local [hbm:s4], s20  }
0x9e: {  	_ =	swait.ge [sflag:s22], s20  }
0x9f: {  	s3 =	ssub.s32 $0x0, s20;
	[sflag:s22] =	ssyncset.done $0x0  }
0xa0: {  	[sflag:s22] =	ssyncadd.s32 s3;
	_ =	sdelay $0x1  }
0xa1: {  	s23 =	simm.s32 $0x1B8B  }
0xa2: {  	_ =	swait.ge [sflag:s23], $0x1  }
0xa3: {  	[sflag:s23] =	ssyncset.done $0x0  }
0xa4: {  	s25 =	simm.s32 $0x1B8E;
	s24 =	sld [smem:$0x3FFE];
	[sflag:s23] =	ssyncadd.s32 $0xFFFFFFFF  }
0xa5: {  	s26 =	simm.s32 $execute0_lowered;
	[smem:$0x3FD2] =	sst s25  }
0xa6: {  	s4 =	sshll.u32 s26, $0x1;
	_ =	strace $0x80000046;
	[dreg:$0x1] =	wrdreg $0xFFFFFFFF  }
0xa7: {  	s28 =	simm.s32 $_size_execute0_lowered;
	s2 =	sadd.s32 s2, s4;
	[dreg:$0x0] =	wrdreg $0x0  }
0xa8: {  	s4 =	sshll.u32 s28, $0x1;
	[dreg:$0x2] =	wrdreg s2  }
0xa9: {  	[dreg:$0x3] =	wrdreg s4  }
0xaa: {  	[dreg:$0x4] =	wrdreg $0xC0  }
0xab: {  	_ =	task [dreg:s6], $0x5FFFF  }
0xac: {  	[dreg:$0x1] =	wrdreg $0xFFFFFFFF  }
0xad: {  	[dreg:$0x0] =	wrdreg $0x60  }
0xae: {  	[dreg:$0x2] =	wrdreg s24  }
0xaf: {  	[dreg:$0x3] =	wrdreg $0x9  }
0xb0: {  	_ =	task.clear_ibuf [dreg:s6], $0x4FFFF;
	_ =	strace $0x90000046  }
0xb1: {  	s29 =	simm.s32 $0x9;
	_ =	strace $0x80000048  }
0xb2: {  	_ =	swait.ge [sflag:s29], $0x1  }
0xb3: {  	[sflag:s29] =	ssyncadd.s32 $0xFFFFFFFF  }
0xb4: {  	_ =	strace $0x90000048  }
0xb5: {  	_ =	sfence  }
0xb6: {  	s30 =	sld [smem:$0x0];
	_ =	sdelay $0x2  }
0xb7: {  	s31 =	sshll.u32 s1, $0xD;
	s1 =	sshrl.u32 s1, $0x2  }
0xb8: {  	s3 =	sand.u32 $0x4000, s31;
	s1 =	sadd.s32 s1, s30  }
0xb9: {  	s0 =	sor.u32 s3, s0;
	s1 =	sshll.u32 s1, $0x11  }
0xba: {  	s0 =	sor.u32 s1, s0  }
0xbb: {  	s0 =	sadd.s32 $0x8F2B, s0  }
0xbc: {  	[sflag:s0] =	ssyncadd.remote.s32 $0x1  }
0xbd: {  	_ =	sfence.sel $0xFFFF  }
0xbe: {  	[dreg:$0x0] =	wrdreg $0xFFFFFFFF;
	(pc) =	sbr.abs _section_cstart, $3  }
0xbf: {  	[dreg:$0x1] =	wrdreg $0xFFFFFFFF  }
0xc0: {  	_ =	task.clear_ibuf [dreg:s6], $0x2FFFF;
	_ =	strace $0x9FFFFFFF  }
0xc1: {  	(tm) =	ssettm $0x7FFFFFFF  }
tec
execute0_lowered:
.L_overlay_start_1:
0x0: {  	(tag) =	ssettag $0x1  }
0x1: {  	s1 =	srdreg.scid;
	s0 =	stileid.u32  }
0x2: {  	s3 =	rddreg [dreg:$0x0];
	s8 =	simm.s32 $0x400;
	s9 =	simm.s32 $0x2780  }
0x3: {  	s4 =	sand.u32 $0x1, s1;
	s2 =	sshll.u32 s0, $0x1;
	s1 =	rddreg [dreg:$0x1]  }
0x4: {  	s6 =	sshrl.u32 s0, $0x2;
	s5 =	sor.u32 s4, s2;
	s2 =	simm.s32 $0x0  }
0x5: {  	s6 =	smul.u32 $0x13C00, s6;
	s4 =	ssub.s32 $0x2, s4;
	s7 =	sshll.u32 s5, $0x7  }
0x6: {  	[smem:$0x7FF] =	sst s2;
	s5 =	smul.u32 $0x4F0, s5;
	s7 =	sand.u32 $0x380, s7  }
0x7: {  	s31 =	sshrl.u32 s4, $0x1;
	_ =	strace $0x80000047;
	s6 =	sor.u32 s6, s7  }
0x8: {  	v1 =	vlaneseq.u32;
	s5 =	sadd.s32 s5, s3;
	s7 =	ssub.s32 s4, s31;
	s6 =	sshrl.u32 s6, $0x3  }
0x9: {  	v0 =	vimm.f32 $0.0e+00;
	v1 =	vand.u32 $0x7, v1;
	s6 =	sadd.s32 s6, s3;
	s3 =	sadd.s32 $0x1000, s5;
	s5 =	smax.u32 s7, $0x1  }
0xa: {  	v2 =	vimm.f32 $1.000000000e+00;
	vm0 =	vcmask $0x3F20;
	v1 =	vmul.u32 $0x2780, v1;
	s7 =	simm.s32 $0x80;
	s4 =	sadd.s32 $0x14C00, s6;
	s6 =	simm.s32 $0x1  }
.LBB2_1:
0xb: {  	s10 =	simm.s32 $0x40;
	s11 =	simm.s32 $0x0  }
.LBB2_2:
0xc: {  	p0 =	sne.s32 s10, $0x4EFC0;
	[tilespmem:s11+$0x2780] =	vst v0;
	s11 =	smov.u32 s10;
	s10 =	sadd.s32 $0x40, s10  }
.Ltmp0:
0xd: {  	(pc) =	sbr.rel @p0 .LBB2_2-.Ltmp0, $2  }
0xe: {  	_ =	sdelay $0x2  }
0xf: {  	s11 =	sshra.s32 s11, $0x2  }
0x10: {  	[tilespmem:s11+$0x2780] =	vst v0;
	s11 =	simm.s32 $0x0  }
0x11: {  	[tilespmem:s11], [sflag:$0x1] =	stream.linear.gather [hbm4b:s3+s11], $0x2780, $0x38;
	[tilespmem:$0x16380] =	vst v63  }
0x12: {  	_ =	swait.ge [sflag:s6], $0x2780  }
0x13: {  	[sflag:s6] =	ssyncset.done $0x0  }
0x14: {  	s10 =	simm.s32 $0x0;
	[sflag:s6] =	ssyncadd.s32 $0xFFFFD880  }
0x15: {  	s12 =	simm.s32 $0x40;
	v3 =	vld [tilespmem:s10+$0x0]  }
.LBB2_4:
0x16: {  	p0 =	sne.s32 s12, $0x9DC0;
	_ =	sdelay $0x3  }
0x17: {  	v3 =	vadd.s32 v1, v3;
	_ =	sdelay $0x2  }
.Ltmp1:
0x18: {  	(pc) =	sbr.rel @p0 .LBB2_4-.Ltmp1, $4  }
0x19: {  	s10 =	simm.s32 $0x2780  }
0x1a: {  	[tilespmem:v3+s10+$0x0] =	vst.idx.add.f32.msk $0xff, v2  }
0x1b: {  	s13 =	sshra.s32 s12, $0x2;
	[tilespmem:v3+s10+$0x0] =	vst.idx.add.f32.msk vm0, v2  }
0x1c: {  	s12 =	sadd.s32 $0x40, s12;
	v3 =	vld [tilespmem:s13+$0x0]  }
0x1d: {  	_ =	sdelay $0x3  }
0x1e: {  	v3 =	vadd.s32 v1, v3;
	_ =	sdelay $0x4  }
0x1f: {  	[tilespmem:v3+s10+$0x0] =	vst.idx.add.f32.msk $0xff, v2  }
0x20: {  	s11 =	sand.u32 $0x3FF0, s11;
	[tilespmem:v3+s10+$0x0] =	vst.idx.add.f32.msk vm0, v2  }
0x21: {  	s12 =	simm.s32 $0x10;
	v3 =	vld [tilespmem:s11+$0x4F00]  }
.LBB2_6:
0x22: {  	p0 =	sne.s32 s12, $0x2770;
	v4 =	vld [tilespmem:s10+$0x0];
	_ =	sdelay $0x1  }
0x23: {  	v5 =	vld [tilespmem:s11+$0x7680];
	_ =	sdelay $0x1  }
0x24: {  	v6 =	vld [tilespmem:s11+$0x9E00]  }
0x25: {  	v3 =	vadd.f32 v3, v4  }
0x26: {  	v4 =	vld [tilespmem:s11+$0xC580]  }
0x27: {  	v3 =	vadd.f32 v5, v3  }
0x28: {  	v5 =	vld [tilespmem:s11+$0xED00]  }
0x29: {  	v3 =	vadd.f32 v6, v3  }
0x2a: {  	v6 =	vld [tilespmem:s11+$0x11480]  }
0x2b: {  	v3 =	vadd.f32 v4, v3  }
0x2c: {  	v4 =	vld [tilespmem:s11+$0x13C00]  }
0x2d: {  	v3 =	vadd.f32 v5, v3;
	_ =	sdelay $0x1  }
0x2e: {  	v3 =	vadd.f32 v6, v3  }
.Ltmp2:
0x2f: {  	(pc) =	sbr.rel @p0 .LBB2_6-.Ltmp2, $3  }
0x30: {  	v3 =	vadd.f32 v4, v3;
	_ =	sdelay $0x1  }
0x31: {  	s11 =	sand.u32 $0x3FF0, s12;
	[tilespmem:s10+$0x0] =	vst v3  }
0x32: {  	s12 =	sadd.s32 $0x10, s12;
	s10 =	sadd.s32 $0x10, s10;
	v3 =	vld [tilespmem:s11+$0x4F00]  }
0x33: {  	v4 =	vld [tilespmem:s10+$0x0];
	_ =	sdelay $0x1  }
0x34: {  	v5 =	vld [tilespmem:s11+$0x7680];
	_ =	sdelay $0x1  }
0x35: {  	v6 =	vld [tilespmem:s11+$0x9E00]  }
0x36: {  	v3 =	vadd.f32 v3, v4  }
0x37: {  	v60 =	vld [tilespmem:s11+$0xC580]  }
0x38: {  	v3 =	vadd.f32 v5, v3  }
0x39: {  	v61 =	vld [tilespmem:s11+$0xED00]  }
0x3a: {  	v3 =	vadd.f32 v6, v3  }
0x3b: {  	v62 =	vld [tilespmem:s11+$0x11480]  }
0x3c: {  	v3 =	vadd.f32 v60, v3  }
0x3d: {  	v63 =	vld [tilespmem:s11+$0x13C00]  }
0x3e: {  	v3 =	vadd.f32 v61, v3;
	_ =	sdelay $0x1  }
0x3f: {  	v3 =	vadd.f32 v62, v3;
	_ =	sdelay $0x1  }
0x40: {  	s2 =	sadd.s32 $0x1, s2;
	v3 =	vadd.f32 v63, v3  }
0x41: {  	p0 =	sne.s32 s2, s5  }
.Ltmp3:
0x42: {  	[tilespmem:s10+$0x0] =	vst v3;
	(pc) =	sbr.rel @p0 .LBB2_1-.Ltmp3, $4  }
0x43: {  	[hbm4b:s4+s7] =	stream.strided.scatter [tilespmem:s9], [sflag:$0x1], $0x2780, s8, s7, $0x38;
	[tilespmem:$0x16380] =	vst v63  }
0x44: {  	_ =	swait.ge [sflag:s6], $0x2780  }
0x45: {  	[sflag:s6] =	ssyncset.done $0x0  }
0x46: {  	[sflag:s6] =	ssyncadd.s32 $0xFFFFD880  }
0x47: {  	_ =	sfence.sel $0x180000  }
0x48: {  	[bflag:$0x0] =	sbarrier.arrive $0xFFFF  }
0x49: {  	p0 =	sne.s32 s0, $0x0;
	_ =	strace $0x90000047  }
0x4a: {  	s0 =	sadd.s32 @!p0 $0x100000, s1;
	[bflag:$0x2] =	sbarrier.arrive $0xFFFF  }
0x4b: {  	[sflag:s0] =	ssyncadd.tile.s32 @!p0 $0x1;
	_ =	shalt  }
.Lfunc_end2:
_tile_overlayer_lowered:
.L_overlay_start_2:
0x4c: {  	(tag) =	ssettag $0x2  }
0x4d: {  	s0 =	rddreg [dreg:$0x0];
	s2 =	stileid.u32  }
0x4e: {  	s1 =	rddreg [dreg:$0x1];
	p0 =	sne.s32 s2, $0x0  }
0x4f: {  	s3 =	rddreg [dreg:$0x2];
	[bflag:$0x3] =	sbarrier.arrive $0xFFFF;
	s2 =	simm.s32 @!p0 $0x1C01  }
0x50: {  	[timem:s3], [sflag:s2] =	dma.local @!p0 [hbm:s0], s1  }
0x51: {  	s0 =	simm.s32 @!p0 $0x1  }
0x52: {  	_ =	swait.ge @!p0 [sflag:s0], s1  }
0x53: {  	s1 =	ssub.s32 @!p0 $0x0, s1;
	[sflag:s0] =	ssyncset.done @!p0 $0x0  }
0x54: {  	[sflag:s0] =	ssyncadd.s32 @!p0 s1  }
0x55: {  	[bflag:$0x3] =	sbarrier.arrive $0xFFFF  }
0x56: {  	_ =	shalt  }

</sc_bundles>
